<compile_context>
chip_gen: v7x
topology: tpu7x:2x2x1
jax: 0.10.2.dev20260603
libtpu: 0.0.44.dev20260713+nightly
codegen_flags: <defaults>
</compile_context>

<pallas_src>
import functools

import jax
import jax.numpy as jnp
from jax import lax
from jax.experimental import pallas as pl
from jax.experimental.pallas import tpu as pltpu
from jax.experimental.pallas import tpu_sc as plsc

N = 10000
E = 320000
NFEAT = 128
NHID = 64
F1 = 2 * NHID
F1H = F1 // 2
F2 = NHID
PROHID = 128
NCLASS = 16

NC = 2
NS = 16
NB = 8
PD = 4
NT = NC * NS
K = 80
N_PAD = 10240
RPT = N_PAD // NS

_mesh = plsc.VectorSubcoreMesh(core_axis_name="c", subcore_axis_name="s")


EPT32 = E // NT


RCH32 = EPT32 // K
HR = N_PAD // 128


@functools.partial(
    pl.kernel,
    out_type=jax.ShapeDtypeStruct((NC, HR, 128), jnp.float32),
    mesh=_mesh,
    scratch_types=[
        pltpu.VMEM((HR, 128), jnp.float32),
        pltpu.VMEM((RCH32, K), jnp.int32),
        pltpu.VMEM((HR,), jnp.int32),
        pltpu.VMEM((HR // NS, 128), jnp.float32),
        pltpu.VMEM_SHARED((HR, 128), jnp.float32),
        pltpu.SemaphoreType.DMA,
    ],
    compiler_params=pltpu.CompilerParams(needs_layout_passes=False,
                                         use_tc_tiling_on_sc=False),
)
def _sc_deg(ei3_hbm, out_hbm, hist, idxv, rid, zbuf, spm, sem):
    c = lax.axis_index("c")
    s = lax.axis_index("s")
    w = c * NS + s

    zero16 = jnp.zeros((16,), jnp.float32)
    one16 = jnp.full((16,), 1.0, jnp.float32)
    lane = jax.lax.iota(jnp.int32, 16)

    @pl.loop(0, HR)
    def _(i):
        for j in range(8):
            hist[i, pl.ds(j * 16, 16)] = zero16

    @pl.loop(0, HR // 16)
    def _(i):
        rid[pl.ds(i * 16, 16)] = lane + i * 16

    for j in range(8):
        zbuf[HR // NS - 1, pl.ds(j * 16, 16)] = zero16
    for i in range(HR // NS - 1):
        for j in range(8):
            zbuf[i, pl.ds(j * 16, 16)] = zero16
    pltpu.sync_copy(zbuf, spm.at[pl.ds(s * (HR // NS), HR // NS)])

    pltpu.sync_copy(ei3_hbm.at[1, pl.ds(w * RCH32, RCH32)], idxv)

    @pl.loop(0, RCH32)
    def _(r):
        for j in range(K // 16):
            idx = idxv[r, pl.ds(j * 16, 16)]
            plsc.addupdate_scatter(hist, [idx >> 7, idx & 127], one16)

    plsc.subcore_barrier()
    pltpu.async_copy(hist, spm.at[rid], sem, add=True).wait()
    plsc.subcore_barrier()
    pltpu.sync_copy(spm.at[pl.ds(s * (HR // NS), HR // NS)],
                    out_hbm.at[c, pl.ds(s * (HR // NS), HR // NS)])


def _make_sc_agg(Fh, col_split):
    ept = E // NS if col_split else E // NT
    nch = ept // K
    NPA = N
    RPTA = NPA // NS
    ZR = 125
    CPT = N // NS
    CK = 1
    nslots = nch // CK
    leftover = nch % CK

    @functools.partial(
        pl.kernel,
        out_type=jax.ShapeDtypeStruct((NC, N, Fh), jnp.float32),
        mesh=_mesh,
        scratch_types=[
            pltpu.VMEM((nch, K), jnp.int32),
            pltpu.VMEM((nch, K), jnp.int32),
            *[pltpu.VMEM((CK * K, Fh), jnp.float32) for _ in range(NB)],
            pltpu.VMEM((ZR, Fh), jnp.float32),
            pltpu.VMEM_SHARED((NPA, Fh), jnp.float32),
            *[pltpu.SemaphoreType.DMA for _ in range(2 * NB)],
        ],
        compiler_params=pltpu.CompilerParams(use_tc_tiling_on_sc=False),
    )
    def _sc_agg(y_hbm, ei3_hbm, out_hbm, sidx, didx, *rest):
        c = lax.axis_index("c")
        s = lax.axis_index("s")
        if col_split:
            rowbase = s * nch
            ytab = y_hbm.at[c]
        else:
            rowbase = (c * NS + s) * nch
            ytab = y_hbm

        rows = rest[:NB]
        zbuf = rest[NB]
        acc = rest[NB + 1]
        sg = rest[NB + 2:NB + 2 + NB]
        ss = rest[NB + 2 + NB:]

        pltpu.sync_copy(ei3_hbm.at[0, pl.ds(rowbase, nch)], sidx)
        pltpu.sync_copy(ei3_hbm.at[1, pl.ds(rowbase, nch)], didx)

        zero16 = jnp.zeros((16,), jnp.float32)

        @pl.loop(0, ZR)
        def _(i):
            for j in range(Fh // 16):
                zbuf[i, pl.ds(j * 16, 16)] = zero16

        for j in range(RPTA // ZR):
            pltpu.sync_copy(zbuf, acc.at[pl.ds(s * RPTA + j * ZR, ZR)])
        plsc.subcore_barrier()

        def start_gather(t, b):
            for j in range(CK):
                pltpu.async_copy(ytab.at[sidx.at[t * CK + j]],
                                 rows[b].at[pl.ds(j * K, K)], sg[b])

        def wait_gather(t, b):
            for j in range(CK):
                pltpu.make_async_copy(ytab.at[sidx.at[t * CK + j]],
                                      rows[b].at[pl.ds(j * K, K)], sg[b]).wait()

        def start_scatter(t, b):
            for j in range(CK):
                pltpu.async_copy(rows[b].at[pl.ds(j * K, K)],
                                 acc.at[didx.at[t * CK + j]], ss[b], add=True)

        def wait_scatter(t, b):
            for j in range(CK):
                pltpu.make_async_copy(rows[b].at[pl.ds(j * K, K)],
                                      acc.at[didx.at[t * CK + j]], ss[b]).wait()

        for t in range(PD):
            start_gather(t, t)

        def body(t, b, wait_prev, prefetch):
            wait_gather(t, b)
            start_scatter(t, b)
            if prefetch:
                nb = (b + PD) % NB
                if wait_prev:
                    wait_scatter(t - (NB - PD), nb)
                start_gather(t + PD, nb)

        head = NB - PD
        for t in range(head):
            body(t, t % NB, False, True)

        ngroups = (nslots - head - (NB - PD)) // NB
        tail_lo = head + NB * ngroups

        @pl.loop(0, ngroups)
        def _(gg):
            t0 = gg * NB + head
            for j in range(NB):
                body(t0 + j, (head + j) % NB, True, True)

        for t in range(tail_lo, nslots):
            body(t, t % NB, True, t + PD < nslots)

        for t in range(max(0, nslots - NB), nslots):
            wait_scatter(t, t % NB)

        for g in range(nslots * CK, nch):
            pltpu.async_copy(ytab.at[sidx.at[g]],
                             rows[0].at[pl.ds(0, K)], sg[0])
            pltpu.make_async_copy(ytab.at[sidx.at[g]],
                                  rows[0].at[pl.ds(0, K)], sg[0]).wait()
            pltpu.async_copy(rows[0].at[pl.ds(0, K)],
                             acc.at[didx.at[g]], ss[0], add=True)
            pltpu.make_async_copy(rows[0].at[pl.ds(0, K)],
                                  acc.at[didx.at[g]], ss[0]).wait()

        plsc.subcore_barrier()
        pltpu.sync_copy(acc.at[pl.ds(s * CPT, CPT)],
                        out_hbm.at[c, pl.ds(s * CPT, CPT)])

    return _sc_agg


_sc_agg1 = _make_sc_agg(F1H, col_split=True)
_sc_agg2 = _make_sc_agg(F2, col_split=False)


BLK = 2000
GRID = N // BLK


def _tc1_body(deg_ref, x_ref, w_ref, y_ref, dis_ref):
    d = deg_ref[...]
    dis = lax.rsqrt(d[0] + d[1] + 1.0)
    xw = jnp.dot(x_ref[...], w_ref[...], preferred_element_type=jnp.float32)
    y = dis * xw
    y_ref[0] = y[:, :F1H]
    y_ref[1] = y[:, F1H:]
    dis_ref[...] = dis


def _tc1(deg_col, x, W1):
    return pl.pallas_call(
        _tc1_body,
        grid=(GRID,),
        in_specs=[
            pl.BlockSpec((NC, BLK, 1), lambda i: (0, i, 0)),
            pl.BlockSpec((BLK, NFEAT), lambda i: (i, 0)),
            pl.BlockSpec((NFEAT, F1), lambda i: (0, 0)),
        ],
        out_specs=[
            pl.BlockSpec((NC, BLK, F1H), lambda i: (0, i, 0)),
            pl.BlockSpec((BLK, 1), lambda i: (i, 0)),
        ],
        out_shape=[
            jax.ShapeDtypeStruct((NC, N, F1H), jnp.float32),
            jax.ShapeDtypeStruct((N, 1), jnp.float32),
        ],
    )(deg_col, x, W1)


def _tc2_body(agg_ref, y1_ref, dis_ref, b1_ref, w2_ref, y2_ref):
    a = agg_ref[...]
    y = y1_ref[...]
    dis = dis_ref[...]
    b1 = b1_ref[...]
    h1a = jax.nn.relu(dis * (a[0] + y[0]) + b1[:, :F1H])
    h1b = jax.nn.relu(dis * (a[1] + y[1]) + b1[:, F1H:])
    w2 = w2_ref[...]
    xw = (jnp.dot(h1a, w2[:F1H], preferred_element_type=jnp.float32)
          + jnp.dot(h1b, w2[F1H:], preferred_element_type=jnp.float32))
    y2_ref[...] = dis * xw


def _tc2(agg1, y1, dis, b1, W2):
    return pl.pallas_call(
        _tc2_body,
        grid=(GRID,),
        in_specs=[
            pl.BlockSpec((NC, BLK, F1H), lambda i: (0, i, 0)),
            pl.BlockSpec((NC, BLK, F1H), lambda i: (0, i, 0)),
            pl.BlockSpec((BLK, 1), lambda i: (i, 0)),
            pl.BlockSpec((1, F1), lambda i: (0, 0)),
            pl.BlockSpec((F1, F2), lambda i: (0, 0)),
        ],
        out_specs=pl.BlockSpec((BLK, F2), lambda i: (i, 0)),
        out_shape=jax.ShapeDtypeStruct((N, F2), jnp.float32),
    )(agg1, y1, dis, b1, W2)


def _tc3_body(agg_ref, y2_ref, dis_ref, b2_ref,
              wi1_ref, bi1_ref, wi2_ref, bi2_ref,
              wc1_ref, bc1_ref, wc2_ref, bc2_ref,
              z_ref, c_ref):
    a = agg_ref[...]
    dis = dis_ref[...]
    h = jax.nn.relu(dis * (a[0] + a[1] + y2_ref[...]) + b2_ref[...])

    t = jax.nn.relu(jnp.dot(h, wi1_ref[...], preferred_element_type=jnp.float32)
                    + bi1_ref[...])
    zi = jnp.dot(t, wi2_ref[...], preferred_element_type=jnp.float32) + bi2_ref[...]
    nrm = jnp.sqrt(jnp.sum(zi * zi, axis=1, keepdims=True))
    z_ref[...] = zi / jnp.maximum(nrm, 1e-12)

    u = jax.nn.relu(jnp.dot(h, wc1_ref[...], preferred_element_type=jnp.float32)
                    + bc1_ref[...])
    lg = jnp.dot(u, wc2_ref[...], preferred_element_type=jnp.float32) + bc2_ref[...]
    m = jnp.max(lg, axis=1, keepdims=True)
    ex = jnp.exp(lg - m)
    c_ref[...] = ex / jnp.sum(ex, axis=1, keepdims=True)


def _tc3(agg2, y2, dis, b2, Wi1, bi1, Wi2, bi2, Wc1, bc1, Wc2, bc2):
    return pl.pallas_call(
        _tc3_body,
        grid=(GRID,),
        in_specs=[
            pl.BlockSpec((NC, BLK, F2), lambda i: (0, i, 0)),
            pl.BlockSpec((BLK, F2), lambda i: (i, 0)),
            pl.BlockSpec((BLK, 1), lambda i: (i, 0)),
            pl.BlockSpec((1, F2), lambda i: (0, 0)),
            pl.BlockSpec((F2, PROHID), lambda i: (0, 0)),
            pl.BlockSpec((1, PROHID), lambda i: (0, 0)),
            pl.BlockSpec((PROHID, F2), lambda i: (0, 0)),
            pl.BlockSpec((1, F2), lambda i: (0, 0)),
            pl.BlockSpec((F2, PROHID), lambda i: (0, 0)),
            pl.BlockSpec((1, PROHID), lambda i: (0, 0)),
            pl.BlockSpec((PROHID, NCLASS), lambda i: (0, 0)),
            pl.BlockSpec((1, NCLASS), lambda i: (0, 0)),
        ],
        out_specs=[
            pl.BlockSpec((BLK, F2), lambda i: (i, 0)),
            pl.BlockSpec((BLK, NCLASS), lambda i: (i, 0)),
        ],
        out_shape=[
            jax.ShapeDtypeStruct((N, F2), jnp.float32),
            jax.ShapeDtypeStruct((N, NCLASS), jnp.float32),
        ],
    )(agg2, y2, dis, b2, Wi1, bi1, Wi2, bi2, Wc1, bc1, Wc2, bc2)


@jax.jit
def kernel(x, edge_index, W1, b1, W2, b2, Wi1, bi1, Wi2, bi2, Wc1, bc1, Wc2, bc2):
    ei3 = edge_index.reshape(2, E // K, K)

    deg_p = _sc_deg(ei3)
    deg_col = deg_p.reshape(NC, N_PAD)[:, :N, None]

    y1, dis = _tc1(deg_col, x, W1)
    agg1 = _sc_agg1(y1, ei3)
    y2 = _tc2(agg1, y1, dis, b1.reshape(1, F1), W2)
    agg2 = _sc_agg2(y2, ei3)
    z, c = _tc3(agg2, y2, dis, b2.reshape(1, F2),
                Wi1, bi1.reshape(1, PROHID), Wi2, bi2.reshape(1, F2),
                Wc1, bc1.reshape(1, PROHID), Wc2, bc2.reshape(1, NCLASS))
    return (z, c)

# --- scband reference (transcript-rebuilt; emitter-appended) ---
"""Pipeline reference for scband-cc-14834817040879 (READ-ONLY COPY).

The authoritative reference and input builder live on the scoring server;
editing this copy changes nothing except your own understanding.
"""

import jax, jax.numpy as jnp
import numpy as np

N = 10000
E = 320000
NFEAT = 128
NHID = 64
PROHID = 128
NCLASS = 16


def setup_inputs(seed: int = 0) -> dict:
    key = jax.random.key(seed)
    ks = jax.random.split(key, 16)
    x = jax.random.normal(ks[0], (N, NFEAT), dtype=jnp.float32)
    edge_index = jax.random.randint(ks[1], (2, E), 0, N, dtype=jnp.int32)
    s = 0.05
    W1 = jax.random.normal(ks[2], (NFEAT, 2 * NHID), dtype=jnp.float32) * s
    b1 = jnp.zeros((2 * NHID,), dtype=jnp.float32)
    W2 = jax.random.normal(ks[3], (2 * NHID, NHID), dtype=jnp.float32) * s
    b2 = jnp.zeros((NHID,), dtype=jnp.float32)
    Wi1 = jax.random.normal(ks[4], (NHID, PROHID), dtype=jnp.float32) * s
    bi1 = jnp.zeros((PROHID,), dtype=jnp.float32)
    Wi2 = jax.random.normal(ks[5], (PROHID, NHID), dtype=jnp.float32) * s
    bi2 = jnp.zeros((NHID,), dtype=jnp.float32)
    Wc1 = jax.random.normal(ks[6], (NHID, PROHID), dtype=jnp.float32) * s
    bc1 = jnp.zeros((PROHID,), dtype=jnp.float32)
    Wc2 = jax.random.normal(ks[7], (PROHID, NCLASS), dtype=jnp.float32) * s
    bc2 = jnp.zeros((NCLASS,), dtype=jnp.float32)
    return {"x": x, "edge_index": edge_index, "W1": W1, "b1": b1, "W2": W2, "b2": b2,
            "Wi1": Wi1, "bi1": bi1, "Wi2": Wi2, "bi2": bi2,
            "Wc1": Wc1, "bc1": bc1, "Wc2": Wc2, "bc2": bc2}


def _gcn_conv(x, edge_index, W, b):
    # PyG GCNConv: add self-loops, symmetric deg^{-1/2} normalization, linear, scatter-add, bias
    src = edge_index[0]
    dst = edge_index[1]
    loop = jnp.arange(N, dtype=src.dtype)
    src = jnp.concatenate([src, loop])
    dst = jnp.concatenate([dst, loop])
    deg = jnp.zeros((N,), dtype=x.dtype).at[dst].add(1.0)
    dis = jnp.where(deg > 0, 1.0 / jnp.sqrt(jnp.maximum(deg, 1e-12)), 0.0)
    norm = dis[src] * dis[dst]
    xw = x @ W
    msg = xw[src] * norm[:, None]
    out = jax.ops.segment_sum(msg, dst, num_segments=N)
    return out + b


def reference(x, edge_index, W1, b1, W2, b2, Wi1, bi1, Wi2, bi2, Wc1, bc1, Wc2, bc2):
    # Encoder: k=2 GCN layers with relu activation
    h = jax.nn.relu(_gcn_conv(x, edge_index, W1, b1))
    h = jax.nn.relu(_gcn_conv(h, edge_index, W2, b2))
    # instance projector + L2 normalize along dim=1
    zi = jax.nn.relu(h @ Wi1 + bi1) @ Wi2 + bi2
    nrm = jnp.maximum(jnp.linalg.norm(zi, axis=1, keepdims=True), 1e-12)
    z = zi / nrm
    # cluster projector with softmax(dim=1)
    c = jax.nn.softmax(jax.nn.relu(h @ Wc1 + bc1) @ Wc2 + bc2, axis=1)
    return (z, c)

if __name__ == "__main__":
    import jax
    _d = setup_inputs()
    print(jax.jit(kernel)(*tuple(_d.values())))

</pallas_src>

<mosaic_0001>
#map = affine_map<(d0, d1) -> (0, 0, 0)>
module attributes {stable_mosaic.version = 14 : i64} {
  func.func @_sc_deg(%arg0: i32, %arg1: i32, %arg2: memref<2x4000x80xi32, #tpu.memory_space<hbm>>, %arg3: memref<2x80x128xf32, #tpu.memory_space<hbm>>, %arg4: memref<80x128xf32, #tpu.memory_space<vmem>>, %arg5: memref<125x80xi32, #tpu.memory_space<vmem>>, %arg6: memref<80xi32, #tpu.memory_space<vmem>>, %arg7: memref<5x128xf32, #tpu.memory_space<vmem>>, %arg8: memref<80x128xf32, #tpu.memory_space<vmem_shared>>, %arg9: memref<!tpu.dma_semaphore, #tpu.memory_space<semaphore_mem>>) attributes {dimension_semantics = [#tpu.dimension_semantics<core_parallel>, #tpu.dimension_semantics<subcore_parallel>], iteration_bounds = array<i64: 2, 16>, scalar_prefetch = 0 : i64, scratch_operands = 6 : i64, tpu.core_type = #tpu.core_type<sc_vector_subcore>, window_params = [{transform_indices = #map}, {transform_indices = #map}]} {
    %mul3A = arith.constant 16 : i32
    %mul3A_0 = arith.muli %arg0, %mul3A : i32
    %add3A = arith.addi %mul3A_0, %arg1 : i32
    %broadcast_in_dim3A = arith.constant 0.000000e+00 : f32
    %broadcast_in_dim3A_1 = vector.broadcast %broadcast_in_dim3A : f32 to vector<16xf32>
    %broadcast_in_dim3A_2 = arith.constant 1.000000e+00 : f32
    %broadcast_in_dim3A_3 = vector.broadcast %broadcast_in_dim3A_2 : f32 to vector<16xf32>
    %iota3A = tpu.iota {dimensions = array<i32: 0>} : vector<16xi32>
    %scan3A = arith.constant 0 : i32
    %scan3A_4 = arith.constant 80 : i32
    %scan3A_5 = arith.addi %scan3A, %scan3A_4 : i32
    %scan3A_6 = arith.constant 1 : i32
    scf.for %scan3A_190 = %scan3A to %scan3A_5 step %scan3A_6  : i32 {
      %mul3A_191 = arith.constant 1 : i32
      %mul3A_192 = arith.muli %scan3A_190, %mul3A_191 : i32
      %add3A_193 = arith.constant 0 : i32
      %add3A_194 = arith.addi %add3A_193, %mul3A_192 : i32
      %swap3A_195 = arith.index_cast %add3A_194 : i32 to index
      %swap3A_196 = arith.constant 0 : index
      %swap3A_197 = tpu.vector_load %arg4[%swap3A_195, %swap3A_196] {strides = array<i32>} : memref<80x128xf32, #tpu.memory_space<vmem>>, vector<16xf32>,
      tpu.vector_store %arg4[%swap3A_195, %swap3A_196], %broadcast_in_dim3A_1 {strides = array<i32>} : memref<80x128xf32, #tpu.memory_space<vmem>>, vector<16xf32>,
      %swap3A_198 = arith.index_cast %add3A_194 : i32 to index
      %swap3A_199 = arith.constant 16 : index
      %swap3A_200 = tpu.vector_load %arg4[%swap3A_198, %swap3A_199] {strides = array<i32>} : memref<80x128xf32, #tpu.memory_space<vmem>>, vector<16xf32>,
      tpu.vector_store %arg4[%swap3A_198, %swap3A_199], %broadcast_in_dim3A_1 {strides = array<i32>} : memref<80x128xf32, #tpu.memory_space<vmem>>, vector<16xf32>,
      %swap3A_201 = arith.index_cast %add3A_194 : i32 to index
      %swap3A_202 = arith.constant 32 : index
      %swap3A_203 = tpu.vector_load %arg4[%swap3A_201, %swap3A_202] {strides = array<i32>} : memref<80x128xf32, #tpu.memory_space<vmem>>, vector<16xf32>,
      tpu.vector_store %arg4[%swap3A_201, %swap3A_202], %broadcast_in_dim3A_1 {strides = array<i32>} : memref<80x128xf32, #tpu.memory_space<vmem>>, vector<16xf32>,
      %swap3A_204 = arith.index_cast %add3A_194 : i32 to index
      %swap3A_205 = arith.constant 48 : index
      %swap3A_206 = tpu.vector_load %arg4[%swap3A_204, %swap3A_205] {strides = array<i32>} : memref<80x128xf32, #tpu.memory_space<vmem>>, vector<16xf32>,
      tpu.vector_store %arg4[%swap3A_204, %swap3A_205], %broadcast_in_dim3A_1 {strides = array<i32>} : memref<80x128xf32, #tpu.memory_space<vmem>>, vector<16xf32>,
      %swap3A_207 = arith.index_cast %add3A_194 : i32 to index
      %swap3A_208 = arith.constant 64 : index
      %swap3A_209 = tpu.vector_load %arg4[%swap3A_207, %swap3A_208] {strides = array<i32>} : memref<80x128xf32, #tpu.memory_space<vmem>>, vector<16xf32>,
      tpu.vector_store %arg4[%swap3A_207, %swap3A_208], %broadcast_in_dim3A_1 {strides = array<i32>} : memref<80x128xf32, #tpu.memory_space<vmem>>, vector<16xf32>,
      %swap3A_210 = arith.index_cast %add3A_194 : i32 to index
      %swap3A_211 = arith.constant 80 : index
      %swap3A_212 = tpu.vector_load %arg4[%swap3A_210, %swap3A_211] {strides = array<i32>} : memref<80x128xf32, #tpu.memory_space<vmem>>, vector<16xf32>,
      tpu.vector_store %arg4[%swap3A_210, %swap3A_211], %broadcast_in_dim3A_1 {strides = array<i32>} : memref<80x128xf32, #tpu.memory_space<vmem>>, vector<16xf32>,
      %swap3A_213 = arith.index_cast %add3A_194 : i32 to index
      %swap3A_214 = arith.constant 96 : index
      %swap3A_215 = tpu.vector_load %arg4[%swap3A_213, %swap3A_214] {strides = array<i32>} : memref<80x128xf32, #tpu.memory_space<vmem>>, vector<16xf32>,
      tpu.vector_store %arg4[%swap3A_213, %swap3A_214], %broadcast_in_dim3A_1 {strides = array<i32>} : memref<80x128xf32, #tpu.memory_space<vmem>>, vector<16xf32>,
      %swap3A_216 = arith.index_cast %add3A_194 : i32 to index
      %swap3A_217 = arith.constant 112 : index
      %swap3A_218 = tpu.vector_load %arg4[%swap3A_216, %swap3A_217] {strides = array<i32>} : memref<80x128xf32, #tpu.memory_space<vmem>>, vector<16xf32>,
      tpu.vector_store %arg4[%swap3A_216, %swap3A_217], %broadcast_in_dim3A_1 {strides = array<i32>} : memref<80x128xf32, #tpu.memory_space<vmem>>, vector<16xf32>,
    }
    %scan3A_7 = arith.constant 80 : i32
    %scan3A_8 = arith.constant 0 : i32
    %scan3A_9 = arith.constant 5 : i32
    %scan3A_10 = arith.addi %scan3A_8, %scan3A_9 : i32
    %scan3A_11 = arith.constant 1 : i32
    scf.for %scan3A_190 = %scan3A_8 to %scan3A_10 step %scan3A_11  : i32 {
      %mul3A_191 = arith.constant 1 : i32
      %mul3A_192 = arith.muli %scan3A_190, %mul3A_191 : i32
      %add3A_193 = arith.constant 0 : i32
      %add3A_194 = arith.addi %add3A_193, %mul3A_192 : i32
      %mul3A_195 = arith.constant 16 : i32
      %mul3A_196 = arith.muli %add3A_194, %mul3A_195 : i32
      %add3A_197 = vector.broadcast %mul3A_196 : i32 to vector<16xi32>
      %add3A_198 = arith.addi %iota3A, %add3A_197 : vector<16xi32>
      %mul3A_199 = arith.constant 16 : i32
      %mul3A_200 = arith.muli %add3A_194, %mul3A_199 : i32
      %swap3A_201 = arith.index_cast %mul3A_200 : i32 to index
      %swap3A_202 = tpu.vector_load %arg6[%swap3A_201] {strides = array<i32>} : memref<80xi32, #tpu.memory_space<vmem>>, vector<16xi32>,
      tpu.vector_store %arg6[%swap3A_201], %add3A_198 {strides = array<i32>} : memref<80xi32, #tpu.memory_space<vmem>>, vector<16xi32>,
    }
    %scan3A_12 = arith.constant 5 : i32
    %swap3A = arith.constant 4 : i32
    %swap3A_13 = arith.index_cast %swap3A : i32 to index
    %swap3A_14 = arith.constant 0 : index
    %swap3A_15 = tpu.vector_load %arg7[%swap3A_13, %swap3A_14] {strides = array<i32>} : memref<5x128xf32, #tpu.memory_space<vmem>>, vector<16xf32>,
    tpu.vector_store %arg7[%swap3A_13, %swap3A_14], %broadcast_in_dim3A_1 {strides = array<i32>} : memref<5x128xf32, #tpu.memory_space<vmem>>, vector<16xf32>,
    %swap3A_16 = arith.constant 4 : i32
    %swap3A_17 = arith.index_cast %swap3A_16 : i32 to index
    %swap3A_18 = arith.constant 16 : index
    %swap3A_19 = tpu.vector_load %arg7[%swap3A_17, %swap3A_18] {strides = array<i32>} : memref<5x128xf32, #tpu.memory_space<vmem>>, vector<16xf32>,
    tpu.vector_store %arg7[%swap3A_17, %swap3A_18], %broadcast_in_dim3A_1 {strides = array<i32>} : memref<5x128xf32, #tpu.memory_space<vmem>>, vector<16xf32>,
    %swap3A_20 = arith.constant 4 : i32
    %swap3A_21 = arith.index_cast %swap3A_20 : i32 to index
    %swap3A_22 = arith.constant 32 : index
    %swap3A_23 = tpu.vector_load %arg7[%swap3A_21, %swap3A_22] {strides = array<i32>} : memref<5x128xf32, #tpu.memory_space<vmem>>, vector<16xf32>,
    tpu.vector_store %arg7[%swap3A_21, %swap3A_22], %broadcast_in_dim3A_1 {strides = array<i32>} : memref<5x128xf32, #tpu.memory_space<vmem>>, vector<16xf32>,
    %swap3A_24 = arith.constant 4 : i32
    %swap3A_25 = arith.index_cast %swap3A_24 : i32 to index
    %swap3A_26 = arith.constant 48 : index
    %swap3A_27 = tpu.vector_load %arg7[%swap3A_25, %swap3A_26] {strides = array<i32>} : memref<5x128xf32, #tpu.memory_space<vmem>>, vector<16xf32>,
    tpu.vector_store %arg7[%swap3A_25, %swap3A_26], %broadcast_in_dim3A_1 {strides = array<i32>} : memref<5x128xf32, #tpu.memory_space<vmem>>, vector<16xf32>,
    %swap3A_28 = arith.constant 4 : i32
    %swap3A_29 = arith.index_cast %swap3A_28 : i32 to index
    %swap3A_30 = arith.constant 64 : index
    %swap3A_31 = tpu.vector_load %arg7[%swap3A_29, %swap3A_30] {strides = array<i32>} : memref<5x128xf32, #tpu.memory_space<vmem>>, vector<16xf32>,
    tpu.vector_store %arg7[%swap3A_29, %swap3A_30], %broadcast_in_dim3A_1 {strides = array<i32>} : memref<5x128xf32, #tpu.memory_space<vmem>>, vector<16xf32>,
    %swap3A_32 = arith.constant 4 : i32
    %swap3A_33 = arith.index_cast %swap3A_32 : i32 to index
    %swap3A_34 = arith.constant 80 : index
    %swap3A_35 = tpu.vector_load %arg7[%swap3A_33, %swap3A_34] {strides = array<i32>} : memref<5x128xf32, #tpu.memory_space<vmem>>, vector<16xf32>,
    tpu.vector_store %arg7[%swap3A_33, %swap3A_34], %broadcast_in_dim3A_1 {strides = array<i32>} : memref<5x128xf32, #tpu.memory_space<vmem>>, vector<16xf32>,
    %swap3A_36 = arith.constant 4 : i32
    %swap3A_37 = arith.index_cast %swap3A_36 : i32 to index
    %swap3A_38 = arith.constant 96 : index
    %swap3A_39 = tpu.vector_load %arg7[%swap3A_37, %swap3A_38] {strides = array<i32>} : memref<5x128xf32, #tpu.memory_space<vmem>>, vector<16xf32>,
    tpu.vector_store %arg7[%swap3A_37, %swap3A_38], %broadcast_in_dim3A_1 {strides = array<i32>} : memref<5x128xf32, #tpu.memory_space<vmem>>, vector<16xf32>,
    %swap3A_40 = arith.constant 4 : i32
    %swap3A_41 = arith.index_cast %swap3A_40 : i32 to index
    %swap3A_42 = arith.constant 112 : index
    %swap3A_43 = tpu.vector_load %arg7[%swap3A_41, %swap3A_42] {strides = array<i32>} : memref<5x128xf32, #tpu.memory_space<vmem>>, vector<16xf32>,
    tpu.vector_store %arg7[%swap3A_41, %swap3A_42], %broadcast_in_dim3A_1 {strides = array<i32>} : memref<5x128xf32, #tpu.memory_space<vmem>>, vector<16xf32>,
    %swap3A_44 = arith.constant 0 : i32
    %swap3A_45 = arith.index_cast %swap3A_44 : i32 to index
    %swap3A_46 = arith.constant 0 : index
    %swap3A_47 = tpu.vector_load %arg7[%swap3A_45, %swap3A_46] {strides = array<i32>} : memref<5x128xf32, #tpu.memory_space<vmem>>, vector<16xf32>,
    tpu.vector_store %arg7[%swap3A_45, %swap3A_46], %broadcast_in_dim3A_1 {strides = array<i32>} : memref<5x128xf32, #tpu.memory_space<vmem>>, vector<16xf32>,
    %swap3A_48 = arith.constant 0 : i32
    %swap3A_49 = arith.index_cast %swap3A_48 : i32 to index
    %swap3A_50 = arith.constant 16 : index
    %swap3A_51 = tpu.vector_load %arg7[%swap3A_49, %swap3A_50] {strides = array<i32>} : memref<5x128xf32, #tpu.memory_space<vmem>>, vector<16xf32>,
    tpu.vector_store %arg7[%swap3A_49, %swap3A_50], %broadcast_in_dim3A_1 {strides = array<i32>} : memref<5x128xf32, #tpu.memory_space<vmem>>, vector<16xf32>,
    %swap3A_52 = arith.constant 0 : i32
    %swap3A_53 = arith.index_cast %swap3A_52 : i32 to index
    %swap3A_54 = arith.constant 32 : index
    %swap3A_55 = tpu.vector_load %arg7[%swap3A_53, %swap3A_54] {strides = array<i32>} : memref<5x128xf32, #tpu.memory_space<vmem>>, vector<16xf32>,
    tpu.vector_store %arg7[%swap3A_53, %swap3A_54], %broadcast_in_dim3A_1 {strides = array<i32>} : memref<5x128xf32, #tpu.memory_space<vmem>>, vector<16xf32>,
    %swap3A_56 = arith.constant 0 : i32
    %swap3A_57 = arith.index_cast %swap3A_56 : i32 to index
    %swap3A_58 = arith.constant 48 : index
    %swap3A_59 = tpu.vector_load %arg7[%swap3A_57, %swap3A_58] {strides = array<i32>} : memref<5x128xf32, #tpu.memory_space<vmem>>, vector<16xf32>,
    tpu.vector_store %arg7[%swap3A_57, %swap3A_58], %broadcast_in_dim3A_1 {strides = array<i32>} : memref<5x128xf32, #tpu.memory_space<vmem>>, vector<16xf32>,
    %swap3A_60 = arith.constant 0 : i32
    %swap3A_61 = arith.index_cast %swap3A_60 : i32 to index
    %swap3A_62 = arith.constant 64 : index
    %swap3A_63 = tpu.vector_load %arg7[%swap3A_61, %swap3A_62] {strides = array<i32>} : memref<5x128xf32, #tpu.memory_space<vmem>>, vector<16xf32>,
    tpu.vector_store %arg7[%swap3A_61, %swap3A_62], %broadcast_in_dim3A_1 {strides = array<i32>} : memref<5x128xf32, #tpu.memory_space<vmem>>, vector<16xf32>,
    %swap3A_64 = arith.constant 0 : i32
    %swap3A_65 = arith.index_cast %swap3A_64 : i32 to index
    %swap3A_66 = arith.constant 80 : index
    %swap3A_67 = tpu.vector_load %arg7[%swap3A_65, %swap3A_66] {strides = array<i32>} : memref<5x128xf32, #tpu.memory_space<vmem>>, vector<16xf32>,
    tpu.vector_store %arg7[%swap3A_65, %swap3A_66], %broadcast_in_dim3A_1 {strides = array<i32>} : memref<5x128xf32, #tpu.memory_space<vmem>>, vector<16xf32>,
    %swap3A_68 = arith.constant 0 : i32
    %swap3A_69 = arith.index_cast %swap3A_68 : i32 to index
    %swap3A_70 = arith.constant 96 : index
    %swap3A_71 = tpu.vector_load %arg7[%swap3A_69, %swap3A_70] {strides = array<i32>} : memref<5x128xf32, #tpu.memory_space<vmem>>, vector<16xf32>,
    tpu.vector_store %arg7[%swap3A_69, %swap3A_70], %broadcast_in_dim3A_1 {strides = array<i32>} : memref<5x128xf32, #tpu.memory_space<vmem>>, vector<16xf32>,
    %swap3A_72 = arith.constant 0 : i32
    %swap3A_73 = arith.index_cast %swap3A_72 : i32 to index
    %swap3A_74 = arith.constant 112 : index
    %swap3A_75 = tpu.vector_load %arg7[%swap3A_73, %swap3A_74] {strides = array<i32>} : memref<5x128xf32, #tpu.memory_space<vmem>>, vector<16xf32>,
    tpu.vector_store %arg7[%swap3A_73, %swap3A_74], %broadcast_in_dim3A_1 {strides = array<i32>} : memref<5x128xf32, #tpu.memory_space<vmem>>, vector<16xf32>,
    %swap3A_76 = arith.constant 1 : i32
    %swap3A_77 = arith.index_cast %swap3A_76 : i32 to index
    %swap3A_78 = arith.constant 0 : index
    %swap3A_79 = tpu.vector_load %arg7[%swap3A_77, %swap3A_78] {strides = array<i32>} : memref<5x128xf32, #tpu.memory_space<vmem>>, vector<16xf32>,
    tpu.vector_store %arg7[%swap3A_77, %swap3A_78], %broadcast_in_dim3A_1 {strides = array<i32>} : memref<5x128xf32, #tpu.memory_space<vmem>>, vector<16xf32>,
    %swap3A_80 = arith.constant 1 : i32
    %swap3A_81 = arith.index_cast %swap3A_80 : i32 to index
    %swap3A_82 = arith.constant 16 : index
    %swap3A_83 = tpu.vector_load %arg7[%swap3A_81, %swap3A_82] {strides = array<i32>} : memref<5x128xf32, #tpu.memory_space<vmem>>, vector<16xf32>,
    tpu.vector_store %arg7[%swap3A_81, %swap3A_82], %broadcast_in_dim3A_1 {strides = array<i32>} : memref<5x128xf32, #tpu.memory_space<vmem>>, vector<16xf32>,
    %swap3A_84 = arith.constant 1 : i32
    %swap3A_85 = arith.index_cast %swap3A_84 : i32 to index
    %swap3A_86 = arith.constant 32 : index
    %swap3A_87 = tpu.vector_load %arg7[%swap3A_85, %swap3A_86] {strides = array<i32>} : memref<5x128xf32, #tpu.memory_space<vmem>>, vector<16xf32>,
    tpu.vector_store %arg7[%swap3A_85, %swap3A_86], %broadcast_in_dim3A_1 {strides = array<i32>} : memref<5x128xf32, #tpu.memory_space<vmem>>, vector<16xf32>,
    %swap3A_88 = arith.constant 1 : i32
    %swap3A_89 = arith.index_cast %swap3A_88 : i32 to index
    %swap3A_90 = arith.constant 48 : index
    %swap3A_91 = tpu.vector_load %arg7[%swap3A_89, %swap3A_90] {strides = array<i32>} : memref<5x128xf32, #tpu.memory_space<vmem>>, vector<16xf32>,
    tpu.vector_store %arg7[%swap3A_89, %swap3A_90], %broadcast_in_dim3A_1 {strides = array<i32>} : memref<5x128xf32, #tpu.memory_space<vmem>>, vector<16xf32>,
    %swap3A_92 = arith.constant 1 : i32
    %swap3A_93 = arith.index_cast %swap3A_92 : i32 to index
    %swap3A_94 = arith.constant 64 : index
    %swap3A_95 = tpu.vector_load %arg7[%swap3A_93, %swap3A_94] {strides = array<i32>} : memref<5x128xf32, #tpu.memory_space<vmem>>, vector<16xf32>,
    tpu.vector_store %arg7[%swap3A_93, %swap3A_94], %broadcast_in_dim3A_1 {strides = array<i32>} : memref<5x128xf32, #tpu.memory_space<vmem>>, vector<16xf32>,
    %swap3A_96 = arith.constant 1 : i32
    %swap3A_97 = arith.index_cast %swap3A_96 : i32 to index
    %swap3A_98 = arith.constant 80 : index
    %swap3A_99 = tpu.vector_load %arg7[%swap3A_97, %swap3A_98] {strides = array<i32>} : memref<5x128xf32, #tpu.memory_space<vmem>>, vector<16xf32>,
    tpu.vector_store %arg7[%swap3A_97, %swap3A_98], %broadcast_in_dim3A_1 {strides = array<i32>} : memref<5x128xf32, #tpu.memory_space<vmem>>, vector<16xf32>,
    %swap3A_100 = arith.constant 1 : i32
    %swap3A_101 = arith.index_cast %swap3A_100 : i32 to index
    %swap3A_102 = arith.constant 96 : index
    %swap3A_103 = tpu.vector_load %arg7[%swap3A_101, %swap3A_102] {strides = array<i32>} : memref<5x128xf32, #tpu.memory_space<vmem>>, vector<16xf32>,
    tpu.vector_store %arg7[%swap3A_101, %swap3A_102], %broadcast_in_dim3A_1 {strides = array<i32>} : memref<5x128xf32, #tpu.memory_space<vmem>>, vector<16xf32>,
    %swap3A_104 = arith.constant 1 : i32
    %swap3A_105 = arith.index_cast %swap3A_104 : i32 to index
    %swap3A_106 = arith.constant 112 : index
    %swap3A_107 = tpu.vector_load %arg7[%swap3A_105, %swap3A_106] {strides = array<i32>} : memref<5x128xf32, #tpu.memory_space<vmem>>, vector<16xf32>,
    tpu.vector_store %arg7[%swap3A_105, %swap3A_106], %broadcast_in_dim3A_1 {strides = array<i32>} : memref<5x128xf32, #tpu.memory_space<vmem>>, vector<16xf32>,
    %swap3A_108 = arith.constant 2 : i32
    %swap3A_109 = arith.index_cast %swap3A_108 : i32 to index
    %swap3A_110 = arith.constant 0 : index
    %swap3A_111 = tpu.vector_load %arg7[%swap3A_109, %swap3A_110] {strides = array<i32>} : memref<5x128xf32, #tpu.memory_space<vmem>>, vector<16xf32>,
    tpu.vector_store %arg7[%swap3A_109, %swap3A_110], %broadcast_in_dim3A_1 {strides = array<i32>} : memref<5x128xf32, #tpu.memory_space<vmem>>, vector<16xf32>,
    %swap3A_112 = arith.constant 2 : i32
    %swap3A_113 = arith.index_cast %swap3A_112 : i32 to index
    %swap3A_114 = arith.constant 16 : index
    %swap3A_115 = tpu.vector_load %arg7[%swap3A_113, %swap3A_114] {strides = array<i32>} : memref<5x128xf32, #tpu.memory_space<vmem>>, vector<16xf32>,
    tpu.vector_store %arg7[%swap3A_113, %swap3A_114], %broadcast_in_dim3A_1 {strides = array<i32>} : memref<5x128xf32, #tpu.memory_space<vmem>>, vector<16xf32>,
    %swap3A_116 = arith.constant 2 : i32
    %swap3A_117 = arith.index_cast %swap3A_116 : i32 to index
    %swap3A_118 = arith.constant 32 : index
    %swap3A_119 = tpu.vector_load %arg7[%swap3A_117, %swap3A_118] {strides = array<i32>} : memref<5x128xf32, #tpu.memory_space<vmem>>, vector<16xf32>,
    tpu.vector_store %arg7[%swap3A_117, %swap3A_118], %broadcast_in_dim3A_1 {strides = array<i32>} : memref<5x128xf32, #tpu.memory_space<vmem>>, vector<16xf32>,
    %swap3A_120 = arith.constant 2 : i32
    %swap3A_121 = arith.index_cast %swap3A_120 : i32 to index
    %swap3A_122 = arith.constant 48 : index
    %swap3A_123 = tpu.vector_load %arg7[%swap3A_121, %swap3A_122] {strides = array<i32>} : memref<5x128xf32, #tpu.memory_space<vmem>>, vector<16xf32>,
    tpu.vector_store %arg7[%swap3A_121, %swap3A_122], %broadcast_in_dim3A_1 {strides = array<i32>} : memref<5x128xf32, #tpu.memory_space<vmem>>, vector<16xf32>,
    %swap3A_124 = arith.constant 2 : i32
    %swap3A_125 = arith.index_cast %swap3A_124 : i32 to index
    %swap3A_126 = arith.constant 64 : index
    %swap3A_127 = tpu.vector_load %arg7[%swap3A_125, %swap3A_126] {strides = array<i32>} : memref<5x128xf32, #tpu.memory_space<vmem>>, vector<16xf32>,
    tpu.vector_store %arg7[%swap3A_125, %swap3A_126], %broadcast_in_dim3A_1 {strides = array<i32>} : memref<5x128xf32, #tpu.memory_space<vmem>>, vector<16xf32>,
    %swap3A_128 = arith.constant 2 : i32
    %swap3A_129 = arith.index_cast %swap3A_128 : i32 to index
    %swap3A_130 = arith.constant 80 : index
    %swap3A_131 = tpu.vector_load %arg7[%swap3A_129, %swap3A_130] {strides = array<i32>} : memref<5x128xf32, #tpu.memory_space<vmem>>, vector<16xf32>,
    tpu.vector_store %arg7[%swap3A_129, %swap3A_130], %broadcast_in_dim3A_1 {strides = array<i32>} : memref<5x128xf32, #tpu.memory_space<vmem>>, vector<16xf32>,
    %swap3A_132 = arith.constant 2 : i32
    %swap3A_133 = arith.index_cast %swap3A_132 : i32 to index
    %swap3A_134 = arith.constant 96 : index
    %swap3A_135 = tpu.vector_load %arg7[%swap3A_133, %swap3A_134] {strides = array<i32>} : memref<5x128xf32, #tpu.memory_space<vmem>>, vector<16xf32>,
    tpu.vector_store %arg7[%swap3A_133, %swap3A_134], %broadcast_in_dim3A_1 {strides = array<i32>} : memref<5x128xf32, #tpu.memory_space<vmem>>, vector<16xf32>,
    %swap3A_136 = arith.constant 2 : i32
    %swap3A_137 = arith.index_cast %swap3A_136 : i32 to index
    %swap3A_138 = arith.constant 112 : index
    %swap3A_139 = tpu.vector_load %arg7[%swap3A_137, %swap3A_138] {strides = array<i32>} : memref<5x128xf32, #tpu.memory_space<vmem>>, vector<16xf32>,
    tpu.vector_store %arg7[%swap3A_137, %swap3A_138], %broadcast_in_dim3A_1 {strides = array<i32>} : memref<5x128xf32, #tpu.memory_space<vmem>>, vector<16xf32>,
    %swap3A_140 = arith.constant 3 : i32
    %swap3A_141 = arith.index_cast %swap3A_140 : i32 to index
    %swap3A_142 = arith.constant 0 : index
    %swap3A_143 = tpu.vector_load %arg7[%swap3A_141, %swap3A_142] {strides = array<i32>} : memref<5x128xf32, #tpu.memory_space<vmem>>, vector<16xf32>,
    tpu.vector_store %arg7[%swap3A_141, %swap3A_142], %broadcast_in_dim3A_1 {strides = array<i32>} : memref<5x128xf32, #tpu.memory_space<vmem>>, vector<16xf32>,
    %swap3A_144 = arith.constant 3 : i32
    %swap3A_145 = arith.index_cast %swap3A_144 : i32 to index
    %swap3A_146 = arith.constant 16 : index
    %swap3A_147 = tpu.vector_load %arg7[%swap3A_145, %swap3A_146] {strides = array<i32>} : memref<5x128xf32, #tpu.memory_space<vmem>>, vector<16xf32>,
    tpu.vector_store %arg7[%swap3A_145, %swap3A_146], %broadcast_in_dim3A_1 {strides = array<i32>} : memref<5x128xf32, #tpu.memory_space<vmem>>, vector<16xf32>,
    %swap3A_148 = arith.constant 3 : i32
    %swap3A_149 = arith.index_cast %swap3A_148 : i32 to index
    %swap3A_150 = arith.constant 32 : index
    %swap3A_151 = tpu.vector_load %arg7[%swap3A_149, %swap3A_150] {strides = array<i32>} : memref<5x128xf32, #tpu.memory_space<vmem>>, vector<16xf32>,
    tpu.vector_store %arg7[%swap3A_149, %swap3A_150], %broadcast_in_dim3A_1 {strides = array<i32>} : memref<5x128xf32, #tpu.memory_space<vmem>>, vector<16xf32>,
    %swap3A_152 = arith.constant 3 : i32
    %swap3A_153 = arith.index_cast %swap3A_152 : i32 to index
    %swap3A_154 = arith.constant 48 : index
    %swap3A_155 = tpu.vector_load %arg7[%swap3A_153, %swap3A_154] {strides = array<i32>} : memref<5x128xf32, #tpu.memory_space<vmem>>, vector<16xf32>,
    tpu.vector_store %arg7[%swap3A_153, %swap3A_154], %broadcast_in_dim3A_1 {strides = array<i32>} : memref<5x128xf32, #tpu.memory_space<vmem>>, vector<16xf32>,
    %swap3A_156 = arith.constant 3 : i32
    %swap3A_157 = arith.index_cast %swap3A_156 : i32 to index
    %swap3A_158 = arith.constant 64 : index
    %swap3A_159 = tpu.vector_load %arg7[%swap3A_157, %swap3A_158] {strides = array<i32>} : memref<5x128xf32, #tpu.memory_space<vmem>>, vector<16xf32>,
    tpu.vector_store %arg7[%swap3A_157, %swap3A_158], %broadcast_in_dim3A_1 {strides = array<i32>} : memref<5x128xf32, #tpu.memory_space<vmem>>, vector<16xf32>,
    %swap3A_160 = arith.constant 3 : i32
    %swap3A_161 = arith.index_cast %swap3A_160 : i32 to index
    %swap3A_162 = arith.constant 80 : index
    %swap3A_163 = tpu.vector_load %arg7[%swap3A_161, %swap3A_162] {strides = array<i32>} : memref<5x128xf32, #tpu.memory_space<vmem>>, vector<16xf32>,
    tpu.vector_store %arg7[%swap3A_161, %swap3A_162], %broadcast_in_dim3A_1 {strides = array<i32>} : memref<5x128xf32, #tpu.memory_space<vmem>>, vector<16xf32>,
    %swap3A_164 = arith.constant 3 : i32
    %swap3A_165 = arith.index_cast %swap3A_164 : i32 to index
    %swap3A_166 = arith.constant 96 : index
    %swap3A_167 = tpu.vector_load %arg7[%swap3A_165, %swap3A_166] {strides = array<i32>} : memref<5x128xf32, #tpu.memory_space<vmem>>, vector<16xf32>,
    tpu.vector_store %arg7[%swap3A_165, %swap3A_166], %broadcast_in_dim3A_1 {strides = array<i32>} : memref<5x128xf32, #tpu.memory_space<vmem>>, vector<16xf32>,
    %swap3A_168 = arith.constant 3 : i32
    %swap3A_169 = arith.index_cast %swap3A_168 : i32 to index
    %swap3A_170 = arith.constant 112 : index
    %swap3A_171 = tpu.vector_load %arg7[%swap3A_169, %swap3A_170] {strides = array<i32>} : memref<5x128xf32, #tpu.memory_space<vmem>>, vector<16xf32>,
    tpu.vector_store %arg7[%swap3A_169, %swap3A_170], %broadcast_in_dim3A_1 {strides = array<i32>} : memref<5x128xf32, #tpu.memory_space<vmem>>, vector<16xf32>,
    %mul3A_172 = arith.constant 5 : i32
    %mul3A_173 = arith.muli %arg1, %mul3A_172 : i32
    "tpu.region"() ({
      %run_scoped3A_190 = tpu.sem_alloc : memref<!tpu.dma_semaphore, #tpu.memory_space<semaphore_mem>>
      %dma_start3A_191 = arith.constant 0 : i32
      %dma_start3A_192 = tpu.memref_slice %arg8[%mul3A_173, %dma_start3A_191] : memref<80x128xf32, #tpu.memory_space<vmem_shared>> -> memref<5x128xf32, #tpu.memory_space<vmem_shared>>
      %dma_start3A_193 = arith.constant 0 : i32
      %dma_start3A_194 = tpu.memref_slice %arg8[%mul3A_173, %dma_start3A_193] : memref<80x128xf32, #tpu.memory_space<vmem_shared>> -> memref<5x128xf32, #tpu.memory_space<vmem_shared>>
      tpu.enqueue_dma source(%arg7 : memref<5x128xf32, #tpu.memory_space<vmem>>) target(%dma_start3A_194 : memref<5x128xf32, #tpu.memory_space<vmem_shared>>) target_semaphore(%run_scoped3A_190 : memref<!tpu.dma_semaphore, #tpu.memory_space<semaphore_mem>>)
      %dma_wait3A_195 = arith.constant 0 : i32
      %dma_wait3A_196 = tpu.memref_slice %arg8[%mul3A_173, %dma_wait3A_195] : memref<80x128xf32, #tpu.memory_space<vmem_shared>> -> memref<5x128xf32, #tpu.memory_space<vmem_shared>>
      %dma_wait3A_197 = arith.constant 0 : i32
      %dma_wait3A_198 = tpu.memref_slice %arg8[%mul3A_173, %dma_wait3A_197] : memref<80x128xf32, #tpu.memory_space<vmem_shared>> -> memref<5x128xf32, #tpu.memory_space<vmem_shared>>
      tpu.wait_dma2 semaphore(%run_scoped3A_190 : memref<!tpu.dma_semaphore, #tpu.memory_space<semaphore_mem>>) src(%arg7 : memref<5x128xf32, #tpu.memory_space<vmem>>) dst(%dma_wait3A_198 : memref<5x128xf32, #tpu.memory_space<vmem_shared>>)
      tpu.yield
    }) : () -> ()
    %mul3A_174 = arith.constant 125 : i32
    %mul3A_175 = arith.muli %add3A, %mul3A_174 : i32
    %run_scoped3A = arith.constant 1 : i32
    "tpu.region"() ({
      %run_scoped3A_190 = tpu.sem_alloc : memref<!tpu.dma_semaphore, #tpu.memory_space<semaphore_mem>>
      %dma_start3A_191 = arith.constant 0 : i32
      %dma_start3A_192 = tpu.memref_slice %arg2[%run_scoped3A, %mul3A_175, %dma_start3A_191] : memref<2x4000x80xi32, #tpu.memory_space<hbm>> -> memref<1x125x80xi32, #tpu.memory_space<hbm>>
      %dma_start3A_193 = tpu.memref_squeeze %dma_start3A_192 : memref<1x125x80xi32, #tpu.memory_space<hbm>> -> memref<125x80xi32, #tpu.memory_space<hbm>>
      %dma_start3A_194 = arith.constant 0 : i32
      %dma_start3A_195 = tpu.memref_slice %arg2[%run_scoped3A, %mul3A_175, %dma_start3A_194] : memref<2x4000x80xi32, #tpu.memory_space<hbm>> -> memref<1x125x80xi32, #tpu.memory_space<hbm>>
      %dma_start3A_196 = tpu.memref_squeeze %dma_start3A_195 : memref<1x125x80xi32, #tpu.memory_space<hbm>> -> memref<125x80xi32, #tpu.memory_space<hbm>>
      tpu.enqueue_dma source(%dma_start3A_196 : memref<125x80xi32, #tpu.memory_space<hbm>>) target(%arg5 : memref<125x80xi32, #tpu.memory_space<vmem>>) target_semaphore(%run_scoped3A_190 : memref<!tpu.dma_semaphore, #tpu.memory_space<semaphore_mem>>)
      %dma_wait3A_197 = arith.constant 0 : i32
      %dma_wait3A_198 = tpu.memref_slice %arg2[%run_scoped3A, %mul3A_175, %dma_wait3A_197] : memref<2x4000x80xi32, #tpu.memory_space<hbm>> -> memref<1x125x80xi32, #tpu.memory_space<hbm>>
      %dma_wait3A_199 = tpu.memref_squeeze %dma_wait3A_198 : memref<1x125x80xi32, #tpu.memory_space<hbm>> -> memref<125x80xi32, #tpu.memory_space<hbm>>
      %dma_wait3A_200 = arith.constant 0 : i32
      %dma_wait3A_201 = tpu.memref_slice %arg2[%run_scoped3A, %mul3A_175, %dma_wait3A_200] : memref<2x4000x80xi32, #tpu.memory_space<hbm>> -> memref<1x125x80xi32, #tpu.memory_space<hbm>>
      %dma_wait3A_202 = tpu.memref_squeeze %dma_wait3A_201 : memref<1x125x80xi32, #tpu.memory_space<hbm>> -> memref<125x80xi32, #tpu.memory_space<hbm>>
      tpu.wait_dma2 semaphore(%run_scoped3A_190 : memref<!tpu.dma_semaphore, #tpu.memory_space<semaphore_mem>>) src(%dma_wait3A_202 : memref<125x80xi32, #tpu.memory_space<hbm>>) dst(%arg5 : memref<125x80xi32, #tpu.memory_space<vmem>>)
      tpu.yield
    }) : () -> ()
    %scan3A_176 = arith.constant 0 : i32
    %scan3A_177 = arith.constant 125 : i32
    %scan3A_178 = arith.addi %scan3A_176, %scan3A_177 : i32
    %scan3A_179 = arith.constant 1 : i32
    scf.for %scan3A_190 = %scan3A_176 to %scan3A_178 step %scan3A_179  : i32 {
      %mul3A_191 = arith.constant 1 : i32
      %mul3A_192 = arith.muli %scan3A_190, %mul3A_191 : i32
      %add3A_193 = arith.constant 0 : i32
      %add3A_194 = arith.addi %add3A_193, %mul3A_192 : i32
      %get3A = arith.index_cast %add3A_194 : i32 to index
      %get3A_195 = arith.constant 0 : index
      %get3A_196 = tpu.vector_load %arg5[%get3A, %get3A_195] {strides = array<i32>} : memref<125x80xi32, #tpu.memory_space<vmem>>, vector<16xi32>,
      %shift_right_arithmetic3A = arith.constant 7 : i32
      %shift_right_arithmetic3A_197 = vector.broadcast %shift_right_arithmetic3A : i32 to vector<16xi32>
      %shift_right_arithmetic3A_198 = arith.shrsi %get3A_196, %shift_right_arithmetic3A_197 : vector<16xi32>
      %and3A = arith.constant 127 : i32
      %and3A_199 = vector.broadcast %and3A : i32 to vector<16xi32>
      %and3A_200 = arith.andi %get3A_196, %and3A_199 : vector<16xi32>
      tpu.vector_store_idx %arg4[%shift_right_arithmetic3A_198, %and3A_200], %broadcast_in_dim3A_3 {add = true} : memref<80x128xf32, #tpu.memory_space<vmem>>[vector<16xi32>, vector<16xi32>], vector<16xf32>,
      %get3A_201 = arith.index_cast %add3A_194 : i32 to index
      %get3A_202 = arith.constant 16 : index
      %get3A_203 = tpu.vector_load %arg5[%get3A_201, %get3A_202] {strides = array<i32>} : memref<125x80xi32, #tpu.memory_space<vmem>>, vector<16xi32>,
      %shift_right_arithmetic3A_204 = arith.constant 7 : i32
      %shift_right_arithmetic3A_205 = vector.broadcast %shift_right_arithmetic3A_204 : i32 to vector<16xi32>
      %shift_right_arithmetic3A_206 = arith.shrsi %get3A_203, %shift_right_arithmetic3A_205 : vector<16xi32>
      %and3A_207 = arith.constant 127 : i32
      %and3A_208 = vector.broadcast %and3A_207 : i32 to vector<16xi32>
      %and3A_209 = arith.andi %get3A_203, %and3A_208 : vector<16xi32>
      tpu.vector_store_idx %arg4[%shift_right_arithmetic3A_206, %and3A_209], %broadcast_in_dim3A_3 {add = true} : memref<80x128xf32, #tpu.memory_space<vmem>>[vector<16xi32>, vector<16xi32>], vector<16xf32>,
      %get3A_210 = arith.index_cast %add3A_194 : i32 to index
      %get3A_211 = arith.constant 32 : index
      %get3A_212 = tpu.vector_load %arg5[%get3A_210, %get3A_211] {strides = array<i32>} : memref<125x80xi32, #tpu.memory_space<vmem>>, vector<16xi32>,
      %shift_right_arithmetic3A_213 = arith.constant 7 : i32
      %shift_right_arithmetic3A_214 = vector.broadcast %shift_right_arithmetic3A_213 : i32 to vector<16xi32>
      %shift_right_arithmetic3A_215 = arith.shrsi %get3A_212, %shift_right_arithmetic3A_214 : vector<16xi32>
      %and3A_216 = arith.constant 127 : i32
      %and3A_217 = vector.broadcast %and3A_216 : i32 to vector<16xi32>
      %and3A_218 = arith.andi %get3A_212, %and3A_217 : vector<16xi32>
      tpu.vector_store_idx %arg4[%shift_right_arithmetic3A_215, %and3A_218], %broadcast_in_dim3A_3 {add = true} : memref<80x128xf32, #tpu.memory_space<vmem>>[vector<16xi32>, vector<16xi32>], vector<16xf32>,
      %get3A_219 = arith.index_cast %add3A_194 : i32 to index
      %get3A_220 = arith.constant 48 : index
      %get3A_221 = tpu.vector_load %arg5[%get3A_219, %get3A_220] {strides = array<i32>} : memref<125x80xi32, #tpu.memory_space<vmem>>, vector<16xi32>,
      %shift_right_arithmetic3A_222 = arith.constant 7 : i32
      %shift_right_arithmetic3A_223 = vector.broadcast %shift_right_arithmetic3A_222 : i32 to vector<16xi32>
      %shift_right_arithmetic3A_224 = arith.shrsi %get3A_221, %shift_right_arithmetic3A_223 : vector<16xi32>
      %and3A_225 = arith.constant 127 : i32
      %and3A_226 = vector.broadcast %and3A_225 : i32 to vector<16xi32>
      %and3A_227 = arith.andi %get3A_221, %and3A_226 : vector<16xi32>
      tpu.vector_store_idx %arg4[%shift_right_arithmetic3A_224, %and3A_227], %broadcast_in_dim3A_3 {add = true} : memref<80x128xf32, #tpu.memory_space<vmem>>[vector<16xi32>, vector<16xi32>], vector<16xf32>,
      %get3A_228 = arith.index_cast %add3A_194 : i32 to index
      %get3A_229 = arith.constant 64 : index
      %get3A_230 = tpu.vector_load %arg5[%get3A_228, %get3A_229] {strides = array<i32>} : memref<125x80xi32, #tpu.memory_space<vmem>>, vector<16xi32>,
      %shift_right_arithmetic3A_231 = arith.constant 7 : i32
      %shift_right_arithmetic3A_232 = vector.broadcast %shift_right_arithmetic3A_231 : i32 to vector<16xi32>
      %shift_right_arithmetic3A_233 = arith.shrsi %get3A_230, %shift_right_arithmetic3A_232 : vector<16xi32>
      %and3A_234 = arith.constant 127 : i32
      %and3A_235 = vector.broadcast %and3A_234 : i32 to vector<16xi32>
      %and3A_236 = arith.andi %get3A_230, %and3A_235 : vector<16xi32>
      tpu.vector_store_idx %arg4[%shift_right_arithmetic3A_233, %and3A_236], %broadcast_in_dim3A_3 {add = true} : memref<80x128xf32, #tpu.memory_space<vmem>>[vector<16xi32>, vector<16xi32>], vector<16xf32>,
    }
    %scan3A_180 = arith.constant 125 : i32
    %barrier3A = arith.constant 0 : index
    tpu.barrier barrier_id(%barrier3A)
    %dma_start3A = arith.constant 0 : i32
    %dma_start3A_181 = arith.constant 0 : i32
    %dma_start3A_182 = tpu.memref_slice %arg8[%dma_start3A, %dma_start3A_181] : memref<80x128xf32, #tpu.memory_space<vmem_shared>> -> memref<80x128xf32, #tpu.memory_space<vmem_shared>>
    tpu.enqueue_indirect_dma source(%arg4 : memref<80x128xf32, #tpu.memory_space<vmem>>) target(%dma_start3A_182 : memref<80x128xf32, #tpu.memory_space<vmem_shared>>) offsets(%arg6 : memref<80xi32, #tpu.memory_space<vmem>>) semaphore(%arg9 : memref<!tpu.dma_semaphore, #tpu.memory_space<semaphore_mem>>) {add = true}
    %dma_wait3A = arith.constant 0 : i32
    %dma_wait3A_183 = arith.constant 0 : i32
    %dma_wait3A_184 = tpu.memref_slice %arg8[%dma_wait3A, %dma_wait3A_183] : memref<80x128xf32, #tpu.memory_space<vmem_shared>> -> memref<80x128xf32, #tpu.memory_space<vmem_shared>>
    tpu.wait_indirect_dma semaphore(%arg9 : memref<!tpu.dma_semaphore, #tpu.memory_space<semaphore_mem>>) src(%arg4 : memref<80x128xf32, #tpu.memory_space<vmem>>) dst(%dma_wait3A_184 : memref<80x128xf32, #tpu.memory_space<vmem_shared>>)
    %barrier3A_185 = arith.constant 0 : index
    tpu.barrier barrier_id(%barrier3A_185)
    %mul3A_186 = arith.constant 5 : i32
    %mul3A_187 = arith.muli %arg1, %mul3A_186 : i32
    %mul3A_188 = arith.constant 5 : i32
    %mul3A_189 = arith.muli %arg1, %mul3A_188 : i32
    "tpu.region"() ({
      %run_scoped3A_190 = tpu.sem_alloc : memref<!tpu.dma_semaphore, #tpu.memory_space<semaphore_mem>>
      %dma_start3A_191 = arith.constant 0 : i32
      %dma_start3A_192 = tpu.memref_slice %arg3[%arg0, %mul3A_189, %dma_start3A_191] : memref<2x80x128xf32, #tpu.memory_space<hbm>> -> memref<1x5x128xf32, #tpu.memory_space<hbm>>
      %dma_start3A_193 = tpu.memref_squeeze %dma_start3A_192 : memref<1x5x128xf32, #tpu.memory_space<hbm>> -> memref<5x128xf32, #tpu.memory_space<hbm>>
      %dma_start3A_194 = arith.constant 0 : i32
      %dma_start3A_195 = tpu.memref_slice %arg8[%mul3A_187, %dma_start3A_194] : memref<80x128xf32, #tpu.memory_space<vmem_shared>> -> memref<5x128xf32, #tpu.memory_space<vmem_shared>>
      tpu.enqueue_dma source(%dma_start3A_195 : memref<5x128xf32, #tpu.memory_space<vmem_shared>>) target(%dma_start3A_193 : memref<5x128xf32, #tpu.memory_space<hbm>>) target_semaphore(%run_scoped3A_190 : memref<!tpu.dma_semaphore, #tpu.memory_space<semaphore_mem>>)
      %dma_wait3A_196 = arith.constant 0 : i32
      %dma_wait3A_197 = tpu.memref_slice %arg3[%arg0, %mul3A_189, %dma_wait3A_196] : memref<2x80x128xf32, #tpu.memory_space<hbm>> -> memref<1x5x128xf32, #tpu.memory_space<hbm>>
      %dma_wait3A_198 = tpu.memref_squeeze %dma_wait3A_197 : memref<1x5x128xf32, #tpu.memory_space<hbm>> -> memref<5x128xf32, #tpu.memory_space<hbm>>
      %dma_wait3A_199 = arith.constant 0 : i32
      %dma_wait3A_200 = tpu.memref_slice %arg8[%mul3A_187, %dma_wait3A_199] : memref<80x128xf32, #tpu.memory_space<vmem_shared>> -> memref<5x128xf32, #tpu.memory_space<vmem_shared>>
      tpu.wait_dma2 semaphore(%run_scoped3A_190 : memref<!tpu.dma_semaphore, #tpu.memory_space<semaphore_mem>>) src(%dma_wait3A_200 : memref<5x128xf32, #tpu.memory_space<vmem_shared>>) dst(%dma_wait3A_198 : memref<5x128xf32, #tpu.memory_space<hbm>>)
      tpu.yield
    }) : () -> ()
    return
  }
}

#map = affine_map<(d0, d1) -> (0, 0, 0)>
module attributes {stable_mosaic.version = 14 : i64} {
  func.func @_sc_agg(%arg0: i32, %arg1: i32, %arg2: memref<2x10000x64xf32, #tpu.memory_space<hbm>>, %arg3: memref<2x4000x80xi32, #tpu.memory_space<hbm>>, %arg4: memref<2x10000x64xf32, #tpu.memory_space<hbm>>, %arg5: memref<250x80xi32, #tpu.memory_space<vmem>>, %arg6: memref<250x80xi32, #tpu.memory_space<vmem>>, %arg7: memref<80x64xf32, #tpu.memory_space<vmem>>, %arg8: memref<80x64xf32, #tpu.memory_space<vmem>>, %arg9: memref<80x64xf32, #tpu.memory_space<vmem>>, %arg10: memref<80x64xf32, #tpu.memory_space<vmem>>, %arg11: memref<80x64xf32, #tpu.memory_space<vmem>>, %arg12: memref<80x64xf32, #tpu.memory_space<vmem>>, %arg13: memref<80x64xf32, #tpu.memory_space<vmem>>, %arg14: memref<80x64xf32, #tpu.memory_space<vmem>>, %arg15: memref<125x64xf32, #tpu.memory_space<vmem>>, %arg16: memref<10000x64xf32, #tpu.memory_space<vmem_shared>>, %arg17: memref<!tpu.dma_semaphore, #tpu.memory_space<semaphore_mem>>, %arg18: memref<!tpu.dma_semaphore, #tpu.memory_space<semaphore_mem>>, %arg19: memref<!tpu.dma_semaphore, #tpu.memory_space<semaphore_mem>>, %arg20: memref<!tpu.dma_semaphore, #tpu.memory_space<semaphore_mem>>, %arg21: memref<!tpu.dma_semaphore, #tpu.memory_space<semaphore_mem>>, %arg22: memref<!tpu.dma_semaphore, #tpu.memory_space<semaphore_mem>>, %arg23: memref<!tpu.dma_semaphore, #tpu.memory_space<semaphore_mem>>, %arg24: memref<!tpu.dma_semaphore, #tpu.memory_space<semaphore_mem>>, %arg25: memref<!tpu.dma_semaphore, #tpu.memory_space<semaphore_mem>>, %arg26: memref<!tpu.dma_semaphore, #tpu.memory_space<semaphore_mem>>, %arg27: memref<!tpu.dma_semaphore, #tpu.memory_space<semaphore_mem>>, %arg28: memref<!tpu.dma_semaphore, #tpu.memory_space<semaphore_mem>>, %arg29: memref<!tpu.dma_semaphore, #tpu.memory_space<semaphore_mem>>, %arg30: memref<!tpu.dma_semaphore, #tpu.memory_space<semaphore_mem>>, %arg31: memref<!tpu.dma_semaphore, #tpu.memory_space<semaphore_mem>>, %arg32: memref<!tpu.dma_semaphore, #tpu.memory_space<semaphore_mem>>) attributes {dimension_semantics = [#tpu.dimension_semantics<core_parallel>, #tpu.dimension_semantics<subcore_parallel>], iteration_bounds = array<i64: 2, 16>, scalar_prefetch = 0 : i64, scratch_operands = 28 : i64, tpu.core_type = #tpu.core_type<sc_vector_subcore>, window_params = [{transform_indices = #map}, {transform_indices = #map}, {transform_indices = #map}]} {
    %mul3A = arith.constant 250 : i32
    %mul3A_0 = arith.muli %arg1, %mul3A : i32
    %run_scoped3A = arith.constant 0 : i32
    "tpu.region"() ({
      %run_scoped3A_514 = tpu.sem_alloc : memref<!tpu.dma_semaphore, #tpu.memory_space<semaphore_mem>>
      %dma_start3A_515 = arith.constant 0 : i32
      %dma_start3A_516 = tpu.memref_slice %arg3[%run_scoped3A, %mul3A_0, %dma_start3A_515] : memref<2x4000x80xi32, #tpu.memory_space<hbm>> -> memref<1x250x80xi32, #tpu.memory_space<hbm>>
      %dma_start3A_517 = tpu.memref_squeeze %dma_start3A_516 : memref<1x250x80xi32, #tpu.memory_space<hbm>> -> memref<250x80xi32, #tpu.memory_space<hbm>>
      %dma_start3A_518 = arith.constant 0 : i32
      %dma_start3A_519 = tpu.memref_slice %arg3[%run_scoped3A, %mul3A_0, %dma_start3A_518] : memref<2x4000x80xi32, #tpu.memory_space<hbm>> -> memref<1x250x80xi32, #tpu.memory_space<hbm>>
      %dma_start3A_520 = tpu.memref_squeeze %dma_start3A_519 : memref<1x250x80xi32, #tpu.memory_space<hbm>> -> memref<250x80xi32, #tpu.memory_space<hbm>>
      tpu.enqueue_dma source(%dma_start3A_520 : memref<250x80xi32, #tpu.memory_space<hbm>>) target(%arg5 : memref<250x80xi32, #tpu.memory_space<vmem>>) target_semaphore(%run_scoped3A_514 : memref<!tpu.dma_semaphore, #tpu.memory_space<semaphore_mem>>)
      %dma_wait3A_521 = arith.constant 0 : i32
      %dma_wait3A_522 = tpu.memref_slice %arg3[%run_scoped3A, %mul3A_0, %dma_wait3A_521] : memref<2x4000x80xi32, #tpu.memory_space<hbm>> -> memref<1x250x80xi32, #tpu.memory_space<hbm>>
      %dma_wait3A_523 = tpu.memref_squeeze %dma_wait3A_522 : memref<1x250x80xi32, #tpu.memory_space<hbm>> -> memref<250x80xi32, #tpu.memory_space<hbm>>
      %dma_wait3A_524 = arith.constant 0 : i32
      %dma_wait3A_525 = tpu.memref_slice %arg3[%run_scoped3A, %mul3A_0, %dma_wait3A_524] : memref<2x4000x80xi32, #tpu.memory_space<hbm>> -> memref<1x250x80xi32, #tpu.memory_space<hbm>>
      %dma_wait3A_526 = tpu.memref_squeeze %dma_wait3A_525 : memref<1x250x80xi32, #tpu.memory_space<hbm>> -> memref<250x80xi32, #tpu.memory_space<hbm>>
      tpu.wait_dma2 semaphore(%run_scoped3A_514 : memref<!tpu.dma_semaphore, #tpu.memory_space<semaphore_mem>>) src(%dma_wait3A_526 : memref<250x80xi32, #tpu.memory_space<hbm>>) dst(%arg5 : memref<250x80xi32, #tpu.memory_space<vmem>>)
      tpu.yield
    }) : () -> ()
    %run_scoped3A_1 = arith.constant 1 : i32
    "tpu.region"() ({
      %run_scoped3A_514 = tpu.sem_alloc : memref<!tpu.dma_semaphore, #tpu.memory_space<semaphore_mem>>
      %dma_start3A_515 = arith.constant 0 : i32
      %dma_start3A_516 = tpu.memref_slice %arg3[%run_scoped3A_1, %mul3A_0, %dma_start3A_515] : memref<2x4000x80xi32, #tpu.memory_space<hbm>> -> memref<1x250x80xi32, #tpu.memory_space<hbm>>
      %dma_start3A_517 = tpu.memref_squeeze %dma_start3A_516 : memref<1x250x80xi32, #tpu.memory_space<hbm>> -> memref<250x80xi32, #tpu.memory_space<hbm>>
      %dma_start3A_518 = arith.constant 0 : i32
      %dma_start3A_519 = tpu.memref_slice %arg3[%run_scoped3A_1, %mul3A_0, %dma_start3A_518] : memref<2x4000x80xi32, #tpu.memory_space<hbm>> -> memref<1x250x80xi32, #tpu.memory_space<hbm>>
      %dma_start3A_520 = tpu.memref_squeeze %dma_start3A_519 : memref<1x250x80xi32, #tpu.memory_space<hbm>> -> memref<250x80xi32, #tpu.memory_space<hbm>>
      tpu.enqueue_dma source(%dma_start3A_520 : memref<250x80xi32, #tpu.memory_space<hbm>>) target(%arg6 : memref<250x80xi32, #tpu.memory_space<vmem>>) target_semaphore(%run_scoped3A_514 : memref<!tpu.dma_semaphore, #tpu.memory_space<semaphore_mem>>)
      %dma_wait3A_521 = arith.constant 0 : i32
      %dma_wait3A_522 = tpu.memref_slice %arg3[%run_scoped3A_1, %mul3A_0, %dma_wait3A_521] : memref<2x4000x80xi32, #tpu.memory_space<hbm>> -> memref<1x250x80xi32, #tpu.memory_space<hbm>>
      %dma_wait3A_523 = tpu.memref_squeeze %dma_wait3A_522 : memref<1x250x80xi32, #tpu.memory_space<hbm>> -> memref<250x80xi32, #tpu.memory_space<hbm>>
      %dma_wait3A_524 = arith.constant 0 : i32
      %dma_wait3A_525 = tpu.memref_slice %arg3[%run_scoped3A_1, %mul3A_0, %dma_wait3A_524] : memref<2x4000x80xi32, #tpu.memory_space<hbm>> -> memref<1x250x80xi32, #tpu.memory_space<hbm>>
      %dma_wait3A_526 = tpu.memref_squeeze %dma_wait3A_525 : memref<1x250x80xi32, #tpu.memory_space<hbm>> -> memref<250x80xi32, #tpu.memory_space<hbm>>
      tpu.wait_dma2 semaphore(%run_scoped3A_514 : memref<!tpu.dma_semaphore, #tpu.memory_space<semaphore_mem>>) src(%dma_wait3A_526 : memref<250x80xi32, #tpu.memory_space<hbm>>) dst(%arg6 : memref<250x80xi32, #tpu.memory_space<vmem>>)
      tpu.yield
    }) : () -> ()
    %broadcast_in_dim3A = arith.constant 0.000000e+00 : f32
    %broadcast_in_dim3A_2 = vector.broadcast %broadcast_in_dim3A : f32 to vector<16xf32>
    %scan3A = arith.constant 0 : i32
    %scan3A_3 = arith.constant 125 : i32
    %scan3A_4 = arith.addi %scan3A, %scan3A_3 : i32
    %scan3A_5 = arith.constant 1 : i32
    scf.for %scan3A_514 = %scan3A to %scan3A_4 step %scan3A_5  : i32 {
      %mul3A_515 = arith.constant 1 : i32
      %mul3A_516 = arith.muli %scan3A_514, %mul3A_515 : i32
      %add3A_517 = arith.constant 0 : i32
      %add3A_518 = arith.addi %add3A_517, %mul3A_516 : i32
      %swap3A = arith.index_cast %add3A_518 : i32 to index
      %swap3A_519 = arith.constant 0 : index
      %swap3A_520 = tpu.vector_load %arg15[%swap3A, %swap3A_519] {strides = array<i32>} : memref<125x64xf32, #tpu.memory_space<vmem>>, vector<1x16xf32>,
      %swap3A_521 = vector.shape_cast %swap3A_520 : vector<1x16xf32> to vector<16xf32>
      %swap3A_522 = vector.shape_cast %broadcast_in_dim3A_2 : vector<16xf32> to vector<1x16xf32>
      tpu.vector_store %arg15[%swap3A, %swap3A_519], %swap3A_522 {strides = array<i32>} : memref<125x64xf32, #tpu.memory_space<vmem>>, vector<1x16xf32>,
      %swap3A_523 = arith.index_cast %add3A_518 : i32 to index
      %swap3A_524 = arith.constant 16 : index
      %swap3A_525 = tpu.vector_load %arg15[%swap3A_523, %swap3A_524] {strides = array<i32>} : memref<125x64xf32, #tpu.memory_space<vmem>>, vector<1x16xf32>,
      %swap3A_526 = vector.shape_cast %swap3A_525 : vector<1x16xf32> to vector<16xf32>
      %swap3A_527 = vector.shape_cast %broadcast_in_dim3A_2 : vector<16xf32> to vector<1x16xf32>
      tpu.vector_store %arg15[%swap3A_523, %swap3A_524], %swap3A_527 {strides = array<i32>} : memref<125x64xf32, #tpu.memory_space<vmem>>, vector<1x16xf32>,
      %swap3A_528 = arith.index_cast %add3A_518 : i32 to index
      %swap3A_529 = arith.constant 32 : index
      %swap3A_530 = tpu.vector_load %arg15[%swap3A_528, %swap3A_529] {strides = array<i32>} : memref<125x64xf32, #tpu.memory_space<vmem>>, vector<1x16xf32>,
      %swap3A_531 = vector.shape_cast %swap3A_530 : vector<1x16xf32> to vector<16xf32>
      %swap3A_532 = vector.shape_cast %broadcast_in_dim3A_2 : vector<16xf32> to vector<1x16xf32>
      tpu.vector_store %arg15[%swap3A_528, %swap3A_529], %swap3A_532 {strides = array<i32>} : memref<125x64xf32, #tpu.memory_space<vmem>>, vector<1x16xf32>,
      %swap3A_533 = arith.index_cast %add3A_518 : i32 to index
      %swap3A_534 = arith.constant 48 : index
      %swap3A_535 = tpu.vector_load %arg15[%swap3A_533, %swap3A_534] {strides = array<i32>} : memref<125x64xf32, #tpu.memory_space<vmem>>, vector<1x16xf32>,
      %swap3A_536 = vector.shape_cast %swap3A_535 : vector<1x16xf32> to vector<16xf32>
      %swap3A_537 = vector.shape_cast %broadcast_in_dim3A_2 : vector<16xf32> to vector<1x16xf32>
      tpu.vector_store %arg15[%swap3A_533, %swap3A_534], %swap3A_537 {strides = array<i32>} : memref<125x64xf32, #tpu.memory_space<vmem>>, vector<1x16xf32>,
    }
    %scan3A_6 = arith.constant 125 : i32
    %mul3A_7 = arith.constant 625 : i32
    %mul3A_8 = arith.muli %arg1, %mul3A_7 : i32
    %add3A = arith.constant 0 : i32
    %add3A_9 = arith.addi %mul3A_8, %add3A : i32
    "tpu.region"() ({
      %run_scoped3A_514 = tpu.sem_alloc : memref<!tpu.dma_semaphore, #tpu.memory_space<semaphore_mem>>
      %dma_start3A_515 = arith.constant 0 : i32
      %dma_start3A_516 = tpu.memref_slice %arg16[%add3A_9, %dma_start3A_515] : memref<10000x64xf32, #tpu.memory_space<vmem_shared>> -> memref<125x64xf32, #tpu.memory_space<vmem_shared>>
      %dma_start3A_517 = arith.constant 0 : i32
      %dma_start3A_518 = tpu.memref_slice %arg16[%add3A_9, %dma_start3A_517] : memref<10000x64xf32, #tpu.memory_space<vmem_shared>> -> memref<125x64xf32, #tpu.memory_space<vmem_shared>>
      tpu.enqueue_dma source(%arg15 : memref<125x64xf32, #tpu.memory_space<vmem>>) target(%dma_start3A_518 : memref<125x64xf32, #tpu.memory_space<vmem_shared>>) target_semaphore(%run_scoped3A_514 : memref<!tpu.dma_semaphore, #tpu.memory_space<semaphore_mem>>)
      %dma_wait3A_519 = arith.constant 0 : i32
      %dma_wait3A_520 = tpu.memref_slice %arg16[%add3A_9, %dma_wait3A_519] : memref<10000x64xf32, #tpu.memory_space<vmem_shared>> -> memref<125x64xf32, #tpu.memory_space<vmem_shared>>
      %dma_wait3A_521 = arith.constant 0 : i32
      %dma_wait3A_522 = tpu.memref_slice %arg16[%add3A_9, %dma_wait3A_521] : memref<10000x64xf32, #tpu.memory_space<vmem_shared>> -> memref<125x64xf32, #tpu.memory_space<vmem_shared>>
      tpu.wait_dma2 semaphore(%run_scoped3A_514 : memref<!tpu.dma_semaphore, #tpu.memory_space<semaphore_mem>>) src(%arg15 : memref<125x64xf32, #tpu.memory_space<vmem>>) dst(%dma_wait3A_522 : memref<125x64xf32, #tpu.memory_space<vmem_shared>>)
      tpu.yield
    }) : () -> ()
    %mul3A_10 = arith.constant 625 : i32
    %mul3A_11 = arith.muli %arg1, %mul3A_10 : i32
    %add3A_12 = arith.constant 125 : i32
    %add3A_13 = arith.addi %mul3A_11, %add3A_12 : i32
    "tpu.region"() ({
      %run_scoped3A_514 = tpu.sem_alloc : memref<!tpu.dma_semaphore, #tpu.memory_space<semaphore_mem>>
      %dma_start3A_515 = arith.constant 0 : i32
      %dma_start3A_516 = tpu.memref_slice %arg16[%add3A_13, %dma_start3A_515] : memref<10000x64xf32, #tpu.memory_space<vmem_shared>> -> memref<125x64xf32, #tpu.memory_space<vmem_shared>>
      %dma_start3A_517 = arith.constant 0 : i32
      %dma_start3A_518 = tpu.memref_slice %arg16[%add3A_13, %dma_start3A_517] : memref<10000x64xf32, #tpu.memory_space<vmem_shared>> -> memref<125x64xf32, #tpu.memory_space<vmem_shared>>
      tpu.enqueue_dma source(%arg15 : memref<125x64xf32, #tpu.memory_space<vmem>>) target(%dma_start3A_518 : memref<125x64xf32, #tpu.memory_space<vmem_shared>>) target_semaphore(%run_scoped3A_514 : memref<!tpu.dma_semaphore, #tpu.memory_space<semaphore_mem>>)
      %dma_wait3A_519 = arith.constant 0 : i32
      %dma_wait3A_520 = tpu.memref_slice %arg16[%add3A_13, %dma_wait3A_519] : memref<10000x64xf32, #tpu.memory_space<vmem_shared>> -> memref<125x64xf32, #tpu.memory_space<vmem_shared>>
      %dma_wait3A_521 = arith.constant 0 : i32
      %dma_wait3A_522 = tpu.memref_slice %arg16[%add3A_13, %dma_wait3A_521] : memref<10000x64xf32, #tpu.memory_space<vmem_shared>> -> memref<125x64xf32, #tpu.memory_space<vmem_shared>>
      tpu.wait_dma2 semaphore(%run_scoped3A_514 : memref<!tpu.dma_semaphore, #tpu.memory_space<semaphore_mem>>) src(%arg15 : memref<125x64xf32, #tpu.memory_space<vmem>>) dst(%dma_wait3A_522 : memref<125x64xf32, #tpu.memory_space<vmem_shared>>)
      tpu.yield
    }) : () -> ()
    %mul3A_14 = arith.constant 625 : i32
    %mul3A_15 = arith.muli %arg1, %mul3A_14 : i32
    %add3A_16 = arith.constant 250 : i32
    %add3A_17 = arith.addi %mul3A_15, %add3A_16 : i32
    "tpu.region"() ({
      %run_scoped3A_514 = tpu.sem_alloc : memref<!tpu.dma_semaphore, #tpu.memory_space<semaphore_mem>>
      %dma_start3A_515 = arith.constant 0 : i32
      %dma_start3A_516 = tpu.memref_slice %arg16[%add3A_17, %dma_start3A_515] : memref<10000x64xf32, #tpu.memory_space<vmem_shared>> -> memref<125x64xf32, #tpu.memory_space<vmem_shared>>
      %dma_start3A_517 = arith.constant 0 : i32
      %dma_start3A_518 = tpu.memref_slice %arg16[%add3A_17, %dma_start3A_517] : memref<10000x64xf32, #tpu.memory_space<vmem_shared>> -> memref<125x64xf32, #tpu.memory_space<vmem_shared>>
      tpu.enqueue_dma source(%arg15 : memref<125x64xf32, #tpu.memory_space<vmem>>) target(%dma_start3A_518 : memref<125x64xf32, #tpu.memory_space<vmem_shared>>) target_semaphore(%run_scoped3A_514 : memref<!tpu.dma_semaphore, #tpu.memory_space<semaphore_mem>>)
      %dma_wait3A_519 = arith.constant 0 : i32
      %dma_wait3A_520 = tpu.memref_slice %arg16[%add3A_17, %dma_wait3A_519] : memref<10000x64xf32, #tpu.memory_space<vmem_shared>> -> memref<125x64xf32, #tpu.memory_space<vmem_shared>>
      %dma_wait3A_521 = arith.constant 0 : i32
      %dma_wait3A_522 = tpu.memref_slice %arg16[%add3A_17, %dma_wait3A_521] : memref<10000x64xf32, #tpu.memory_space<vmem_shared>> -> memref<125x64xf32, #tpu.memory_space<vmem_shared>>
      tpu.wait_dma2 semaphore(%run_scoped3A_514 : memref<!tpu.dma_semaphore, #tpu.memory_space<semaphore_mem>>) src(%arg15 : memref<125x64xf32, #tpu.memory_space<vmem>>) dst(%dma_wait3A_522 : memref<125x64xf32, #tpu.memory_space<vmem_shared>>)
      tpu.yield
    }) : () -> ()
    %mul3A_18 = arith.constant 625 : i32
    %mul3A_19 = arith.muli %arg1, %mul3A_18 : i32
    %add3A_20 = arith.constant 375 : i32
    %add3A_21 = arith.addi %mul3A_19, %add3A_20 : i32
    "tpu.region"() ({
      %run_scoped3A_514 = tpu.sem_alloc : memref<!tpu.dma_semaphore, #tpu.memory_space<semaphore_mem>>
      %dma_start3A_515 = arith.constant 0 : i32
      %dma_start3A_516 = tpu.memref_slice %arg16[%add3A_21, %dma_start3A_515] : memref<10000x64xf32, #tpu.memory_space<vmem_shared>> -> memref<125x64xf32, #tpu.memory_space<vmem_shared>>
      %dma_start3A_517 = arith.constant 0 : i32
      %dma_start3A_518 = tpu.memref_slice %arg16[%add3A_21, %dma_start3A_517] : memref<10000x64xf32, #tpu.memory_space<vmem_shared>> -> memref<125x64xf32, #tpu.memory_space<vmem_shared>>
      tpu.enqueue_dma source(%arg15 : memref<125x64xf32, #tpu.memory_space<vmem>>) target(%dma_start3A_518 : memref<125x64xf32, #tpu.memory_space<vmem_shared>>) target_semaphore(%run_scoped3A_514 : memref<!tpu.dma_semaphore, #tpu.memory_space<semaphore_mem>>)
      %dma_wait3A_519 = arith.constant 0 : i32
      %dma_wait3A_520 = tpu.memref_slice %arg16[%add3A_21, %dma_wait3A_519] : memref<10000x64xf32, #tpu.memory_space<vmem_shared>> -> memref<125x64xf32, #tpu.memory_space<vmem_shared>>
      %dma_wait3A_521 = arith.constant 0 : i32
      %dma_wait3A_522 = tpu.memref_slice %arg16[%add3A_21, %dma_wait3A_521] : memref<10000x64xf32, #tpu.memory_space<vmem_shared>> -> memref<125x64xf32, #tpu.memory_space<vmem_shared>>
      tpu.wait_dma2 semaphore(%run_scoped3A_514 : memref<!tpu.dma_semaphore, #tpu.memory_space<semaphore_mem>>) src(%arg15 : memref<125x64xf32, #tpu.memory_space<vmem>>) dst(%dma_wait3A_522 : memref<125x64xf32, #tpu.memory_space<vmem_shared>>)
      tpu.yield
    }) : () -> ()
    %mul3A_22 = arith.constant 625 : i32
    %mul3A_23 = arith.muli %arg1, %mul3A_22 : i32
    %add3A_24 = arith.constant 500 : i32
    %add3A_25 = arith.addi %mul3A_23, %add3A_24 : i32
    "tpu.region"() ({
      %run_scoped3A_514 = tpu.sem_alloc : memref<!tpu.dma_semaphore, #tpu.memory_space<semaphore_mem>>
      %dma_start3A_515 = arith.constant 0 : i32
      %dma_start3A_516 = tpu.memref_slice %arg16[%add3A_25, %dma_start3A_515] : memref<10000x64xf32, #tpu.memory_space<vmem_shared>> -> memref<125x64xf32, #tpu.memory_space<vmem_shared>>
      %dma_start3A_517 = arith.constant 0 : i32
      %dma_start3A_518 = tpu.memref_slice %arg16[%add3A_25, %dma_start3A_517] : memref<10000x64xf32, #tpu.memory_space<vmem_shared>> -> memref<125x64xf32, #tpu.memory_space<vmem_shared>>
      tpu.enqueue_dma source(%arg15 : memref<125x64xf32, #tpu.memory_space<vmem>>) target(%dma_start3A_518 : memref<125x64xf32, #tpu.memory_space<vmem_shared>>) target_semaphore(%run_scoped3A_514 : memref<!tpu.dma_semaphore, #tpu.memory_space<semaphore_mem>>)
      %dma_wait3A_519 = arith.constant 0 : i32
      %dma_wait3A_520 = tpu.memref_slice %arg16[%add3A_25, %dma_wait3A_519] : memref<10000x64xf32, #tpu.memory_space<vmem_shared>> -> memref<125x64xf32, #tpu.memory_space<vmem_shared>>
      %dma_wait3A_521 = arith.constant 0 : i32
      %dma_wait3A_522 = tpu.memref_slice %arg16[%add3A_25, %dma_wait3A_521] : memref<10000x64xf32, #tpu.memory_space<vmem_shared>> -> memref<125x64xf32, #tpu.memory_space<vmem_shared>>
      tpu.wait_dma2 semaphore(%run_scoped3A_514 : memref<!tpu.dma_semaphore, #tpu.memory_space<semaphore_mem>>) src(%arg15 : memref<125x64xf32, #tpu.memory_space<vmem>>) dst(%dma_wait3A_522 : memref<125x64xf32, #tpu.memory_space<vmem_shared>>)
      tpu.yield
    }) : () -> ()
    %barrier3A = arith.constant 0 : index
    tpu.barrier barrier_id(%barrier3A)
    %dma_start3A = arith.constant 0 : i32
    %dma_start3A_26 = arith.constant 0 : i32
    %dma_start3A_27 = arith.constant 0 : i32
    %dma_start3A_28 = tpu.memref_slice %arg7[%dma_start3A_26, %dma_start3A_27] : memref<80x64xf32, #tpu.memory_space<vmem>> -> memref<80x64xf32, #tpu.memory_space<vmem>>
    %dma_start3A_29 = arith.constant 0 : i32
    %dma_start3A_30 = tpu.memref_slice %arg5[%dma_start3A, %dma_start3A_29] : memref<250x80xi32, #tpu.memory_space<vmem>> -> memref<1x80xi32, #tpu.memory_space<vmem>>
    %dma_start3A_31 = tpu.memref_squeeze %dma_start3A_30 : memref<1x80xi32, #tpu.memory_space<vmem>> -> memref<80xi32, #tpu.memory_space<vmem>>
    %dma_start3A_32 = arith.constant 0 : i32
    %dma_start3A_33 = arith.constant 0 : i32
    %dma_start3A_34 = tpu.memref_slice %arg2[%arg0, %dma_start3A_32, %dma_start3A_33] : memref<2x10000x64xf32, #tpu.memory_space<hbm>> -> memref<1x10000x64xf32, #tpu.memory_space<hbm>>
    %dma_start3A_35 = tpu.memref_squeeze %dma_start3A_34 : memref<1x10000x64xf32, #tpu.memory_space<hbm>> -> memref<10000x64xf32, #tpu.memory_space<hbm>>
    %dma_start3A_36 = arith.constant 0 : i32
    %dma_start3A_37 = arith.constant 0 : i32
    %dma_start3A_38 = tpu.memref_slice %dma_start3A_35[%dma_start3A_36, %dma_start3A_37] : memref<10000x64xf32, #tpu.memory_space<hbm>> -> memref<10000x64xf32, #tpu.memory_space<hbm>>
    tpu.enqueue_indirect_dma source(%dma_start3A_38 : memref<10000x64xf32, #tpu.memory_space<hbm>>) target(%dma_start3A_28 : memref<80x64xf32, #tpu.memory_space<vmem>>) offsets(%dma_start3A_31 : memref<80xi32, #tpu.memory_space<vmem>>) semaphore(%arg17 : memref<!tpu.dma_semaphore, #tpu.memory_space<semaphore_mem>>)
    %dma_start3A_39 = arith.constant 1 : i32
    %dma_start3A_40 = arith.constant 0 : i32
    %dma_start3A_41 = arith.constant 0 : i32
    %dma_start3A_42 = tpu.memref_slice %arg8[%dma_start3A_40, %dma_start3A_41] : memref<80x64xf32, #tpu.memory_space<vmem>> -> memref<80x64xf32, #tpu.memory_space<vmem>>
    %dma_start3A_43 = arith.constant 0 : i32
    %dma_start3A_44 = tpu.memref_slice %arg5[%dma_start3A_39, %dma_start3A_43] : memref<250x80xi32, #tpu.memory_space<vmem>> -> memref<1x80xi32, #tpu.memory_space<vmem>>
    %dma_start3A_45 = tpu.memref_squeeze %dma_start3A_44 : memref<1x80xi32, #tpu.memory_space<vmem>> -> memref<80xi32, #tpu.memory_space<vmem>>
    %dma_start3A_46 = arith.constant 0 : i32
    %dma_start3A_47 = arith.constant 0 : i32
    %dma_start3A_48 = tpu.memref_slice %arg2[%arg0, %dma_start3A_46, %dma_start3A_47] : memref<2x10000x64xf32, #tpu.memory_space<hbm>> -> memref<1x10000x64xf32, #tpu.memory_space<hbm>>
    %dma_start3A_49 = tpu.memref_squeeze %dma_start3A_48 : memref<1x10000x64xf32, #tpu.memory_space<hbm>> -> memref<10000x64xf32, #tpu.memory_space<hbm>>
    %dma_start3A_50 = arith.constant 0 : i32
    %dma_start3A_51 = arith.constant 0 : i32
    %dma_start3A_52 = tpu.memref_slice %dma_start3A_49[%dma_start3A_50, %dma_start3A_51] : memref<10000x64xf32, #tpu.memory_space<hbm>> -> memref<10000x64xf32, #tpu.memory_space<hbm>>
    tpu.enqueue_indirect_dma source(%dma_start3A_52 : memref<10000x64xf32, #tpu.memory_space<hbm>>) target(%dma_start3A_42 : memref<80x64xf32, #tpu.memory_space<vmem>>) offsets(%dma_start3A_45 : memref<80xi32, #tpu.memory_space<vmem>>) semaphore(%arg18 : memref<!tpu.dma_semaphore, #tpu.memory_space<semaphore_mem>>)
    %dma_start3A_53 = arith.constant 2 : i32
    %dma_start3A_54 = arith.constant 0 : i32
    %dma_start3A_55 = arith.constant 0 : i32
    %dma_start3A_56 = tpu.memref_slice %arg9[%dma_start3A_54, %dma_start3A_55] : memref<80x64xf32, #tpu.memory_space<vmem>> -> memref<80x64xf32, #tpu.memory_space<vmem>>
    %dma_start3A_57 = arith.constant 0 : i32
    %dma_start3A_58 = tpu.memref_slice %arg5[%dma_start3A_53, %dma_start3A_57] : memref<250x80xi32, #tpu.memory_space<vmem>> -> memref<1x80xi32, #tpu.memory_space<vmem>>
    %dma_start3A_59 = tpu.memref_squeeze %dma_start3A_58 : memref<1x80xi32, #tpu.memory_space<vmem>> -> memref<80xi32, #tpu.memory_space<vmem>>
    %dma_start3A_60 = arith.constant 0 : i32
    %dma_start3A_61 = arith.constant 0 : i32
    %dma_start3A_62 = tpu.memref_slice %arg2[%arg0, %dma_start3A_60, %dma_start3A_61] : memref<2x10000x64xf32, #tpu.memory_space<hbm>> -> memref<1x10000x64xf32, #tpu.memory_space<hbm>>
    %dma_start3A_63 = tpu.memref_squeeze %dma_start3A_62 : memref<1x10000x64xf32, #tpu.memory_space<hbm>> -> memref<10000x64xf32, #tpu.memory_space<hbm>>
    %dma_start3A_64 = arith.constant 0 : i32
    %dma_start3A_65 = arith.constant 0 : i32
    %dma_start3A_66 = tpu.memref_slice %dma_start3A_63[%dma_start3A_64, %dma_start3A_65] : memref<10000x64xf32, #tpu.memory_space<hbm>> -> memref<10000x64xf32, #tpu.memory_space<hbm>>
    tpu.enqueue_indirect_dma source(%dma_start3A_66 : memref<10000x64xf32, #tpu.memory_space<hbm>>) target(%dma_start3A_56 : memref<80x64xf32, #tpu.memory_space<vmem>>) offsets(%dma_start3A_59 : memref<80xi32, #tpu.memory_space<vmem>>) semaphore(%arg19 : memref<!tpu.dma_semaphore, #tpu.memory_space<semaphore_mem>>)
    %dma_start3A_67 = arith.constant 3 : i32
    %dma_start3A_68 = arith.constant 0 : i32
    %dma_start3A_69 = arith.constant 0 : i32
    %dma_start3A_70 = tpu.memref_slice %arg10[%dma_start3A_68, %dma_start3A_69] : memref<80x64xf32, #tpu.memory_space<vmem>> -> memref<80x64xf32, #tpu.memory_space<vmem>>
    %dma_start3A_71 = arith.constant 0 : i32
    %dma_start3A_72 = tpu.memref_slice %arg5[%dma_start3A_67, %dma_start3A_71] : memref<250x80xi32, #tpu.memory_space<vmem>> -> memref<1x80xi32, #tpu.memory_space<vmem>>
    %dma_start3A_73 = tpu.memref_squeeze %dma_start3A_72 : memref<1x80xi32, #tpu.memory_space<vmem>> -> memref<80xi32, #tpu.memory_space<vmem>>
    %dma_start3A_74 = arith.constant 0 : i32
    %dma_start3A_75 = arith.constant 0 : i32
    %dma_start3A_76 = tpu.memref_slice %arg2[%arg0, %dma_start3A_74, %dma_start3A_75] : memref<2x10000x64xf32, #tpu.memory_space<hbm>> -> memref<1x10000x64xf32, #tpu.memory_space<hbm>>
    %dma_start3A_77 = tpu.memref_squeeze %dma_start3A_76 : memref<1x10000x64xf32, #tpu.memory_space<hbm>> -> memref<10000x64xf32, #tpu.memory_space<hbm>>
    %dma_start3A_78 = arith.constant 0 : i32
    %dma_start3A_79 = arith.constant 0 : i32
    %dma_start3A_80 = tpu.memref_slice %dma_start3A_77[%dma_start3A_78, %dma_start3A_79] : memref<10000x64xf32, #tpu.memory_space<hbm>> -> memref<10000x64xf32, #tpu.memory_space<hbm>>
    tpu.enqueue_indirect_dma source(%dma_start3A_80 : memref<10000x64xf32, #tpu.memory_space<hbm>>) target(%dma_start3A_70 : memref<80x64xf32, #tpu.memory_space<vmem>>) offsets(%dma_start3A_73 : memref<80xi32, #tpu.memory_space<vmem>>) semaphore(%arg20 : memref<!tpu.dma_semaphore, #tpu.memory_space<semaphore_mem>>)
    %dma_wait3A = arith.constant 0 : i32
    %dma_wait3A_81 = arith.constant 0 : i32
    %dma_wait3A_82 = arith.constant 0 : i32
    %dma_wait3A_83 = tpu.memref_slice %arg7[%dma_wait3A_81, %dma_wait3A_82] : memref<80x64xf32, #tpu.memory_space<vmem>> -> memref<80x64xf32, #tpu.memory_space<vmem>>
    %dma_wait3A_84 = arith.constant 0 : i32
    %dma_wait3A_85 = tpu.memref_slice %arg5[%dma_wait3A, %dma_wait3A_84] : memref<250x80xi32, #tpu.memory_space<vmem>> -> memref<1x80xi32, #tpu.memory_space<vmem>>
    %dma_wait3A_86 = tpu.memref_squeeze %dma_wait3A_85 : memref<1x80xi32, #tpu.memory_space<vmem>> -> memref<80xi32, #tpu.memory_space<vmem>>
    %dma_wait3A_87 = arith.constant 0 : i32
    %dma_wait3A_88 = arith.constant 0 : i32
    %dma_wait3A_89 = tpu.memref_slice %arg2[%arg0, %dma_wait3A_87, %dma_wait3A_88] : memref<2x10000x64xf32, #tpu.memory_space<hbm>> -> memref<1x10000x64xf32, #tpu.memory_space<hbm>>
    %dma_wait3A_90 = tpu.memref_squeeze %dma_wait3A_89 : memref<1x10000x64xf32, #tpu.memory_space<hbm>> -> memref<10000x64xf32, #tpu.memory_space<hbm>>
    %dma_wait3A_91 = arith.constant 0 : i32
    %dma_wait3A_92 = arith.constant 0 : i32
    %dma_wait3A_93 = tpu.memref_slice %dma_wait3A_90[%dma_wait3A_91, %dma_wait3A_92] : memref<10000x64xf32, #tpu.memory_space<hbm>> -> memref<10000x64xf32, #tpu.memory_space<hbm>>
    tpu.wait_indirect_dma semaphore(%arg17 : memref<!tpu.dma_semaphore, #tpu.memory_space<semaphore_mem>>) src(%dma_wait3A_93 : memref<10000x64xf32, #tpu.memory_space<hbm>>) dst(%dma_wait3A_83 : memref<80x64xf32, #tpu.memory_space<vmem>>)
    %dma_start3A_94 = arith.constant 0 : i32
    %dma_start3A_95 = arith.constant 0 : i32
    %dma_start3A_96 = arith.constant 0 : i32
    %dma_start3A_97 = tpu.memref_slice %arg7[%dma_start3A_95, %dma_start3A_96] : memref<80x64xf32, #tpu.memory_space<vmem>> -> memref<80x64xf32, #tpu.memory_space<vmem>>
    %dma_start3A_98 = arith.constant 0 : i32
    %dma_start3A_99 = tpu.memref_slice %arg6[%dma_start3A_94, %dma_start3A_98] : memref<250x80xi32, #tpu.memory_space<vmem>> -> memref<1x80xi32, #tpu.memory_space<vmem>>
    %dma_start3A_100 = tpu.memref_squeeze %dma_start3A_99 : memref<1x80xi32, #tpu.memory_space<vmem>> -> memref<80xi32, #tpu.memory_space<vmem>>
    %dma_start3A_101 = arith.constant 0 : i32
    %dma_start3A_102 = arith.constant 0 : i32
    %dma_start3A_103 = tpu.memref_slice %arg16[%dma_start3A_101, %dma_start3A_102] : memref<10000x64xf32, #tpu.memory_space<vmem_shared>> -> memref<10000x64xf32, #tpu.memory_space<vmem_shared>>
    tpu.enqueue_indirect_dma source(%dma_start3A_97 : memref<80x64xf32, #tpu.memory_space<vmem>>) target(%dma_start3A_103 : memref<10000x64xf32, #tpu.memory_space<vmem_shared>>) offsets(%dma_start3A_100 : memref<80xi32, #tpu.memory_space<vmem>>) semaphore(%arg25 : memref<!tpu.dma_semaphore, #tpu.memory_space<semaphore_mem>>) {add = true}
    %dma_start3A_104 = arith.constant 4 : i32
    %dma_start3A_105 = arith.constant 0 : i32
    %dma_start3A_106 = arith.constant 0 : i32
    %dma_start3A_107 = tpu.memref_slice %arg11[%dma_start3A_105, %dma_start3A_106] : memref<80x64xf32, #tpu.memory_space<vmem>> -> memref<80x64xf32, #tpu.memory_space<vmem>>
    %dma_start3A_108 = arith.constant 0 : i32
    %dma_start3A_109 = tpu.memref_slice %arg5[%dma_start3A_104, %dma_start3A_108] : memref<250x80xi32, #tpu.memory_space<vmem>> -> memref<1x80xi32, #tpu.memory_space<vmem>>
    %dma_start3A_110 = tpu.memref_squeeze %dma_start3A_109 : memref<1x80xi32, #tpu.memory_space<vmem>> -> memref<80xi32, #tpu.memory_space<vmem>>
    %dma_start3A_111 = arith.constant 0 : i32
    %dma_start3A_112 = arith.constant 0 : i32
    %dma_start3A_113 = tpu.memref_slice %arg2[%arg0, %dma_start3A_111, %dma_start3A_112] : memref<2x10000x64xf32, #tpu.memory_space<hbm>> -> memref<1x10000x64xf32, #tpu.memory_space<hbm>>
    %dma_start3A_114 = tpu.memref_squeeze %dma_start3A_113 : memref<1x10000x64xf32, #tpu.memory_space<hbm>> -> memref<10000x64xf32, #tpu.memory_space<hbm>>
    %dma_start3A_115 = arith.constant 0 : i32
    %dma_start3A_116 = arith.constant 0 : i32
    %dma_start3A_117 = tpu.memref_slice %dma_start3A_114[%dma_start3A_115, %dma_start3A_116] : memref<10000x64xf32, #tpu.memory_space<hbm>> -> memref<10000x64xf32, #tpu.memory_space<hbm>>
    tpu.enqueue_indirect_dma source(%dma_start3A_117 : memref<10000x64xf32, #tpu.memory_space<hbm>>) target(%dma_start3A_107 : memref<80x64xf32, #tpu.memory_space<vmem>>) offsets(%dma_start3A_110 : memref<80xi32, #tpu.memory_space<vmem>>) semaphore(%arg21 : memref<!tpu.dma_semaphore, #tpu.memory_space<semaphore_mem>>)
    %dma_wait3A_118 = arith.constant 1 : i32
    %dma_wait3A_119 = arith.constant 0 : i32
    %dma_wait3A_120 = arith.constant 0 : i32
    %dma_wait3A_121 = tpu.memref_slice %arg8[%dma_wait3A_119, %dma_wait3A_120] : memref<80x64xf32, #tpu.memory_space<vmem>> -> memref<80x64xf32, #tpu.memory_space<vmem>>
    %dma_wait3A_122 = arith.constant 0 : i32
    %dma_wait3A_123 = tpu.memref_slice %arg5[%dma_wait3A_118, %dma_wait3A_122] : memref<250x80xi32, #tpu.memory_space<vmem>> -> memref<1x80xi32, #tpu.memory_space<vmem>>
    %dma_wait3A_124 = tpu.memref_squeeze %dma_wait3A_123 : memref<1x80xi32, #tpu.memory_space<vmem>> -> memref<80xi32, #tpu.memory_space<vmem>>
    %dma_wait3A_125 = arith.constant 0 : i32
    %dma_wait3A_126 = arith.constant 0 : i32
    %dma_wait3A_127 = tpu.memref_slice %arg2[%arg0, %dma_wait3A_125, %dma_wait3A_126] : memref<2x10000x64xf32, #tpu.memory_space<hbm>> -> memref<1x10000x64xf32, #tpu.memory_space<hbm>>
    %dma_wait3A_128 = tpu.memref_squeeze %dma_wait3A_127 : memref<1x10000x64xf32, #tpu.memory_space<hbm>> -> memref<10000x64xf32, #tpu.memory_space<hbm>>
    %dma_wait3A_129 = arith.constant 0 : i32
    %dma_wait3A_130 = arith.constant 0 : i32
    %dma_wait3A_131 = tpu.memref_slice %dma_wait3A_128[%dma_wait3A_129, %dma_wait3A_130] : memref<10000x64xf32, #tpu.memory_space<hbm>> -> memref<10000x64xf32, #tpu.memory_space<hbm>>
    tpu.wait_indirect_dma semaphore(%arg18 : memref<!tpu.dma_semaphore, #tpu.memory_space<semaphore_mem>>) src(%dma_wait3A_131 : memref<10000x64xf32, #tpu.memory_space<hbm>>) dst(%dma_wait3A_121 : memref<80x64xf32, #tpu.memory_space<vmem>>)
    %dma_start3A_132 = arith.constant 1 : i32
    %dma_start3A_133 = arith.constant 0 : i32
    %dma_start3A_134 = arith.constant 0 : i32
    %dma_start3A_135 = tpu.memref_slice %arg8[%dma_start3A_133, %dma_start3A_134] : memref<80x64xf32, #tpu.memory_space<vmem>> -> memref<80x64xf32, #tpu.memory_space<vmem>>
    %dma_start3A_136 = arith.constant 0 : i32
    %dma_start3A_137 = tpu.memref_slice %arg6[%dma_start3A_132, %dma_start3A_136] : memref<250x80xi32, #tpu.memory_space<vmem>> -> memref<1x80xi32, #tpu.memory_space<vmem>>
    %dma_start3A_138 = tpu.memref_squeeze %dma_start3A_137 : memref<1x80xi32, #tpu.memory_space<vmem>> -> memref<80xi32, #tpu.memory_space<vmem>>
    %dma_start3A_139 = arith.constant 0 : i32
    %dma_start3A_140 = arith.constant 0 : i32
    %dma_start3A_141 = tpu.memref_slice %arg16[%dma_start3A_139, %dma_start3A_140] : memref<10000x64xf32, #tpu.memory_space<vmem_shared>> -> memref<10000x64xf32, #tpu.memory_space<vmem_shared>>
    tpu.enqueue_indirect_dma source(%dma_start3A_135 : memref<80x64xf32, #tpu.memory_space<vmem>>) target(%dma_start3A_141 : memref<10000x64xf32, #tpu.memory_space<vmem_shared>>) offsets(%dma_start3A_138 : memref<80xi32, #tpu.memory_space<vmem>>) semaphore(%arg26 : memref<!tpu.dma_semaphore, #tpu.memory_space<semaphore_mem>>) {add = true}
    %dma_start3A_142 = arith.constant 5 : i32
    %dma_start3A_143 = arith.constant 0 : i32
    %dma_start3A_144 = arith.constant 0 : i32
    %dma_start3A_145 = tpu.memref_slice %arg12[%dma_start3A_143, %dma_start3A_144] : memref<80x64xf32, #tpu.memory_space<vmem>> -> memref<80x64xf32, #tpu.memory_space<vmem>>
    %dma_start3A_146 = arith.constant 0 : i32
    %dma_start3A_147 = tpu.memref_slice %arg5[%dma_start3A_142, %dma_start3A_146] : memref<250x80xi32, #tpu.memory_space<vmem>> -> memref<1x80xi32, #tpu.memory_space<vmem>>
    %dma_start3A_148 = tpu.memref_squeeze %dma_start3A_147 : memref<1x80xi32, #tpu.memory_space<vmem>> -> memref<80xi32, #tpu.memory_space<vmem>>
    %dma_start3A_149 = arith.constant 0 : i32
    %dma_start3A_150 = arith.constant 0 : i32
    %dma_start3A_151 = tpu.memref_slice %arg2[%arg0, %dma_start3A_149, %dma_start3A_150] : memref<2x10000x64xf32, #tpu.memory_space<hbm>> -> memref<1x10000x64xf32, #tpu.memory_space<hbm>>
    %dma_start3A_152 = tpu.memref_squeeze %dma_start3A_151 : memref<1x10000x64xf32, #tpu.memory_space<hbm>> -> memref<10000x64xf32, #tpu.memory_space<hbm>>
    %dma_start3A_153 = arith.constant 0 : i32
    %dma_start3A_154 = arith.constant 0 : i32
    %dma_start3A_155 = tpu.memref_slice %dma_start3A_152[%dma_start3A_153, %dma_start3A_154] : memref<10000x64xf32, #tpu.memory_space<hbm>> -> memref<10000x64xf32, #tpu.memory_space<hbm>>
    tpu.enqueue_indirect_dma source(%dma_start3A_155 : memref<10000x64xf32, #tpu.memory_space<hbm>>) target(%dma_start3A_145 : memref<80x64xf32, #tpu.memory_space<vmem>>) offsets(%dma_start3A_148 : memref<80xi32, #tpu.memory_space<vmem>>) semaphore(%arg22 : memref<!tpu.dma_semaphore, #tpu.memory_space<semaphore_mem>>)
    %dma_wait3A_156 = arith.constant 2 : i32
    %dma_wait3A_157 = arith.constant 0 : i32
    %dma_wait3A_158 = arith.constant 0 : i32
    %dma_wait3A_159 = tpu.memref_slice %arg9[%dma_wait3A_157, %dma_wait3A_158] : memref<80x64xf32, #tpu.memory_space<vmem>> -> memref<80x64xf32, #tpu.memory_space<vmem>>
    %dma_wait3A_160 = arith.constant 0 : i32
    %dma_wait3A_161 = tpu.memref_slice %arg5[%dma_wait3A_156, %dma_wait3A_160] : memref<250x80xi32, #tpu.memory_space<vmem>> -> memref<1x80xi32, #tpu.memory_space<vmem>>
    %dma_wait3A_162 = tpu.memref_squeeze %dma_wait3A_161 : memref<1x80xi32, #tpu.memory_space<vmem>> -> memref<80xi32, #tpu.memory_space<vmem>>
    %dma_wait3A_163 = arith.constant 0 : i32
    %dma_wait3A_164 = arith.constant 0 : i32
    %dma_wait3A_165 = tpu.memref_slice %arg2[%arg0, %dma_wait3A_163, %dma_wait3A_164] : memref<2x10000x64xf32, #tpu.memory_space<hbm>> -> memref<1x10000x64xf32, #tpu.memory_space<hbm>>
    %dma_wait3A_166 = tpu.memref_squeeze %dma_wait3A_165 : memref<1x10000x64xf32, #tpu.memory_space<hbm>> -> memref<10000x64xf32, #tpu.memory_space<hbm>>
    %dma_wait3A_167 = arith.constant 0 : i32
    %dma_wait3A_168 = arith.constant 0 : i32
    %dma_wait3A_169 = tpu.memref_slice %dma_wait3A_166[%dma_wait3A_167, %dma_wait3A_168] : memref<10000x64xf32, #tpu.memory_space<hbm>> -> memref<10000x64xf32, #tpu.memory_space<hbm>>
    tpu.wait_indirect_dma semaphore(%arg19 : memref<!tpu.dma_semaphore, #tpu.memory_space<semaphore_mem>>) src(%dma_wait3A_169 : memref<10000x64xf32, #tpu.memory_space<hbm>>) dst(%dma_wait3A_159 : memref<80x64xf32, #tpu.memory_space<vmem>>)
    %dma_start3A_170 = arith.constant 2 : i32
    %dma_start3A_171 = arith.constant 0 : i32
    %dma_start3A_172 = arith.constant 0 : i32
    %dma_start3A_173 = tpu.memref_slice %arg9[%dma_start3A_171, %dma_start3A_172] : memref<80x64xf32, #tpu.memory_space<vmem>> -> memref<80x64xf32, #tpu.memory_space<vmem>>
    %dma_start3A_174 = arith.constant 0 : i32
    %dma_start3A_175 = tpu.memref_slice %arg6[%dma_start3A_170, %dma_start3A_174] : memref<250x80xi32, #tpu.memory_space<vmem>> -> memref<1x80xi32, #tpu.memory_space<vmem>>
    %dma_start3A_176 = tpu.memref_squeeze %dma_start3A_175 : memref<1x80xi32, #tpu.memory_space<vmem>> -> memref<80xi32, #tpu.memory_space<vmem>>
    %dma_start3A_177 = arith.constant 0 : i32
    %dma_start3A_178 = arith.constant 0 : i32
    %dma_start3A_179 = tpu.memref_slice %arg16[%dma_start3A_177, %dma_start3A_178] : memref<10000x64xf32, #tpu.memory_space<vmem_shared>> -> memref<10000x64xf32, #tpu.memory_space<vmem_shared>>
    tpu.enqueue_indirect_dma source(%dma_start3A_173 : memref<80x64xf32, #tpu.memory_space<vmem>>) target(%dma_start3A_179 : memref<10000x64xf32, #tpu.memory_space<vmem_shared>>) offsets(%dma_start3A_176 : memref<80xi32, #tpu.memory_space<vmem>>) semaphore(%arg27 : memref<!tpu.dma_semaphore, #tpu.memory_space<semaphore_mem>>) {add = true}
    %dma_start3A_180 = arith.constant 6 : i32
    %dma_start3A_181 = arith.constant 0 : i32
    %dma_start3A_182 = arith.constant 0 : i32
    %dma_start3A_183 = tpu.memref_slice %arg13[%dma_start3A_181, %dma_start3A_182] : memref<80x64xf32, #tpu.memory_space<vmem>> -> memref<80x64xf32, #tpu.memory_space<vmem>>
    %dma_start3A_184 = arith.constant 0 : i32
    %dma_start3A_185 = tpu.memref_slice %arg5[%dma_start3A_180, %dma_start3A_184] : memref<250x80xi32, #tpu.memory_space<vmem>> -> memref<1x80xi32, #tpu.memory_space<vmem>>
    %dma_start3A_186 = tpu.memref_squeeze %dma_start3A_185 : memref<1x80xi32, #tpu.memory_space<vmem>> -> memref<80xi32, #tpu.memory_space<vmem>>
    %dma_start3A_187 = arith.constant 0 : i32
    %dma_start3A_188 = arith.constant 0 : i32
    %dma_start3A_189 = tpu.memref_slice %arg2[%arg0, %dma_start3A_187, %dma_start3A_188] : memref<2x10000x64xf32, #tpu.memory_space<hbm>> -> memref<1x10000x64xf32, #tpu.memory_space<hbm>>
    %dma_start3A_190 = tpu.memref_squeeze %dma_start3A_189 : memref<1x10000x64xf32, #tpu.memory_space<hbm>> -> memref<10000x64xf32, #tpu.memory_space<hbm>>
    %dma_start3A_191 = arith.constant 0 : i32
    %dma_start3A_192 = arith.constant 0 : i32
    %dma_start3A_193 = tpu.memref_slice %dma_start3A_190[%dma_start3A_191, %dma_start3A_192] : memref<10000x64xf32, #tpu.memory_space<hbm>> -> memref<10000x64xf32, #tpu.memory_space<hbm>>
    tpu.enqueue_indirect_dma source(%dma_start3A_193 : memref<10000x64xf32, #tpu.memory_space<hbm>>) target(%dma_start3A_183 : memref<80x64xf32, #tpu.memory_space<vmem>>) offsets(%dma_start3A_186 : memref<80xi32, #tpu.memory_space<vmem>>) semaphore(%arg23 : memref<!tpu.dma_semaphore, #tpu.memory_space<semaphore_mem>>)
    %dma_wait3A_194 = arith.constant 3 : i32
    %dma_wait3A_195 = arith.constant 0 : i32
    %dma_wait3A_196 = arith.constant 0 : i32
    %dma_wait3A_197 = tpu.memref_slice %arg10[%dma_wait3A_195, %dma_wait3A_196] : memref<80x64xf32, #tpu.memory_space<vmem>> -> memref<80x64xf32, #tpu.memory_space<vmem>>
    %dma_wait3A_198 = arith.constant 0 : i32
    %dma_wait3A_199 = tpu.memref_slice %arg5[%dma_wait3A_194, %dma_wait3A_198] : memref<250x80xi32, #tpu.memory_space<vmem>> -> memref<1x80xi32, #tpu.memory_space<vmem>>
    %dma_wait3A_200 = tpu.memref_squeeze %dma_wait3A_199 : memref<1x80xi32, #tpu.memory_space<vmem>> -> memref<80xi32, #tpu.memory_space<vmem>>
    %dma_wait3A_201 = arith.constant 0 : i32
    %dma_wait3A_202 = arith.constant 0 : i32
    %dma_wait3A_203 = tpu.memref_slice %arg2[%arg0, %dma_wait3A_201, %dma_wait3A_202] : memref<2x10000x64xf32, #tpu.memory_space<hbm>> -> memref<1x10000x64xf32, #tpu.memory_space<hbm>>
    %dma_wait3A_204 = tpu.memref_squeeze %dma_wait3A_203 : memref<1x10000x64xf32, #tpu.memory_space<hbm>> -> memref<10000x64xf32, #tpu.memory_space<hbm>>
    %dma_wait3A_205 = arith.constant 0 : i32
    %dma_wait3A_206 = arith.constant 0 : i32
    %dma_wait3A_207 = tpu.memref_slice %dma_wait3A_204[%dma_wait3A_205, %dma_wait3A_206] : memref<10000x64xf32, #tpu.memory_space<hbm>> -> memref<10000x64xf32, #tpu.memory_space<hbm>>
    tpu.wait_indirect_dma semaphore(%arg20 : memref<!tpu.dma_semaphore, #tpu.memory_space<semaphore_mem>>) src(%dma_wait3A_207 : memref<10000x64xf32, #tpu.memory_space<hbm>>) dst(%dma_wait3A_197 : memref<80x64xf32, #tpu.memory_space<vmem>>)
    %dma_start3A_208 = arith.constant 3 : i32
    %dma_start3A_209 = arith.constant 0 : i32
    %dma_start3A_210 = arith.constant 0 : i32
    %dma_start3A_211 = tpu.memref_slice %arg10[%dma_start3A_209, %dma_start3A_210] : memref<80x64xf32, #tpu.memory_space<vmem>> -> memref<80x64xf32, #tpu.memory_space<vmem>>
    %dma_start3A_212 = arith.constant 0 : i32
    %dma_start3A_213 = tpu.memref_slice %arg6[%dma_start3A_208, %dma_start3A_212] : memref<250x80xi32, #tpu.memory_space<vmem>> -> memref<1x80xi32, #tpu.memory_space<vmem>>
    %dma_start3A_214 = tpu.memref_squeeze %dma_start3A_213 : memref<1x80xi32, #tpu.memory_space<vmem>> -> memref<80xi32, #tpu.memory_space<vmem>>
    %dma_start3A_215 = arith.constant 0 : i32
    %dma_start3A_216 = arith.constant 0 : i32
    %dma_start3A_217 = tpu.memref_slice %arg16[%dma_start3A_215, %dma_start3A_216] : memref<10000x64xf32, #tpu.memory_space<vmem_shared>> -> memref<10000x64xf32, #tpu.memory_space<vmem_shared>>
    tpu.enqueue_indirect_dma source(%dma_start3A_211 : memref<80x64xf32, #tpu.memory_space<vmem>>) target(%dma_start3A_217 : memref<10000x64xf32, #tpu.memory_space<vmem_shared>>) offsets(%dma_start3A_214 : memref<80xi32, #tpu.memory_space<vmem>>) semaphore(%arg28 : memref<!tpu.dma_semaphore, #tpu.memory_space<semaphore_mem>>) {add = true}
    %dma_start3A_218 = arith.constant 7 : i32
    %dma_start3A_219 = arith.constant 0 : i32
    %dma_start3A_220 = arith.constant 0 : i32
    %dma_start3A_221 = tpu.memref_slice %arg14[%dma_start3A_219, %dma_start3A_220] : memref<80x64xf32, #tpu.memory_space<vmem>> -> memref<80x64xf32, #tpu.memory_space<vmem>>
    %dma_start3A_222 = arith.constant 0 : i32
    %dma_start3A_223 = tpu.memref_slice %arg5[%dma_start3A_218, %dma_start3A_222] : memref<250x80xi32, #tpu.memory_space<vmem>> -> memref<1x80xi32, #tpu.memory_space<vmem>>
    %dma_start3A_224 = tpu.memref_squeeze %dma_start3A_223 : memref<1x80xi32, #tpu.memory_space<vmem>> -> memref<80xi32, #tpu.memory_space<vmem>>
    %dma_start3A_225 = arith.constant 0 : i32
    %dma_start3A_226 = arith.constant 0 : i32
    %dma_start3A_227 = tpu.memref_slice %arg2[%arg0, %dma_start3A_225, %dma_start3A_226] : memref<2x10000x64xf32, #tpu.memory_space<hbm>> -> memref<1x10000x64xf32, #tpu.memory_space<hbm>>
    %dma_start3A_228 = tpu.memref_squeeze %dma_start3A_227 : memref<1x10000x64xf32, #tpu.memory_space<hbm>> -> memref<10000x64xf32, #tpu.memory_space<hbm>>
    %dma_start3A_229 = arith.constant 0 : i32
    %dma_start3A_230 = arith.constant 0 : i32
    %dma_start3A_231 = tpu.memref_slice %dma_start3A_228[%dma_start3A_229, %dma_start3A_230] : memref<10000x64xf32, #tpu.memory_space<hbm>> -> memref<10000x64xf32, #tpu.memory_space<hbm>>
    tpu.enqueue_indirect_dma source(%dma_start3A_231 : memref<10000x64xf32, #tpu.memory_space<hbm>>) target(%dma_start3A_221 : memref<80x64xf32, #tpu.memory_space<vmem>>) offsets(%dma_start3A_224 : memref<80xi32, #tpu.memory_space<vmem>>) semaphore(%arg24 : memref<!tpu.dma_semaphore, #tpu.memory_space<semaphore_mem>>)
    %scan3A_232 = arith.constant 0 : i32
    %scan3A_233 = arith.constant 30 : i32
    %scan3A_234 = arith.addi %scan3A_232, %scan3A_233 : i32
    %scan3A_235 = arith.constant 1 : i32
    scf.for %scan3A_514 = %scan3A_232 to %scan3A_234 step %scan3A_235  : i32 {
      %mul3A_515 = arith.constant 1 : i32
      %mul3A_516 = arith.muli %scan3A_514, %mul3A_515 : i32
      %add3A_517 = arith.constant 0 : i32
      %add3A_518 = arith.addi %add3A_517, %mul3A_516 : i32
      %mul3A_519 = arith.constant 8 : i32
      %mul3A_520 = arith.muli %add3A_518, %mul3A_519 : i32
      %add3A_521 = arith.constant 4 : i32
      %add3A_522 = arith.addi %mul3A_520, %add3A_521 : i32
      %add3A_523 = arith.constant 0 : i32
      %add3A_524 = arith.addi %add3A_522, %add3A_523 : i32
      %mul3A_525 = arith.constant 1 : i32
      %mul3A_526 = arith.muli %add3A_524, %mul3A_525 : i32
      %add3A_527 = arith.constant 0 : i32
      %add3A_528 = arith.addi %mul3A_526, %add3A_527 : i32
      %dma_wait3A_529 = arith.constant 0 : i32
      %dma_wait3A_530 = arith.constant 0 : i32
      %dma_wait3A_531 = tpu.memref_slice %arg11[%dma_wait3A_529, %dma_wait3A_530] : memref<80x64xf32, #tpu.memory_space<vmem>> -> memref<80x64xf32, #tpu.memory_space<vmem>>
      %dma_wait3A_532 = arith.constant 0 : i32
      %dma_wait3A_533 = tpu.memref_slice %arg5[%add3A_528, %dma_wait3A_532] : memref<250x80xi32, #tpu.memory_space<vmem>> -> memref<1x80xi32, #tpu.memory_space<vmem>>
      %dma_wait3A_534 = tpu.memref_squeeze %dma_wait3A_533 : memref<1x80xi32, #tpu.memory_space<vmem>> -> memref<80xi32, #tpu.memory_space<vmem>>
      %dma_wait3A_535 = arith.constant 0 : i32
      %dma_wait3A_536 = arith.constant 0 : i32
      %dma_wait3A_537 = tpu.memref_slice %arg2[%arg0, %dma_wait3A_535, %dma_wait3A_536] : memref<2x10000x64xf32, #tpu.memory_space<hbm>> -> memref<1x10000x64xf32, #tpu.memory_space<hbm>>
      %dma_wait3A_538 = tpu.memref_squeeze %dma_wait3A_537 : memref<1x10000x64xf32, #tpu.memory_space<hbm>> -> memref<10000x64xf32, #tpu.memory_space<hbm>>
      %dma_wait3A_539 = arith.constant 0 : i32
      %dma_wait3A_540 = arith.constant 0 : i32
      %dma_wait3A_541 = tpu.memref_slice %dma_wait3A_538[%dma_wait3A_539, %dma_wait3A_540] : memref<10000x64xf32, #tpu.memory_space<hbm>> -> memref<10000x64xf32, #tpu.memory_space<hbm>>
      tpu.wait_indirect_dma semaphore(%arg21 : memref<!tpu.dma_semaphore, #tpu.memory_space<semaphore_mem>>) src(%dma_wait3A_541 : memref<10000x64xf32, #tpu.memory_space<hbm>>) dst(%dma_wait3A_531 : memref<80x64xf32, #tpu.memory_space<vmem>>)
      %mul3A_542 = arith.constant 1 : i32
      %mul3A_543 = arith.muli %add3A_524, %mul3A_542 : i32
      %add3A_544 = arith.constant 0 : i32
      %add3A_545 = arith.addi %mul3A_543, %add3A_544 : i32
      %dma_start3A_546 = arith.constant 0 : i32
      %dma_start3A_547 = arith.constant 0 : i32
      %dma_start3A_548 = tpu.memref_slice %arg11[%dma_start3A_546, %dma_start3A_547] : memref<80x64xf32, #tpu.memory_space<vmem>> -> memref<80x64xf32, #tpu.memory_space<vmem>>
      %dma_start3A_549 = arith.constant 0 : i32
      %dma_start3A_550 = tpu.memref_slice %arg6[%add3A_545, %dma_start3A_549] : memref<250x80xi32, #tpu.memory_space<vmem>> -> memref<1x80xi32, #tpu.memory_space<vmem>>
      %dma_start3A_551 = tpu.memref_squeeze %dma_start3A_550 : memref<1x80xi32, #tpu.memory_space<vmem>> -> memref<80xi32, #tpu.memory_space<vmem>>
      %dma_start3A_552 = arith.constant 0 : i32
      %dma_start3A_553 = arith.constant 0 : i32
      %dma_start3A_554 = tpu.memref_slice %arg16[%dma_start3A_552, %dma_start3A_553] : memref<10000x64xf32, #tpu.memory_space<vmem_shared>> -> memref<10000x64xf32, #tpu.memory_space<vmem_shared>>
      tpu.enqueue_indirect_dma source(%dma_start3A_548 : memref<80x64xf32, #tpu.memory_space<vmem>>) target(%dma_start3A_554 : memref<10000x64xf32, #tpu.memory_space<vmem_shared>>) offsets(%dma_start3A_551 : memref<80xi32, #tpu.memory_space<vmem>>) semaphore(%arg29 : memref<!tpu.dma_semaphore, #tpu.memory_space<semaphore_mem>>) {add = true}
      %sub3A = arith.constant 4 : i32
      %sub3A_555 = arith.subi %add3A_524, %sub3A : i32
      %mul3A_556 = arith.constant 1 : i32
      %mul3A_557 = arith.muli %sub3A_555, %mul3A_556 : i32
      %add3A_558 = arith.constant 0 : i32
      %add3A_559 = arith.addi %mul3A_557, %add3A_558 : i32
      %dma_wait3A_560 = arith.constant 0 : i32
      %dma_wait3A_561 = arith.constant 0 : i32
      %dma_wait3A_562 = tpu.memref_slice %arg7[%dma_wait3A_560, %dma_wait3A_561] : memref<80x64xf32, #tpu.memory_space<vmem>> -> memref<80x64xf32, #tpu.memory_space<vmem>>
      %dma_wait3A_563 = arith.constant 0 : i32
      %dma_wait3A_564 = tpu.memref_slice %arg6[%add3A_559, %dma_wait3A_563] : memref<250x80xi32, #tpu.memory_space<vmem>> -> memref<1x80xi32, #tpu.memory_space<vmem>>
      %dma_wait3A_565 = tpu.memref_squeeze %dma_wait3A_564 : memref<1x80xi32, #tpu.memory_space<vmem>> -> memref<80xi32, #tpu.memory_space<vmem>>
      %dma_wait3A_566 = arith.constant 0 : i32
      %dma_wait3A_567 = arith.constant 0 : i32
      %dma_wait3A_568 = tpu.memref_slice %arg16[%dma_wait3A_566, %dma_wait3A_567] : memref<10000x64xf32, #tpu.memory_space<vmem_shared>> -> memref<10000x64xf32, #tpu.memory_space<vmem_shared>>
      tpu.wait_indirect_dma semaphore(%arg25 : memref<!tpu.dma_semaphore, #tpu.memory_space<semaphore_mem>>) src(%dma_wait3A_562 : memref<80x64xf32, #tpu.memory_space<vmem>>) dst(%dma_wait3A_568 : memref<10000x64xf32, #tpu.memory_space<vmem_shared>>)
      %add3A_569 = arith.constant 4 : i32
      %add3A_570 = arith.addi %add3A_524, %add3A_569 : i32
      %mul3A_571 = arith.constant 1 : i32
      %mul3A_572 = arith.muli %add3A_570, %mul3A_571 : i32
      %add3A_573 = arith.constant 0 : i32
      %add3A_574 = arith.addi %mul3A_572, %add3A_573 : i32
      %dma_start3A_575 = arith.constant 0 : i32
      %dma_start3A_576 = arith.constant 0 : i32
      %dma_start3A_577 = tpu.memref_slice %arg7[%dma_start3A_575, %dma_start3A_576] : memref<80x64xf32, #tpu.memory_space<vmem>> -> memref<80x64xf32, #tpu.memory_space<vmem>>
      %dma_start3A_578 = arith.constant 0 : i32
      %dma_start3A_579 = tpu.memref_slice %arg5[%add3A_574, %dma_start3A_578] : memref<250x80xi32, #tpu.memory_space<vmem>> -> memref<1x80xi32, #tpu.memory_space<vmem>>
      %dma_start3A_580 = tpu.memref_squeeze %dma_start3A_579 : memref<1x80xi32, #tpu.memory_space<vmem>> -> memref<80xi32, #tpu.memory_space<vmem>>
      %dma_start3A_581 = arith.constant 0 : i32
      %dma_start3A_582 = arith.constant 0 : i32
      %dma_start3A_583 = tpu.memref_slice %arg2[%arg0, %dma_start3A_581, %dma_start3A_582] : memref<2x10000x64xf32, #tpu.memory_space<hbm>> -> memref<1x10000x64xf32, #tpu.memory_space<hbm>>
      %dma_start3A_584 = tpu.memref_squeeze %dma_start3A_583 : memref<1x10000x64xf32, #tpu.memory_space<hbm>> -> memref<10000x64xf32, #tpu.memory_space<hbm>>
      %dma_start3A_585 = arith.constant 0 : i32
      %dma_start3A_586 = arith.constant 0 : i32
      %dma_start3A_587 = tpu.memref_slice %dma_start3A_584[%dma_start3A_585, %dma_start3A_586] : memref<10000x64xf32, #tpu.memory_space<hbm>> -> memref<10000x64xf32, #tpu.memory_space<hbm>>
      tpu.enqueue_indirect_dma source(%dma_start3A_587 : memref<10000x64xf32, #tpu.memory_space<hbm>>) target(%dma_start3A_577 : memref<80x64xf32, #tpu.memory_space<vmem>>) offsets(%dma_start3A_580 : memref<80xi32, #tpu.memory_space<vmem>>) semaphore(%arg17 : memref<!tpu.dma_semaphore, #tpu.memory_space<semaphore_mem>>)
      %add3A_588 = arith.constant 1 : i32
      %add3A_589 = arith.addi %add3A_522, %add3A_588 : i32
      %mul3A_590 = arith.constant 1 : i32
      %mul3A_591 = arith.muli %add3A_589, %mul3A_590 : i32
      %add3A_592 = arith.constant 0 : i32
      %add3A_593 = arith.addi %mul3A_591, %add3A_592 : i32
      %dma_wait3A_594 = arith.constant 0 : i32
      %dma_wait3A_595 = arith.constant 0 : i32
      %dma_wait3A_596 = tpu.memref_slice %arg12[%dma_wait3A_594, %dma_wait3A_595] : memref<80x64xf32, #tpu.memory_space<vmem>> -> memref<80x64xf32, #tpu.memory_space<vmem>>
      %dma_wait3A_597 = arith.constant 0 : i32
      %dma_wait3A_598 = tpu.memref_slice %arg5[%add3A_593, %dma_wait3A_597] : memref<250x80xi32, #tpu.memory_space<vmem>> -> memref<1x80xi32, #tpu.memory_space<vmem>>
      %dma_wait3A_599 = tpu.memref_squeeze %dma_wait3A_598 : memref<1x80xi32, #tpu.memory_space<vmem>> -> memref<80xi32, #tpu.memory_space<vmem>>
      %dma_wait3A_600 = arith.constant 0 : i32
      %dma_wait3A_601 = arith.constant 0 : i32
      %dma_wait3A_602 = tpu.memref_slice %arg2[%arg0, %dma_wait3A_600, %dma_wait3A_601] : memref<2x10000x64xf32, #tpu.memory_space<hbm>> -> memref<1x10000x64xf32, #tpu.memory_space<hbm>>
      %dma_wait3A_603 = tpu.memref_squeeze %dma_wait3A_602 : memref<1x10000x64xf32, #tpu.memory_space<hbm>> -> memref<10000x64xf32, #tpu.memory_space<hbm>>
      %dma_wait3A_604 = arith.constant 0 : i32
      %dma_wait3A_605 = arith.constant 0 : i32
      %dma_wait3A_606 = tpu.memref_slice %dma_wait3A_603[%dma_wait3A_604, %dma_wait3A_605] : memref<10000x64xf32, #tpu.memory_space<hbm>> -> memref<10000x64xf32, #tpu.memory_space<hbm>>
      tpu.wait_indirect_dma semaphore(%arg22 : memref<!tpu.dma_semaphore, #tpu.memory_space<semaphore_mem>>) src(%dma_wait3A_606 : memref<10000x64xf32, #tpu.memory_space<hbm>>) dst(%dma_wait3A_596 : memref<80x64xf32, #tpu.memory_space<vmem>>)
      %mul3A_607 = arith.constant 1 : i32
      %mul3A_608 = arith.muli %add3A_589, %mul3A_607 : i32
      %add3A_609 = arith.constant 0 : i32
      %add3A_610 = arith.addi %mul3A_608, %add3A_609 : i32
      %dma_start3A_611 = arith.constant 0 : i32
      %dma_start3A_612 = arith.constant 0 : i32
      %dma_start3A_613 = tpu.memref_slice %arg12[%dma_start3A_611, %dma_start3A_612] : memref<80x64xf32, #tpu.memory_space<vmem>> -> memref<80x64xf32, #tpu.memory_space<vmem>>
      %dma_start3A_614 = arith.constant 0 : i32
      %dma_start3A_615 = tpu.memref_slice %arg6[%add3A_610, %dma_start3A_614] : memref<250x80xi32, #tpu.memory_space<vmem>> -> memref<1x80xi32, #tpu.memory_space<vmem>>
      %dma_start3A_616 = tpu.memref_squeeze %dma_start3A_615 : memref<1x80xi32, #tpu.memory_space<vmem>> -> memref<80xi32, #tpu.memory_space<vmem>>
      %dma_start3A_617 = arith.constant 0 : i32
      %dma_start3A_618 = arith.constant 0 : i32
      %dma_start3A_619 = tpu.memref_slice %arg16[%dma_start3A_617, %dma_start3A_618] : memref<10000x64xf32, #tpu.memory_space<vmem_shared>> -> memref<10000x64xf32, #tpu.memory_space<vmem_shared>>
      tpu.enqueue_indirect_dma source(%dma_start3A_613 : memref<80x64xf32, #tpu.memory_space<vmem>>) target(%dma_start3A_619 : memref<10000x64xf32, #tpu.memory_space<vmem_shared>>) offsets(%dma_start3A_616 : memref<80xi32, #tpu.memory_space<vmem>>) semaphore(%arg30 : memref<!tpu.dma_semaphore, #tpu.memory_space<semaphore_mem>>) {add = true}
      %sub3A_620 = arith.constant 4 : i32
      %sub3A_621 = arith.subi %add3A_589, %sub3A_620 : i32
      %mul3A_622 = arith.constant 1 : i32
      %mul3A_623 = arith.muli %sub3A_621, %mul3A_622 : i32
      %add3A_624 = arith.constant 0 : i32
      %add3A_625 = arith.addi %mul3A_623, %add3A_624 : i32
      %dma_wait3A_626 = arith.constant 0 : i32
      %dma_wait3A_627 = arith.constant 0 : i32
      %dma_wait3A_628 = tpu.memref_slice %arg8[%dma_wait3A_626, %dma_wait3A_627] : memref<80x64xf32, #tpu.memory_space<vmem>> -> memref<80x64xf32, #tpu.memory_space<vmem>>
      %dma_wait3A_629 = arith.constant 0 : i32
      %dma_wait3A_630 = tpu.memref_slice %arg6[%add3A_625, %dma_wait3A_629] : memref<250x80xi32, #tpu.memory_space<vmem>> -> memref<1x80xi32, #tpu.memory_space<vmem>>
      %dma_wait3A_631 = tpu.memref_squeeze %dma_wait3A_630 : memref<1x80xi32, #tpu.memory_space<vmem>> -> memref<80xi32, #tpu.memory_space<vmem>>
      %dma_wait3A_632 = arith.constant 0 : i32
      %dma_wait3A_633 = arith.constant 0 : i32
      %dma_wait3A_634 = tpu.memref_slice %arg16[%dma_wait3A_632, %dma_wait3A_633] : memref<10000x64xf32, #tpu.memory_space<vmem_shared>> -> memref<10000x64xf32, #tpu.memory_space<vmem_shared>>
      tpu.wait_indirect_dma semaphore(%arg26 : memref<!tpu.dma_semaphore, #tpu.memory_space<semaphore_mem>>) src(%dma_wait3A_628 : memref<80x64xf32, #tpu.memory_space<vmem>>) dst(%dma_wait3A_634 : memref<10000x64xf32, #tpu.memory_space<vmem_shared>>)
      %add3A_635 = arith.constant 4 : i32
      %add3A_636 = arith.addi %add3A_589, %add3A_635 : i32
      %mul3A_637 = arith.constant 1 : i32
      %mul3A_638 = arith.muli %add3A_636, %mul3A_637 : i32
      %add3A_639 = arith.constant 0 : i32
      %add3A_640 = arith.addi %mul3A_638, %add3A_639 : i32
      %dma_start3A_641 = arith.constant 0 : i32
      %dma_start3A_642 = arith.constant 0 : i32
      %dma_start3A_643 = tpu.memref_slice %arg8[%dma_start3A_641, %dma_start3A_642] : memref<80x64xf32, #tpu.memory_space<vmem>> -> memref<80x64xf32, #tpu.memory_space<vmem>>
      %dma_start3A_644 = arith.constant 0 : i32
      %dma_start3A_645 = tpu.memref_slice %arg5[%add3A_640, %dma_start3A_644] : memref<250x80xi32, #tpu.memory_space<vmem>> -> memref<1x80xi32, #tpu.memory_space<vmem>>
      %dma_start3A_646 = tpu.memref_squeeze %dma_start3A_645 : memref<1x80xi32, #tpu.memory_space<vmem>> -> memref<80xi32, #tpu.memory_space<vmem>>
      %dma_start3A_647 = arith.constant 0 : i32
      %dma_start3A_648 = arith.constant 0 : i32
      %dma_start3A_649 = tpu.memref_slice %arg2[%arg0, %dma_start3A_647, %dma_start3A_648] : memref<2x10000x64xf32, #tpu.memory_space<hbm>> -> memref<1x10000x64xf32, #tpu.memory_space<hbm>>
      %dma_start3A_650 = tpu.memref_squeeze %dma_start3A_649 : memref<1x10000x64xf32, #tpu.memory_space<hbm>> -> memref<10000x64xf32, #tpu.memory_space<hbm>>
      %dma_start3A_651 = arith.constant 0 : i32
      %dma_start3A_652 = arith.constant 0 : i32
      %dma_start3A_653 = tpu.memref_slice %dma_start3A_650[%dma_start3A_651, %dma_start3A_652] : memref<10000x64xf32, #tpu.memory_space<hbm>> -> memref<10000x64xf32, #tpu.memory_space<hbm>>
      tpu.enqueue_indirect_dma source(%dma_start3A_653 : memref<10000x64xf32, #tpu.memory_space<hbm>>) target(%dma_start3A_643 : memref<80x64xf32, #tpu.memory_space<vmem>>) offsets(%dma_start3A_646 : memref<80xi32, #tpu.memory_space<vmem>>) semaphore(%arg18 : memref<!tpu.dma_semaphore, #tpu.memory_space<semaphore_mem>>)
      %add3A_654 = arith.constant 2 : i32
      %add3A_655 = arith.addi %add3A_522, %add3A_654 : i32
      %mul3A_656 = arith.constant 1 : i32
      %mul3A_657 = arith.muli %add3A_655, %mul3A_656 : i32
      %add3A_658 = arith.constant 0 : i32
      %add3A_659 = arith.addi %mul3A_657, %add3A_658 : i32
      %dma_wait3A_660 = arith.constant 0 : i32
      %dma_wait3A_661 = arith.constant 0 : i32
      %dma_wait3A_662 = tpu.memref_slice %arg13[%dma_wait3A_660, %dma_wait3A_661] : memref<80x64xf32, #tpu.memory_space<vmem>> -> memref<80x64xf32, #tpu.memory_space<vmem>>
      %dma_wait3A_663 = arith.constant 0 : i32
      %dma_wait3A_664 = tpu.memref_slice %arg5[%add3A_659, %dma_wait3A_663] : memref<250x80xi32, #tpu.memory_space<vmem>> -> memref<1x80xi32, #tpu.memory_space<vmem>>
      %dma_wait3A_665 = tpu.memref_squeeze %dma_wait3A_664 : memref<1x80xi32, #tpu.memory_space<vmem>> -> memref<80xi32, #tpu.memory_space<vmem>>
      %dma_wait3A_666 = arith.constant 0 : i32
      %dma_wait3A_667 = arith.constant 0 : i32
      %dma_wait3A_668 = tpu.memref_slice %arg2[%arg0, %dma_wait3A_666, %dma_wait3A_667] : memref<2x10000x64xf32, #tpu.memory_space<hbm>> -> memref<1x10000x64xf32, #tpu.memory_space<hbm>>
      %dma_wait3A_669 = tpu.memref_squeeze %dma_wait3A_668 : memref<1x10000x64xf32, #tpu.memory_space<hbm>> -> memref<10000x64xf32, #tpu.memory_space<hbm>>
      %dma_wait3A_670 = arith.constant 0 : i32
      %dma_wait3A_671 = arith.constant 0 : i32
      %dma_wait3A_672 = tpu.memref_slice %dma_wait3A_669[%dma_wait3A_670, %dma_wait3A_671] : memref<10000x64xf32, #tpu.memory_space<hbm>> -> memref<10000x64xf32, #tpu.memory_space<hbm>>
      tpu.wait_indirect_dma semaphore(%arg23 : memref<!tpu.dma_semaphore, #tpu.memory_space<semaphore_mem>>) src(%dma_wait3A_672 : memref<10000x64xf32, #tpu.memory_space<hbm>>) dst(%dma_wait3A_662 : memref<80x64xf32, #tpu.memory_space<vmem>>)
      %mul3A_673 = arith.constant 1 : i32
      %mul3A_674 = arith.muli %add3A_655, %mul3A_673 : i32
      %add3A_675 = arith.constant 0 : i32
      %add3A_676 = arith.addi %mul3A_674, %add3A_675 : i32
      %dma_start3A_677 = arith.constant 0 : i32
      %dma_start3A_678 = arith.constant 0 : i32
      %dma_start3A_679 = tpu.memref_slice %arg13[%dma_start3A_677, %dma_start3A_678] : memref<80x64xf32, #tpu.memory_space<vmem>> -> memref<80x64xf32, #tpu.memory_space<vmem>>
      %dma_start3A_680 = arith.constant 0 : i32
      %dma_start3A_681 = tpu.memref_slice %arg6[%add3A_676, %dma_start3A_680] : memref<250x80xi32, #tpu.memory_space<vmem>> -> memref<1x80xi32, #tpu.memory_space<vmem>>
      %dma_start3A_682 = tpu.memref_squeeze %dma_start3A_681 : memref<1x80xi32, #tpu.memory_space<vmem>> -> memref<80xi32, #tpu.memory_space<vmem>>
      %dma_start3A_683 = arith.constant 0 : i32
      %dma_start3A_684 = arith.constant 0 : i32
      %dma_start3A_685 = tpu.memref_slice %arg16[%dma_start3A_683, %dma_start3A_684] : memref<10000x64xf32, #tpu.memory_space<vmem_shared>> -> memref<10000x64xf32, #tpu.memory_space<vmem_shared>>
      tpu.enqueue_indirect_dma source(%dma_start3A_679 : memref<80x64xf32, #tpu.memory_space<vmem>>) target(%dma_start3A_685 : memref<10000x64xf32, #tpu.memory_space<vmem_shared>>) offsets(%dma_start3A_682 : memref<80xi32, #tpu.memory_space<vmem>>) semaphore(%arg31 : memref<!tpu.dma_semaphore, #tpu.memory_space<semaphore_mem>>) {add = true}
      %sub3A_686 = arith.constant 4 : i32
      %sub3A_687 = arith.subi %add3A_655, %sub3A_686 : i32
      %mul3A_688 = arith.constant 1 : i32
      %mul3A_689 = arith.muli %sub3A_687, %mul3A_688 : i32
      %add3A_690 = arith.constant 0 : i32
      %add3A_691 = arith.addi %mul3A_689, %add3A_690 : i32
      %dma_wait3A_692 = arith.constant 0 : i32
      %dma_wait3A_693 = arith.constant 0 : i32
      %dma_wait3A_694 = tpu.memref_slice %arg9[%dma_wait3A_692, %dma_wait3A_693] : memref<80x64xf32, #tpu.memory_space<vmem>> -> memref<80x64xf32, #tpu.memory_space<vmem>>
      %dma_wait3A_695 = arith.constant 0 : i32
      %dma_wait3A_696 = tpu.memref_slice %arg6[%add3A_691, %dma_wait3A_695] : memref<250x80xi32, #tpu.memory_space<vmem>> -> memref<1x80xi32, #tpu.memory_space<vmem>>
      %dma_wait3A_697 = tpu.memref_squeeze %dma_wait3A_696 : memref<1x80xi32, #tpu.memory_space<vmem>> -> memref<80xi32, #tpu.memory_space<vmem>>
      %dma_wait3A_698 = arith.constant 0 : i32
      %dma_wait3A_699 = arith.constant 0 : i32
      %dma_wait3A_700 = tpu.memref_slice %arg16[%dma_wait3A_698, %dma_wait3A_699] : memref<10000x64xf32, #tpu.memory_space<vmem_shared>> -> memref<10000x64xf32, #tpu.memory_space<vmem_shared>>
      tpu.wait_indirect_dma semaphore(%arg27 : memref<!tpu.dma_semaphore, #tpu.memory_space<semaphore_mem>>) src(%dma_wait3A_694 : memref<80x64xf32, #tpu.memory_space<vmem>>) dst(%dma_wait3A_700 : memref<10000x64xf32, #tpu.memory_space<vmem_shared>>)
      %add3A_701 = arith.constant 4 : i32
      %add3A_702 = arith.addi %add3A_655, %add3A_701 : i32
      %mul3A_703 = arith.constant 1 : i32
      %mul3A_704 = arith.muli %add3A_702, %mul3A_703 : i32
      %add3A_705 = arith.constant 0 : i32
      %add3A_706 = arith.addi %mul3A_704, %add3A_705 : i32
      %dma_start3A_707 = arith.constant 0 : i32
      %dma_start3A_708 = arith.constant 0 : i32
      %dma_start3A_709 = tpu.memref_slice %arg9[%dma_start3A_707, %dma_start3A_708] : memref<80x64xf32, #tpu.memory_space<vmem>> -> memref<80x64xf32, #tpu.memory_space<vmem>>
      %dma_start3A_710 = arith.constant 0 : i32
      %dma_start3A_711 = tpu.memref_slice %arg5[%add3A_706, %dma_start3A_710] : memref<250x80xi32, #tpu.memory_space<vmem>> -> memref<1x80xi32, #tpu.memory_space<vmem>>
      %dma_start3A_712 = tpu.memref_squeeze %dma_start3A_711 : memref<1x80xi32, #tpu.memory_space<vmem>> -> memref<80xi32, #tpu.memory_space<vmem>>
      %dma_start3A_713 = arith.constant 0 : i32
      %dma_start3A_714 = arith.constant 0 : i32
      %dma_start3A_715 = tpu.memref_slice %arg2[%arg0, %dma_start3A_713, %dma_start3A_714] : memref<2x10000x64xf32, #tpu.memory_space<hbm>> -> memref<1x10000x64xf32, #tpu.memory_space<hbm>>
      %dma_start3A_716 = tpu.memref_squeeze %dma_start3A_715 : memref<1x10000x64xf32, #tpu.memory_space<hbm>> -> memref<10000x64xf32, #tpu.memory_space<hbm>>
      %dma_start3A_717 = arith.constant 0 : i32
      %dma_start3A_718 = arith.constant 0 : i32
      %dma_start3A_719 = tpu.memref_slice %dma_start3A_716[%dma_start3A_717, %dma_start3A_718] : memref<10000x64xf32, #tpu.memory_space<hbm>> -> memref<10000x64xf32, #tpu.memory_space<hbm>>
      tpu.enqueue_indirect_dma source(%dma_start3A_719 : memref<10000x64xf32, #tpu.memory_space<hbm>>) target(%dma_start3A_709 : memref<80x64xf32, #tpu.memory_space<vmem>>) offsets(%dma_start3A_712 : memref<80xi32, #tpu.memory_space<vmem>>) semaphore(%arg19 : memref<!tpu.dma_semaphore, #tpu.memory_space<semaphore_mem>>)
      %add3A_720 = arith.constant 3 : i32
      %add3A_721 = arith.addi %add3A_522, %add3A_720 : i32
      %mul3A_722 = arith.constant 1 : i32
      %mul3A_723 = arith.muli %add3A_721, %mul3A_722 : i32
      %add3A_724 = arith.constant 0 : i32
      %add3A_725 = arith.addi %mul3A_723, %add3A_724 : i32
      %dma_wait3A_726 = arith.constant 0 : i32
      %dma_wait3A_727 = arith.constant 0 : i32
      %dma_wait3A_728 = tpu.memref_slice %arg14[%dma_wait3A_726, %dma_wait3A_727] : memref<80x64xf32, #tpu.memory_space<vmem>> -> memref<80x64xf32, #tpu.memory_space<vmem>>
      %dma_wait3A_729 = arith.constant 0 : i32
      %dma_wait3A_730 = tpu.memref_slice %arg5[%add3A_725, %dma_wait3A_729] : memref<250x80xi32, #tpu.memory_space<vmem>> -> memref<1x80xi32, #tpu.memory_space<vmem>>
      %dma_wait3A_731 = tpu.memref_squeeze %dma_wait3A_730 : memref<1x80xi32, #tpu.memory_space<vmem>> -> memref<80xi32, #tpu.memory_space<vmem>>
      %dma_wait3A_732 = arith.constant 0 : i32
      %dma_wait3A_733 = arith.constant 0 : i32
      %dma_wait3A_734 = tpu.memref_slice %arg2[%arg0, %dma_wait3A_732, %dma_wait3A_733] : memref<2x10000x64xf32, #tpu.memory_space<hbm>> -> memref<1x10000x64xf32, #tpu.memory_space<hbm>>
      %dma_wait3A_735 = tpu.memref_squeeze %dma_wait3A_734 : memref<1x10000x64xf32, #tpu.memory_space<hbm>> -> memref<10000x64xf32, #tpu.memory_space<hbm>>
      %dma_wait3A_736 = arith.constant 0 : i32
      %dma_wait3A_737 = arith.constant 0 : i32
      %dma_wait3A_738 = tpu.memref_slice %dma_wait3A_735[%dma_wait3A_736, %dma_wait3A_737] : memref<10000x64xf32, #tpu.memory_space<hbm>> -> memref<10000x64xf32, #tpu.memory_space<hbm>>
      tpu.wait_indirect_dma semaphore(%arg24 : memref<!tpu.dma_semaphore, #tpu.memory_space<semaphore_mem>>) src(%dma_wait3A_738 : memref<10000x64xf32, #tpu.memory_space<hbm>>) dst(%dma_wait3A_728 : memref<80x64xf32, #tpu.memory_space<vmem>>)
      %mul3A_739 = arith.constant 1 : i32
      %mul3A_740 = arith.muli %add3A_721, %mul3A_739 : i32
      %add3A_741 = arith.constant 0 : i32
      %add3A_742 = arith.addi %mul3A_740, %add3A_741 : i32
      %dma_start3A_743 = arith.constant 0 : i32
      %dma_start3A_744 = arith.constant 0 : i32
      %dma_start3A_745 = tpu.memref_slice %arg14[%dma_start3A_743, %dma_start3A_744] : memref<80x64xf32, #tpu.memory_space<vmem>> -> memref<80x64xf32, #tpu.memory_space<vmem>>
      %dma_start3A_746 = arith.constant 0 : i32
      %dma_start3A_747 = tpu.memref_slice %arg6[%add3A_742, %dma_start3A_746] : memref<250x80xi32, #tpu.memory_space<vmem>> -> memref<1x80xi32, #tpu.memory_space<vmem>>
      %dma_start3A_748 = tpu.memref_squeeze %dma_start3A_747 : memref<1x80xi32, #tpu.memory_space<vmem>> -> memref<80xi32, #tpu.memory_space<vmem>>
      %dma_start3A_749 = arith.constant 0 : i32
      %dma_start3A_750 = arith.constant 0 : i32
      %dma_start3A_751 = tpu.memref_slice %arg16[%dma_start3A_749, %dma_start3A_750] : memref<10000x64xf32, #tpu.memory_space<vmem_shared>> -> memref<10000x64xf32, #tpu.memory_space<vmem_shared>>
      tpu.enqueue_indirect_dma source(%dma_start3A_745 : memref<80x64xf32, #tpu.memory_space<vmem>>) target(%dma_start3A_751 : memref<10000x64xf32, #tpu.memory_space<vmem_shared>>) offsets(%dma_start3A_748 : memref<80xi32, #tpu.memory_space<vmem>>) semaphore(%arg32 : memref<!tpu.dma_semaphore, #tpu.memory_space<semaphore_mem>>) {add = true}
      %sub3A_752 = arith.constant 4 : i32
      %sub3A_753 = arith.subi %add3A_721, %sub3A_752 : i32
      %mul3A_754 = arith.constant 1 : i32
      %mul3A_755 = arith.muli %sub3A_753, %mul3A_754 : i32
      %add3A_756 = arith.constant 0 : i32
      %add3A_757 = arith.addi %mul3A_755, %add3A_756 : i32
      %dma_wait3A_758 = arith.constant 0 : i32
      %dma_wait3A_759 = arith.constant 0 : i32
      %dma_wait3A_760 = tpu.memref_slice %arg10[%dma_wait3A_758, %dma_wait3A_759] : memref<80x64xf32, #tpu.memory_space<vmem>> -> memref<80x64xf32, #tpu.memory_space<vmem>>
      %dma_wait3A_761 = arith.constant 0 : i32
      %dma_wait3A_762 = tpu.memref_slice %arg6[%add3A_757, %dma_wait3A_761] : memref<250x80xi32, #tpu.memory_space<vmem>> -> memref<1x80xi32, #tpu.memory_space<vmem>>
      %dma_wait3A_763 = tpu.memref_squeeze %dma_wait3A_762 : memref<1x80xi32, #tpu.memory_space<vmem>> -> memref<80xi32, #tpu.memory_space<vmem>>
      %dma_wait3A_764 = arith.constant 0 : i32
      %dma_wait3A_765 = arith.constant 0 : i32
      %dma_wait3A_766 = tpu.memref_slice %arg16[%dma_wait3A_764, %dma_wait3A_765] : memref<10000x64xf32, #tpu.memory_space<vmem_shared>> -> memref<10000x64xf32, #tpu.memory_space<vmem_shared>>
      tpu.wait_indirect_dma semaphore(%arg28 : memref<!tpu.dma_semaphore, #tpu.memory_space<semaphore_mem>>) src(%dma_wait3A_760 : memref<80x64xf32, #tpu.memory_space<vmem>>) dst(%dma_wait3A_766 : memref<10000x64xf32, #tpu.memory_space<vmem_shared>>)
      %add3A_767 = arith.constant 4 : i32
      %add3A_768 = arith.addi %add3A_721, %add3A_767 : i32
      %mul3A_769 = arith.constant 1 : i32
      %mul3A_770 = arith.muli %add3A_768, %mul3A_769 : i32
      %add3A_771 = arith.constant 0 : i32
      %add3A_772 = arith.addi %mul3A_770, %add3A_771 : i32
      %dma_start3A_773 = arith.constant 0 : i32
      %dma_start3A_774 = arith.constant 0 : i32
      %dma_start3A_775 = tpu.memref_slice %arg10[%dma_start3A_773, %dma_start3A_774] : memref<80x64xf32, #tpu.memory_space<vmem>> -> memref<80x64xf32, #tpu.memory_space<vmem>>
      %dma_start3A_776 = arith.constant 0 : i32
      %dma_start3A_777 = tpu.memref_slice %arg5[%add3A_772, %dma_start3A_776] : memref<250x80xi32, #tpu.memory_space<vmem>> -> memref<1x80xi32, #tpu.memory_space<vmem>>
      %dma_start3A_778 = tpu.memref_squeeze %dma_start3A_777 : memref<1x80xi32, #tpu.memory_space<vmem>> -> memref<80xi32, #tpu.memory_space<vmem>>
      %dma_start3A_779 = arith.constant 0 : i32
      %dma_start3A_780 = arith.constant 0 : i32
      %dma_start3A_781 = tpu.memref_slice %arg2[%arg0, %dma_start3A_779, %dma_start3A_780] : memref<2x10000x64xf32, #tpu.memory_space<hbm>> -> memref<1x10000x64xf32, #tpu.memory_space<hbm>>
      %dma_start3A_782 = tpu.memref_squeeze %dma_start3A_781 : memref<1x10000x64xf32, #tpu.memory_space<hbm>> -> memref<10000x64xf32, #tpu.memory_space<hbm>>
      %dma_start3A_783 = arith.constant 0 : i32
      %dma_start3A_784 = arith.constant 0 : i32
      %dma_start3A_785 = tpu.memref_slice %dma_start3A_782[%dma_start3A_783, %dma_start3A_784] : memref<10000x64xf32, #tpu.memory_space<hbm>> -> memref<10000x64xf32, #tpu.memory_space<hbm>>
      tpu.enqueue_indirect_dma source(%dma_start3A_785 : memref<10000x64xf32, #tpu.memory_space<hbm>>) target(%dma_start3A_775 : memref<80x64xf32, #tpu.memory_space<vmem>>) offsets(%dma_start3A_778 : memref<80xi32, #tpu.memory_space<vmem>>) semaphore(%arg20 : memref<!tpu.dma_semaphore, #tpu.memory_space<semaphore_mem>>)
      %add3A_786 = arith.constant 4 : i32
      %add3A_787 = arith.addi %add3A_522, %add3A_786 : i32
      %mul3A_788 = arith.constant 1 : i32
      %mul3A_789 = arith.muli %add3A_787, %mul3A_788 : i32
      %add3A_790 = arith.constant 0 : i32
      %add3A_791 = arith.addi %mul3A_789, %add3A_790 : i32
      %dma_wait3A_792 = arith.constant 0 : i32
      %dma_wait3A_793 = arith.constant 0 : i32
      %dma_wait3A_794 = tpu.memref_slice %arg7[%dma_wait3A_792, %dma_wait3A_793] : memref<80x64xf32, #tpu.memory_space<vmem>> -> memref<80x64xf32, #tpu.memory_space<vmem>>
      %dma_wait3A_795 = arith.constant 0 : i32
      %dma_wait3A_796 = tpu.memref_slice %arg5[%add3A_791, %dma_wait3A_795] : memref<250x80xi32, #tpu.memory_space<vmem>> -> memref<1x80xi32, #tpu.memory_space<vmem>>
      %dma_wait3A_797 = tpu.memref_squeeze %dma_wait3A_796 : memref<1x80xi32, #tpu.memory_space<vmem>> -> memref<80xi32, #tpu.memory_space<vmem>>
      %dma_wait3A_798 = arith.constant 0 : i32
      %dma_wait3A_799 = arith.constant 0 : i32
      %dma_wait3A_800 = tpu.memref_slice %arg2[%arg0, %dma_wait3A_798, %dma_wait3A_799] : memref<2x10000x64xf32, #tpu.memory_space<hbm>> -> memref<1x10000x64xf32, #tpu.memory_space<hbm>>
      %dma_wait3A_801 = tpu.memref_squeeze %dma_wait3A_800 : memref<1x10000x64xf32, #tpu.memory_space<hbm>> -> memref<10000x64xf32, #tpu.memory_space<hbm>>
      %dma_wait3A_802 = arith.constant 0 : i32
      %dma_wait3A_803 = arith.constant 0 : i32
      %dma_wait3A_804 = tpu.memref_slice %dma_wait3A_801[%dma_wait3A_802, %dma_wait3A_803] : memref<10000x64xf32, #tpu.memory_space<hbm>> -> memref<10000x64xf32, #tpu.memory_space<hbm>>
      tpu.wait_indirect_dma semaphore(%arg17 : memref<!tpu.dma_semaphore, #tpu.memory_space<semaphore_mem>>) src(%dma_wait3A_804 : memref<10000x64xf32, #tpu.memory_space<hbm>>) dst(%dma_wait3A_794 : memref<80x64xf32, #tpu.memory_space<vmem>>)
      %mul3A_805 = arith.constant 1 : i32
      %mul3A_806 = arith.muli %add3A_787, %mul3A_805 : i32
      %add3A_807 = arith.constant 0 : i32
      %add3A_808 = arith.addi %mul3A_806, %add3A_807 : i32
      %dma_start3A_809 = arith.constant 0 : i32
      %dma_start3A_810 = arith.constant 0 : i32
      %dma_start3A_811 = tpu.memref_slice %arg7[%dma_start3A_809, %dma_start3A_810] : memref<80x64xf32, #tpu.memory_space<vmem>> -> memref<80x64xf32, #tpu.memory_space<vmem>>
      %dma_start3A_812 = arith.constant 0 : i32
      %dma_start3A_813 = tpu.memref_slice %arg6[%add3A_808, %dma_start3A_812] : memref<250x80xi32, #tpu.memory_space<vmem>> -> memref<1x80xi32, #tpu.memory_space<vmem>>
      %dma_start3A_814 = tpu.memref_squeeze %dma_start3A_813 : memref<1x80xi32, #tpu.memory_space<vmem>> -> memref<80xi32, #tpu.memory_space<vmem>>
      %dma_start3A_815 = arith.constant 0 : i32
      %dma_start3A_816 = arith.constant 0 : i32
      %dma_start3A_817 = tpu.memref_slice %arg16[%dma_start3A_815, %dma_start3A_816] : memref<10000x64xf32, #tpu.memory_space<vmem_shared>> -> memref<10000x64xf32, #tpu.memory_space<vmem_shared>>
      tpu.enqueue_indirect_dma source(%dma_start3A_811 : memref<80x64xf32, #tpu.memory_space<vmem>>) target(%dma_start3A_817 : memref<10000x64xf32, #tpu.memory_space<vmem_shared>>) offsets(%dma_start3A_814 : memref<80xi32, #tpu.memory_space<vmem>>) semaphore(%arg25 : memref<!tpu.dma_semaphore, #tpu.memory_space<semaphore_mem>>) {add = true}
      %sub3A_818 = arith.constant 4 : i32
      %sub3A_819 = arith.subi %add3A_787, %sub3A_818 : i32
      %mul3A_820 = arith.constant 1 : i32
      %mul3A_821 = arith.muli %sub3A_819, %mul3A_820 : i32
      %add3A_822 = arith.constant 0 : i32
      %add3A_823 = arith.addi %mul3A_821, %add3A_822 : i32
      %dma_wait3A_824 = arith.constant 0 : i32
      %dma_wait3A_825 = arith.constant 0 : i32
      %dma_wait3A_826 = tpu.memref_slice %arg11[%dma_wait3A_824, %dma_wait3A_825] : memref<80x64xf32, #tpu.memory_space<vmem>> -> memref<80x64xf32, #tpu.memory_space<vmem>>
      %dma_wait3A_827 = arith.constant 0 : i32
      %dma_wait3A_828 = tpu.memref_slice %arg6[%add3A_823, %dma_wait3A_827] : memref<250x80xi32, #tpu.memory_space<vmem>> -> memref<1x80xi32, #tpu.memory_space<vmem>>
      %dma_wait3A_829 = tpu.memref_squeeze %dma_wait3A_828 : memref<1x80xi32, #tpu.memory_space<vmem>> -> memref<80xi32, #tpu.memory_space<vmem>>
      %dma_wait3A_830 = arith.constant 0 : i32
      %dma_wait3A_831 = arith.constant 0 : i32
      %dma_wait3A_832 = tpu.memref_slice %arg16[%dma_wait3A_830, %dma_wait3A_831] : memref<10000x64xf32, #tpu.memory_space<vmem_shared>> -> memref<10000x64xf32, #tpu.memory_space<vmem_shared>>
      tpu.wait_indirect_dma semaphore(%arg29 : memref<!tpu.dma_semaphore, #tpu.memory_space<semaphore_mem>>) src(%dma_wait3A_826 : memref<80x64xf32, #tpu.memory_space<vmem>>) dst(%dma_wait3A_832 : memref<10000x64xf32, #tpu.memory_space<vmem_shared>>)
      %add3A_833 = arith.constant 4 : i32
      %add3A_834 = arith.addi %add3A_787, %add3A_833 : i32
      %mul3A_835 = arith.constant 1 : i32
      %mul3A_836 = arith.muli %add3A_834, %mul3A_835 : i32
      %add3A_837 = arith.constant 0 : i32
      %add3A_838 = arith.addi %mul3A_836, %add3A_837 : i32
      %dma_start3A_839 = arith.constant 0 : i32
      %dma_start3A_840 = arith.constant 0 : i32
      %dma_start3A_841 = tpu.memref_slice %arg11[%dma_start3A_839, %dma_start3A_840] : memref<80x64xf32, #tpu.memory_space<vmem>> -> memref<80x64xf32, #tpu.memory_space<vmem>>
      %dma_start3A_842 = arith.constant 0 : i32
      %dma_start3A_843 = tpu.memref_slice %arg5[%add3A_838, %dma_start3A_842] : memref<250x80xi32, #tpu.memory_space<vmem>> -> memref<1x80xi32, #tpu.memory_space<vmem>>
      %dma_start3A_844 = tpu.memref_squeeze %dma_start3A_843 : memref<1x80xi32, #tpu.memory_space<vmem>> -> memref<80xi32, #tpu.memory_space<vmem>>
      %dma_start3A_845 = arith.constant 0 : i32
      %dma_start3A_846 = arith.constant 0 : i32
      %dma_start3A_847 = tpu.memref_slice %arg2[%arg0, %dma_start3A_845, %dma_start3A_846] : memref<2x10000x64xf32, #tpu.memory_space<hbm>> -> memref<1x10000x64xf32, #tpu.memory_space<hbm>>
      %dma_start3A_848 = tpu.memref_squeeze %dma_start3A_847 : memref<1x10000x64xf32, #tpu.memory_space<hbm>> -> memref<10000x64xf32, #tpu.memory_space<hbm>>
      %dma_start3A_849 = arith.constant 0 : i32
      %dma_start3A_850 = arith.constant 0 : i32
      %dma_start3A_851 = tpu.memref_slice %dma_start3A_848[%dma_start3A_849, %dma_start3A_850] : memref<10000x64xf32, #tpu.memory_space<hbm>> -> memref<10000x64xf32, #tpu.memory_space<hbm>>
      tpu.enqueue_indirect_dma source(%dma_start3A_851 : memref<10000x64xf32, #tpu.memory_space<hbm>>) target(%dma_start3A_841 : memref<80x64xf32, #tpu.memory_space<vmem>>) offsets(%dma_start3A_844 : memref<80xi32, #tpu.memory_space<vmem>>) semaphore(%arg21 : memref<!tpu.dma_semaphore, #tpu.memory_space<semaphore_mem>>)
      %add3A_852 = arith.constant 5 : i32
      %add3A_853 = arith.addi %add3A_522, %add3A_852 : i32
      %mul3A_854 = arith.constant 1 : i32
      %mul3A_855 = arith.muli %add3A_853, %mul3A_854 : i32
      %add3A_856 = arith.constant 0 : i32
      %add3A_857 = arith.addi %mul3A_855, %add3A_856 : i32
      %dma_wait3A_858 = arith.constant 0 : i32
      %dma_wait3A_859 = arith.constant 0 : i32
      %dma_wait3A_860 = tpu.memref_slice %arg8[%dma_wait3A_858, %dma_wait3A_859] : memref<80x64xf32, #tpu.memory_space<vmem>> -> memref<80x64xf32, #tpu.memory_space<vmem>>
      %dma_wait3A_861 = arith.constant 0 : i32
      %dma_wait3A_862 = tpu.memref_slice %arg5[%add3A_857, %dma_wait3A_861] : memref<250x80xi32, #tpu.memory_space<vmem>> -> memref<1x80xi32, #tpu.memory_space<vmem>>
      %dma_wait3A_863 = tpu.memref_squeeze %dma_wait3A_862 : memref<1x80xi32, #tpu.memory_space<vmem>> -> memref<80xi32, #tpu.memory_space<vmem>>
      %dma_wait3A_864 = arith.constant 0 : i32
      %dma_wait3A_865 = arith.constant 0 : i32
      %dma_wait3A_866 = tpu.memref_slice %arg2[%arg0, %dma_wait3A_864, %dma_wait3A_865] : memref<2x10000x64xf32, #tpu.memory_space<hbm>> -> memref<1x10000x64xf32, #tpu.memory_space<hbm>>
      %dma_wait3A_867 = tpu.memref_squeeze %dma_wait3A_866 : memref<1x10000x64xf32, #tpu.memory_space<hbm>> -> memref<10000x64xf32, #tpu.memory_space<hbm>>
      %dma_wait3A_868 = arith.constant 0 : i32
      %dma_wait3A_869 = arith.constant 0 : i32
      %dma_wait3A_870 = tpu.memref_slice %dma_wait3A_867[%dma_wait3A_868, %dma_wait3A_869] : memref<10000x64xf32, #tpu.memory_space<hbm>> -> memref<10000x64xf32, #tpu.memory_space<hbm>>
      tpu.wait_indirect_dma semaphore(%arg18 : memref<!tpu.dma_semaphore, #tpu.memory_space<semaphore_mem>>) src(%dma_wait3A_870 : memref<10000x64xf32, #tpu.memory_space<hbm>>) dst(%dma_wait3A_860 : memref<80x64xf32, #tpu.memory_space<vmem>>)
      %mul3A_871 = arith.constant 1 : i32
      %mul3A_872 = arith.muli %add3A_853, %mul3A_871 : i32
      %add3A_873 = arith.constant 0 : i32
      %add3A_874 = arith.addi %mul3A_872, %add3A_873 : i32
      %dma_start3A_875 = arith.constant 0 : i32
      %dma_start3A_876 = arith.constant 0 : i32
      %dma_start3A_877 = tpu.memref_slice %arg8[%dma_start3A_875, %dma_start3A_876] : memref<80x64xf32, #tpu.memory_space<vmem>> -> memref<80x64xf32, #tpu.memory_space<vmem>>
      %dma_start3A_878 = arith.constant 0 : i32
      %dma_start3A_879 = tpu.memref_slice %arg6[%add3A_874, %dma_start3A_878] : memref<250x80xi32, #tpu.memory_space<vmem>> -> memref<1x80xi32, #tpu.memory_space<vmem>>
      %dma_start3A_880 = tpu.memref_squeeze %dma_start3A_879 : memref<1x80xi32, #tpu.memory_space<vmem>> -> memref<80xi32, #tpu.memory_space<vmem>>
      %dma_start3A_881 = arith.constant 0 : i32
      %dma_start3A_882 = arith.constant 0 : i32
      %dma_start3A_883 = tpu.memref_slice %arg16[%dma_start3A_881, %dma_start3A_882] : memref<10000x64xf32, #tpu.memory_space<vmem_shared>> -> memref<10000x64xf32, #tpu.memory_space<vmem_shared>>
      tpu.enqueue_indirect_dma source(%dma_start3A_877 : memref<80x64xf32, #tpu.memory_space<vmem>>) target(%dma_start3A_883 : memref<10000x64xf32, #tpu.memory_space<vmem_shared>>) offsets(%dma_start3A_880 : memref<80xi32, #tpu.memory_space<vmem>>) semaphore(%arg26 : memref<!tpu.dma_semaphore, #tpu.memory_space<semaphore_mem>>) {add = true}
      %sub3A_884 = arith.constant 4 : i32
      %sub3A_885 = arith.subi %add3A_853, %sub3A_884 : i32
      %mul3A_886 = arith.constant 1 : i32
      %mul3A_887 = arith.muli %sub3A_885, %mul3A_886 : i32
      %add3A_888 = arith.constant 0 : i32
      %add3A_889 = arith.addi %mul3A_887, %add3A_888 : i32
      %dma_wait3A_890 = arith.constant 0 : i32
      %dma_wait3A_891 = arith.constant 0 : i32
      %dma_wait3A_892 = tpu.memref_slice %arg12[%dma_wait3A_890, %dma_wait3A_891] : memref<80x64xf32, #tpu.memory_space<vmem>> -> memref<80x64xf32, #tpu.memory_space<vmem>>
      %dma_wait3A_893 = arith.constant 0 : i32
      %dma_wait3A_894 = tpu.memref_slice %arg6[%add3A_889, %dma_wait3A_893] : memref<250x80xi32, #tpu.memory_space<vmem>> -> memref<1x80xi32, #tpu.memory_space<vmem>>
      %dma_wait3A_895 = tpu.memref_squeeze %dma_wait3A_894 : memref<1x80xi32, #tpu.memory_space<vmem>> -> memref<80xi32, #tpu.memory_space<vmem>>
      %dma_wait3A_896 = arith.constant 0 : i32
      %dma_wait3A_897 = arith.constant 0 : i32
      %dma_wait3A_898 = tpu.memref_slice %arg16[%dma_wait3A_896, %dma_wait3A_897] : memref<10000x64xf32, #tpu.memory_space<vmem_shared>> -> memref<10000x64xf32, #tpu.memory_space<vmem_shared>>
      tpu.wait_indirect_dma semaphore(%arg30 : memref<!tpu.dma_semaphore, #tpu.memory_space<semaphore_mem>>) src(%dma_wait3A_892 : memref<80x64xf32, #tpu.memory_space<vmem>>) dst(%dma_wait3A_898 : memref<10000x64xf32, #tpu.memory_space<vmem_shared>>)
      %add3A_899 = arith.constant 4 : i32
      %add3A_900 = arith.addi %add3A_853, %add3A_899 : i32
      %mul3A_901 = arith.constant 1 : i32
      %mul3A_902 = arith.muli %add3A_900, %mul3A_901 : i32
      %add3A_903 = arith.constant 0 : i32
      %add3A_904 = arith.addi %mul3A_902, %add3A_903 : i32
      %dma_start3A_905 = arith.constant 0 : i32
      %dma_start3A_906 = arith.constant 0 : i32
      %dma_start3A_907 = tpu.memref_slice %arg12[%dma_start3A_905, %dma_start3A_906] : memref<80x64xf32, #tpu.memory_space<vmem>> -> memref<80x64xf32, #tpu.memory_space<vmem>>
      %dma_start3A_908 = arith.constant 0 : i32
      %dma_start3A_909 = tpu.memref_slice %arg5[%add3A_904, %dma_start3A_908] : memref<250x80xi32, #tpu.memory_space<vmem>> -> memref<1x80xi32, #tpu.memory_space<vmem>>
      %dma_start3A_910 = tpu.memref_squeeze %dma_start3A_909 : memref<1x80xi32, #tpu.memory_space<vmem>> -> memref<80xi32, #tpu.memory_space<vmem>>
      %dma_start3A_911 = arith.constant 0 : i32
      %dma_start3A_912 = arith.constant 0 : i32
      %dma_start3A_913 = tpu.memref_slice %arg2[%arg0, %dma_start3A_911, %dma_start3A_912] : memref<2x10000x64xf32, #tpu.memory_space<hbm>> -> memref<1x10000x64xf32, #tpu.memory_space<hbm>>
      %dma_start3A_914 = tpu.memref_squeeze %dma_start3A_913 : memref<1x10000x64xf32, #tpu.memory_space<hbm>> -> memref<10000x64xf32, #tpu.memory_space<hbm>>
      %dma_start3A_915 = arith.constant 0 : i32
      %dma_start3A_916 = arith.constant 0 : i32
      %dma_start3A_917 = tpu.memref_slice %dma_start3A_914[%dma_start3A_915, %dma_start3A_916] : memref<10000x64xf32, #tpu.memory_space<hbm>> -> memref<10000x64xf32, #tpu.memory_space<hbm>>
      tpu.enqueue_indirect_dma source(%dma_start3A_917 : memref<10000x64xf32, #tpu.memory_space<hbm>>) target(%dma_start3A_907 : memref<80x64xf32, #tpu.memory_space<vmem>>) offsets(%dma_start3A_910 : memref<80xi32, #tpu.memory_space<vmem>>) semaphore(%arg22 : memref<!tpu.dma_semaphore, #tpu.memory_space<semaphore_mem>>)
      %add3A_918 = arith.constant 6 : i32
      %add3A_919 = arith.addi %add3A_522, %add3A_918 : i32
      %mul3A_920 = arith.constant 1 : i32
      %mul3A_921 = arith.muli %add3A_919, %mul3A_920 : i32
      %add3A_922 = arith.constant 0 : i32
      %add3A_923 = arith.addi %mul3A_921, %add3A_922 : i32
      %dma_wait3A_924 = arith.constant 0 : i32
      %dma_wait3A_925 = arith.constant 0 : i32
      %dma_wait3A_926 = tpu.memref_slice %arg9[%dma_wait3A_924, %dma_wait3A_925] : memref<80x64xf32, #tpu.memory_space<vmem>> -> memref<80x64xf32, #tpu.memory_space<vmem>>
      %dma_wait3A_927 = arith.constant 0 : i32
      %dma_wait3A_928 = tpu.memref_slice %arg5[%add3A_923, %dma_wait3A_927] : memref<250x80xi32, #tpu.memory_space<vmem>> -> memref<1x80xi32, #tpu.memory_space<vmem>>
      %dma_wait3A_929 = tpu.memref_squeeze %dma_wait3A_928 : memref<1x80xi32, #tpu.memory_space<vmem>> -> memref<80xi32, #tpu.memory_space<vmem>>
      %dma_wait3A_930 = arith.constant 0 : i32
      %dma_wait3A_931 = arith.constant 0 : i32
      %dma_wait3A_932 = tpu.memref_slice %arg2[%arg0, %dma_wait3A_930, %dma_wait3A_931] : memref<2x10000x64xf32, #tpu.memory_space<hbm>> -> memref<1x10000x64xf32, #tpu.memory_space<hbm>>
      %dma_wait3A_933 = tpu.memref_squeeze %dma_wait3A_932 : memref<1x10000x64xf32, #tpu.memory_space<hbm>> -> memref<10000x64xf32, #tpu.memory_space<hbm>>
      %dma_wait3A_934 = arith.constant 0 : i32
      %dma_wait3A_935 = arith.constant 0 : i32
      %dma_wait3A_936 = tpu.memref_slice %dma_wait3A_933[%dma_wait3A_934, %dma_wait3A_935] : memref<10000x64xf32, #tpu.memory_space<hbm>> -> memref<10000x64xf32, #tpu.memory_space<hbm>>
      tpu.wait_indirect_dma semaphore(%arg19 : memref<!tpu.dma_semaphore, #tpu.memory_space<semaphore_mem>>) src(%dma_wait3A_936 : memref<10000x64xf32, #tpu.memory_space<hbm>>) dst(%dma_wait3A_926 : memref<80x64xf32, #tpu.memory_space<vmem>>)
      %mul3A_937 = arith.constant 1 : i32
      %mul3A_938 = arith.muli %add3A_919, %mul3A_937 : i32
      %add3A_939 = arith.constant 0 : i32
      %add3A_940 = arith.addi %mul3A_938, %add3A_939 : i32
      %dma_start3A_941 = arith.constant 0 : i32
      %dma_start3A_942 = arith.constant 0 : i32
      %dma_start3A_943 = tpu.memref_slice %arg9[%dma_start3A_941, %dma_start3A_942] : memref<80x64xf32, #tpu.memory_space<vmem>> -> memref<80x64xf32, #tpu.memory_space<vmem>>
      %dma_start3A_944 = arith.constant 0 : i32
      %dma_start3A_945 = tpu.memref_slice %arg6[%add3A_940, %dma_start3A_944] : memref<250x80xi32, #tpu.memory_space<vmem>> -> memref<1x80xi32, #tpu.memory_space<vmem>>
      %dma_start3A_946 = tpu.memref_squeeze %dma_start3A_945 : memref<1x80xi32, #tpu.memory_space<vmem>> -> memref<80xi32, #tpu.memory_space<vmem>>
      %dma_start3A_947 = arith.constant 0 : i32
      %dma_start3A_948 = arith.constant 0 : i32
      %dma_start3A_949 = tpu.memref_slice %arg16[%dma_start3A_947, %dma_start3A_948] : memref<10000x64xf32, #tpu.memory_space<vmem_shared>> -> memref<10000x64xf32, #tpu.memory_space<vmem_shared>>
      tpu.enqueue_indirect_dma source(%dma_start3A_943 : memref<80x64xf32, #tpu.memory_space<vmem>>) target(%dma_start3A_949 : memref<10000x64xf32, #tpu.memory_space<vmem_shared>>) offsets(%dma_start3A_946 : memref<80xi32, #tpu.memory_space<vmem>>) semaphore(%arg27 : memref<!tpu.dma_semaphore, #tpu.memory_space<semaphore_mem>>) {add = true}
      %sub3A_950 = arith.constant 4 : i32
      %sub3A_951 = arith.subi %add3A_919, %sub3A_950 : i32
      %mul3A_952 = arith.constant 1 : i32
      %mul3A_953 = arith.muli %sub3A_951, %mul3A_952 : i32
      %add3A_954 = arith.constant 0 : i32
      %add3A_955 = arith.addi %mul3A_953, %add3A_954 : i32
      %dma_wait3A_956 = arith.constant 0 : i32
      %dma_wait3A_957 = arith.constant 0 : i32
      %dma_wait3A_958 = tpu.memref_slice %arg13[%dma_wait3A_956, %dma_wait3A_957] : memref<80x64xf32, #tpu.memory_space<vmem>> -> memref<80x64xf32, #tpu.memory_space<vmem>>
      %dma_wait3A_959 = arith.constant 0 : i32
      %dma_wait3A_960 = tpu.memref_slice %arg6[%add3A_955, %dma_wait3A_959] : memref<250x80xi32, #tpu.memory_space<vmem>> -> memref<1x80xi32, #tpu.memory_space<vmem>>
      %dma_wait3A_961 = tpu.memref_squeeze %dma_wait3A_960 : memref<1x80xi32, #tpu.memory_space<vmem>> -> memref<80xi32, #tpu.memory_space<vmem>>
      %dma_wait3A_962 = arith.constant 0 : i32
      %dma_wait3A_963 = arith.constant 0 : i32
      %dma_wait3A_964 = tpu.memref_slice %arg16[%dma_wait3A_962, %dma_wait3A_963] : memref<10000x64xf32, #tpu.memory_space<vmem_shared>> -> memref<10000x64xf32, #tpu.memory_space<vmem_shared>>
      tpu.wait_indirect_dma semaphore(%arg31 : memref<!tpu.dma_semaphore, #tpu.memory_space<semaphore_mem>>) src(%dma_wait3A_958 : memref<80x64xf32, #tpu.memory_space<vmem>>) dst(%dma_wait3A_964 : memref<10000x64xf32, #tpu.memory_space<vmem_shared>>)
      %add3A_965 = arith.constant 4 : i32
      %add3A_966 = arith.addi %add3A_919, %add3A_965 : i32
      %mul3A_967 = arith.constant 1 : i32
      %mul3A_968 = arith.muli %add3A_966, %mul3A_967 : i32
      %add3A_969 = arith.constant 0 : i32
      %add3A_970 = arith.addi %mul3A_968, %add3A_969 : i32
      %dma_start3A_971 = arith.constant 0 : i32
      %dma_start3A_972 = arith.constant 0 : i32
      %dma_start3A_973 = tpu.memref_slice %arg13[%dma_start3A_971, %dma_start3A_972] : memref<80x64xf32, #tpu.memory_space<vmem>> -> memref<80x64xf32, #tpu.memory_space<vmem>>
      %dma_start3A_974 = arith.constant 0 : i32
      %dma_start3A_975 = tpu.memref_slice %arg5[%add3A_970, %dma_start3A_974] : memref<250x80xi32, #tpu.memory_space<vmem>> -> memref<1x80xi32, #tpu.memory_space<vmem>>
      %dma_start3A_976 = tpu.memref_squeeze %dma_start3A_975 : memref<1x80xi32, #tpu.memory_space<vmem>> -> memref<80xi32, #tpu.memory_space<vmem>>
      %dma_start3A_977 = arith.constant 0 : i32
      %dma_start3A_978 = arith.constant 0 : i32
      %dma_start3A_979 = tpu.memref_slice %arg2[%arg0, %dma_start3A_977, %dma_start3A_978] : memref<2x10000x64xf32, #tpu.memory_space<hbm>> -> memref<1x10000x64xf32, #tpu.memory_space<hbm>>
      %dma_start3A_980 = tpu.memref_squeeze %dma_start3A_979 : memref<1x10000x64xf32, #tpu.memory_space<hbm>> -> memref<10000x64xf32, #tpu.memory_space<hbm>>
      %dma_start3A_981 = arith.constant 0 : i32
      %dma_start3A_982 = arith.constant 0 : i32
      %dma_start3A_983 = tpu.memref_slice %dma_start3A_980[%dma_start3A_981, %dma_start3A_982] : memref<10000x64xf32, #tpu.memory_space<hbm>> -> memref<10000x64xf32, #tpu.memory_space<hbm>>
      tpu.enqueue_indirect_dma source(%dma_start3A_983 : memref<10000x64xf32, #tpu.memory_space<hbm>>) target(%dma_start3A_973 : memref<80x64xf32, #tpu.memory_space<vmem>>) offsets(%dma_start3A_976 : memref<80xi32, #tpu.memory_space<vmem>>) semaphore(%arg23 : memref<!tpu.dma_semaphore, #tpu.memory_space<semaphore_mem>>)
      %add3A_984 = arith.constant 7 : i32
      %add3A_985 = arith.addi %add3A_522, %add3A_984 : i32
      %mul3A_986 = arith.constant 1 : i32
      %mul3A_987 = arith.muli %add3A_985, %mul3A_986 : i32
      %add3A_988 = arith.constant 0 : i32
      %add3A_989 = arith.addi %mul3A_987, %add3A_988 : i32
      %dma_wait3A_990 = arith.constant 0 : i32
      %dma_wait3A_991 = arith.constant 0 : i32
      %dma_wait3A_992 = tpu.memref_slice %arg10[%dma_wait3A_990, %dma_wait3A_991] : memref<80x64xf32, #tpu.memory_space<vmem>> -> memref<80x64xf32, #tpu.memory_space<vmem>>
      %dma_wait3A_993 = arith.constant 0 : i32
      %dma_wait3A_994 = tpu.memref_slice %arg5[%add3A_989, %dma_wait3A_993] : memref<250x80xi32, #tpu.memory_space<vmem>> -> memref<1x80xi32, #tpu.memory_space<vmem>>
      %dma_wait3A_995 = tpu.memref_squeeze %dma_wait3A_994 : memref<1x80xi32, #tpu.memory_space<vmem>> -> memref<80xi32, #tpu.memory_space<vmem>>
      %dma_wait3A_996 = arith.constant 0 : i32
      %dma_wait3A_997 = arith.constant 0 : i32
      %dma_wait3A_998 = tpu.memref_slice %arg2[%arg0, %dma_wait3A_996, %dma_wait3A_997] : memref<2x10000x64xf32, #tpu.memory_space<hbm>> -> memref<1x10000x64xf32, #tpu.memory_space<hbm>>
      %dma_wait3A_999 = tpu.memref_squeeze %dma_wait3A_998 : memref<1x10000x64xf32, #tpu.memory_space<hbm>> -> memref<10000x64xf32, #tpu.memory_space<hbm>>
      %dma_wait3A_1000 = arith.constant 0 : i32
      %dma_wait3A_1001 = arith.constant 0 : i32
      %dma_wait3A_1002 = tpu.memref_slice %dma_wait3A_999[%dma_wait3A_1000, %dma_wait3A_1001] : memref<10000x64xf32, #tpu.memory_space<hbm>> -> memref<10000x64xf32, #tpu.memory_space<hbm>>
      tpu.wait_indirect_dma semaphore(%arg20 : memref<!tpu.dma_semaphore, #tpu.memory_space<semaphore_mem>>) src(%dma_wait3A_1002 : memref<10000x64xf32, #tpu.memory_space<hbm>>) dst(%dma_wait3A_992 : memref<80x64xf32, #tpu.memory_space<vmem>>)
      %mul3A_1003 = arith.constant 1 : i32
      %mul3A_1004 = arith.muli %add3A_985, %mul3A_1003 : i32
      %add3A_1005 = arith.constant 0 : i32
      %add3A_1006 = arith.addi %mul3A_1004, %add3A_1005 : i32
      %dma_start3A_1007 = arith.constant 0 : i32
      %dma_start3A_1008 = arith.constant 0 : i32
      %dma_start3A_1009 = tpu.memref_slice %arg10[%dma_start3A_1007, %dma_start3A_1008] : memref<80x64xf32, #tpu.memory_space<vmem>> -> memref<80x64xf32, #tpu.memory_space<vmem>>
      %dma_start3A_1010 = arith.constant 0 : i32
      %dma_start3A_1011 = tpu.memref_slice %arg6[%add3A_1006, %dma_start3A_1010] : memref<250x80xi32, #tpu.memory_space<vmem>> -> memref<1x80xi32, #tpu.memory_space<vmem>>
      %dma_start3A_1012 = tpu.memref_squeeze %dma_start3A_1011 : memref<1x80xi32, #tpu.memory_space<vmem>> -> memref<80xi32, #tpu.memory_space<vmem>>
      %dma_start3A_1013 = arith.constant 0 : i32
      %dma_start3A_1014 = arith.constant 0 : i32
      %dma_start3A_1015 = tpu.memref_slice %arg16[%dma_start3A_1013, %dma_start3A_1014] : memref<10000x64xf32, #tpu.memory_space<vmem_shared>> -> memref<10000x64xf32, #tpu.memory_space<vmem_shared>>
      tpu.enqueue_indirect_dma source(%dma_start3A_1009 : memref<80x64xf32, #tpu.memory_space<vmem>>) target(%dma_start3A_1015 : memref<10000x64xf32, #tpu.memory_space<vmem_shared>>) offsets(%dma_start3A_1012 : memref<80xi32, #tpu.memory_space<vmem>>) semaphore(%arg28 : memref<!tpu.dma_semaphore, #tpu.memory_space<semaphore_mem>>) {add = true}
      %sub3A_1016 = arith.constant 4 : i32
      %sub3A_1017 = arith.subi %add3A_985, %sub3A_1016 : i32
      %mul3A_1018 = arith.constant 1 : i32
      %mul3A_1019 = arith.muli %sub3A_1017, %mul3A_1018 : i32
      %add3A_1020 = arith.constant 0 : i32
      %add3A_1021 = arith.addi %mul3A_1019, %add3A_1020 : i32
      %dma_wait3A_1022 = arith.constant 0 : i32
      %dma_wait3A_1023 = arith.constant 0 : i32
      %dma_wait3A_1024 = tpu.memref_slice %arg14[%dma_wait3A_1022, %dma_wait3A_1023] : memref<80x64xf32, #tpu.memory_space<vmem>> -> memref<80x64xf32, #tpu.memory_space<vmem>>
      %dma_wait3A_1025 = arith.constant 0 : i32
      %dma_wait3A_1026 = tpu.memref_slice %arg6[%add3A_1021, %dma_wait3A_1025] : memref<250x80xi32, #tpu.memory_space<vmem>> -> memref<1x80xi32, #tpu.memory_space<vmem>>
      %dma_wait3A_1027 = tpu.memref_squeeze %dma_wait3A_1026 : memref<1x80xi32, #tpu.memory_space<vmem>> -> memref<80xi32, #tpu.memory_space<vmem>>
      %dma_wait3A_1028 = arith.constant 0 : i32
      %dma_wait3A_1029 = arith.constant 0 : i32
      %dma_wait3A_1030 = tpu.memref_slice %arg16[%dma_wait3A_1028, %dma_wait3A_1029] : memref<10000x64xf32, #tpu.memory_space<vmem_shared>> -> memref<10000x64xf32, #tpu.memory_space<vmem_shared>>
      tpu.wait_indirect_dma semaphore(%arg32 : memref<!tpu.dma_semaphore, #tpu.memory_space<semaphore_mem>>) src(%dma_wait3A_1024 : memref<80x64xf32, #tpu.memory_space<vmem>>) dst(%dma_wait3A_1030 : memref<10000x64xf32, #tpu.memory_space<vmem_shared>>)
      %add3A_1031 = arith.constant 4 : i32
      %add3A_1032 = arith.addi %add3A_985, %add3A_1031 : i32
      %mul3A_1033 = arith.constant 1 : i32
      %mul3A_1034 = arith.muli %add3A_1032, %mul3A_1033 : i32
      %add3A_1035 = arith.constant 0 : i32
      %add3A_1036 = arith.addi %mul3A_1034, %add3A_1035 : i32
      %dma_start3A_1037 = arith.constant 0 : i32
      %dma_start3A_1038 = arith.constant 0 : i32
      %dma_start3A_1039 = tpu.memref_slice %arg14[%dma_start3A_1037, %dma_start3A_1038] : memref<80x64xf32, #tpu.memory_space<vmem>> -> memref<80x64xf32, #tpu.memory_space<vmem>>
      %dma_start3A_1040 = arith.constant 0 : i32
      %dma_start3A_1041 = tpu.memref_slice %arg5[%add3A_1036, %dma_start3A_1040] : memref<250x80xi32, #tpu.memory_space<vmem>> -> memref<1x80xi32, #tpu.memory_space<vmem>>
      %dma_start3A_1042 = tpu.memref_squeeze %dma_start3A_1041 : memref<1x80xi32, #tpu.memory_space<vmem>> -> memref<80xi32, #tpu.memory_space<vmem>>
      %dma_start3A_1043 = arith.constant 0 : i32
      %dma_start3A_1044 = arith.constant 0 : i32
      %dma_start3A_1045 = tpu.memref_slice %arg2[%arg0, %dma_start3A_1043, %dma_start3A_1044] : memref<2x10000x64xf32, #tpu.memory_space<hbm>> -> memref<1x10000x64xf32, #tpu.memory_space<hbm>>
      %dma_start3A_1046 = tpu.memref_squeeze %dma_start3A_1045 : memref<1x10000x64xf32, #tpu.memory_space<hbm>> -> memref<10000x64xf32, #tpu.memory_space<hbm>>
      %dma_start3A_1047 = arith.constant 0 : i32
      %dma_start3A_1048 = arith.constant 0 : i32
      %dma_start3A_1049 = tpu.memref_slice %dma_start3A_1046[%dma_start3A_1047, %dma_start3A_1048] : memref<10000x64xf32, #tpu.memory_space<hbm>> -> memref<10000x64xf32, #tpu.memory_space<hbm>>
      tpu.enqueue_indirect_dma source(%dma_start3A_1049 : memref<10000x64xf32, #tpu.memory_space<hbm>>) target(%dma_start3A_1039 : memref<80x64xf32, #tpu.memory_space<vmem>>) offsets(%dma_start3A_1042 : memref<80xi32, #tpu.memory_space<vmem>>) semaphore(%arg24 : memref<!tpu.dma_semaphore, #tpu.memory_space<semaphore_mem>>)
    }
    %scan3A_236 = arith.constant 30 : i32
    %dma_wait3A_237 = arith.constant 244 : i32
    %dma_wait3A_238 = arith.constant 0 : i32
    %dma_wait3A_239 = arith.constant 0 : i32
    %dma_wait3A_240 = tpu.memref_slice %arg11[%dma_wait3A_238, %dma_wait3A_239] : memref<80x64xf32, #tpu.memory_space<vmem>> -> memref<80x64xf32, #tpu.memory_space<vmem>>
    %dma_wait3A_241 = arith.constant 0 : i32
    %dma_wait3A_242 = tpu.memref_slice %arg5[%dma_wait3A_237, %dma_wait3A_241] : memref<250x80xi32, #tpu.memory_space<vmem>> -> memref<1x80xi32, #tpu.memory_space<vmem>>
    %dma_wait3A_243 = tpu.memref_squeeze %dma_wait3A_242 : memref<1x80xi32, #tpu.memory_space<vmem>> -> memref<80xi32, #tpu.memory_space<vmem>>
    %dma_wait3A_244 = arith.constant 0 : i32
    %dma_wait3A_245 = arith.constant 0 : i32
    %dma_wait3A_246 = tpu.memref_slice %arg2[%arg0, %dma_wait3A_244, %dma_wait3A_245] : memref<2x10000x64xf32, #tpu.memory_space<hbm>> -> memref<1x10000x64xf32, #tpu.memory_space<hbm>>
    %dma_wait3A_247 = tpu.memref_squeeze %dma_wait3A_246 : memref<1x10000x64xf32, #tpu.memory_space<hbm>> -> memref<10000x64xf32, #tpu.memory_space<hbm>>
    %dma_wait3A_248 = arith.constant 0 : i32
    %dma_wait3A_249 = arith.constant 0 : i32
    %dma_wait3A_250 = tpu.memref_slice %dma_wait3A_247[%dma_wait3A_248, %dma_wait3A_249] : memref<10000x64xf32, #tpu.memory_space<hbm>> -> memref<10000x64xf32, #tpu.memory_space<hbm>>
    tpu.wait_indirect_dma semaphore(%arg21 : memref<!tpu.dma_semaphore, #tpu.memory_space<semaphore_mem>>) src(%dma_wait3A_250 : memref<10000x64xf32, #tpu.memory_space<hbm>>) dst(%dma_wait3A_240 : memref<80x64xf32, #tpu.memory_space<vmem>>)
    %dma_start3A_251 = arith.constant 244 : i32
    %dma_start3A_252 = arith.constant 0 : i32
    %dma_start3A_253 = arith.constant 0 : i32
    %dma_start3A_254 = tpu.memref_slice %arg11[%dma_start3A_252, %dma_start3A_253] : memref<80x64xf32, #tpu.memory_space<vmem>> -> memref<80x64xf32, #tpu.memory_space<vmem>>
    %dma_start3A_255 = arith.constant 0 : i32
    %dma_start3A_256 = tpu.memref_slice %arg6[%dma_start3A_251, %dma_start3A_255] : memref<250x80xi32, #tpu.memory_space<vmem>> -> memref<1x80xi32, #tpu.memory_space<vmem>>
    %dma_start3A_257 = tpu.memref_squeeze %dma_start3A_256 : memref<1x80xi32, #tpu.memory_space<vmem>> -> memref<80xi32, #tpu.memory_space<vmem>>
    %dma_start3A_258 = arith.constant 0 : i32
    %dma_start3A_259 = arith.constant 0 : i32
    %dma_start3A_260 = tpu.memref_slice %arg16[%dma_start3A_258, %dma_start3A_259] : memref<10000x64xf32, #tpu.memory_space<vmem_shared>> -> memref<10000x64xf32, #tpu.memory_space<vmem_shared>>
    tpu.enqueue_indirect_dma source(%dma_start3A_254 : memref<80x64xf32, #tpu.memory_space<vmem>>) target(%dma_start3A_260 : memref<10000x64xf32, #tpu.memory_space<vmem_shared>>) offsets(%dma_start3A_257 : memref<80xi32, #tpu.memory_space<vmem>>) semaphore(%arg29 : memref<!tpu.dma_semaphore, #tpu.memory_space<semaphore_mem>>) {add = true}
    %dma_wait3A_261 = arith.constant 240 : i32
    %dma_wait3A_262 = arith.constant 0 : i32
    %dma_wait3A_263 = arith.constant 0 : i32
    %dma_wait3A_264 = tpu.memref_slice %arg7[%dma_wait3A_262, %dma_wait3A_263] : memref<80x64xf32, #tpu.memory_space<vmem>> -> memref<80x64xf32, #tpu.memory_space<vmem>>
    %dma_wait3A_265 = arith.constant 0 : i32
    %dma_wait3A_266 = tpu.memref_slice %arg6[%dma_wait3A_261, %dma_wait3A_265] : memref<250x80xi32, #tpu.memory_space<vmem>> -> memref<1x80xi32, #tpu.memory_space<vmem>>
    %dma_wait3A_267 = tpu.memref_squeeze %dma_wait3A_266 : memref<1x80xi32, #tpu.memory_space<vmem>> -> memref<80xi32, #tpu.memory_space<vmem>>
    %dma_wait3A_268 = arith.constant 0 : i32
    %dma_wait3A_269 = arith.constant 0 : i32
    %dma_wait3A_270 = tpu.memref_slice %arg16[%dma_wait3A_268, %dma_wait3A_269] : memref<10000x64xf32, #tpu.memory_space<vmem_shared>> -> memref<10000x64xf32, #tpu.memory_space<vmem_shared>>
    tpu.wait_indirect_dma semaphore(%arg25 : memref<!tpu.dma_semaphore, #tpu.memory_space<semaphore_mem>>) src(%dma_wait3A_264 : memref<80x64xf32, #tpu.memory_space<vmem>>) dst(%dma_wait3A_270 : memref<10000x64xf32, #tpu.memory_space<vmem_shared>>)
    %dma_start3A_271 = arith.constant 248 : i32
    %dma_start3A_272 = arith.constant 0 : i32
    %dma_start3A_273 = arith.constant 0 : i32
    %dma_start3A_274 = tpu.memref_slice %arg7[%dma_start3A_272, %dma_start3A_273] : memref<80x64xf32, #tpu.memory_space<vmem>> -> memref<80x64xf32, #tpu.memory_space<vmem>>
    %dma_start3A_275 = arith.constant 0 : i32
    %dma_start3A_276 = tpu.memref_slice %arg5[%dma_start3A_271, %dma_start3A_275] : memref<250x80xi32, #tpu.memory_space<vmem>> -> memref<1x80xi32, #tpu.memory_space<vmem>>
    %dma_start3A_277 = tpu.memref_squeeze %dma_start3A_276 : memref<1x80xi32, #tpu.memory_space<vmem>> -> memref<80xi32, #tpu.memory_space<vmem>>
    %dma_start3A_278 = arith.constant 0 : i32
    %dma_start3A_279 = arith.constant 0 : i32
    %dma_start3A_280 = tpu.memref_slice %arg2[%arg0, %dma_start3A_278, %dma_start3A_279] : memref<2x10000x64xf32, #tpu.memory_space<hbm>> -> memref<1x10000x64xf32, #tpu.memory_space<hbm>>
    %dma_start3A_281 = tpu.memref_squeeze %dma_start3A_280 : memref<1x10000x64xf32, #tpu.memory_space<hbm>> -> memref<10000x64xf32, #tpu.memory_space<hbm>>
    %dma_start3A_282 = arith.constant 0 : i32
    %dma_start3A_283 = arith.constant 0 : i32
    %dma_start3A_284 = tpu.memref_slice %dma_start3A_281[%dma_start3A_282, %dma_start3A_283] : memref<10000x64xf32, #tpu.memory_space<hbm>> -> memref<10000x64xf32, #tpu.memory_space<hbm>>
    tpu.enqueue_indirect_dma source(%dma_start3A_284 : memref<10000x64xf32, #tpu.memory_space<hbm>>) target(%dma_start3A_274 : memref<80x64xf32, #tpu.memory_space<vmem>>) offsets(%dma_start3A_277 : memref<80xi32, #tpu.memory_space<vmem>>) semaphore(%arg17 : memref<!tpu.dma_semaphore, #tpu.memory_space<semaphore_mem>>)
    %dma_wait3A_285 = arith.constant 245 : i32
    %dma_wait3A_286 = arith.constant 0 : i32
    %dma_wait3A_287 = arith.constant 0 : i32
    %dma_wait3A_288 = tpu.memref_slice %arg12[%dma_wait3A_286, %dma_wait3A_287] : memref<80x64xf32, #tpu.memory_space<vmem>> -> memref<80x64xf32, #tpu.memory_space<vmem>>
    %dma_wait3A_289 = arith.constant 0 : i32
    %dma_wait3A_290 = tpu.memref_slice %arg5[%dma_wait3A_285, %dma_wait3A_289] : memref<250x80xi32, #tpu.memory_space<vmem>> -> memref<1x80xi32, #tpu.memory_space<vmem>>
    %dma_wait3A_291 = tpu.memref_squeeze %dma_wait3A_290 : memref<1x80xi32, #tpu.memory_space<vmem>> -> memref<80xi32, #tpu.memory_space<vmem>>
    %dma_wait3A_292 = arith.constant 0 : i32
    %dma_wait3A_293 = arith.constant 0 : i32
    %dma_wait3A_294 = tpu.memref_slice %arg2[%arg0, %dma_wait3A_292, %dma_wait3A_293] : memref<2x10000x64xf32, #tpu.memory_space<hbm>> -> memref<1x10000x64xf32, #tpu.memory_space<hbm>>
    %dma_wait3A_295 = tpu.memref_squeeze %dma_wait3A_294 : memref<1x10000x64xf32, #tpu.memory_space<hbm>> -> memref<10000x64xf32, #tpu.memory_space<hbm>>
    %dma_wait3A_296 = arith.constant 0 : i32
    %dma_wait3A_297 = arith.constant 0 : i32
    %dma_wait3A_298 = tpu.memref_slice %dma_wait3A_295[%dma_wait3A_296, %dma_wait3A_297] : memref<10000x64xf32, #tpu.memory_space<hbm>> -> memref<10000x64xf32, #tpu.memory_space<hbm>>
    tpu.wait_indirect_dma semaphore(%arg22 : memref<!tpu.dma_semaphore, #tpu.memory_space<semaphore_mem>>) src(%dma_wait3A_298 : memref<10000x64xf32, #tpu.memory_space<hbm>>) dst(%dma_wait3A_288 : memref<80x64xf32, #tpu.memory_space<vmem>>)
    %dma_start3A_299 = arith.constant 245 : i32
    %dma_start3A_300 = arith.constant 0 : i32
    %dma_start3A_301 = arith.constant 0 : i32
    %dma_start3A_302 = tpu.memref_slice %arg12[%dma_start3A_300, %dma_start3A_301] : memref<80x64xf32, #tpu.memory_space<vmem>> -> memref<80x64xf32, #tpu.memory_space<vmem>>
    %dma_start3A_303 = arith.constant 0 : i32
    %dma_start3A_304 = tpu.memref_slice %arg6[%dma_start3A_299, %dma_start3A_303] : memref<250x80xi32, #tpu.memory_space<vmem>> -> memref<1x80xi32, #tpu.memory_space<vmem>>
    %dma_start3A_305 = tpu.memref_squeeze %dma_start3A_304 : memref<1x80xi32, #tpu.memory_space<vmem>> -> memref<80xi32, #tpu.memory_space<vmem>>
    %dma_start3A_306 = arith.constant 0 : i32
    %dma_start3A_307 = arith.constant 0 : i32
    %dma_start3A_308 = tpu.memref_slice %arg16[%dma_start3A_306, %dma_start3A_307] : memref<10000x64xf32, #tpu.memory_space<vmem_shared>> -> memref<10000x64xf32, #tpu.memory_space<vmem_shared>>
    tpu.enqueue_indirect_dma source(%dma_start3A_302 : memref<80x64xf32, #tpu.memory_space<vmem>>) target(%dma_start3A_308 : memref<10000x64xf32, #tpu.memory_space<vmem_shared>>) offsets(%dma_start3A_305 : memref<80xi32, #tpu.memory_space<vmem>>) semaphore(%arg30 : memref<!tpu.dma_semaphore, #tpu.memory_space<semaphore_mem>>) {add = true}
    %dma_wait3A_309 = arith.constant 241 : i32
    %dma_wait3A_310 = arith.constant 0 : i32
    %dma_wait3A_311 = arith.constant 0 : i32
    %dma_wait3A_312 = tpu.memref_slice %arg8[%dma_wait3A_310, %dma_wait3A_311] : memref<80x64xf32, #tpu.memory_space<vmem>> -> memref<80x64xf32, #tpu.memory_space<vmem>>
    %dma_wait3A_313 = arith.constant 0 : i32
    %dma_wait3A_314 = tpu.memref_slice %arg6[%dma_wait3A_309, %dma_wait3A_313] : memref<250x80xi32, #tpu.memory_space<vmem>> -> memref<1x80xi32, #tpu.memory_space<vmem>>
    %dma_wait3A_315 = tpu.memref_squeeze %dma_wait3A_314 : memref<1x80xi32, #tpu.memory_space<vmem>> -> memref<80xi32, #tpu.memory_space<vmem>>
    %dma_wait3A_316 = arith.constant 0 : i32
    %dma_wait3A_317 = arith.constant 0 : i32
    %dma_wait3A_318 = tpu.memref_slice %arg16[%dma_wait3A_316, %dma_wait3A_317] : memref<10000x64xf32, #tpu.memory_space<vmem_shared>> -> memref<10000x64xf32, #tpu.memory_space<vmem_shared>>
    tpu.wait_indirect_dma semaphore(%arg26 : memref<!tpu.dma_semaphore, #tpu.memory_space<semaphore_mem>>) src(%dma_wait3A_312 : memref<80x64xf32, #tpu.memory_space<vmem>>) dst(%dma_wait3A_318 : memref<10000x64xf32, #tpu.memory_space<vmem_shared>>)
    %dma_start3A_319 = arith.constant 249 : i32
    %dma_start3A_320 = arith.constant 0 : i32
    %dma_start3A_321 = arith.constant 0 : i32
    %dma_start3A_322 = tpu.memref_slice %arg8[%dma_start3A_320, %dma_start3A_321] : memref<80x64xf32, #tpu.memory_space<vmem>> -> memref<80x64xf32, #tpu.memory_space<vmem>>
    %dma_start3A_323 = arith.constant 0 : i32
    %dma_start3A_324 = tpu.memref_slice %arg5[%dma_start3A_319, %dma_start3A_323] : memref<250x80xi32, #tpu.memory_space<vmem>> -> memref<1x80xi32, #tpu.memory_space<vmem>>
    %dma_start3A_325 = tpu.memref_squeeze %dma_start3A_324 : memref<1x80xi32, #tpu.memory_space<vmem>> -> memref<80xi32, #tpu.memory_space<vmem>>
    %dma_start3A_326 = arith.constant 0 : i32
    %dma_start3A_327 = arith.constant 0 : i32
    %dma_start3A_328 = tpu.memref_slice %arg2[%arg0, %dma_start3A_326, %dma_start3A_327] : memref<2x10000x64xf32, #tpu.memory_space<hbm>> -> memref<1x10000x64xf32, #tpu.memory_space<hbm>>
    %dma_start3A_329 = tpu.memref_squeeze %dma_start3A_328 : memref<1x10000x64xf32, #tpu.memory_space<hbm>> -> memref<10000x64xf32, #tpu.memory_space<hbm>>
    %dma_start3A_330 = arith.constant 0 : i32
    %dma_start3A_331 = arith.constant 0 : i32
    %dma_start3A_332 = tpu.memref_slice %dma_start3A_329[%dma_start3A_330, %dma_start3A_331] : memref<10000x64xf32, #tpu.memory_space<hbm>> -> memref<10000x64xf32, #tpu.memory_space<hbm>>
    tpu.enqueue_indirect_dma source(%dma_start3A_332 : memref<10000x64xf32, #tpu.memory_space<hbm>>) target(%dma_start3A_322 : memref<80x64xf32, #tpu.memory_space<vmem>>) offsets(%dma_start3A_325 : memref<80xi32, #tpu.memory_space<vmem>>) semaphore(%arg18 : memref<!tpu.dma_semaphore, #tpu.memory_space<semaphore_mem>>)
    %dma_wait3A_333 = arith.constant 246 : i32
    %dma_wait3A_334 = arith.constant 0 : i32
    %dma_wait3A_335 = arith.constant 0 : i32
    %dma_wait3A_336 = tpu.memref_slice %arg13[%dma_wait3A_334, %dma_wait3A_335] : memref<80x64xf32, #tpu.memory_space<vmem>> -> memref<80x64xf32, #tpu.memory_space<vmem>>
    %dma_wait3A_337 = arith.constant 0 : i32
    %dma_wait3A_338 = tpu.memref_slice %arg5[%dma_wait3A_333, %dma_wait3A_337] : memref<250x80xi32, #tpu.memory_space<vmem>> -> memref<1x80xi32, #tpu.memory_space<vmem>>
    %dma_wait3A_339 = tpu.memref_squeeze %dma_wait3A_338 : memref<1x80xi32, #tpu.memory_space<vmem>> -> memref<80xi32, #tpu.memory_space<vmem>>
    %dma_wait3A_340 = arith.constant 0 : i32
    %dma_wait3A_341 = arith.constant 0 : i32
    %dma_wait3A_342 = tpu.memref_slice %arg2[%arg0, %dma_wait3A_340, %dma_wait3A_341] : memref<2x10000x64xf32, #tpu.memory_space<hbm>> -> memref<1x10000x64xf32, #tpu.memory_space<hbm>>
    %dma_wait3A_343 = tpu.memref_squeeze %dma_wait3A_342 : memref<1x10000x64xf32, #tpu.memory_space<hbm>> -> memref<10000x64xf32, #tpu.memory_space<hbm>>
    %dma_wait3A_344 = arith.constant 0 : i32
    %dma_wait3A_345 = arith.constant 0 : i32
    %dma_wait3A_346 = tpu.memref_slice %dma_wait3A_343[%dma_wait3A_344, %dma_wait3A_345] : memref<10000x64xf32, #tpu.memory_space<hbm>> -> memref<10000x64xf32, #tpu.memory_space<hbm>>
    tpu.wait_indirect_dma semaphore(%arg23 : memref<!tpu.dma_semaphore, #tpu.memory_space<semaphore_mem>>) src(%dma_wait3A_346 : memref<10000x64xf32, #tpu.memory_space<hbm>>) dst(%dma_wait3A_336 : memref<80x64xf32, #tpu.memory_space<vmem>>)
    %dma_start3A_347 = arith.constant 246 : i32
    %dma_start3A_348 = arith.constant 0 : i32
    %dma_start3A_349 = arith.constant 0 : i32
    %dma_start3A_350 = tpu.memref_slice %arg13[%dma_start3A_348, %dma_start3A_349] : memref<80x64xf32, #tpu.memory_space<vmem>> -> memref<80x64xf32, #tpu.memory_space<vmem>>
    %dma_start3A_351 = arith.constant 0 : i32
    %dma_start3A_352 = tpu.memref_slice %arg6[%dma_start3A_347, %dma_start3A_351] : memref<250x80xi32, #tpu.memory_space<vmem>> -> memref<1x80xi32, #tpu.memory_space<vmem>>
    %dma_start3A_353 = tpu.memref_squeeze %dma_start3A_352 : memref<1x80xi32, #tpu.memory_space<vmem>> -> memref<80xi32, #tpu.memory_space<vmem>>
    %dma_start3A_354 = arith.constant 0 : i32
    %dma_start3A_355 = arith.constant 0 : i32
    %dma_start3A_356 = tpu.memref_slice %arg16[%dma_start3A_354, %dma_start3A_355] : memref<10000x64xf32, #tpu.memory_space<vmem_shared>> -> memref<10000x64xf32, #tpu.memory_space<vmem_shared>>
    tpu.enqueue_indirect_dma source(%dma_start3A_350 : memref<80x64xf32, #tpu.memory_space<vmem>>) target(%dma_start3A_356 : memref<10000x64xf32, #tpu.memory_space<vmem_shared>>) offsets(%dma_start3A_353 : memref<80xi32, #tpu.memory_space<vmem>>) semaphore(%arg31 : memref<!tpu.dma_semaphore, #tpu.memory_space<semaphore_mem>>) {add = true}
    %dma_wait3A_357 = arith.constant 247 : i32
    %dma_wait3A_358 = arith.constant 0 : i32
    %dma_wait3A_359 = arith.constant 0 : i32
    %dma_wait3A_360 = tpu.memref_slice %arg14[%dma_wait3A_358, %dma_wait3A_359] : memref<80x64xf32, #tpu.memory_space<vmem>> -> memref<80x64xf32, #tpu.memory_space<vmem>>
    %dma_wait3A_361 = arith.constant 0 : i32
    %dma_wait3A_362 = tpu.memref_slice %arg5[%dma_wait3A_357, %dma_wait3A_361] : memref<250x80xi32, #tpu.memory_space<vmem>> -> memref<1x80xi32, #tpu.memory_space<vmem>>
    %dma_wait3A_363 = tpu.memref_squeeze %dma_wait3A_362 : memref<1x80xi32, #tpu.memory_space<vmem>> -> memref<80xi32, #tpu.memory_space<vmem>>
    %dma_wait3A_364 = arith.constant 0 : i32
    %dma_wait3A_365 = arith.constant 0 : i32
    %dma_wait3A_366 = tpu.memref_slice %arg2[%arg0, %dma_wait3A_364, %dma_wait3A_365] : memref<2x10000x64xf32, #tpu.memory_space<hbm>> -> memref<1x10000x64xf32, #tpu.memory_space<hbm>>
    %dma_wait3A_367 = tpu.memref_squeeze %dma_wait3A_366 : memref<1x10000x64xf32, #tpu.memory_space<hbm>> -> memref<10000x64xf32, #tpu.memory_space<hbm>>
    %dma_wait3A_368 = arith.constant 0 : i32
    %dma_wait3A_369 = arith.constant 0 : i32
    %dma_wait3A_370 = tpu.memref_slice %dma_wait3A_367[%dma_wait3A_368, %dma_wait3A_369] : memref<10000x64xf32, #tpu.memory_space<hbm>> -> memref<10000x64xf32, #tpu.memory_space<hbm>>
    tpu.wait_indirect_dma semaphore(%arg24 : memref<!tpu.dma_semaphore, #tpu.memory_space<semaphore_mem>>) src(%dma_wait3A_370 : memref<10000x64xf32, #tpu.memory_space<hbm>>) dst(%dma_wait3A_360 : memref<80x64xf32, #tpu.memory_space<vmem>>)
    %dma_start3A_371 = arith.constant 247 : i32
    %dma_start3A_372 = arith.constant 0 : i32
    %dma_start3A_373 = arith.constant 0 : i32
    %dma_start3A_374 = tpu.memref_slice %arg14[%dma_start3A_372, %dma_start3A_373] : memref<80x64xf32, #tpu.memory_space<vmem>> -> memref<80x64xf32, #tpu.memory_space<vmem>>
    %dma_start3A_375 = arith.constant 0 : i32
    %dma_start3A_376 = tpu.memref_slice %arg6[%dma_start3A_371, %dma_start3A_375] : memref<250x80xi32, #tpu.memory_space<vmem>> -> memref<1x80xi32, #tpu.memory_space<vmem>>
    %dma_start3A_377 = tpu.memref_squeeze %dma_start3A_376 : memref<1x80xi32, #tpu.memory_space<vmem>> -> memref<80xi32, #tpu.memory_space<vmem>>
    %dma_start3A_378 = arith.constant 0 : i32
    %dma_start3A_379 = arith.constant 0 : i32
    %dma_start3A_380 = tpu.memref_slice %arg16[%dma_start3A_378, %dma_start3A_379] : memref<10000x64xf32, #tpu.memory_space<vmem_shared>> -> memref<10000x64xf32, #tpu.memory_space<vmem_shared>>
    tpu.enqueue_indirect_dma source(%dma_start3A_374 : memref<80x64xf32, #tpu.memory_space<vmem>>) target(%dma_start3A_380 : memref<10000x64xf32, #tpu.memory_space<vmem_shared>>) offsets(%dma_start3A_377 : memref<80xi32, #tpu.memory_space<vmem>>) semaphore(%arg32 : memref<!tpu.dma_semaphore, #tpu.memory_space<semaphore_mem>>) {add = true}
    %dma_wait3A_381 = arith.constant 248 : i32
    %dma_wait3A_382 = arith.constant 0 : i32
    %dma_wait3A_383 = arith.constant 0 : i32
    %dma_wait3A_384 = tpu.memref_slice %arg7[%dma_wait3A_382, %dma_wait3A_383] : memref<80x64xf32, #tpu.memory_space<vmem>> -> memref<80x64xf32, #tpu.memory_space<vmem>>
    %dma_wait3A_385 = arith.constant 0 : i32
    %dma_wait3A_386 = tpu.memref_slice %arg5[%dma_wait3A_381, %dma_wait3A_385] : memref<250x80xi32, #tpu.memory_space<vmem>> -> memref<1x80xi32, #tpu.memory_space<vmem>>
    %dma_wait3A_387 = tpu.memref_squeeze %dma_wait3A_386 : memref<1x80xi32, #tpu.memory_space<vmem>> -> memref<80xi32, #tpu.memory_space<vmem>>
    %dma_wait3A_388 = arith.constant 0 : i32
    %dma_wait3A_389 = arith.constant 0 : i32
    %dma_wait3A_390 = tpu.memref_slice %arg2[%arg0, %dma_wait3A_388, %dma_wait3A_389] : memref<2x10000x64xf32, #tpu.memory_space<hbm>> -> memref<1x10000x64xf32, #tpu.memory_space<hbm>>
    %dma_wait3A_391 = tpu.memref_squeeze %dma_wait3A_390 : memref<1x10000x64xf32, #tpu.memory_space<hbm>> -> memref<10000x64xf32, #tpu.memory_space<hbm>>
    %dma_wait3A_392 = arith.constant 0 : i32
    %dma_wait3A_393 = arith.constant 0 : i32
    %dma_wait3A_394 = tpu.memref_slice %dma_wait3A_391[%dma_wait3A_392, %dma_wait3A_393] : memref<10000x64xf32, #tpu.memory_space<hbm>> -> memref<10000x64xf32, #tpu.memory_space<hbm>>
    tpu.wait_indirect_dma semaphore(%arg17 : memref<!tpu.dma_semaphore, #tpu.memory_space<semaphore_mem>>) src(%dma_wait3A_394 : memref<10000x64xf32, #tpu.memory_space<hbm>>) dst(%dma_wait3A_384 : memref<80x64xf32, #tpu.memory_space<vmem>>)
    %dma_start3A_395 = arith.constant 248 : i32
    %dma_start3A_396 = arith.constant 0 : i32
    %dma_start3A_397 = arith.constant 0 : i32
    %dma_start3A_398 = tpu.memref_slice %arg7[%dma_start3A_396, %dma_start3A_397] : memref<80x64xf32, #tpu.memory_space<vmem>> -> memref<80x64xf32, #tpu.memory_space<vmem>>
    %dma_start3A_399 = arith.constant 0 : i32
    %dma_start3A_400 = tpu.memref_slice %arg6[%dma_start3A_395, %dma_start3A_399] : memref<250x80xi32, #tpu.memory_space<vmem>> -> memref<1x80xi32, #tpu.memory_space<vmem>>
    %dma_start3A_401 = tpu.memref_squeeze %dma_start3A_400 : memref<1x80xi32, #tpu.memory_space<vmem>> -> memref<80xi32, #tpu.memory_space<vmem>>
    %dma_start3A_402 = arith.constant 0 : i32
    %dma_start3A_403 = arith.constant 0 : i32
    %dma_start3A_404 = tpu.memref_slice %arg16[%dma_start3A_402, %dma_start3A_403] : memref<10000x64xf32, #tpu.memory_space<vmem_shared>> -> memref<10000x64xf32, #tpu.memory_space<vmem_shared>>
    tpu.enqueue_indirect_dma source(%dma_start3A_398 : memref<80x64xf32, #tpu.memory_space<vmem>>) target(%dma_start3A_404 : memref<10000x64xf32, #tpu.memory_space<vmem_shared>>) offsets(%dma_start3A_401 : memref<80xi32, #tpu.memory_space<vmem>>) semaphore(%arg25 : memref<!tpu.dma_semaphore, #tpu.memory_space<semaphore_mem>>) {add = true}
    %dma_wait3A_405 = arith.constant 249 : i32
    %dma_wait3A_406 = arith.constant 0 : i32
    %dma_wait3A_407 = arith.constant 0 : i32
    %dma_wait3A_408 = tpu.memref_slice %arg8[%dma_wait3A_406, %dma_wait3A_407] : memref<80x64xf32, #tpu.memory_space<vmem>> -> memref<80x64xf32, #tpu.memory_space<vmem>>
    %dma_wait3A_409 = arith.constant 0 : i32
    %dma_wait3A_410 = tpu.memref_slice %arg5[%dma_wait3A_405, %dma_wait3A_409] : memref<250x80xi32, #tpu.memory_space<vmem>> -> memref<1x80xi32, #tpu.memory_space<vmem>>
    %dma_wait3A_411 = tpu.memref_squeeze %dma_wait3A_410 : memref<1x80xi32, #tpu.memory_space<vmem>> -> memref<80xi32, #tpu.memory_space<vmem>>
    %dma_wait3A_412 = arith.constant 0 : i32
    %dma_wait3A_413 = arith.constant 0 : i32
    %dma_wait3A_414 = tpu.memref_slice %arg2[%arg0, %dma_wait3A_412, %dma_wait3A_413] : memref<2x10000x64xf32, #tpu.memory_space<hbm>> -> memref<1x10000x64xf32, #tpu.memory_space<hbm>>
    %dma_wait3A_415 = tpu.memref_squeeze %dma_wait3A_414 : memref<1x10000x64xf32, #tpu.memory_space<hbm>> -> memref<10000x64xf32, #tpu.memory_space<hbm>>
    %dma_wait3A_416 = arith.constant 0 : i32
    %dma_wait3A_417 = arith.constant 0 : i32
    %dma_wait3A_418 = tpu.memref_slice %dma_wait3A_415[%dma_wait3A_416, %dma_wait3A_417] : memref<10000x64xf32, #tpu.memory_space<hbm>> -> memref<10000x64xf32, #tpu.memory_space<hbm>>
    tpu.wait_indirect_dma semaphore(%arg18 : memref<!tpu.dma_semaphore, #tpu.memory_space<semaphore_mem>>) src(%dma_wait3A_418 : memref<10000x64xf32, #tpu.memory_space<hbm>>) dst(%dma_wait3A_408 : memref<80x64xf32, #tpu.memory_space<vmem>>)
    %dma_start3A_419 = arith.constant 249 : i32
    %dma_start3A_420 = arith.constant 0 : i32
    %dma_start3A_421 = arith.constant 0 : i32
    %dma_start3A_422 = tpu.memref_slice %arg8[%dma_start3A_420, %dma_start3A_421] : memref<80x64xf32, #tpu.memory_space<vmem>> -> memref<80x64xf32, #tpu.memory_space<vmem>>
    %dma_start3A_423 = arith.constant 0 : i32
    %dma_start3A_424 = tpu.memref_slice %arg6[%dma_start3A_419, %dma_start3A_423] : memref<250x80xi32, #tpu.memory_space<vmem>> -> memref<1x80xi32, #tpu.memory_space<vmem>>
    %dma_start3A_425 = tpu.memref_squeeze %dma_start3A_424 : memref<1x80xi32, #tpu.memory_space<vmem>> -> memref<80xi32, #tpu.memory_space<vmem>>
    %dma_start3A_426 = arith.constant 0 : i32
    %dma_start3A_427 = arith.constant 0 : i32
    %dma_start3A_428 = tpu.memref_slice %arg16[%dma_start3A_426, %dma_start3A_427] : memref<10000x64xf32, #tpu.memory_space<vmem_shared>> -> memref<10000x64xf32, #tpu.memory_space<vmem_shared>>
    tpu.enqueue_indirect_dma source(%dma_start3A_422 : memref<80x64xf32, #tpu.memory_space<vmem>>) target(%dma_start3A_428 : memref<10000x64xf32, #tpu.memory_space<vmem_shared>>) offsets(%dma_start3A_425 : memref<80xi32, #tpu.memory_space<vmem>>) semaphore(%arg26 : memref<!tpu.dma_semaphore, #tpu.memory_space<semaphore_mem>>) {add = true}
    %dma_wait3A_429 = arith.constant 242 : i32
    %dma_wait3A_430 = arith.constant 0 : i32
    %dma_wait3A_431 = arith.constant 0 : i32
    %dma_wait3A_432 = tpu.memref_slice %arg9[%dma_wait3A_430, %dma_wait3A_431] : memref<80x64xf32, #tpu.memory_space<vmem>> -> memref<80x64xf32, #tpu.memory_space<vmem>>
    %dma_wait3A_433 = arith.constant 0 : i32
    %dma_wait3A_434 = tpu.memref_slice %arg6[%dma_wait3A_429, %dma_wait3A_433] : memref<250x80xi32, #tpu.memory_space<vmem>> -> memref<1x80xi32, #tpu.memory_space<vmem>>
    %dma_wait3A_435 = tpu.memref_squeeze %dma_wait3A_434 : memref<1x80xi32, #tpu.memory_space<vmem>> -> memref<80xi32, #tpu.memory_space<vmem>>
    %dma_wait3A_436 = arith.constant 0 : i32
    %dma_wait3A_437 = arith.constant 0 : i32
    %dma_wait3A_438 = tpu.memref_slice %arg16[%dma_wait3A_436, %dma_wait3A_437] : memref<10000x64xf32, #tpu.memory_space<vmem_shared>> -> memref<10000x64xf32, #tpu.memory_space<vmem_shared>>
    tpu.wait_indirect_dma semaphore(%arg27 : memref<!tpu.dma_semaphore, #tpu.memory_space<semaphore_mem>>) src(%dma_wait3A_432 : memref<80x64xf32, #tpu.memory_space<vmem>>) dst(%dma_wait3A_438 : memref<10000x64xf32, #tpu.memory_space<vmem_shared>>)
    %dma_wait3A_439 = arith.constant 243 : i32
    %dma_wait3A_440 = arith.constant 0 : i32
    %dma_wait3A_441 = arith.constant 0 : i32
    %dma_wait3A_442 = tpu.memref_slice %arg10[%dma_wait3A_440, %dma_wait3A_441] : memref<80x64xf32, #tpu.memory_space<vmem>> -> memref<80x64xf32, #tpu.memory_space<vmem>>
    %dma_wait3A_443 = arith.constant 0 : i32
    %dma_wait3A_444 = tpu.memref_slice %arg6[%dma_wait3A_439, %dma_wait3A_443] : memref<250x80xi32, #tpu.memory_space<vmem>> -> memref<1x80xi32, #tpu.memory_space<vmem>>
    %dma_wait3A_445 = tpu.memref_squeeze %dma_wait3A_444 : memref<1x80xi32, #tpu.memory_space<vmem>> -> memref<80xi32, #tpu.memory_space<vmem>>
    %dma_wait3A_446 = arith.constant 0 : i32
    %dma_wait3A_447 = arith.constant 0 : i32
    %dma_wait3A_448 = tpu.memref_slice %arg16[%dma_wait3A_446, %dma_wait3A_447] : memref<10000x64xf32, #tpu.memory_space<vmem_shared>> -> memref<10000x64xf32, #tpu.memory_space<vmem_shared>>
    tpu.wait_indirect_dma semaphore(%arg28 : memref<!tpu.dma_semaphore, #tpu.memory_space<semaphore_mem>>) src(%dma_wait3A_442 : memref<80x64xf32, #tpu.memory_space<vmem>>) dst(%dma_wait3A_448 : memref<10000x64xf32, #tpu.memory_space<vmem_shared>>)
    %dma_wait3A_449 = arith.constant 244 : i32
    %dma_wait3A_450 = arith.constant 0 : i32
    %dma_wait3A_451 = arith.constant 0 : i32
    %dma_wait3A_452 = tpu.memref_slice %arg11[%dma_wait3A_450, %dma_wait3A_451] : memref<80x64xf32, #tpu.memory_space<vmem>> -> memref<80x64xf32, #tpu.memory_space<vmem>>
    %dma_wait3A_453 = arith.constant 0 : i32
    %dma_wait3A_454 = tpu.memref_slice %arg6[%dma_wait3A_449, %dma_wait3A_453] : memref<250x80xi32, #tpu.memory_space<vmem>> -> memref<1x80xi32, #tpu.memory_space<vmem>>
    %dma_wait3A_455 = tpu.memref_squeeze %dma_wait3A_454 : memref<1x80xi32, #tpu.memory_space<vmem>> -> memref<80xi32, #tpu.memory_space<vmem>>
    %dma_wait3A_456 = arith.constant 0 : i32
    %dma_wait3A_457 = arith.constant 0 : i32
    %dma_wait3A_458 = tpu.memref_slice %arg16[%dma_wait3A_456, %dma_wait3A_457] : memref<10000x64xf32, #tpu.memory_space<vmem_shared>> -> memref<10000x64xf32, #tpu.memory_space<vmem_shared>>
    tpu.wait_indirect_dma semaphore(%arg29 : memref<!tpu.dma_semaphore, #tpu.memory_space<semaphore_mem>>) src(%dma_wait3A_452 : memref<80x64xf32, #tpu.memory_space<vmem>>) dst(%dma_wait3A_458 : memref<10000x64xf32, #tpu.memory_space<vmem_shared>>)
    %dma_wait3A_459 = arith.constant 245 : i32
    %dma_wait3A_460 = arith.constant 0 : i32
    %dma_wait3A_461 = arith.constant 0 : i32
    %dma_wait3A_462 = tpu.memref_slice %arg12[%dma_wait3A_460, %dma_wait3A_461] : memref<80x64xf32, #tpu.memory_space<vmem>> -> memref<80x64xf32, #tpu.memory_space<vmem>>
    %dma_wait3A_463 = arith.constant 0 : i32
    %dma_wait3A_464 = tpu.memref_slice %arg6[%dma_wait3A_459, %dma_wait3A_463] : memref<250x80xi32, #tpu.memory_space<vmem>> -> memref<1x80xi32, #tpu.memory_space<vmem>>
    %dma_wait3A_465 = tpu.memref_squeeze %dma_wait3A_464 : memref<1x80xi32, #tpu.memory_space<vmem>> -> memref<80xi32, #tpu.memory_space<vmem>>
    %dma_wait3A_466 = arith.constant 0 : i32
    %dma_wait3A_467 = arith.constant 0 : i32
    %dma_wait3A_468 = tpu.memref_slice %arg16[%dma_wait3A_466, %dma_wait3A_467] : memref<10000x64xf32, #tpu.memory_space<vmem_shared>> -> memref<10000x64xf32, #tpu.memory_space<vmem_shared>>
    tpu.wait_indirect_dma semaphore(%arg30 : memref<!tpu.dma_semaphore, #tpu.memory_space<semaphore_mem>>) src(%dma_wait3A_462 : memref<80x64xf32, #tpu.memory_space<vmem>>) dst(%dma_wait3A_468 : memref<10000x64xf32, #tpu.memory_space<vmem_shared>>)
    %dma_wait3A_469 = arith.constant 246 : i32
    %dma_wait3A_470 = arith.constant 0 : i32
    %dma_wait3A_471 = arith.constant 0 : i32
    %dma_wait3A_472 = tpu.memref_slice %arg13[%dma_wait3A_470, %dma_wait3A_471] : memref<80x64xf32, #tpu.memory_space<vmem>> -> memref<80x64xf32, #tpu.memory_space<vmem>>
    %dma_wait3A_473 = arith.constant 0 : i32
    %dma_wait3A_474 = tpu.memref_slice %arg6[%dma_wait3A_469, %dma_wait3A_473] : memref<250x80xi32, #tpu.memory_space<vmem>> -> memref<1x80xi32, #tpu.memory_space<vmem>>
    %dma_wait3A_475 = tpu.memref_squeeze %dma_wait3A_474 : memref<1x80xi32, #tpu.memory_space<vmem>> -> memref<80xi32, #tpu.memory_space<vmem>>
    %dma_wait3A_476 = arith.constant 0 : i32
    %dma_wait3A_477 = arith.constant 0 : i32
    %dma_wait3A_478 = tpu.memref_slice %arg16[%dma_wait3A_476, %dma_wait3A_477] : memref<10000x64xf32, #tpu.memory_space<vmem_shared>> -> memref<10000x64xf32, #tpu.memory_space<vmem_shared>>
    tpu.wait_indirect_dma semaphore(%arg31 : memref<!tpu.dma_semaphore, #tpu.memory_space<semaphore_mem>>) src(%dma_wait3A_472 : memref<80x64xf32, #tpu.memory_space<vmem>>) dst(%dma_wait3A_478 : memref<10000x64xf32, #tpu.memory_space<vmem_shared>>)
    %dma_wait3A_479 = arith.constant 247 : i32
    %dma_wait3A_480 = arith.constant 0 : i32
    %dma_wait3A_481 = arith.constant 0 : i32
    %dma_wait3A_482 = tpu.memref_slice %arg14[%dma_wait3A_480, %dma_wait3A_481] : memref<80x64xf32, #tpu.memory_space<vmem>> -> memref<80x64xf32, #tpu.memory_space<vmem>>
    %dma_wait3A_483 = arith.constant 0 : i32
    %dma_wait3A_484 = tpu.memref_slice %arg6[%dma_wait3A_479, %dma_wait3A_483] : memref<250x80xi32, #tpu.memory_space<vmem>> -> memref<1x80xi32, #tpu.memory_space<vmem>>
    %dma_wait3A_485 = tpu.memref_squeeze %dma_wait3A_484 : memref<1x80xi32, #tpu.memory_space<vmem>> -> memref<80xi32, #tpu.memory_space<vmem>>
    %dma_wait3A_486 = arith.constant 0 : i32
    %dma_wait3A_487 = arith.constant 0 : i32
    %dma_wait3A_488 = tpu.memref_slice %arg16[%dma_wait3A_486, %dma_wait3A_487] : memref<10000x64xf32, #tpu.memory_space<vmem_shared>> -> memref<10000x64xf32, #tpu.memory_space<vmem_shared>>
    tpu.wait_indirect_dma semaphore(%arg32 : memref<!tpu.dma_semaphore, #tpu.memory_space<semaphore_mem>>) src(%dma_wait3A_482 : memref<80x64xf32, #tpu.memory_space<vmem>>) dst(%dma_wait3A_488 : memref<10000x64xf32, #tpu.memory_space<vmem_shared>>)
    %dma_wait3A_489 = arith.constant 248 : i32
    %dma_wait3A_490 = arith.constant 0 : i32
    %dma_wait3A_491 = arith.constant 0 : i32
    %dma_wait3A_492 = tpu.memref_slice %arg7[%dma_wait3A_490, %dma_wait3A_491] : memref<80x64xf32, #tpu.memory_space<vmem>> -> memref<80x64xf32, #tpu.memory_space<vmem>>
    %dma_wait3A_493 = arith.constant 0 : i32
    %dma_wait3A_494 = tpu.memref_slice %arg6[%dma_wait3A_489, %dma_wait3A_493] : memref<250x80xi32, #tpu.memory_space<vmem>> -> memref<1x80xi32, #tpu.memory_space<vmem>>
    %dma_wait3A_495 = tpu.memref_squeeze %dma_wait3A_494 : memref<1x80xi32, #tpu.memory_space<vmem>> -> memref<80xi32, #tpu.memory_space<vmem>>
    %dma_wait3A_496 = arith.constant 0 : i32
    %dma_wait3A_497 = arith.constant 0 : i32
    %dma_wait3A_498 = tpu.memref_slice %arg16[%dma_wait3A_496, %dma_wait3A_497] : memref<10000x64xf32, #tpu.memory_space<vmem_shared>> -> memref<10000x64xf32, #tpu.memory_space<vmem_shared>>
    tpu.wait_indirect_dma semaphore(%arg25 : memref<!tpu.dma_semaphore, #tpu.memory_space<semaphore_mem>>) src(%dma_wait3A_492 : memref<80x64xf32, #tpu.memory_space<vmem>>) dst(%dma_wait3A_498 : memref<10000x64xf32, #tpu.memory_space<vmem_shared>>)
    %dma_wait3A_499 = arith.constant 249 : i32
    %dma_wait3A_500 = arith.constant 0 : i32
    %dma_wait3A_501 = arith.constant 0 : i32
    %dma_wait3A_502 = tpu.memref_slice %arg8[%dma_wait3A_500, %dma_wait3A_501] : memref<80x64xf32, #tpu.memory_space<vmem>> -> memref<80x64xf32, #tpu.memory_space<vmem>>
    %dma_wait3A_503 = arith.constant 0 : i32
    %dma_wait3A_504 = tpu.memref_slice %arg6[%dma_wait3A_499, %dma_wait3A_503] : memref<250x80xi32, #tpu.memory_space<vmem>> -> memref<1x80xi32, #tpu.memory_space<vmem>>
    %dma_wait3A_505 = tpu.memref_squeeze %dma_wait3A_504 : memref<1x80xi32, #tpu.memory_space<vmem>> -> memref<80xi32, #tpu.memory_space<vmem>>
    %dma_wait3A_506 = arith.constant 0 : i32
    %dma_wait3A_507 = arith.constant 0 : i32
    %dma_wait3A_508 = tpu.memref_slice %arg16[%dma_wait3A_506, %dma_wait3A_507] : memref<10000x64xf32, #tpu.memory_space<vmem_shared>> -> memref<10000x64xf32, #tpu.memory_space<vmem_shared>>
    tpu.wait_indirect_dma semaphore(%arg26 : memref<!tpu.dma_semaphore, #tpu.memory_space<semaphore_mem>>) src(%dma_wait3A_502 : memref<80x64xf32, #tpu.memory_space<vmem>>) dst(%dma_wait3A_508 : memref<10000x64xf32, #tpu.memory_space<vmem_shared>>)
    %barrier3A_509 = arith.constant 0 : index
    tpu.barrier barrier_id(%barrier3A_509)
    %mul3A_510 = arith.constant 625 : i32
    %mul3A_511 = arith.muli %arg1, %mul3A_510 : i32
    %mul3A_512 = arith.constant 625 : i32
    %mul3A_513 = arith.muli %arg1, %mul3A_512 : i32
    "tpu.region"() ({
      %run_scoped3A_514 = tpu.sem_alloc : memref<!tpu.dma_semaphore, #tpu.memory_space<semaphore_mem>>
      %dma_start3A_515 = arith.constant 0 : i32
      %dma_start3A_516 = tpu.memref_slice %arg4[%arg0, %mul3A_513, %dma_start3A_515] : memref<2x10000x64xf32, #tpu.memory_space<hbm>> -> memref<1x625x64xf32, #tpu.memory_space<hbm>>
      %dma_start3A_517 = tpu.memref_squeeze %dma_start3A_516 : memref<1x625x64xf32, #tpu.memory_space<hbm>> -> memref<625x64xf32, #tpu.memory_space<hbm>>
      %dma_start3A_518 = arith.constant 0 : i32
      %dma_start3A_519 = tpu.memref_slice %arg16[%mul3A_511, %dma_start3A_518] : memref<10000x64xf32, #tpu.memory_space<vmem_shared>> -> memref<625x64xf32, #tpu.memory_space<vmem_shared>>
      tpu.enqueue_dma source(%dma_start3A_519 : memref<625x64xf32, #tpu.memory_space<vmem_shared>>) target(%dma_start3A_517 : memref<625x64xf32, #tpu.memory_space<hbm>>) target_semaphore(%run_scoped3A_514 : memref<!tpu.dma_semaphore, #tpu.memory_space<semaphore_mem>>)
      %dma_wait3A_520 = arith.constant 0 : i32
      %dma_wait3A_521 = tpu.memref_slice %arg4[%arg0, %mul3A_513, %dma_wait3A_520] : memref<2x10000x64xf32, #tpu.memory_space<hbm>> -> memref<1x625x64xf32, #tpu.memory_space<hbm>>
      %dma_wait3A_522 = tpu.memref_squeeze %dma_wait3A_521 : memref<1x625x64xf32, #tpu.memory_space<hbm>> -> memref<625x64xf32, #tpu.memory_space<hbm>>
      %dma_wait3A_523 = arith.constant 0 : i32
      %dma_wait3A_524 = tpu.memref_slice %arg16[%mul3A_511, %dma_wait3A_523] : memref<10000x64xf32, #tpu.memory_space<vmem_shared>> -> memref<625x64xf32, #tpu.memory_space<vmem_shared>>
      tpu.wait_dma2 semaphore(%run_scoped3A_514 : memref<!tpu.dma_semaphore, #tpu.memory_space<semaphore_mem>>) src(%dma_wait3A_524 : memref<625x64xf32, #tpu.memory_space<vmem_shared>>) dst(%dma_wait3A_522 : memref<625x64xf32, #tpu.memory_space<hbm>>)
      tpu.yield
    }) : () -> ()
    return
  }
}

#map = affine_map<(d0, d1) -> (0, 0)>
#map1 = affine_map<(d0, d1) -> (0, 0, 0)>
module attributes {stable_mosaic.version = 14 : i64} {
  func.func @_sc_agg(%arg0: i32, %arg1: i32, %arg2: memref<10000x64xf32, #tpu.memory_space<hbm>>, %arg3: memref<2x4000x80xi32, #tpu.memory_space<hbm>>, %arg4: memref<2x10000x64xf32, #tpu.memory_space<hbm>>, %arg5: memref<125x80xi32, #tpu.memory_space<vmem>>, %arg6: memref<125x80xi32, #tpu.memory_space<vmem>>, %arg7: memref<80x64xf32, #tpu.memory_space<vmem>>, %arg8: memref<80x64xf32, #tpu.memory_space<vmem>>, %arg9: memref<80x64xf32, #tpu.memory_space<vmem>>, %arg10: memref<80x64xf32, #tpu.memory_space<vmem>>, %arg11: memref<80x64xf32, #tpu.memory_space<vmem>>, %arg12: memref<80x64xf32, #tpu.memory_space<vmem>>, %arg13: memref<80x64xf32, #tpu.memory_space<vmem>>, %arg14: memref<80x64xf32, #tpu.memory_space<vmem>>, %arg15: memref<125x64xf32, #tpu.memory_space<vmem>>, %arg16: memref<10000x64xf32, #tpu.memory_space<vmem_shared>>, %arg17: memref<!tpu.dma_semaphore, #tpu.memory_space<semaphore_mem>>, %arg18: memref<!tpu.dma_semaphore, #tpu.memory_space<semaphore_mem>>, %arg19: memref<!tpu.dma_semaphore, #tpu.memory_space<semaphore_mem>>, %arg20: memref<!tpu.dma_semaphore, #tpu.memory_space<semaphore_mem>>, %arg21: memref<!tpu.dma_semaphore, #tpu.memory_space<semaphore_mem>>, %arg22: memref<!tpu.dma_semaphore, #tpu.memory_space<semaphore_mem>>, %arg23: memref<!tpu.dma_semaphore, #tpu.memory_space<semaphore_mem>>, %arg24: memref<!tpu.dma_semaphore, #tpu.memory_space<semaphore_mem>>, %arg25: memref<!tpu.dma_semaphore, #tpu.memory_space<semaphore_mem>>, %arg26: memref<!tpu.dma_semaphore, #tpu.memory_space<semaphore_mem>>, %arg27: memref<!tpu.dma_semaphore, #tpu.memory_space<semaphore_mem>>, %arg28: memref<!tpu.dma_semaphore, #tpu.memory_space<semaphore_mem>>, %arg29: memref<!tpu.dma_semaphore, #tpu.memory_space<semaphore_mem>>, %arg30: memref<!tpu.dma_semaphore, #tpu.memory_space<semaphore_mem>>, %arg31: memref<!tpu.dma_semaphore, #tpu.memory_space<semaphore_mem>>, %arg32: memref<!tpu.dma_semaphore, #tpu.memory_space<semaphore_mem>>) attributes {dimension_semantics = [#tpu.dimension_semantics<core_parallel>, #tpu.dimension_semantics<subcore_parallel>], iteration_bounds = array<i64: 2, 16>, scalar_prefetch = 0 : i64, scratch_operands = 28 : i64, tpu.core_type = #tpu.core_type<sc_vector_subcore>, window_params = [{transform_indices = #map}, {transform_indices = #map1}, {transform_indices = #map1}]} {
    %mul3A = arith.constant 16 : i32
    %mul3A_0 = arith.muli %arg0, %mul3A : i32
    %add3A = arith.addi %mul3A_0, %arg1 : i32
    %mul3A_1 = arith.constant 125 : i32
    %mul3A_2 = arith.muli %add3A, %mul3A_1 : i32
    %run_scoped3A = arith.constant 0 : i32
    "tpu.region"() ({
      %run_scoped3A_557 = tpu.sem_alloc : memref<!tpu.dma_semaphore, #tpu.memory_space<semaphore_mem>>
      %dma_start3A_558 = arith.constant 0 : i32
      %dma_start3A_559 = tpu.memref_slice %arg3[%run_scoped3A, %mul3A_2, %dma_start3A_558] : memref<2x4000x80xi32, #tpu.memory_space<hbm>> -> memref<1x125x80xi32, #tpu.memory_space<hbm>>
      %dma_start3A_560 = tpu.memref_squeeze %dma_start3A_559 : memref<1x125x80xi32, #tpu.memory_space<hbm>> -> memref<125x80xi32, #tpu.memory_space<hbm>>
      %dma_start3A_561 = arith.constant 0 : i32
      %dma_start3A_562 = tpu.memref_slice %arg3[%run_scoped3A, %mul3A_2, %dma_start3A_561] : memref<2x4000x80xi32, #tpu.memory_space<hbm>> -> memref<1x125x80xi32, #tpu.memory_space<hbm>>
      %dma_start3A_563 = tpu.memref_squeeze %dma_start3A_562 : memref<1x125x80xi32, #tpu.memory_space<hbm>> -> memref<125x80xi32, #tpu.memory_space<hbm>>
      tpu.enqueue_dma source(%dma_start3A_563 : memref<125x80xi32, #tpu.memory_space<hbm>>) target(%arg5 : memref<125x80xi32, #tpu.memory_space<vmem>>) target_semaphore(%run_scoped3A_557 : memref<!tpu.dma_semaphore, #tpu.memory_space<semaphore_mem>>)
      %dma_wait3A_564 = arith.constant 0 : i32
      %dma_wait3A_565 = tpu.memref_slice %arg3[%run_scoped3A, %mul3A_2, %dma_wait3A_564] : memref<2x4000x80xi32, #tpu.memory_space<hbm>> -> memref<1x125x80xi32, #tpu.memory_space<hbm>>
      %dma_wait3A_566 = tpu.memref_squeeze %dma_wait3A_565 : memref<1x125x80xi32, #tpu.memory_space<hbm>> -> memref<125x80xi32, #tpu.memory_space<hbm>>
      %dma_wait3A_567 = arith.constant 0 : i32
      %dma_wait3A_568 = tpu.memref_slice %arg3[%run_scoped3A, %mul3A_2, %dma_wait3A_567] : memref<2x4000x80xi32, #tpu.memory_space<hbm>> -> memref<1x125x80xi32, #tpu.memory_space<hbm>>
      %dma_wait3A_569 = tpu.memref_squeeze %dma_wait3A_568 : memref<1x125x80xi32, #tpu.memory_space<hbm>> -> memref<125x80xi32, #tpu.memory_space<hbm>>
      tpu.wait_dma2 semaphore(%run_scoped3A_557 : memref<!tpu.dma_semaphore, #tpu.memory_space<semaphore_mem>>) src(%dma_wait3A_569 : memref<125x80xi32, #tpu.memory_space<hbm>>) dst(%arg5 : memref<125x80xi32, #tpu.memory_space<vmem>>)
      tpu.yield
    }) : () -> ()
    %run_scoped3A_3 = arith.constant 1 : i32
    "tpu.region"() ({
      %run_scoped3A_557 = tpu.sem_alloc : memref<!tpu.dma_semaphore, #tpu.memory_space<semaphore_mem>>
      %dma_start3A_558 = arith.constant 0 : i32
      %dma_start3A_559 = tpu.memref_slice %arg3[%run_scoped3A_3, %mul3A_2, %dma_start3A_558] : memref<2x4000x80xi32, #tpu.memory_space<hbm>> -> memref<1x125x80xi32, #tpu.memory_space<hbm>>
      %dma_start3A_560 = tpu.memref_squeeze %dma_start3A_559 : memref<1x125x80xi32, #tpu.memory_space<hbm>> -> memref<125x80xi32, #tpu.memory_space<hbm>>
      %dma_start3A_561 = arith.constant 0 : i32
      %dma_start3A_562 = tpu.memref_slice %arg3[%run_scoped3A_3, %mul3A_2, %dma_start3A_561] : memref<2x4000x80xi32, #tpu.memory_space<hbm>> -> memref<1x125x80xi32, #tpu.memory_space<hbm>>
      %dma_start3A_563 = tpu.memref_squeeze %dma_start3A_562 : memref<1x125x80xi32, #tpu.memory_space<hbm>> -> memref<125x80xi32, #tpu.memory_space<hbm>>
      tpu.enqueue_dma source(%dma_start3A_563 : memref<125x80xi32, #tpu.memory_space<hbm>>) target(%arg6 : memref<125x80xi32, #tpu.memory_space<vmem>>) target_semaphore(%run_scoped3A_557 : memref<!tpu.dma_semaphore, #tpu.memory_space<semaphore_mem>>)
      %dma_wait3A_564 = arith.constant 0 : i32
      %dma_wait3A_565 = tpu.memref_slice %arg3[%run_scoped3A_3, %mul3A_2, %dma_wait3A_564] : memref<2x4000x80xi32, #tpu.memory_space<hbm>> -> memref<1x125x80xi32, #tpu.memory_space<hbm>>
      %dma_wait3A_566 = tpu.memref_squeeze %dma_wait3A_565 : memref<1x125x80xi32, #tpu.memory_space<hbm>> -> memref<125x80xi32, #tpu.memory_space<hbm>>
      %dma_wait3A_567 = arith.constant 0 : i32
      %dma_wait3A_568 = tpu.memref_slice %arg3[%run_scoped3A_3, %mul3A_2, %dma_wait3A_567] : memref<2x4000x80xi32, #tpu.memory_space<hbm>> -> memref<1x125x80xi32, #tpu.memory_space<hbm>>
      %dma_wait3A_569 = tpu.memref_squeeze %dma_wait3A_568 : memref<1x125x80xi32, #tpu.memory_space<hbm>> -> memref<125x80xi32, #tpu.memory_space<hbm>>
      tpu.wait_dma2 semaphore(%run_scoped3A_557 : memref<!tpu.dma_semaphore, #tpu.memory_space<semaphore_mem>>) src(%dma_wait3A_569 : memref<125x80xi32, #tpu.memory_space<hbm>>) dst(%arg6 : memref<125x80xi32, #tpu.memory_space<vmem>>)
      tpu.yield
    }) : () -> ()
    %broadcast_in_dim3A = arith.constant 0.000000e+00 : f32
    %broadcast_in_dim3A_4 = vector.broadcast %broadcast_in_dim3A : f32 to vector<16xf32>
    %scan3A = arith.constant 0 : i32
    %scan3A_5 = arith.constant 125 : i32
    %scan3A_6 = arith.addi %scan3A, %scan3A_5 : i32
    %scan3A_7 = arith.constant 1 : i32
    scf.for %scan3A_557 = %scan3A to %scan3A_6 step %scan3A_7  : i32 {
      %mul3A_558 = arith.constant 1 : i32
      %mul3A_559 = arith.muli %scan3A_557, %mul3A_558 : i32
      %add3A_560 = arith.constant 0 : i32
      %add3A_561 = arith.addi %add3A_560, %mul3A_559 : i32
      %swap3A = arith.index_cast %add3A_561 : i32 to index
      %swap3A_562 = arith.constant 0 : index
      %swap3A_563 = tpu.vector_load %arg15[%swap3A, %swap3A_562] {strides = array<i32>} : memref<125x64xf32, #tpu.memory_space<vmem>>, vector<1x16xf32>,
      %swap3A_564 = vector.shape_cast %swap3A_563 : vector<1x16xf32> to vector<16xf32>
      %swap3A_565 = vector.shape_cast %broadcast_in_dim3A_4 : vector<16xf32> to vector<1x16xf32>
      tpu.vector_store %arg15[%swap3A, %swap3A_562], %swap3A_565 {strides = array<i32>} : memref<125x64xf32, #tpu.memory_space<vmem>>, vector<1x16xf32>,
      %swap3A_566 = arith.index_cast %add3A_561 : i32 to index
      %swap3A_567 = arith.constant 16 : index
      %swap3A_568 = tpu.vector_load %arg15[%swap3A_566, %swap3A_567] {strides = array<i32>} : memref<125x64xf32, #tpu.memory_space<vmem>>, vector<1x16xf32>,
      %swap3A_569 = vector.shape_cast %swap3A_568 : vector<1x16xf32> to vector<16xf32>
      %swap3A_570 = vector.shape_cast %broadcast_in_dim3A_4 : vector<16xf32> to vector<1x16xf32>
      tpu.vector_store %arg15[%swap3A_566, %swap3A_567], %swap3A_570 {strides = array<i32>} : memref<125x64xf32, #tpu.memory_space<vmem>>, vector<1x16xf32>,
      %swap3A_571 = arith.index_cast %add3A_561 : i32 to index
      %swap3A_572 = arith.constant 32 : index
      %swap3A_573 = tpu.vector_load %arg15[%swap3A_571, %swap3A_572] {strides = array<i32>} : memref<125x64xf32, #tpu.memory_space<vmem>>, vector<1x16xf32>,
      %swap3A_574 = vector.shape_cast %swap3A_573 : vector<1x16xf32> to vector<16xf32>
      %swap3A_575 = vector.shape_cast %broadcast_in_dim3A_4 : vector<16xf32> to vector<1x16xf32>
      tpu.vector_store %arg15[%swap3A_571, %swap3A_572], %swap3A_575 {strides = array<i32>} : memref<125x64xf32, #tpu.memory_space<vmem>>, vector<1x16xf32>,
      %swap3A_576 = arith.index_cast %add3A_561 : i32 to index
      %swap3A_577 = arith.constant 48 : index
      %swap3A_578 = tpu.vector_load %arg15[%swap3A_576, %swap3A_577] {strides = array<i32>} : memref<125x64xf32, #tpu.memory_space<vmem>>, vector<1x16xf32>,
      %swap3A_579 = vector.shape_cast %swap3A_578 : vector<1x16xf32> to vector<16xf32>
      %swap3A_580 = vector.shape_cast %broadcast_in_dim3A_4 : vector<16xf32> to vector<1x16xf32>
      tpu.vector_store %arg15[%swap3A_576, %swap3A_577], %swap3A_580 {strides = array<i32>} : memref<125x64xf32, #tpu.memory_space<vmem>>, vector<1x16xf32>,
    }
    %scan3A_8 = arith.constant 125 : i32
    %mul3A_9 = arith.constant 625 : i32
    %mul3A_10 = arith.muli %arg1, %mul3A_9 : i32
    %add3A_11 = arith.constant 0 : i32
    %add3A_12 = arith.addi %mul3A_10, %add3A_11 : i32
    "tpu.region"() ({
      %run_scoped3A_557 = tpu.sem_alloc : memref<!tpu.dma_semaphore, #tpu.memory_space<semaphore_mem>>
      %dma_start3A_558 = arith.constant 0 : i32
      %dma_start3A_559 = tpu.memref_slice %arg16[%add3A_12, %dma_start3A_558] : memref<10000x64xf32, #tpu.memory_space<vmem_shared>> -> memref<125x64xf32, #tpu.memory_space<vmem_shared>>
      %dma_start3A_560 = arith.constant 0 : i32
      %dma_start3A_561 = tpu.memref_slice %arg16[%add3A_12, %dma_start3A_560] : memref<10000x64xf32, #tpu.memory_space<vmem_shared>> -> memref<125x64xf32, #tpu.memory_space<vmem_shared>>
      tpu.enqueue_dma source(%arg15 : memref<125x64xf32, #tpu.memory_space<vmem>>) target(%dma_start3A_561 : memref<125x64xf32, #tpu.memory_space<vmem_shared>>) target_semaphore(%run_scoped3A_557 : memref<!tpu.dma_semaphore, #tpu.memory_space<semaphore_mem>>)
      %dma_wait3A_562 = arith.constant 0 : i32
      %dma_wait3A_563 = tpu.memref_slice %arg16[%add3A_12, %dma_wait3A_562] : memref<10000x64xf32, #tpu.memory_space<vmem_shared>> -> memref<125x64xf32, #tpu.memory_space<vmem_shared>>
      %dma_wait3A_564 = arith.constant 0 : i32
      %dma_wait3A_565 = tpu.memref_slice %arg16[%add3A_12, %dma_wait3A_564] : memref<10000x64xf32, #tpu.memory_space<vmem_shared>> -> memref<125x64xf32, #tpu.memory_space<vmem_shared>>
      tpu.wait_dma2 semaphore(%run_scoped3A_557 : memref<!tpu.dma_semaphore, #tpu.memory_space<semaphore_mem>>) src(%arg15 : memref<125x64xf32, #tpu.memory_space<vmem>>) dst(%dma_wait3A_565 : memref<125x64xf32, #tpu.memory_space<vmem_shared>>)
      tpu.yield
    }) : () -> ()
    %mul3A_13 = arith.constant 625 : i32
    %mul3A_14 = arith.muli %arg1, %mul3A_13 : i32
    %add3A_15 = arith.constant 125 : i32
    %add3A_16 = arith.addi %mul3A_14, %add3A_15 : i32
    "tpu.region"() ({
      %run_scoped3A_557 = tpu.sem_alloc : memref<!tpu.dma_semaphore, #tpu.memory_space<semaphore_mem>>
      %dma_start3A_558 = arith.constant 0 : i32
      %dma_start3A_559 = tpu.memref_slice %arg16[%add3A_16, %dma_start3A_558] : memref<10000x64xf32, #tpu.memory_space<vmem_shared>> -> memref<125x64xf32, #tpu.memory_space<vmem_shared>>
      %dma_start3A_560 = arith.constant 0 : i32
      %dma_start3A_561 = tpu.memref_slice %arg16[%add3A_16, %dma_start3A_560] : memref<10000x64xf32, #tpu.memory_space<vmem_shared>> -> memref<125x64xf32, #tpu.memory_space<vmem_shared>>
      tpu.enqueue_dma source(%arg15 : memref<125x64xf32, #tpu.memory_space<vmem>>) target(%dma_start3A_561 : memref<125x64xf32, #tpu.memory_space<vmem_shared>>) target_semaphore(%run_scoped3A_557 : memref<!tpu.dma_semaphore, #tpu.memory_space<semaphore_mem>>)
      %dma_wait3A_562 = arith.constant 0 : i32
      %dma_wait3A_563 = tpu.memref_slice %arg16[%add3A_16, %dma_wait3A_562] : memref<10000x64xf32, #tpu.memory_space<vmem_shared>> -> memref<125x64xf32, #tpu.memory_space<vmem_shared>>
      %dma_wait3A_564 = arith.constant 0 : i32
      %dma_wait3A_565 = tpu.memref_slice %arg16[%add3A_16, %dma_wait3A_564] : memref<10000x64xf32, #tpu.memory_space<vmem_shared>> -> memref<125x64xf32, #tpu.memory_space<vmem_shared>>
      tpu.wait_dma2 semaphore(%run_scoped3A_557 : memref<!tpu.dma_semaphore, #tpu.memory_space<semaphore_mem>>) src(%arg15 : memref<125x64xf32, #tpu.memory_space<vmem>>) dst(%dma_wait3A_565 : memref<125x64xf32, #tpu.memory_space<vmem_shared>>)
      tpu.yield
    }) : () -> ()
    %mul3A_17 = arith.constant 625 : i32
    %mul3A_18 = arith.muli %arg1, %mul3A_17 : i32
    %add3A_19 = arith.constant 250 : i32
    %add3A_20 = arith.addi %mul3A_18, %add3A_19 : i32
    "tpu.region"() ({
      %run_scoped3A_557 = tpu.sem_alloc : memref<!tpu.dma_semaphore, #tpu.memory_space<semaphore_mem>>
      %dma_start3A_558 = arith.constant 0 : i32
      %dma_start3A_559 = tpu.memref_slice %arg16[%add3A_20, %dma_start3A_558] : memref<10000x64xf32, #tpu.memory_space<vmem_shared>> -> memref<125x64xf32, #tpu.memory_space<vmem_shared>>
      %dma_start3A_560 = arith.constant 0 : i32
      %dma_start3A_561 = tpu.memref_slice %arg16[%add3A_20, %dma_start3A_560] : memref<10000x64xf32, #tpu.memory_space<vmem_shared>> -> memref<125x64xf32, #tpu.memory_space<vmem_shared>>
      tpu.enqueue_dma source(%arg15 : memref<125x64xf32, #tpu.memory_space<vmem>>) target(%dma_start3A_561 : memref<125x64xf32, #tpu.memory_space<vmem_shared>>) target_semaphore(%run_scoped3A_557 : memref<!tpu.dma_semaphore, #tpu.memory_space<semaphore_mem>>)
      %dma_wait3A_562 = arith.constant 0 : i32
      %dma_wait3A_563 = tpu.memref_slice %arg16[%add3A_20, %dma_wait3A_562] : memref<10000x64xf32, #tpu.memory_space<vmem_shared>> -> memref<125x64xf32, #tpu.memory_space<vmem_shared>>
      %dma_wait3A_564 = arith.constant 0 : i32
      %dma_wait3A_565 = tpu.memref_slice %arg16[%add3A_20, %dma_wait3A_564] : memref<10000x64xf32, #tpu.memory_space<vmem_shared>> -> memref<125x64xf32, #tpu.memory_space<vmem_shared>>
      tpu.wait_dma2 semaphore(%run_scoped3A_557 : memref<!tpu.dma_semaphore, #tpu.memory_space<semaphore_mem>>) src(%arg15 : memref<125x64xf32, #tpu.memory_space<vmem>>) dst(%dma_wait3A_565 : memref<125x64xf32, #tpu.memory_space<vmem_shared>>)
      tpu.yield
    }) : () -> ()
    %mul3A_21 = arith.constant 625 : i32
    %mul3A_22 = arith.muli %arg1, %mul3A_21 : i32
    %add3A_23 = arith.constant 375 : i32
    %add3A_24 = arith.addi %mul3A_22, %add3A_23 : i32
    "tpu.region"() ({
      %run_scoped3A_557 = tpu.sem_alloc : memref<!tpu.dma_semaphore, #tpu.memory_space<semaphore_mem>>
      %dma_start3A_558 = arith.constant 0 : i32
      %dma_start3A_559 = tpu.memref_slice %arg16[%add3A_24, %dma_start3A_558] : memref<10000x64xf32, #tpu.memory_space<vmem_shared>> -> memref<125x64xf32, #tpu.memory_space<vmem_shared>>
      %dma_start3A_560 = arith.constant 0 : i32
      %dma_start3A_561 = tpu.memref_slice %arg16[%add3A_24, %dma_start3A_560] : memref<10000x64xf32, #tpu.memory_space<vmem_shared>> -> memref<125x64xf32, #tpu.memory_space<vmem_shared>>
      tpu.enqueue_dma source(%arg15 : memref<125x64xf32, #tpu.memory_space<vmem>>) target(%dma_start3A_561 : memref<125x64xf32, #tpu.memory_space<vmem_shared>>) target_semaphore(%run_scoped3A_557 : memref<!tpu.dma_semaphore, #tpu.memory_space<semaphore_mem>>)
      %dma_wait3A_562 = arith.constant 0 : i32
      %dma_wait3A_563 = tpu.memref_slice %arg16[%add3A_24, %dma_wait3A_562] : memref<10000x64xf32, #tpu.memory_space<vmem_shared>> -> memref<125x64xf32, #tpu.memory_space<vmem_shared>>
      %dma_wait3A_564 = arith.constant 0 : i32
      %dma_wait3A_565 = tpu.memref_slice %arg16[%add3A_24, %dma_wait3A_564] : memref<10000x64xf32, #tpu.memory_space<vmem_shared>> -> memref<125x64xf32, #tpu.memory_space<vmem_shared>>
      tpu.wait_dma2 semaphore(%run_scoped3A_557 : memref<!tpu.dma_semaphore, #tpu.memory_space<semaphore_mem>>) src(%arg15 : memref<125x64xf32, #tpu.memory_space<vmem>>) dst(%dma_wait3A_565 : memref<125x64xf32, #tpu.memory_space<vmem_shared>>)
      tpu.yield
    }) : () -> ()
    %mul3A_25 = arith.constant 625 : i32
    %mul3A_26 = arith.muli %arg1, %mul3A_25 : i32
    %add3A_27 = arith.constant 500 : i32
    %add3A_28 = arith.addi %mul3A_26, %add3A_27 : i32
    "tpu.region"() ({
      %run_scoped3A_557 = tpu.sem_alloc : memref<!tpu.dma_semaphore, #tpu.memory_space<semaphore_mem>>
      %dma_start3A_558 = arith.constant 0 : i32
      %dma_start3A_559 = tpu.memref_slice %arg16[%add3A_28, %dma_start3A_558] : memref<10000x64xf32, #tpu.memory_space<vmem_shared>> -> memref<125x64xf32, #tpu.memory_space<vmem_shared>>
      %dma_start3A_560 = arith.constant 0 : i32
      %dma_start3A_561 = tpu.memref_slice %arg16[%add3A_28, %dma_start3A_560] : memref<10000x64xf32, #tpu.memory_space<vmem_shared>> -> memref<125x64xf32, #tpu.memory_space<vmem_shared>>
      tpu.enqueue_dma source(%arg15 : memref<125x64xf32, #tpu.memory_space<vmem>>) target(%dma_start3A_561 : memref<125x64xf32, #tpu.memory_space<vmem_shared>>) target_semaphore(%run_scoped3A_557 : memref<!tpu.dma_semaphore, #tpu.memory_space<semaphore_mem>>)
      %dma_wait3A_562 = arith.constant 0 : i32
      %dma_wait3A_563 = tpu.memref_slice %arg16[%add3A_28, %dma_wait3A_562] : memref<10000x64xf32, #tpu.memory_space<vmem_shared>> -> memref<125x64xf32, #tpu.memory_space<vmem_shared>>
      %dma_wait3A_564 = arith.constant 0 : i32
      %dma_wait3A_565 = tpu.memref_slice %arg16[%add3A_28, %dma_wait3A_564] : memref<10000x64xf32, #tpu.memory_space<vmem_shared>> -> memref<125x64xf32, #tpu.memory_space<vmem_shared>>
      tpu.wait_dma2 semaphore(%run_scoped3A_557 : memref<!tpu.dma_semaphore, #tpu.memory_space<semaphore_mem>>) src(%arg15 : memref<125x64xf32, #tpu.memory_space<vmem>>) dst(%dma_wait3A_565 : memref<125x64xf32, #tpu.memory_space<vmem_shared>>)
      tpu.yield
    }) : () -> ()
    %barrier3A = arith.constant 0 : index
    tpu.barrier barrier_id(%barrier3A)
    %dma_start3A = arith.constant 0 : i32
    %dma_start3A_29 = arith.constant 0 : i32
    %dma_start3A_30 = arith.constant 0 : i32
    %dma_start3A_31 = tpu.memref_slice %arg7[%dma_start3A_29, %dma_start3A_30] : memref<80x64xf32, #tpu.memory_space<vmem>> -> memref<80x64xf32, #tpu.memory_space<vmem>>
    %dma_start3A_32 = arith.constant 0 : i32
    %dma_start3A_33 = tpu.memref_slice %arg5[%dma_start3A, %dma_start3A_32] : memref<125x80xi32, #tpu.memory_space<vmem>> -> memref<1x80xi32, #tpu.memory_space<vmem>>
    %dma_start3A_34 = tpu.memref_squeeze %dma_start3A_33 : memref<1x80xi32, #tpu.memory_space<vmem>> -> memref<80xi32, #tpu.memory_space<vmem>>
    %dma_start3A_35 = arith.constant 0 : i32
    %dma_start3A_36 = arith.constant 0 : i32
    %dma_start3A_37 = tpu.memref_slice %arg2[%dma_start3A_35, %dma_start3A_36] : memref<10000x64xf32, #tpu.memory_space<hbm>> -> memref<10000x64xf32, #tpu.memory_space<hbm>>
    tpu.enqueue_indirect_dma source(%dma_start3A_37 : memref<10000x64xf32, #tpu.memory_space<hbm>>) target(%dma_start3A_31 : memref<80x64xf32, #tpu.memory_space<vmem>>) offsets(%dma_start3A_34 : memref<80xi32, #tpu.memory_space<vmem>>) semaphore(%arg17 : memref<!tpu.dma_semaphore, #tpu.memory_space<semaphore_mem>>)
    %dma_start3A_38 = arith.constant 1 : i32
    %dma_start3A_39 = arith.constant 0 : i32
    %dma_start3A_40 = arith.constant 0 : i32
    %dma_start3A_41 = tpu.memref_slice %arg8[%dma_start3A_39, %dma_start3A_40] : memref<80x64xf32, #tpu.memory_space<vmem>> -> memref<80x64xf32, #tpu.memory_space<vmem>>
    %dma_start3A_42 = arith.constant 0 : i32
    %dma_start3A_43 = tpu.memref_slice %arg5[%dma_start3A_38, %dma_start3A_42] : memref<125x80xi32, #tpu.memory_space<vmem>> -> memref<1x80xi32, #tpu.memory_space<vmem>>
    %dma_start3A_44 = tpu.memref_squeeze %dma_start3A_43 : memref<1x80xi32, #tpu.memory_space<vmem>> -> memref<80xi32, #tpu.memory_space<vmem>>
    %dma_start3A_45 = arith.constant 0 : i32
    %dma_start3A_46 = arith.constant 0 : i32
    %dma_start3A_47 = tpu.memref_slice %arg2[%dma_start3A_45, %dma_start3A_46] : memref<10000x64xf32, #tpu.memory_space<hbm>> -> memref<10000x64xf32, #tpu.memory_space<hbm>>
    tpu.enqueue_indirect_dma source(%dma_start3A_47 : memref<10000x64xf32, #tpu.memory_space<hbm>>) target(%dma_start3A_41 : memref<80x64xf32, #tpu.memory_space<vmem>>) offsets(%dma_start3A_44 : memref<80xi32, #tpu.memory_space<vmem>>) semaphore(%arg18 : memref<!tpu.dma_semaphore, #tpu.memory_space<semaphore_mem>>)
    %dma_start3A_48 = arith.constant 2 : i32
    %dma_start3A_49 = arith.constant 0 : i32
    %dma_start3A_50 = arith.constant 0 : i32
    %dma_start3A_51 = tpu.memref_slice %arg9[%dma_start3A_49, %dma_start3A_50] : memref<80x64xf32, #tpu.memory_space<vmem>> -> memref<80x64xf32, #tpu.memory_space<vmem>>
    %dma_start3A_52 = arith.constant 0 : i32
    %dma_start3A_53 = tpu.memref_slice %arg5[%dma_start3A_48, %dma_start3A_52] : memref<125x80xi32, #tpu.memory_space<vmem>> -> memref<1x80xi32, #tpu.memory_space<vmem>>
    %dma_start3A_54 = tpu.memref_squeeze %dma_start3A_53 : memref<1x80xi32, #tpu.memory_space<vmem>> -> memref<80xi32, #tpu.memory_space<vmem>>
    %dma_start3A_55 = arith.constant 0 : i32
    %dma_start3A_56 = arith.constant 0 : i32
    %dma_start3A_57 = tpu.memref_slice %arg2[%dma_start3A_55, %dma_start3A_56] : memref<10000x64xf32, #tpu.memory_space<hbm>> -> memref<10000x64xf32, #tpu.memory_space<hbm>>
    tpu.enqueue_indirect_dma source(%dma_start3A_57 : memref<10000x64xf32, #tpu.memory_space<hbm>>) target(%dma_start3A_51 : memref<80x64xf32, #tpu.memory_space<vmem>>) offsets(%dma_start3A_54 : memref<80xi32, #tpu.memory_space<vmem>>) semaphore(%arg19 : memref<!tpu.dma_semaphore, #tpu.memory_space<semaphore_mem>>)
    %dma_start3A_58 = arith.constant 3 : i32
    %dma_start3A_59 = arith.constant 0 : i32
    %dma_start3A_60 = arith.constant 0 : i32
    %dma_start3A_61 = tpu.memref_slice %arg10[%dma_start3A_59, %dma_start3A_60] : memref<80x64xf32, #tpu.memory_space<vmem>> -> memref<80x64xf32, #tpu.memory_space<vmem>>
    %dma_start3A_62 = arith.constant 0 : i32
    %dma_start3A_63 = tpu.memref_slice %arg5[%dma_start3A_58, %dma_start3A_62] : memref<125x80xi32, #tpu.memory_space<vmem>> -> memref<1x80xi32, #tpu.memory_space<vmem>>
    %dma_start3A_64 = tpu.memref_squeeze %dma_start3A_63 : memref<1x80xi32, #tpu.memory_space<vmem>> -> memref<80xi32, #tpu.memory_space<vmem>>
    %dma_start3A_65 = arith.constant 0 : i32
    %dma_start3A_66 = arith.constant 0 : i32
    %dma_start3A_67 = tpu.memref_slice %arg2[%dma_start3A_65, %dma_start3A_66] : memref<10000x64xf32, #tpu.memory_space<hbm>> -> memref<10000x64xf32, #tpu.memory_space<hbm>>
    tpu.enqueue_indirect_dma source(%dma_start3A_67 : memref<10000x64xf32, #tpu.memory_space<hbm>>) target(%dma_start3A_61 : memref<80x64xf32, #tpu.memory_space<vmem>>) offsets(%dma_start3A_64 : memref<80xi32, #tpu.memory_space<vmem>>) semaphore(%arg20 : memref<!tpu.dma_semaphore, #tpu.memory_space<semaphore_mem>>)
    %dma_wait3A = arith.constant 0 : i32
    %dma_wait3A_68 = arith.constant 0 : i32
    %dma_wait3A_69 = arith.constant 0 : i32
    %dma_wait3A_70 = tpu.memref_slice %arg7[%dma_wait3A_68, %dma_wait3A_69] : memref<80x64xf32, #tpu.memory_space<vmem>> -> memref<80x64xf32, #tpu.memory_space<vmem>>
    %dma_wait3A_71 = arith.constant 0 : i32
    %dma_wait3A_72 = tpu.memref_slice %arg5[%dma_wait3A, %dma_wait3A_71] : memref<125x80xi32, #tpu.memory_space<vmem>> -> memref<1x80xi32, #tpu.memory_space<vmem>>
    %dma_wait3A_73 = tpu.memref_squeeze %dma_wait3A_72 : memref<1x80xi32, #tpu.memory_space<vmem>> -> memref<80xi32, #tpu.memory_space<vmem>>
    %dma_wait3A_74 = arith.constant 0 : i32
    %dma_wait3A_75 = arith.constant 0 : i32
    %dma_wait3A_76 = tpu.memref_slice %arg2[%dma_wait3A_74, %dma_wait3A_75] : memref<10000x64xf32, #tpu.memory_space<hbm>> -> memref<10000x64xf32, #tpu.memory_space<hbm>>
    tpu.wait_indirect_dma semaphore(%arg17 : memref<!tpu.dma_semaphore, #tpu.memory_space<semaphore_mem>>) src(%dma_wait3A_76 : memref<10000x64xf32, #tpu.memory_space<hbm>>) dst(%dma_wait3A_70 : memref<80x64xf32, #tpu.memory_space<vmem>>)
    %dma_start3A_77 = arith.constant 0 : i32
    %dma_start3A_78 = arith.constant 0 : i32
    %dma_start3A_79 = arith.constant 0 : i32
    %dma_start3A_80 = tpu.memref_slice %arg7[%dma_start3A_78, %dma_start3A_79] : memref<80x64xf32, #tpu.memory_space<vmem>> -> memref<80x64xf32, #tpu.memory_space<vmem>>
    %dma_start3A_81 = arith.constant 0 : i32
    %dma_start3A_82 = tpu.memref_slice %arg6[%dma_start3A_77, %dma_start3A_81] : memref<125x80xi32, #tpu.memory_space<vmem>> -> memref<1x80xi32, #tpu.memory_space<vmem>>
    %dma_start3A_83 = tpu.memref_squeeze %dma_start3A_82 : memref<1x80xi32, #tpu.memory_space<vmem>> -> memref<80xi32, #tpu.memory_space<vmem>>
    %dma_start3A_84 = arith.constant 0 : i32
    %dma_start3A_85 = arith.constant 0 : i32
    %dma_start3A_86 = tpu.memref_slice %arg16[%dma_start3A_84, %dma_start3A_85] : memref<10000x64xf32, #tpu.memory_space<vmem_shared>> -> memref<10000x64xf32, #tpu.memory_space<vmem_shared>>
    tpu.enqueue_indirect_dma source(%dma_start3A_80 : memref<80x64xf32, #tpu.memory_space<vmem>>) target(%dma_start3A_86 : memref<10000x64xf32, #tpu.memory_space<vmem_shared>>) offsets(%dma_start3A_83 : memref<80xi32, #tpu.memory_space<vmem>>) semaphore(%arg25 : memref<!tpu.dma_semaphore, #tpu.memory_space<semaphore_mem>>) {add = true}
    %dma_start3A_87 = arith.constant 4 : i32
    %dma_start3A_88 = arith.constant 0 : i32
    %dma_start3A_89 = arith.constant 0 : i32
    %dma_start3A_90 = tpu.memref_slice %arg11[%dma_start3A_88, %dma_start3A_89] : memref<80x64xf32, #tpu.memory_space<vmem>> -> memref<80x64xf32, #tpu.memory_space<vmem>>
    %dma_start3A_91 = arith.constant 0 : i32
    %dma_start3A_92 = tpu.memref_slice %arg5[%dma_start3A_87, %dma_start3A_91] : memref<125x80xi32, #tpu.memory_space<vmem>> -> memref<1x80xi32, #tpu.memory_space<vmem>>
    %dma_start3A_93 = tpu.memref_squeeze %dma_start3A_92 : memref<1x80xi32, #tpu.memory_space<vmem>> -> memref<80xi32, #tpu.memory_space<vmem>>
    %dma_start3A_94 = arith.constant 0 : i32
    %dma_start3A_95 = arith.constant 0 : i32
    %dma_start3A_96 = tpu.memref_slice %arg2[%dma_start3A_94, %dma_start3A_95] : memref<10000x64xf32, #tpu.memory_space<hbm>> -> memref<10000x64xf32, #tpu.memory_space<hbm>>
    tpu.enqueue_indirect_dma source(%dma_start3A_96 : memref<10000x64xf32, #tpu.memory_space<hbm>>) target(%dma_start3A_90 : memref<80x64xf32, #tpu.memory_space<vmem>>) offsets(%dma_start3A_93 : memref<80xi32, #tpu.memory_space<vmem>>) semaphore(%arg21 : memref<!tpu.dma_semaphore, #tpu.memory_space<semaphore_mem>>)
    %dma_wait3A_97 = arith.constant 1 : i32
    %dma_wait3A_98 = arith.constant 0 : i32
    %dma_wait3A_99 = arith.constant 0 : i32
    %dma_wait3A_100 = tpu.memref_slice %arg8[%dma_wait3A_98, %dma_wait3A_99] : memref<80x64xf32, #tpu.memory_space<vmem>> -> memref<80x64xf32, #tpu.memory_space<vmem>>
    %dma_wait3A_101 = arith.constant 0 : i32
    %dma_wait3A_102 = tpu.memref_slice %arg5[%dma_wait3A_97, %dma_wait3A_101] : memref<125x80xi32, #tpu.memory_space<vmem>> -> memref<1x80xi32, #tpu.memory_space<vmem>>
    %dma_wait3A_103 = tpu.memref_squeeze %dma_wait3A_102 : memref<1x80xi32, #tpu.memory_space<vmem>> -> memref<80xi32, #tpu.memory_space<vmem>>
    %dma_wait3A_104 = arith.constant 0 : i32
    %dma_wait3A_105 = arith.constant 0 : i32
    %dma_wait3A_106 = tpu.memref_slice %arg2[%dma_wait3A_104, %dma_wait3A_105] : memref<10000x64xf32, #tpu.memory_space<hbm>> -> memref<10000x64xf32, #tpu.memory_space<hbm>>
    tpu.wait_indirect_dma semaphore(%arg18 : memref<!tpu.dma_semaphore, #tpu.memory_space<semaphore_mem>>) src(%dma_wait3A_106 : memref<10000x64xf32, #tpu.memory_space<hbm>>) dst(%dma_wait3A_100 : memref<80x64xf32, #tpu.memory_space<vmem>>)
    %dma_start3A_107 = arith.constant 1 : i32
    %dma_start3A_108 = arith.constant 0 : i32
    %dma_start3A_109 = arith.constant 0 : i32
    %dma_start3A_110 = tpu.memref_slice %arg8[%dma_start3A_108, %dma_start3A_109] : memref<80x64xf32, #tpu.memory_space<vmem>> -> memref<80x64xf32, #tpu.memory_space<vmem>>
    %dma_start3A_111 = arith.constant 0 : i32
    %dma_start3A_112 = tpu.memref_slice %arg6[%dma_start3A_107, %dma_start3A_111] : memref<125x80xi32, #tpu.memory_space<vmem>> -> memref<1x80xi32, #tpu.memory_space<vmem>>
    %dma_start3A_113 = tpu.memref_squeeze %dma_start3A_112 : memref<1x80xi32, #tpu.memory_space<vmem>> -> memref<80xi32, #tpu.memory_space<vmem>>
    %dma_start3A_114 = arith.constant 0 : i32
    %dma_start3A_115 = arith.constant 0 : i32
    %dma_start3A_116 = tpu.memref_slice %arg16[%dma_start3A_114, %dma_start3A_115] : memref<10000x64xf32, #tpu.memory_space<vmem_shared>> -> memref<10000x64xf32, #tpu.memory_space<vmem_shared>>
    tpu.enqueue_indirect_dma source(%dma_start3A_110 : memref<80x64xf32, #tpu.memory_space<vmem>>) target(%dma_start3A_116 : memref<10000x64xf32, #tpu.memory_space<vmem_shared>>) offsets(%dma_start3A_113 : memref<80xi32, #tpu.memory_space<vmem>>) semaphore(%arg26 : memref<!tpu.dma_semaphore, #tpu.memory_space<semaphore_mem>>) {add = true}
    %dma_start3A_117 = arith.constant 5 : i32
    %dma_start3A_118 = arith.constant 0 : i32
    %dma_start3A_119 = arith.constant 0 : i32
    %dma_start3A_120 = tpu.memref_slice %arg12[%dma_start3A_118, %dma_start3A_119] : memref<80x64xf32, #tpu.memory_space<vmem>> -> memref<80x64xf32, #tpu.memory_space<vmem>>
    %dma_start3A_121 = arith.constant 0 : i32
    %dma_start3A_122 = tpu.memref_slice %arg5[%dma_start3A_117, %dma_start3A_121] : memref<125x80xi32, #tpu.memory_space<vmem>> -> memref<1x80xi32, #tpu.memory_space<vmem>>
    %dma_start3A_123 = tpu.memref_squeeze %dma_start3A_122 : memref<1x80xi32, #tpu.memory_space<vmem>> -> memref<80xi32, #tpu.memory_space<vmem>>
    %dma_start3A_124 = arith.constant 0 : i32
    %dma_start3A_125 = arith.constant 0 : i32
    %dma_start3A_126 = tpu.memref_slice %arg2[%dma_start3A_124, %dma_start3A_125] : memref<10000x64xf32, #tpu.memory_space<hbm>> -> memref<10000x64xf32, #tpu.memory_space<hbm>>
    tpu.enqueue_indirect_dma source(%dma_start3A_126 : memref<10000x64xf32, #tpu.memory_space<hbm>>) target(%dma_start3A_120 : memref<80x64xf32, #tpu.memory_space<vmem>>) offsets(%dma_start3A_123 : memref<80xi32, #tpu.memory_space<vmem>>) semaphore(%arg22 : memref<!tpu.dma_semaphore, #tpu.memory_space<semaphore_mem>>)
    %dma_wait3A_127 = arith.constant 2 : i32
    %dma_wait3A_128 = arith.constant 0 : i32
    %dma_wait3A_129 = arith.constant 0 : i32
    %dma_wait3A_130 = tpu.memref_slice %arg9[%dma_wait3A_128, %dma_wait3A_129] : memref<80x64xf32, #tpu.memory_space<vmem>> -> memref<80x64xf32, #tpu.memory_space<vmem>>
    %dma_wait3A_131 = arith.constant 0 : i32
    %dma_wait3A_132 = tpu.memref_slice %arg5[%dma_wait3A_127, %dma_wait3A_131] : memref<125x80xi32, #tpu.memory_space<vmem>> -> memref<1x80xi32, #tpu.memory_space<vmem>>
    %dma_wait3A_133 = tpu.memref_squeeze %dma_wait3A_132 : memref<1x80xi32, #tpu.memory_space<vmem>> -> memref<80xi32, #tpu.memory_space<vmem>>
    %dma_wait3A_134 = arith.constant 0 : i32
    %dma_wait3A_135 = arith.constant 0 : i32
    %dma_wait3A_136 = tpu.memref_slice %arg2[%dma_wait3A_134, %dma_wait3A_135] : memref<10000x64xf32, #tpu.memory_space<hbm>> -> memref<10000x64xf32, #tpu.memory_space<hbm>>
    tpu.wait_indirect_dma semaphore(%arg19 : memref<!tpu.dma_semaphore, #tpu.memory_space<semaphore_mem>>) src(%dma_wait3A_136 : memref<10000x64xf32, #tpu.memory_space<hbm>>) dst(%dma_wait3A_130 : memref<80x64xf32, #tpu.memory_space<vmem>>)
    %dma_start3A_137 = arith.constant 2 : i32
    %dma_start3A_138 = arith.constant 0 : i32
    %dma_start3A_139 = arith.constant 0 : i32
    %dma_start3A_140 = tpu.memref_slice %arg9[%dma_start3A_138, %dma_start3A_139] : memref<80x64xf32, #tpu.memory_space<vmem>> -> memref<80x64xf32, #tpu.memory_space<vmem>>
    %dma_start3A_141 = arith.constant 0 : i32
    %dma_start3A_142 = tpu.memref_slice %arg6[%dma_start3A_137, %dma_start3A_141] : memref<125x80xi32, #tpu.memory_space<vmem>> -> memref<1x80xi32, #tpu.memory_space<vmem>>
    %dma_start3A_143 = tpu.memref_squeeze %dma_start3A_142 : memref<1x80xi32, #tpu.memory_space<vmem>> -> memref<80xi32, #tpu.memory_space<vmem>>
    %dma_start3A_144 = arith.constant 0 : i32
    %dma_start3A_145 = arith.constant 0 : i32
    %dma_start3A_146 = tpu.memref_slice %arg16[%dma_start3A_144, %dma_start3A_145] : memref<10000x64xf32, #tpu.memory_space<vmem_shared>> -> memref<10000x64xf32, #tpu.memory_space<vmem_shared>>
    tpu.enqueue_indirect_dma source(%dma_start3A_140 : memref<80x64xf32, #tpu.memory_space<vmem>>) target(%dma_start3A_146 : memref<10000x64xf32, #tpu.memory_space<vmem_shared>>) offsets(%dma_start3A_143 : memref<80xi32, #tpu.memory_space<vmem>>) semaphore(%arg27 : memref<!tpu.dma_semaphore, #tpu.memory_space<semaphore_mem>>) {add = true}
    %dma_start3A_147 = arith.constant 6 : i32
    %dma_start3A_148 = arith.constant 0 : i32
    %dma_start3A_149 = arith.constant 0 : i32
    %dma_start3A_150 = tpu.memref_slice %arg13[%dma_start3A_148, %dma_start3A_149] : memref<80x64xf32, #tpu.memory_space<vmem>> -> memref<80x64xf32, #tpu.memory_space<vmem>>
    %dma_start3A_151 = arith.constant 0 : i32
    %dma_start3A_152 = tpu.memref_slice %arg5[%dma_start3A_147, %dma_start3A_151] : memref<125x80xi32, #tpu.memory_space<vmem>> -> memref<1x80xi32, #tpu.memory_space<vmem>>
    %dma_start3A_153 = tpu.memref_squeeze %dma_start3A_152 : memref<1x80xi32, #tpu.memory_space<vmem>> -> memref<80xi32, #tpu.memory_space<vmem>>
    %dma_start3A_154 = arith.constant 0 : i32
    %dma_start3A_155 = arith.constant 0 : i32
    %dma_start3A_156 = tpu.memref_slice %arg2[%dma_start3A_154, %dma_start3A_155] : memref<10000x64xf32, #tpu.memory_space<hbm>> -> memref<10000x64xf32, #tpu.memory_space<hbm>>
    tpu.enqueue_indirect_dma source(%dma_start3A_156 : memref<10000x64xf32, #tpu.memory_space<hbm>>) target(%dma_start3A_150 : memref<80x64xf32, #tpu.memory_space<vmem>>) offsets(%dma_start3A_153 : memref<80xi32, #tpu.memory_space<vmem>>) semaphore(%arg23 : memref<!tpu.dma_semaphore, #tpu.memory_space<semaphore_mem>>)
    %dma_wait3A_157 = arith.constant 3 : i32
    %dma_wait3A_158 = arith.constant 0 : i32
    %dma_wait3A_159 = arith.constant 0 : i32
    %dma_wait3A_160 = tpu.memref_slice %arg10[%dma_wait3A_158, %dma_wait3A_159] : memref<80x64xf32, #tpu.memory_space<vmem>> -> memref<80x64xf32, #tpu.memory_space<vmem>>
    %dma_wait3A_161 = arith.constant 0 : i32
    %dma_wait3A_162 = tpu.memref_slice %arg5[%dma_wait3A_157, %dma_wait3A_161] : memref<125x80xi32, #tpu.memory_space<vmem>> -> memref<1x80xi32, #tpu.memory_space<vmem>>
    %dma_wait3A_163 = tpu.memref_squeeze %dma_wait3A_162 : memref<1x80xi32, #tpu.memory_space<vmem>> -> memref<80xi32, #tpu.memory_space<vmem>>
    %dma_wait3A_164 = arith.constant 0 : i32
    %dma_wait3A_165 = arith.constant 0 : i32
    %dma_wait3A_166 = tpu.memref_slice %arg2[%dma_wait3A_164, %dma_wait3A_165] : memref<10000x64xf32, #tpu.memory_space<hbm>> -> memref<10000x64xf32, #tpu.memory_space<hbm>>
    tpu.wait_indirect_dma semaphore(%arg20 : memref<!tpu.dma_semaphore, #tpu.memory_space<semaphore_mem>>) src(%dma_wait3A_166 : memref<10000x64xf32, #tpu.memory_space<hbm>>) dst(%dma_wait3A_160 : memref<80x64xf32, #tpu.memory_space<vmem>>)
    %dma_start3A_167 = arith.constant 3 : i32
    %dma_start3A_168 = arith.constant 0 : i32
    %dma_start3A_169 = arith.constant 0 : i32
    %dma_start3A_170 = tpu.memref_slice %arg10[%dma_start3A_168, %dma_start3A_169] : memref<80x64xf32, #tpu.memory_space<vmem>> -> memref<80x64xf32, #tpu.memory_space<vmem>>
    %dma_start3A_171 = arith.constant 0 : i32
    %dma_start3A_172 = tpu.memref_slice %arg6[%dma_start3A_167, %dma_start3A_171] : memref<125x80xi32, #tpu.memory_space<vmem>> -> memref<1x80xi32, #tpu.memory_space<vmem>>
    %dma_start3A_173 = tpu.memref_squeeze %dma_start3A_172 : memref<1x80xi32, #tpu.memory_space<vmem>> -> memref<80xi32, #tpu.memory_space<vmem>>
    %dma_start3A_174 = arith.constant 0 : i32
    %dma_start3A_175 = arith.constant 0 : i32
    %dma_start3A_176 = tpu.memref_slice %arg16[%dma_start3A_174, %dma_start3A_175] : memref<10000x64xf32, #tpu.memory_space<vmem_shared>> -> memref<10000x64xf32, #tpu.memory_space<vmem_shared>>
    tpu.enqueue_indirect_dma source(%dma_start3A_170 : memref<80x64xf32, #tpu.memory_space<vmem>>) target(%dma_start3A_176 : memref<10000x64xf32, #tpu.memory_space<vmem_shared>>) offsets(%dma_start3A_173 : memref<80xi32, #tpu.memory_space<vmem>>) semaphore(%arg28 : memref<!tpu.dma_semaphore, #tpu.memory_space<semaphore_mem>>) {add = true}
    %dma_start3A_177 = arith.constant 7 : i32
    %dma_start3A_178 = arith.constant 0 : i32
    %dma_start3A_179 = arith.constant 0 : i32
    %dma_start3A_180 = tpu.memref_slice %arg14[%dma_start3A_178, %dma_start3A_179] : memref<80x64xf32, #tpu.memory_space<vmem>> -> memref<80x64xf32, #tpu.memory_space<vmem>>
    %dma_start3A_181 = arith.constant 0 : i32
    %dma_start3A_182 = tpu.memref_slice %arg5[%dma_start3A_177, %dma_start3A_181] : memref<125x80xi32, #tpu.memory_space<vmem>> -> memref<1x80xi32, #tpu.memory_space<vmem>>
    %dma_start3A_183 = tpu.memref_squeeze %dma_start3A_182 : memref<1x80xi32, #tpu.memory_space<vmem>> -> memref<80xi32, #tpu.memory_space<vmem>>
    %dma_start3A_184 = arith.constant 0 : i32
    %dma_start3A_185 = arith.constant 0 : i32
    %dma_start3A_186 = tpu.memref_slice %arg2[%dma_start3A_184, %dma_start3A_185] : memref<10000x64xf32, #tpu.memory_space<hbm>> -> memref<10000x64xf32, #tpu.memory_space<hbm>>
    tpu.enqueue_indirect_dma source(%dma_start3A_186 : memref<10000x64xf32, #tpu.memory_space<hbm>>) target(%dma_start3A_180 : memref<80x64xf32, #tpu.memory_space<vmem>>) offsets(%dma_start3A_183 : memref<80xi32, #tpu.memory_space<vmem>>) semaphore(%arg24 : memref<!tpu.dma_semaphore, #tpu.memory_space<semaphore_mem>>)
    %scan3A_187 = arith.constant 0 : i32
    %scan3A_188 = arith.constant 14 : i32
    %scan3A_189 = arith.addi %scan3A_187, %scan3A_188 : i32
    %scan3A_190 = arith.constant 1 : i32
    scf.for %scan3A_557 = %scan3A_187 to %scan3A_189 step %scan3A_190  : i32 {
      %mul3A_558 = arith.constant 1 : i32
      %mul3A_559 = arith.muli %scan3A_557, %mul3A_558 : i32
      %add3A_560 = arith.constant 0 : i32
      %add3A_561 = arith.addi %add3A_560, %mul3A_559 : i32
      %mul3A_562 = arith.constant 8 : i32
      %mul3A_563 = arith.muli %add3A_561, %mul3A_562 : i32
      %add3A_564 = arith.constant 4 : i32
      %add3A_565 = arith.addi %mul3A_563, %add3A_564 : i32
      %add3A_566 = arith.constant 0 : i32
      %add3A_567 = arith.addi %add3A_565, %add3A_566 : i32
      %mul3A_568 = arith.constant 1 : i32
      %mul3A_569 = arith.muli %add3A_567, %mul3A_568 : i32
      %add3A_570 = arith.constant 0 : i32
      %add3A_571 = arith.addi %mul3A_569, %add3A_570 : i32
      %dma_wait3A_572 = arith.constant 0 : i32
      %dma_wait3A_573 = arith.constant 0 : i32
      %dma_wait3A_574 = tpu.memref_slice %arg11[%dma_wait3A_572, %dma_wait3A_573] : memref<80x64xf32, #tpu.memory_space<vmem>> -> memref<80x64xf32, #tpu.memory_space<vmem>>
      %dma_wait3A_575 = arith.constant 0 : i32
      %dma_wait3A_576 = tpu.memref_slice %arg5[%add3A_571, %dma_wait3A_575] : memref<125x80xi32, #tpu.memory_space<vmem>> -> memref<1x80xi32, #tpu.memory_space<vmem>>
      %dma_wait3A_577 = tpu.memref_squeeze %dma_wait3A_576 : memref<1x80xi32, #tpu.memory_space<vmem>> -> memref<80xi32, #tpu.memory_space<vmem>>
      %dma_wait3A_578 = arith.constant 0 : i32
      %dma_wait3A_579 = arith.constant 0 : i32
      %dma_wait3A_580 = tpu.memref_slice %arg2[%dma_wait3A_578, %dma_wait3A_579] : memref<10000x64xf32, #tpu.memory_space<hbm>> -> memref<10000x64xf32, #tpu.memory_space<hbm>>
      tpu.wait_indirect_dma semaphore(%arg21 : memref<!tpu.dma_semaphore, #tpu.memory_space<semaphore_mem>>) src(%dma_wait3A_580 : memref<10000x64xf32, #tpu.memory_space<hbm>>) dst(%dma_wait3A_574 : memref<80x64xf32, #tpu.memory_space<vmem>>)
      %mul3A_581 = arith.constant 1 : i32
      %mul3A_582 = arith.muli %add3A_567, %mul3A_581 : i32
      %add3A_583 = arith.constant 0 : i32
      %add3A_584 = arith.addi %mul3A_582, %add3A_583 : i32
      %dma_start3A_585 = arith.constant 0 : i32
      %dma_start3A_586 = arith.constant 0 : i32
      %dma_start3A_587 = tpu.memref_slice %arg11[%dma_start3A_585, %dma_start3A_586] : memref<80x64xf32, #tpu.memory_space<vmem>> -> memref<80x64xf32, #tpu.memory_space<vmem>>
      %dma_start3A_588 = arith.constant 0 : i32
      %dma_start3A_589 = tpu.memref_slice %arg6[%add3A_584, %dma_start3A_588] : memref<125x80xi32, #tpu.memory_space<vmem>> -> memref<1x80xi32, #tpu.memory_space<vmem>>
      %dma_start3A_590 = tpu.memref_squeeze %dma_start3A_589 : memref<1x80xi32, #tpu.memory_space<vmem>> -> memref<80xi32, #tpu.memory_space<vmem>>
      %dma_start3A_591 = arith.constant 0 : i32
      %dma_start3A_592 = arith.constant 0 : i32
      %dma_start3A_593 = tpu.memref_slice %arg16[%dma_start3A_591, %dma_start3A_592] : memref<10000x64xf32, #tpu.memory_space<vmem_shared>> -> memref<10000x64xf32, #tpu.memory_space<vmem_shared>>
      tpu.enqueue_indirect_dma source(%dma_start3A_587 : memref<80x64xf32, #tpu.memory_space<vmem>>) target(%dma_start3A_593 : memref<10000x64xf32, #tpu.memory_space<vmem_shared>>) offsets(%dma_start3A_590 : memref<80xi32, #tpu.memory_space<vmem>>) semaphore(%arg29 : memref<!tpu.dma_semaphore, #tpu.memory_space<semaphore_mem>>) {add = true}
      %sub3A = arith.constant 4 : i32
      %sub3A_594 = arith.subi %add3A_567, %sub3A : i32
      %mul3A_595 = arith.constant 1 : i32
      %mul3A_596 = arith.muli %sub3A_594, %mul3A_595 : i32
      %add3A_597 = arith.constant 0 : i32
      %add3A_598 = arith.addi %mul3A_596, %add3A_597 : i32
      %dma_wait3A_599 = arith.constant 0 : i32
      %dma_wait3A_600 = arith.constant 0 : i32
      %dma_wait3A_601 = tpu.memref_slice %arg7[%dma_wait3A_599, %dma_wait3A_600] : memref<80x64xf32, #tpu.memory_space<vmem>> -> memref<80x64xf32, #tpu.memory_space<vmem>>
      %dma_wait3A_602 = arith.constant 0 : i32
      %dma_wait3A_603 = tpu.memref_slice %arg6[%add3A_598, %dma_wait3A_602] : memref<125x80xi32, #tpu.memory_space<vmem>> -> memref<1x80xi32, #tpu.memory_space<vmem>>
      %dma_wait3A_604 = tpu.memref_squeeze %dma_wait3A_603 : memref<1x80xi32, #tpu.memory_space<vmem>> -> memref<80xi32, #tpu.memory_space<vmem>>
      %dma_wait3A_605 = arith.constant 0 : i32
      %dma_wait3A_606 = arith.constant 0 : i32
      %dma_wait3A_607 = tpu.memref_slice %arg16[%dma_wait3A_605, %dma_wait3A_606] : memref<10000x64xf32, #tpu.memory_space<vmem_shared>> -> memref<10000x64xf32, #tpu.memory_space<vmem_shared>>
      tpu.wait_indirect_dma semaphore(%arg25 : memref<!tpu.dma_semaphore, #tpu.memory_space<semaphore_mem>>) src(%dma_wait3A_601 : memref<80x64xf32, #tpu.memory_space<vmem>>) dst(%dma_wait3A_607 : memref<10000x64xf32, #tpu.memory_space<vmem_shared>>)
      %add3A_608 = arith.constant 4 : i32
      %add3A_609 = arith.addi %add3A_567, %add3A_608 : i32
      %mul3A_610 = arith.constant 1 : i32
      %mul3A_611 = arith.muli %add3A_609, %mul3A_610 : i32
      %add3A_612 = arith.constant 0 : i32
      %add3A_613 = arith.addi %mul3A_611, %add3A_612 : i32
      %dma_start3A_614 = arith.constant 0 : i32
      %dma_start3A_615 = arith.constant 0 : i32
      %dma_start3A_616 = tpu.memref_slice %arg7[%dma_start3A_614, %dma_start3A_615] : memref<80x64xf32, #tpu.memory_space<vmem>> -> memref<80x64xf32, #tpu.memory_space<vmem>>
      %dma_start3A_617 = arith.constant 0 : i32
      %dma_start3A_618 = tpu.memref_slice %arg5[%add3A_613, %dma_start3A_617] : memref<125x80xi32, #tpu.memory_space<vmem>> -> memref<1x80xi32, #tpu.memory_space<vmem>>
      %dma_start3A_619 = tpu.memref_squeeze %dma_start3A_618 : memref<1x80xi32, #tpu.memory_space<vmem>> -> memref<80xi32, #tpu.memory_space<vmem>>
      %dma_start3A_620 = arith.constant 0 : i32
      %dma_start3A_621 = arith.constant 0 : i32
      %dma_start3A_622 = tpu.memref_slice %arg2[%dma_start3A_620, %dma_start3A_621] : memref<10000x64xf32, #tpu.memory_space<hbm>> -> memref<10000x64xf32, #tpu.memory_space<hbm>>
      tpu.enqueue_indirect_dma source(%dma_start3A_622 : memref<10000x64xf32, #tpu.memory_space<hbm>>) target(%dma_start3A_616 : memref<80x64xf32, #tpu.memory_space<vmem>>) offsets(%dma_start3A_619 : memref<80xi32, #tpu.memory_space<vmem>>) semaphore(%arg17 : memref<!tpu.dma_semaphore, #tpu.memory_space<semaphore_mem>>)
      %add3A_623 = arith.constant 1 : i32
      %add3A_624 = arith.addi %add3A_565, %add3A_623 : i32
      %mul3A_625 = arith.constant 1 : i32
      %mul3A_626 = arith.muli %add3A_624, %mul3A_625 : i32
      %add3A_627 = arith.constant 0 : i32
      %add3A_628 = arith.addi %mul3A_626, %add3A_627 : i32
      %dma_wait3A_629 = arith.constant 0 : i32
      %dma_wait3A_630 = arith.constant 0 : i32
      %dma_wait3A_631 = tpu.memref_slice %arg12[%dma_wait3A_629, %dma_wait3A_630] : memref<80x64xf32, #tpu.memory_space<vmem>> -> memref<80x64xf32, #tpu.memory_space<vmem>>
      %dma_wait3A_632 = arith.constant 0 : i32
      %dma_wait3A_633 = tpu.memref_slice %arg5[%add3A_628, %dma_wait3A_632] : memref<125x80xi32, #tpu.memory_space<vmem>> -> memref<1x80xi32, #tpu.memory_space<vmem>>
      %dma_wait3A_634 = tpu.memref_squeeze %dma_wait3A_633 : memref<1x80xi32, #tpu.memory_space<vmem>> -> memref<80xi32, #tpu.memory_space<vmem>>
      %dma_wait3A_635 = arith.constant 0 : i32
      %dma_wait3A_636 = arith.constant 0 : i32
      %dma_wait3A_637 = tpu.memref_slice %arg2[%dma_wait3A_635, %dma_wait3A_636] : memref<10000x64xf32, #tpu.memory_space<hbm>> -> memref<10000x64xf32, #tpu.memory_space<hbm>>
      tpu.wait_indirect_dma semaphore(%arg22 : memref<!tpu.dma_semaphore, #tpu.memory_space<semaphore_mem>>) src(%dma_wait3A_637 : memref<10000x64xf32, #tpu.memory_space<hbm>>) dst(%dma_wait3A_631 : memref<80x64xf32, #tpu.memory_space<vmem>>)
      %mul3A_638 = arith.constant 1 : i32
      %mul3A_639 = arith.muli %add3A_624, %mul3A_638 : i32
      %add3A_640 = arith.constant 0 : i32
      %add3A_641 = arith.addi %mul3A_639, %add3A_640 : i32
      %dma_start3A_642 = arith.constant 0 : i32
      %dma_start3A_643 = arith.constant 0 : i32
      %dma_start3A_644 = tpu.memref_slice %arg12[%dma_start3A_642, %dma_start3A_643] : memref<80x64xf32, #tpu.memory_space<vmem>> -> memref<80x64xf32, #tpu.memory_space<vmem>>
      %dma_start3A_645 = arith.constant 0 : i32
      %dma_start3A_646 = tpu.memref_slice %arg6[%add3A_641, %dma_start3A_645] : memref<125x80xi32, #tpu.memory_space<vmem>> -> memref<1x80xi32, #tpu.memory_space<vmem>>
      %dma_start3A_647 = tpu.memref_squeeze %dma_start3A_646 : memref<1x80xi32, #tpu.memory_space<vmem>> -> memref<80xi32, #tpu.memory_space<vmem>>
      %dma_start3A_648 = arith.constant 0 : i32
      %dma_start3A_649 = arith.constant 0 : i32
      %dma_start3A_650 = tpu.memref_slice %arg16[%dma_start3A_648, %dma_start3A_649] : memref<10000x64xf32, #tpu.memory_space<vmem_shared>> -> memref<10000x64xf32, #tpu.memory_space<vmem_shared>>
      tpu.enqueue_indirect_dma source(%dma_start3A_644 : memref<80x64xf32, #tpu.memory_space<vmem>>) target(%dma_start3A_650 : memref<10000x64xf32, #tpu.memory_space<vmem_shared>>) offsets(%dma_start3A_647 : memref<80xi32, #tpu.memory_space<vmem>>) semaphore(%arg30 : memref<!tpu.dma_semaphore, #tpu.memory_space<semaphore_mem>>) {add = true}
      %sub3A_651 = arith.constant 4 : i32
      %sub3A_652 = arith.subi %add3A_624, %sub3A_651 : i32
      %mul3A_653 = arith.constant 1 : i32
      %mul3A_654 = arith.muli %sub3A_652, %mul3A_653 : i32
      %add3A_655 = arith.constant 0 : i32
      %add3A_656 = arith.addi %mul3A_654, %add3A_655 : i32
      %dma_wait3A_657 = arith.constant 0 : i32
      %dma_wait3A_658 = arith.constant 0 : i32
      %dma_wait3A_659 = tpu.memref_slice %arg8[%dma_wait3A_657, %dma_wait3A_658] : memref<80x64xf32, #tpu.memory_space<vmem>> -> memref<80x64xf32, #tpu.memory_space<vmem>>
      %dma_wait3A_660 = arith.constant 0 : i32
      %dma_wait3A_661 = tpu.memref_slice %arg6[%add3A_656, %dma_wait3A_660] : memref<125x80xi32, #tpu.memory_space<vmem>> -> memref<1x80xi32, #tpu.memory_space<vmem>>
      %dma_wait3A_662 = tpu.memref_squeeze %dma_wait3A_661 : memref<1x80xi32, #tpu.memory_space<vmem>> -> memref<80xi32, #tpu.memory_space<vmem>>
      %dma_wait3A_663 = arith.constant 0 : i32
      %dma_wait3A_664 = arith.constant 0 : i32
      %dma_wait3A_665 = tpu.memref_slice %arg16[%dma_wait3A_663, %dma_wait3A_664] : memref<10000x64xf32, #tpu.memory_space<vmem_shared>> -> memref<10000x64xf32, #tpu.memory_space<vmem_shared>>
      tpu.wait_indirect_dma semaphore(%arg26 : memref<!tpu.dma_semaphore, #tpu.memory_space<semaphore_mem>>) src(%dma_wait3A_659 : memref<80x64xf32, #tpu.memory_space<vmem>>) dst(%dma_wait3A_665 : memref<10000x64xf32, #tpu.memory_space<vmem_shared>>)
      %add3A_666 = arith.constant 4 : i32
      %add3A_667 = arith.addi %add3A_624, %add3A_666 : i32
      %mul3A_668 = arith.constant 1 : i32
      %mul3A_669 = arith.muli %add3A_667, %mul3A_668 : i32
      %add3A_670 = arith.constant 0 : i32
      %add3A_671 = arith.addi %mul3A_669, %add3A_670 : i32
      %dma_start3A_672 = arith.constant 0 : i32
      %dma_start3A_673 = arith.constant 0 : i32
      %dma_start3A_674 = tpu.memref_slice %arg8[%dma_start3A_672, %dma_start3A_673] : memref<80x64xf32, #tpu.memory_space<vmem>> -> memref<80x64xf32, #tpu.memory_space<vmem>>
      %dma_start3A_675 = arith.constant 0 : i32
      %dma_start3A_676 = tpu.memref_slice %arg5[%add3A_671, %dma_start3A_675] : memref<125x80xi32, #tpu.memory_space<vmem>> -> memref<1x80xi32, #tpu.memory_space<vmem>>
      %dma_start3A_677 = tpu.memref_squeeze %dma_start3A_676 : memref<1x80xi32, #tpu.memory_space<vmem>> -> memref<80xi32, #tpu.memory_space<vmem>>
      %dma_start3A_678 = arith.constant 0 : i32
      %dma_start3A_679 = arith.constant 0 : i32
      %dma_start3A_680 = tpu.memref_slice %arg2[%dma_start3A_678, %dma_start3A_679] : memref<10000x64xf32, #tpu.memory_space<hbm>> -> memref<10000x64xf32, #tpu.memory_space<hbm>>
      tpu.enqueue_indirect_dma source(%dma_start3A_680 : memref<10000x64xf32, #tpu.memory_space<hbm>>) target(%dma_start3A_674 : memref<80x64xf32, #tpu.memory_space<vmem>>) offsets(%dma_start3A_677 : memref<80xi32, #tpu.memory_space<vmem>>) semaphore(%arg18 : memref<!tpu.dma_semaphore, #tpu.memory_space<semaphore_mem>>)
      %add3A_681 = arith.constant 2 : i32
      %add3A_682 = arith.addi %add3A_565, %add3A_681 : i32
      %mul3A_683 = arith.constant 1 : i32
      %mul3A_684 = arith.muli %add3A_682, %mul3A_683 : i32
      %add3A_685 = arith.constant 0 : i32
      %add3A_686 = arith.addi %mul3A_684, %add3A_685 : i32
      %dma_wait3A_687 = arith.constant 0 : i32
      %dma_wait3A_688 = arith.constant 0 : i32
      %dma_wait3A_689 = tpu.memref_slice %arg13[%dma_wait3A_687, %dma_wait3A_688] : memref<80x64xf32, #tpu.memory_space<vmem>> -> memref<80x64xf32, #tpu.memory_space<vmem>>
      %dma_wait3A_690 = arith.constant 0 : i32
      %dma_wait3A_691 = tpu.memref_slice %arg5[%add3A_686, %dma_wait3A_690] : memref<125x80xi32, #tpu.memory_space<vmem>> -> memref<1x80xi32, #tpu.memory_space<vmem>>
      %dma_wait3A_692 = tpu.memref_squeeze %dma_wait3A_691 : memref<1x80xi32, #tpu.memory_space<vmem>> -> memref<80xi32, #tpu.memory_space<vmem>>
      %dma_wait3A_693 = arith.constant 0 : i32
      %dma_wait3A_694 = arith.constant 0 : i32
      %dma_wait3A_695 = tpu.memref_slice %arg2[%dma_wait3A_693, %dma_wait3A_694] : memref<10000x64xf32, #tpu.memory_space<hbm>> -> memref<10000x64xf32, #tpu.memory_space<hbm>>
      tpu.wait_indirect_dma semaphore(%arg23 : memref<!tpu.dma_semaphore, #tpu.memory_space<semaphore_mem>>) src(%dma_wait3A_695 : memref<10000x64xf32, #tpu.memory_space<hbm>>) dst(%dma_wait3A_689 : memref<80x64xf32, #tpu.memory_space<vmem>>)
      %mul3A_696 = arith.constant 1 : i32
      %mul3A_697 = arith.muli %add3A_682, %mul3A_696 : i32
      %add3A_698 = arith.constant 0 : i32
      %add3A_699 = arith.addi %mul3A_697, %add3A_698 : i32
      %dma_start3A_700 = arith.constant 0 : i32
      %dma_start3A_701 = arith.constant 0 : i32
      %dma_start3A_702 = tpu.memref_slice %arg13[%dma_start3A_700, %dma_start3A_701] : memref<80x64xf32, #tpu.memory_space<vmem>> -> memref<80x64xf32, #tpu.memory_space<vmem>>
      %dma_start3A_703 = arith.constant 0 : i32
      %dma_start3A_704 = tpu.memref_slice %arg6[%add3A_699, %dma_start3A_703] : memref<125x80xi32, #tpu.memory_space<vmem>> -> memref<1x80xi32, #tpu.memory_space<vmem>>
      %dma_start3A_705 = tpu.memref_squeeze %dma_start3A_704 : memref<1x80xi32, #tpu.memory_space<vmem>> -> memref<80xi32, #tpu.memory_space<vmem>>
      %dma_start3A_706 = arith.constant 0 : i32
      %dma_start3A_707 = arith.constant 0 : i32
      %dma_start3A_708 = tpu.memref_slice %arg16[%dma_start3A_706, %dma_start3A_707] : memref<10000x64xf32, #tpu.memory_space<vmem_shared>> -> memref<10000x64xf32, #tpu.memory_space<vmem_shared>>
      tpu.enqueue_indirect_dma source(%dma_start3A_702 : memref<80x64xf32, #tpu.memory_space<vmem>>) target(%dma_start3A_708 : memref<10000x64xf32, #tpu.memory_space<vmem_shared>>) offsets(%dma_start3A_705 : memref<80xi32, #tpu.memory_space<vmem>>) semaphore(%arg31 : memref<!tpu.dma_semaphore, #tpu.memory_space<semaphore_mem>>) {add = true}
      %sub3A_709 = arith.constant 4 : i32
      %sub3A_710 = arith.subi %add3A_682, %sub3A_709 : i32
      %mul3A_711 = arith.constant 1 : i32
      %mul3A_712 = arith.muli %sub3A_710, %mul3A_711 : i32
      %add3A_713 = arith.constant 0 : i32
      %add3A_714 = arith.addi %mul3A_712, %add3A_713 : i32
      %dma_wait3A_715 = arith.constant 0 : i32
      %dma_wait3A_716 = arith.constant 0 : i32
      %dma_wait3A_717 = tpu.memref_slice %arg9[%dma_wait3A_715, %dma_wait3A_716] : memref<80x64xf32, #tpu.memory_space<vmem>> -> memref<80x64xf32, #tpu.memory_space<vmem>>
      %dma_wait3A_718 = arith.constant 0 : i32
      %dma_wait3A_719 = tpu.memref_slice %arg6[%add3A_714, %dma_wait3A_718] : memref<125x80xi32, #tpu.memory_space<vmem>> -> memref<1x80xi32, #tpu.memory_space<vmem>>
      %dma_wait3A_720 = tpu.memref_squeeze %dma_wait3A_719 : memref<1x80xi32, #tpu.memory_space<vmem>> -> memref<80xi32, #tpu.memory_space<vmem>>
      %dma_wait3A_721 = arith.constant 0 : i32
      %dma_wait3A_722 = arith.constant 0 : i32
      %dma_wait3A_723 = tpu.memref_slice %arg16[%dma_wait3A_721, %dma_wait3A_722] : memref<10000x64xf32, #tpu.memory_space<vmem_shared>> -> memref<10000x64xf32, #tpu.memory_space<vmem_shared>>
      tpu.wait_indirect_dma semaphore(%arg27 : memref<!tpu.dma_semaphore, #tpu.memory_space<semaphore_mem>>) src(%dma_wait3A_717 : memref<80x64xf32, #tpu.memory_space<vmem>>) dst(%dma_wait3A_723 : memref<10000x64xf32, #tpu.memory_space<vmem_shared>>)
      %add3A_724 = arith.constant 4 : i32
      %add3A_725 = arith.addi %add3A_682, %add3A_724 : i32
      %mul3A_726 = arith.constant 1 : i32
      %mul3A_727 = arith.muli %add3A_725, %mul3A_726 : i32
      %add3A_728 = arith.constant 0 : i32
      %add3A_729 = arith.addi %mul3A_727, %add3A_728 : i32
      %dma_start3A_730 = arith.constant 0 : i32
      %dma_start3A_731 = arith.constant 0 : i32
      %dma_start3A_732 = tpu.memref_slice %arg9[%dma_start3A_730, %dma_start3A_731] : memref<80x64xf32, #tpu.memory_space<vmem>> -> memref<80x64xf32, #tpu.memory_space<vmem>>
      %dma_start3A_733 = arith.constant 0 : i32
      %dma_start3A_734 = tpu.memref_slice %arg5[%add3A_729, %dma_start3A_733] : memref<125x80xi32, #tpu.memory_space<vmem>> -> memref<1x80xi32, #tpu.memory_space<vmem>>
      %dma_start3A_735 = tpu.memref_squeeze %dma_start3A_734 : memref<1x80xi32, #tpu.memory_space<vmem>> -> memref<80xi32, #tpu.memory_space<vmem>>
      %dma_start3A_736 = arith.constant 0 : i32
      %dma_start3A_737 = arith.constant 0 : i32
      %dma_start3A_738 = tpu.memref_slice %arg2[%dma_start3A_736, %dma_start3A_737] : memref<10000x64xf32, #tpu.memory_space<hbm>> -> memref<10000x64xf32, #tpu.memory_space<hbm>>
      tpu.enqueue_indirect_dma source(%dma_start3A_738 : memref<10000x64xf32, #tpu.memory_space<hbm>>) target(%dma_start3A_732 : memref<80x64xf32, #tpu.memory_space<vmem>>) offsets(%dma_start3A_735 : memref<80xi32, #tpu.memory_space<vmem>>) semaphore(%arg19 : memref<!tpu.dma_semaphore, #tpu.memory_space<semaphore_mem>>)
      %add3A_739 = arith.constant 3 : i32
      %add3A_740 = arith.addi %add3A_565, %add3A_739 : i32
      %mul3A_741 = arith.constant 1 : i32
      %mul3A_742 = arith.muli %add3A_740, %mul3A_741 : i32
      %add3A_743 = arith.constant 0 : i32
      %add3A_744 = arith.addi %mul3A_742, %add3A_743 : i32
      %dma_wait3A_745 = arith.constant 0 : i32
      %dma_wait3A_746 = arith.constant 0 : i32
      %dma_wait3A_747 = tpu.memref_slice %arg14[%dma_wait3A_745, %dma_wait3A_746] : memref<80x64xf32, #tpu.memory_space<vmem>> -> memref<80x64xf32, #tpu.memory_space<vmem>>
      %dma_wait3A_748 = arith.constant 0 : i32
      %dma_wait3A_749 = tpu.memref_slice %arg5[%add3A_744, %dma_wait3A_748] : memref<125x80xi32, #tpu.memory_space<vmem>> -> memref<1x80xi32, #tpu.memory_space<vmem>>
      %dma_wait3A_750 = tpu.memref_squeeze %dma_wait3A_749 : memref<1x80xi32, #tpu.memory_space<vmem>> -> memref<80xi32, #tpu.memory_space<vmem>>
      %dma_wait3A_751 = arith.constant 0 : i32
      %dma_wait3A_752 = arith.constant 0 : i32
      %dma_wait3A_753 = tpu.memref_slice %arg2[%dma_wait3A_751, %dma_wait3A_752] : memref<10000x64xf32, #tpu.memory_space<hbm>> -> memref<10000x64xf32, #tpu.memory_space<hbm>>
      tpu.wait_indirect_dma semaphore(%arg24 : memref<!tpu.dma_semaphore, #tpu.memory_space<semaphore_mem>>) src(%dma_wait3A_753 : memref<10000x64xf32, #tpu.memory_space<hbm>>) dst(%dma_wait3A_747 : memref<80x64xf32, #tpu.memory_space<vmem>>)
      %mul3A_754 = arith.constant 1 : i32
      %mul3A_755 = arith.muli %add3A_740, %mul3A_754 : i32
      %add3A_756 = arith.constant 0 : i32
      %add3A_757 = arith.addi %mul3A_755, %add3A_756 : i32
      %dma_start3A_758 = arith.constant 0 : i32
      %dma_start3A_759 = arith.constant 0 : i32
      %dma_start3A_760 = tpu.memref_slice %arg14[%dma_start3A_758, %dma_start3A_759] : memref<80x64xf32, #tpu.memory_space<vmem>> -> memref<80x64xf32, #tpu.memory_space<vmem>>
      %dma_start3A_761 = arith.constant 0 : i32
      %dma_start3A_762 = tpu.memref_slice %arg6[%add3A_757, %dma_start3A_761] : memref<125x80xi32, #tpu.memory_space<vmem>> -> memref<1x80xi32, #tpu.memory_space<vmem>>
      %dma_start3A_763 = tpu.memref_squeeze %dma_start3A_762 : memref<1x80xi32, #tpu.memory_space<vmem>> -> memref<80xi32, #tpu.memory_space<vmem>>
      %dma_start3A_764 = arith.constant 0 : i32
      %dma_start3A_765 = arith.constant 0 : i32
      %dma_start3A_766 = tpu.memref_slice %arg16[%dma_start3A_764, %dma_start3A_765] : memref<10000x64xf32, #tpu.memory_space<vmem_shared>> -> memref<10000x64xf32, #tpu.memory_space<vmem_shared>>
      tpu.enqueue_indirect_dma source(%dma_start3A_760 : memref<80x64xf32, #tpu.memory_space<vmem>>) target(%dma_start3A_766 : memref<10000x64xf32, #tpu.memory_space<vmem_shared>>) offsets(%dma_start3A_763 : memref<80xi32, #tpu.memory_space<vmem>>) semaphore(%arg32 : memref<!tpu.dma_semaphore, #tpu.memory_space<semaphore_mem>>) {add = true}
      %sub3A_767 = arith.constant 4 : i32
      %sub3A_768 = arith.subi %add3A_740, %sub3A_767 : i32
      %mul3A_769 = arith.constant 1 : i32
      %mul3A_770 = arith.muli %sub3A_768, %mul3A_769 : i32
      %add3A_771 = arith.constant 0 : i32
      %add3A_772 = arith.addi %mul3A_770, %add3A_771 : i32
      %dma_wait3A_773 = arith.constant 0 : i32
      %dma_wait3A_774 = arith.constant 0 : i32
      %dma_wait3A_775 = tpu.memref_slice %arg10[%dma_wait3A_773, %dma_wait3A_774] : memref<80x64xf32, #tpu.memory_space<vmem>> -> memref<80x64xf32, #tpu.memory_space<vmem>>
      %dma_wait3A_776 = arith.constant 0 : i32
      %dma_wait3A_777 = tpu.memref_slice %arg6[%add3A_772, %dma_wait3A_776] : memref<125x80xi32, #tpu.memory_space<vmem>> -> memref<1x80xi32, #tpu.memory_space<vmem>>
      %dma_wait3A_778 = tpu.memref_squeeze %dma_wait3A_777 : memref<1x80xi32, #tpu.memory_space<vmem>> -> memref<80xi32, #tpu.memory_space<vmem>>
      %dma_wait3A_779 = arith.constant 0 : i32
      %dma_wait3A_780 = arith.constant 0 : i32
      %dma_wait3A_781 = tpu.memref_slice %arg16[%dma_wait3A_779, %dma_wait3A_780] : memref<10000x64xf32, #tpu.memory_space<vmem_shared>> -> memref<10000x64xf32, #tpu.memory_space<vmem_shared>>
      tpu.wait_indirect_dma semaphore(%arg28 : memref<!tpu.dma_semaphore, #tpu.memory_space<semaphore_mem>>) src(%dma_wait3A_775 : memref<80x64xf32, #tpu.memory_space<vmem>>) dst(%dma_wait3A_781 : memref<10000x64xf32, #tpu.memory_space<vmem_shared>>)
      %add3A_782 = arith.constant 4 : i32
      %add3A_783 = arith.addi %add3A_740, %add3A_782 : i32
      %mul3A_784 = arith.constant 1 : i32
      %mul3A_785 = arith.muli %add3A_783, %mul3A_784 : i32
      %add3A_786 = arith.constant 0 : i32
      %add3A_787 = arith.addi %mul3A_785, %add3A_786 : i32
      %dma_start3A_788 = arith.constant 0 : i32
      %dma_start3A_789 = arith.constant 0 : i32
      %dma_start3A_790 = tpu.memref_slice %arg10[%dma_start3A_788, %dma_start3A_789] : memref<80x64xf32, #tpu.memory_space<vmem>> -> memref<80x64xf32, #tpu.memory_space<vmem>>
      %dma_start3A_791 = arith.constant 0 : i32
      %dma_start3A_792 = tpu.memref_slice %arg5[%add3A_787, %dma_start3A_791] : memref<125x80xi32, #tpu.memory_space<vmem>> -> memref<1x80xi32, #tpu.memory_space<vmem>>
      %dma_start3A_793 = tpu.memref_squeeze %dma_start3A_792 : memref<1x80xi32, #tpu.memory_space<vmem>> -> memref<80xi32, #tpu.memory_space<vmem>>
      %dma_start3A_794 = arith.constant 0 : i32
      %dma_start3A_795 = arith.constant 0 : i32
      %dma_start3A_796 = tpu.memref_slice %arg2[%dma_start3A_794, %dma_start3A_795] : memref<10000x64xf32, #tpu.memory_space<hbm>> -> memref<10000x64xf32, #tpu.memory_space<hbm>>
      tpu.enqueue_indirect_dma source(%dma_start3A_796 : memref<10000x64xf32, #tpu.memory_space<hbm>>) target(%dma_start3A_790 : memref<80x64xf32, #tpu.memory_space<vmem>>) offsets(%dma_start3A_793 : memref<80xi32, #tpu.memory_space<vmem>>) semaphore(%arg20 : memref<!tpu.dma_semaphore, #tpu.memory_space<semaphore_mem>>)
      %add3A_797 = arith.constant 4 : i32
      %add3A_798 = arith.addi %add3A_565, %add3A_797 : i32
      %mul3A_799 = arith.constant 1 : i32
      %mul3A_800 = arith.muli %add3A_798, %mul3A_799 : i32
      %add3A_801 = arith.constant 0 : i32
      %add3A_802 = arith.addi %mul3A_800, %add3A_801 : i32
      %dma_wait3A_803 = arith.constant 0 : i32
      %dma_wait3A_804 = arith.constant 0 : i32
      %dma_wait3A_805 = tpu.memref_slice %arg7[%dma_wait3A_803, %dma_wait3A_804] : memref<80x64xf32, #tpu.memory_space<vmem>> -> memref<80x64xf32, #tpu.memory_space<vmem>>
      %dma_wait3A_806 = arith.constant 0 : i32
      %dma_wait3A_807 = tpu.memref_slice %arg5[%add3A_802, %dma_wait3A_806] : memref<125x80xi32, #tpu.memory_space<vmem>> -> memref<1x80xi32, #tpu.memory_space<vmem>>
      %dma_wait3A_808 = tpu.memref_squeeze %dma_wait3A_807 : memref<1x80xi32, #tpu.memory_space<vmem>> -> memref<80xi32, #tpu.memory_space<vmem>>
      %dma_wait3A_809 = arith.constant 0 : i32
      %dma_wait3A_810 = arith.constant 0 : i32
      %dma_wait3A_811 = tpu.memref_slice %arg2[%dma_wait3A_809, %dma_wait3A_810] : memref<10000x64xf32, #tpu.memory_space<hbm>> -> memref<10000x64xf32, #tpu.memory_space<hbm>>
      tpu.wait_indirect_dma semaphore(%arg17 : memref<!tpu.dma_semaphore, #tpu.memory_space<semaphore_mem>>) src(%dma_wait3A_811 : memref<10000x64xf32, #tpu.memory_space<hbm>>) dst(%dma_wait3A_805 : memref<80x64xf32, #tpu.memory_space<vmem>>)
      %mul3A_812 = arith.constant 1 : i32
      %mul3A_813 = arith.muli %add3A_798, %mul3A_812 : i32
      %add3A_814 = arith.constant 0 : i32
      %add3A_815 = arith.addi %mul3A_813, %add3A_814 : i32
      %dma_start3A_816 = arith.constant 0 : i32
      %dma_start3A_817 = arith.constant 0 : i32
      %dma_start3A_818 = tpu.memref_slice %arg7[%dma_start3A_816, %dma_start3A_817] : memref<80x64xf32, #tpu.memory_space<vmem>> -> memref<80x64xf32, #tpu.memory_space<vmem>>
      %dma_start3A_819 = arith.constant 0 : i32
      %dma_start3A_820 = tpu.memref_slice %arg6[%add3A_815, %dma_start3A_819] : memref<125x80xi32, #tpu.memory_space<vmem>> -> memref<1x80xi32, #tpu.memory_space<vmem>>
      %dma_start3A_821 = tpu.memref_squeeze %dma_start3A_820 : memref<1x80xi32, #tpu.memory_space<vmem>> -> memref<80xi32, #tpu.memory_space<vmem>>
      %dma_start3A_822 = arith.constant 0 : i32
      %dma_start3A_823 = arith.constant 0 : i32
      %dma_start3A_824 = tpu.memref_slice %arg16[%dma_start3A_822, %dma_start3A_823] : memref<10000x64xf32, #tpu.memory_space<vmem_shared>> -> memref<10000x64xf32, #tpu.memory_space<vmem_shared>>
      tpu.enqueue_indirect_dma source(%dma_start3A_818 : memref<80x64xf32, #tpu.memory_space<vmem>>) target(%dma_start3A_824 : memref<10000x64xf32, #tpu.memory_space<vmem_shared>>) offsets(%dma_start3A_821 : memref<80xi32, #tpu.memory_space<vmem>>) semaphore(%arg25 : memref<!tpu.dma_semaphore, #tpu.memory_space<semaphore_mem>>) {add = true}
      %sub3A_825 = arith.constant 4 : i32
      %sub3A_826 = arith.subi %add3A_798, %sub3A_825 : i32
      %mul3A_827 = arith.constant 1 : i32
      %mul3A_828 = arith.muli %sub3A_826, %mul3A_827 : i32
      %add3A_829 = arith.constant 0 : i32
      %add3A_830 = arith.addi %mul3A_828, %add3A_829 : i32
      %dma_wait3A_831 = arith.constant 0 : i32
      %dma_wait3A_832 = arith.constant 0 : i32
      %dma_wait3A_833 = tpu.memref_slice %arg11[%dma_wait3A_831, %dma_wait3A_832] : memref<80x64xf32, #tpu.memory_space<vmem>> -> memref<80x64xf32, #tpu.memory_space<vmem>>
      %dma_wait3A_834 = arith.constant 0 : i32
      %dma_wait3A_835 = tpu.memref_slice %arg6[%add3A_830, %dma_wait3A_834] : memref<125x80xi32, #tpu.memory_space<vmem>> -> memref<1x80xi32, #tpu.memory_space<vmem>>
      %dma_wait3A_836 = tpu.memref_squeeze %dma_wait3A_835 : memref<1x80xi32, #tpu.memory_space<vmem>> -> memref<80xi32, #tpu.memory_space<vmem>>
      %dma_wait3A_837 = arith.constant 0 : i32
      %dma_wait3A_838 = arith.constant 0 : i32
      %dma_wait3A_839 = tpu.memref_slice %arg16[%dma_wait3A_837, %dma_wait3A_838] : memref<10000x64xf32, #tpu.memory_space<vmem_shared>> -> memref<10000x64xf32, #tpu.memory_space<vmem_shared>>
      tpu.wait_indirect_dma semaphore(%arg29 : memref<!tpu.dma_semaphore, #tpu.memory_space<semaphore_mem>>) src(%dma_wait3A_833 : memref<80x64xf32, #tpu.memory_space<vmem>>) dst(%dma_wait3A_839 : memref<10000x64xf32, #tpu.memory_space<vmem_shared>>)
      %add3A_840 = arith.constant 4 : i32
      %add3A_841 = arith.addi %add3A_798, %add3A_840 : i32
      %mul3A_842 = arith.constant 1 : i32
      %mul3A_843 = arith.muli %add3A_841, %mul3A_842 : i32
      %add3A_844 = arith.constant 0 : i32
      %add3A_845 = arith.addi %mul3A_843, %add3A_844 : i32
      %dma_start3A_846 = arith.constant 0 : i32
      %dma_start3A_847 = arith.constant 0 : i32
      %dma_start3A_848 = tpu.memref_slice %arg11[%dma_start3A_846, %dma_start3A_847] : memref<80x64xf32, #tpu.memory_space<vmem>> -> memref<80x64xf32, #tpu.memory_space<vmem>>
      %dma_start3A_849 = arith.constant 0 : i32
      %dma_start3A_850 = tpu.memref_slice %arg5[%add3A_845, %dma_start3A_849] : memref<125x80xi32, #tpu.memory_space<vmem>> -> memref<1x80xi32, #tpu.memory_space<vmem>>
      %dma_start3A_851 = tpu.memref_squeeze %dma_start3A_850 : memref<1x80xi32, #tpu.memory_space<vmem>> -> memref<80xi32, #tpu.memory_space<vmem>>
      %dma_start3A_852 = arith.constant 0 : i32
      %dma_start3A_853 = arith.constant 0 : i32
      %dma_start3A_854 = tpu.memref_slice %arg2[%dma_start3A_852, %dma_start3A_853] : memref<10000x64xf32, #tpu.memory_space<hbm>> -> memref<10000x64xf32, #tpu.memory_space<hbm>>
      tpu.enqueue_indirect_dma source(%dma_start3A_854 : memref<10000x64xf32, #tpu.memory_space<hbm>>) target(%dma_start3A_848 : memref<80x64xf32, #tpu.memory_space<vmem>>) offsets(%dma_start3A_851 : memref<80xi32, #tpu.memory_space<vmem>>) semaphore(%arg21 : memref<!tpu.dma_semaphore, #tpu.memory_space<semaphore_mem>>)
      %add3A_855 = arith.constant 5 : i32
      %add3A_856 = arith.addi %add3A_565, %add3A_855 : i32
      %mul3A_857 = arith.constant 1 : i32
      %mul3A_858 = arith.muli %add3A_856, %mul3A_857 : i32
      %add3A_859 = arith.constant 0 : i32
      %add3A_860 = arith.addi %mul3A_858, %add3A_859 : i32
      %dma_wait3A_861 = arith.constant 0 : i32
      %dma_wait3A_862 = arith.constant 0 : i32
      %dma_wait3A_863 = tpu.memref_slice %arg8[%dma_wait3A_861, %dma_wait3A_862] : memref<80x64xf32, #tpu.memory_space<vmem>> -> memref<80x64xf32, #tpu.memory_space<vmem>>
      %dma_wait3A_864 = arith.constant 0 : i32
      %dma_wait3A_865 = tpu.memref_slice %arg5[%add3A_860, %dma_wait3A_864] : memref<125x80xi32, #tpu.memory_space<vmem>> -> memref<1x80xi32, #tpu.memory_space<vmem>>
      %dma_wait3A_866 = tpu.memref_squeeze %dma_wait3A_865 : memref<1x80xi32, #tpu.memory_space<vmem>> -> memref<80xi32, #tpu.memory_space<vmem>>
      %dma_wait3A_867 = arith.constant 0 : i32
      %dma_wait3A_868 = arith.constant 0 : i32
      %dma_wait3A_869 = tpu.memref_slice %arg2[%dma_wait3A_867, %dma_wait3A_868] : memref<10000x64xf32, #tpu.memory_space<hbm>> -> memref<10000x64xf32, #tpu.memory_space<hbm>>
      tpu.wait_indirect_dma semaphore(%arg18 : memref<!tpu.dma_semaphore, #tpu.memory_space<semaphore_mem>>) src(%dma_wait3A_869 : memref<10000x64xf32, #tpu.memory_space<hbm>>) dst(%dma_wait3A_863 : memref<80x64xf32, #tpu.memory_space<vmem>>)
      %mul3A_870 = arith.constant 1 : i32
      %mul3A_871 = arith.muli %add3A_856, %mul3A_870 : i32
      %add3A_872 = arith.constant 0 : i32
      %add3A_873 = arith.addi %mul3A_871, %add3A_872 : i32
      %dma_start3A_874 = arith.constant 0 : i32
      %dma_start3A_875 = arith.constant 0 : i32
      %dma_start3A_876 = tpu.memref_slice %arg8[%dma_start3A_874, %dma_start3A_875] : memref<80x64xf32, #tpu.memory_space<vmem>> -> memref<80x64xf32, #tpu.memory_space<vmem>>
      %dma_start3A_877 = arith.constant 0 : i32
      %dma_start3A_878 = tpu.memref_slice %arg6[%add3A_873, %dma_start3A_877] : memref<125x80xi32, #tpu.memory_space<vmem>> -> memref<1x80xi32, #tpu.memory_space<vmem>>
      %dma_start3A_879 = tpu.memref_squeeze %dma_start3A_878 : memref<1x80xi32, #tpu.memory_space<vmem>> -> memref<80xi32, #tpu.memory_space<vmem>>
      %dma_start3A_880 = arith.constant 0 : i32
      %dma_start3A_881 = arith.constant 0 : i32
      %dma_start3A_882 = tpu.memref_slice %arg16[%dma_start3A_880, %dma_start3A_881] : memref<10000x64xf32, #tpu.memory_space<vmem_shared>> -> memref<10000x64xf32, #tpu.memory_space<vmem_shared>>
      tpu.enqueue_indirect_dma source(%dma_start3A_876 : memref<80x64xf32, #tpu.memory_space<vmem>>) target(%dma_start3A_882 : memref<10000x64xf32, #tpu.memory_space<vmem_shared>>) offsets(%dma_start3A_879 : memref<80xi32, #tpu.memory_space<vmem>>) semaphore(%arg26 : memref<!tpu.dma_semaphore, #tpu.memory_space<semaphore_mem>>) {add = true}
      %sub3A_883 = arith.constant 4 : i32
      %sub3A_884 = arith.subi %add3A_856, %sub3A_883 : i32
      %mul3A_885 = arith.constant 1 : i32
      %mul3A_886 = arith.muli %sub3A_884, %mul3A_885 : i32
      %add3A_887 = arith.constant 0 : i32
      %add3A_888 = arith.addi %mul3A_886, %add3A_887 : i32
      %dma_wait3A_889 = arith.constant 0 : i32
      %dma_wait3A_890 = arith.constant 0 : i32
      %dma_wait3A_891 = tpu.memref_slice %arg12[%dma_wait3A_889, %dma_wait3A_890] : memref<80x64xf32, #tpu.memory_space<vmem>> -> memref<80x64xf32, #tpu.memory_space<vmem>>
      %dma_wait3A_892 = arith.constant 0 : i32
      %dma_wait3A_893 = tpu.memref_slice %arg6[%add3A_888, %dma_wait3A_892] : memref<125x80xi32, #tpu.memory_space<vmem>> -> memref<1x80xi32, #tpu.memory_space<vmem>>
      %dma_wait3A_894 = tpu.memref_squeeze %dma_wait3A_893 : memref<1x80xi32, #tpu.memory_space<vmem>> -> memref<80xi32, #tpu.memory_space<vmem>>
      %dma_wait3A_895 = arith.constant 0 : i32
      %dma_wait3A_896 = arith.constant 0 : i32
      %dma_wait3A_897 = tpu.memref_slice %arg16[%dma_wait3A_895, %dma_wait3A_896] : memref<10000x64xf32, #tpu.memory_space<vmem_shared>> -> memref<10000x64xf32, #tpu.memory_space<vmem_shared>>
      tpu.wait_indirect_dma semaphore(%arg30 : memref<!tpu.dma_semaphore, #tpu.memory_space<semaphore_mem>>) src(%dma_wait3A_891 : memref<80x64xf32, #tpu.memory_space<vmem>>) dst(%dma_wait3A_897 : memref<10000x64xf32, #tpu.memory_space<vmem_shared>>)
      %add3A_898 = arith.constant 4 : i32
      %add3A_899 = arith.addi %add3A_856, %add3A_898 : i32
      %mul3A_900 = arith.constant 1 : i32
      %mul3A_901 = arith.muli %add3A_899, %mul3A_900 : i32
      %add3A_902 = arith.constant 0 : i32
      %add3A_903 = arith.addi %mul3A_901, %add3A_902 : i32
      %dma_start3A_904 = arith.constant 0 : i32
      %dma_start3A_905 = arith.constant 0 : i32
      %dma_start3A_906 = tpu.memref_slice %arg12[%dma_start3A_904, %dma_start3A_905] : memref<80x64xf32, #tpu.memory_space<vmem>> -> memref<80x64xf32, #tpu.memory_space<vmem>>
      %dma_start3A_907 = arith.constant 0 : i32
      %dma_start3A_908 = tpu.memref_slice %arg5[%add3A_903, %dma_start3A_907] : memref<125x80xi32, #tpu.memory_space<vmem>> -> memref<1x80xi32, #tpu.memory_space<vmem>>
      %dma_start3A_909 = tpu.memref_squeeze %dma_start3A_908 : memref<1x80xi32, #tpu.memory_space<vmem>> -> memref<80xi32, #tpu.memory_space<vmem>>
      %dma_start3A_910 = arith.constant 0 : i32
      %dma_start3A_911 = arith.constant 0 : i32
      %dma_start3A_912 = tpu.memref_slice %arg2[%dma_start3A_910, %dma_start3A_911] : memref<10000x64xf32, #tpu.memory_space<hbm>> -> memref<10000x64xf32, #tpu.memory_space<hbm>>
      tpu.enqueue_indirect_dma source(%dma_start3A_912 : memref<10000x64xf32, #tpu.memory_space<hbm>>) target(%dma_start3A_906 : memref<80x64xf32, #tpu.memory_space<vmem>>) offsets(%dma_start3A_909 : memref<80xi32, #tpu.memory_space<vmem>>) semaphore(%arg22 : memref<!tpu.dma_semaphore, #tpu.memory_space<semaphore_mem>>)
      %add3A_913 = arith.constant 6 : i32
      %add3A_914 = arith.addi %add3A_565, %add3A_913 : i32
      %mul3A_915 = arith.constant 1 : i32
      %mul3A_916 = arith.muli %add3A_914, %mul3A_915 : i32
      %add3A_917 = arith.constant 0 : i32
      %add3A_918 = arith.addi %mul3A_916, %add3A_917 : i32
      %dma_wait3A_919 = arith.constant 0 : i32
      %dma_wait3A_920 = arith.constant 0 : i32
      %dma_wait3A_921 = tpu.memref_slice %arg9[%dma_wait3A_919, %dma_wait3A_920] : memref<80x64xf32, #tpu.memory_space<vmem>> -> memref<80x64xf32, #tpu.memory_space<vmem>>
      %dma_wait3A_922 = arith.constant 0 : i32
      %dma_wait3A_923 = tpu.memref_slice %arg5[%add3A_918, %dma_wait3A_922] : memref<125x80xi32, #tpu.memory_space<vmem>> -> memref<1x80xi32, #tpu.memory_space<vmem>>
      %dma_wait3A_924 = tpu.memref_squeeze %dma_wait3A_923 : memref<1x80xi32, #tpu.memory_space<vmem>> -> memref<80xi32, #tpu.memory_space<vmem>>
      %dma_wait3A_925 = arith.constant 0 : i32
      %dma_wait3A_926 = arith.constant 0 : i32
      %dma_wait3A_927 = tpu.memref_slice %arg2[%dma_wait3A_925, %dma_wait3A_926] : memref<10000x64xf32, #tpu.memory_space<hbm>> -> memref<10000x64xf32, #tpu.memory_space<hbm>>
      tpu.wait_indirect_dma semaphore(%arg19 : memref<!tpu.dma_semaphore, #tpu.memory_space<semaphore_mem>>) src(%dma_wait3A_927 : memref<10000x64xf32, #tpu.memory_space<hbm>>) dst(%dma_wait3A_921 : memref<80x64xf32, #tpu.memory_space<vmem>>)
      %mul3A_928 = arith.constant 1 : i32
      %mul3A_929 = arith.muli %add3A_914, %mul3A_928 : i32
      %add3A_930 = arith.constant 0 : i32
      %add3A_931 = arith.addi %mul3A_929, %add3A_930 : i32
      %dma_start3A_932 = arith.constant 0 : i32
      %dma_start3A_933 = arith.constant 0 : i32
      %dma_start3A_934 = tpu.memref_slice %arg9[%dma_start3A_932, %dma_start3A_933] : memref<80x64xf32, #tpu.memory_space<vmem>> -> memref<80x64xf32, #tpu.memory_space<vmem>>
      %dma_start3A_935 = arith.constant 0 : i32
      %dma_start3A_936 = tpu.memref_slice %arg6[%add3A_931, %dma_start3A_935] : memref<125x80xi32, #tpu.memory_space<vmem>> -> memref<1x80xi32, #tpu.memory_space<vmem>>
      %dma_start3A_937 = tpu.memref_squeeze %dma_start3A_936 : memref<1x80xi32, #tpu.memory_space<vmem>> -> memref<80xi32, #tpu.memory_space<vmem>>
      %dma_start3A_938 = arith.constant 0 : i32
      %dma_start3A_939 = arith.constant 0 : i32
      %dma_start3A_940 = tpu.memref_slice %arg16[%dma_start3A_938, %dma_start3A_939] : memref<10000x64xf32, #tpu.memory_space<vmem_shared>> -> memref<10000x64xf32, #tpu.memory_space<vmem_shared>>
      tpu.enqueue_indirect_dma source(%dma_start3A_934 : memref<80x64xf32, #tpu.memory_space<vmem>>) target(%dma_start3A_940 : memref<10000x64xf32, #tpu.memory_space<vmem_shared>>) offsets(%dma_start3A_937 : memref<80xi32, #tpu.memory_space<vmem>>) semaphore(%arg27 : memref<!tpu.dma_semaphore, #tpu.memory_space<semaphore_mem>>) {add = true}
      %sub3A_941 = arith.constant 4 : i32
      %sub3A_942 = arith.subi %add3A_914, %sub3A_941 : i32
      %mul3A_943 = arith.constant 1 : i32
      %mul3A_944 = arith.muli %sub3A_942, %mul3A_943 : i32
      %add3A_945 = arith.constant 0 : i32
      %add3A_946 = arith.addi %mul3A_944, %add3A_945 : i32
      %dma_wait3A_947 = arith.constant 0 : i32
      %dma_wait3A_948 = arith.constant 0 : i32
      %dma_wait3A_949 = tpu.memref_slice %arg13[%dma_wait3A_947, %dma_wait3A_948] : memref<80x64xf32, #tpu.memory_space<vmem>> -> memref<80x64xf32, #tpu.memory_space<vmem>>
      %dma_wait3A_950 = arith.constant 0 : i32
      %dma_wait3A_951 = tpu.memref_slice %arg6[%add3A_946, %dma_wait3A_950] : memref<125x80xi32, #tpu.memory_space<vmem>> -> memref<1x80xi32, #tpu.memory_space<vmem>>
      %dma_wait3A_952 = tpu.memref_squeeze %dma_wait3A_951 : memref<1x80xi32, #tpu.memory_space<vmem>> -> memref<80xi32, #tpu.memory_space<vmem>>
      %dma_wait3A_953 = arith.constant 0 : i32
      %dma_wait3A_954 = arith.constant 0 : i32
      %dma_wait3A_955 = tpu.memref_slice %arg16[%dma_wait3A_953, %dma_wait3A_954] : memref<10000x64xf32, #tpu.memory_space<vmem_shared>> -> memref<10000x64xf32, #tpu.memory_space<vmem_shared>>
      tpu.wait_indirect_dma semaphore(%arg31 : memref<!tpu.dma_semaphore, #tpu.memory_space<semaphore_mem>>) src(%dma_wait3A_949 : memref<80x64xf32, #tpu.memory_space<vmem>>) dst(%dma_wait3A_955 : memref<10000x64xf32, #tpu.memory_space<vmem_shared>>)
      %add3A_956 = arith.constant 4 : i32
      %add3A_957 = arith.addi %add3A_914, %add3A_956 : i32
      %mul3A_958 = arith.constant 1 : i32
      %mul3A_959 = arith.muli %add3A_957, %mul3A_958 : i32
      %add3A_960 = arith.constant 0 : i32
      %add3A_961 = arith.addi %mul3A_959, %add3A_960 : i32
      %dma_start3A_962 = arith.constant 0 : i32
      %dma_start3A_963 = arith.constant 0 : i32
      %dma_start3A_964 = tpu.memref_slice %arg13[%dma_start3A_962, %dma_start3A_963] : memref<80x64xf32, #tpu.memory_space<vmem>> -> memref<80x64xf32, #tpu.memory_space<vmem>>
      %dma_start3A_965 = arith.constant 0 : i32
      %dma_start3A_966 = tpu.memref_slice %arg5[%add3A_961, %dma_start3A_965] : memref<125x80xi32, #tpu.memory_space<vmem>> -> memref<1x80xi32, #tpu.memory_space<vmem>>
      %dma_start3A_967 = tpu.memref_squeeze %dma_start3A_966 : memref<1x80xi32, #tpu.memory_space<vmem>> -> memref<80xi32, #tpu.memory_space<vmem>>
      %dma_start3A_968 = arith.constant 0 : i32
      %dma_start3A_969 = arith.constant 0 : i32
      %dma_start3A_970 = tpu.memref_slice %arg2[%dma_start3A_968, %dma_start3A_969] : memref<10000x64xf32, #tpu.memory_space<hbm>> -> memref<10000x64xf32, #tpu.memory_space<hbm>>
      tpu.enqueue_indirect_dma source(%dma_start3A_970 : memref<10000x64xf32, #tpu.memory_space<hbm>>) target(%dma_start3A_964 : memref<80x64xf32, #tpu.memory_space<vmem>>) offsets(%dma_start3A_967 : memref<80xi32, #tpu.memory_space<vmem>>) semaphore(%arg23 : memref<!tpu.dma_semaphore, #tpu.memory_space<semaphore_mem>>)
      %add3A_971 = arith.constant 7 : i32
      %add3A_972 = arith.addi %add3A_565, %add3A_971 : i32
      %mul3A_973 = arith.constant 1 : i32
      %mul3A_974 = arith.muli %add3A_972, %mul3A_973 : i32
      %add3A_975 = arith.constant 0 : i32
      %add3A_976 = arith.addi %mul3A_974, %add3A_975 : i32
      %dma_wait3A_977 = arith.constant 0 : i32
      %dma_wait3A_978 = arith.constant 0 : i32
      %dma_wait3A_979 = tpu.memref_slice %arg10[%dma_wait3A_977, %dma_wait3A_978] : memref<80x64xf32, #tpu.memory_space<vmem>> -> memref<80x64xf32, #tpu.memory_space<vmem>>
      %dma_wait3A_980 = arith.constant 0 : i32
      %dma_wait3A_981 = tpu.memref_slice %arg5[%add3A_976, %dma_wait3A_980] : memref<125x80xi32, #tpu.memory_space<vmem>> -> memref<1x80xi32, #tpu.memory_space<vmem>>
      %dma_wait3A_982 = tpu.memref_squeeze %dma_wait3A_981 : memref<1x80xi32, #tpu.memory_space<vmem>> -> memref<80xi32, #tpu.memory_space<vmem>>
      %dma_wait3A_983 = arith.constant 0 : i32
      %dma_wait3A_984 = arith.constant 0 : i32
      %dma_wait3A_985 = tpu.memref_slice %arg2[%dma_wait3A_983, %dma_wait3A_984] : memref<10000x64xf32, #tpu.memory_space<hbm>> -> memref<10000x64xf32, #tpu.memory_space<hbm>>
      tpu.wait_indirect_dma semaphore(%arg20 : memref<!tpu.dma_semaphore, #tpu.memory_space<semaphore_mem>>) src(%dma_wait3A_985 : memref<10000x64xf32, #tpu.memory_space<hbm>>) dst(%dma_wait3A_979 : memref<80x64xf32, #tpu.memory_space<vmem>>)
      %mul3A_986 = arith.constant 1 : i32
      %mul3A_987 = arith.muli %add3A_972, %mul3A_986 : i32
      %add3A_988 = arith.constant 0 : i32
      %add3A_989 = arith.addi %mul3A_987, %add3A_988 : i32
      %dma_start3A_990 = arith.constant 0 : i32
      %dma_start3A_991 = arith.constant 0 : i32
      %dma_start3A_992 = tpu.memref_slice %arg10[%dma_start3A_990, %dma_start3A_991] : memref<80x64xf32, #tpu.memory_space<vmem>> -> memref<80x64xf32, #tpu.memory_space<vmem>>
      %dma_start3A_993 = arith.constant 0 : i32
      %dma_start3A_994 = tpu.memref_slice %arg6[%add3A_989, %dma_start3A_993] : memref<125x80xi32, #tpu.memory_space<vmem>> -> memref<1x80xi32, #tpu.memory_space<vmem>>
      %dma_start3A_995 = tpu.memref_squeeze %dma_start3A_994 : memref<1x80xi32, #tpu.memory_space<vmem>> -> memref<80xi32, #tpu.memory_space<vmem>>
      %dma_start3A_996 = arith.constant 0 : i32
      %dma_start3A_997 = arith.constant 0 : i32
      %dma_start3A_998 = tpu.memref_slice %arg16[%dma_start3A_996, %dma_start3A_997] : memref<10000x64xf32, #tpu.memory_space<vmem_shared>> -> memref<10000x64xf32, #tpu.memory_space<vmem_shared>>
      tpu.enqueue_indirect_dma source(%dma_start3A_992 : memref<80x64xf32, #tpu.memory_space<vmem>>) target(%dma_start3A_998 : memref<10000x64xf32, #tpu.memory_space<vmem_shared>>) offsets(%dma_start3A_995 : memref<80xi32, #tpu.memory_space<vmem>>) semaphore(%arg28 : memref<!tpu.dma_semaphore, #tpu.memory_space<semaphore_mem>>) {add = true}
      %sub3A_999 = arith.constant 4 : i32
      %sub3A_1000 = arith.subi %add3A_972, %sub3A_999 : i32
      %mul3A_1001 = arith.constant 1 : i32
      %mul3A_1002 = arith.muli %sub3A_1000, %mul3A_1001 : i32
      %add3A_1003 = arith.constant 0 : i32
      %add3A_1004 = arith.addi %mul3A_1002, %add3A_1003 : i32
      %dma_wait3A_1005 = arith.constant 0 : i32
      %dma_wait3A_1006 = arith.constant 0 : i32
      %dma_wait3A_1007 = tpu.memref_slice %arg14[%dma_wait3A_1005, %dma_wait3A_1006] : memref<80x64xf32, #tpu.memory_space<vmem>> -> memref<80x64xf32, #tpu.memory_space<vmem>>
      %dma_wait3A_1008 = arith.constant 0 : i32
      %dma_wait3A_1009 = tpu.memref_slice %arg6[%add3A_1004, %dma_wait3A_1008] : memref<125x80xi32, #tpu.memory_space<vmem>> -> memref<1x80xi32, #tpu.memory_space<vmem>>
      %dma_wait3A_1010 = tpu.memref_squeeze %dma_wait3A_1009 : memref<1x80xi32, #tpu.memory_space<vmem>> -> memref<80xi32, #tpu.memory_space<vmem>>
      %dma_wait3A_1011 = arith.constant 0 : i32
      %dma_wait3A_1012 = arith.constant 0 : i32
      %dma_wait3A_1013 = tpu.memref_slice %arg16[%dma_wait3A_1011, %dma_wait3A_1012] : memref<10000x64xf32, #tpu.memory_space<vmem_shared>> -> memref<10000x64xf32, #tpu.memory_space<vmem_shared>>
      tpu.wait_indirect_dma semaphore(%arg32 : memref<!tpu.dma_semaphore, #tpu.memory_space<semaphore_mem>>) src(%dma_wait3A_1007 : memref<80x64xf32, #tpu.memory_space<vmem>>) dst(%dma_wait3A_1013 : memref<10000x64xf32, #tpu.memory_space<vmem_shared>>)
      %add3A_1014 = arith.constant 4 : i32
      %add3A_1015 = arith.addi %add3A_972, %add3A_1014 : i32
      %mul3A_1016 = arith.constant 1 : i32
      %mul3A_1017 = arith.muli %add3A_1015, %mul3A_1016 : i32
      %add3A_1018 = arith.constant 0 : i32
      %add3A_1019 = arith.addi %mul3A_1017, %add3A_1018 : i32
      %dma_start3A_1020 = arith.constant 0 : i32
      %dma_start3A_1021 = arith.constant 0 : i32
      %dma_start3A_1022 = tpu.memref_slice %arg14[%dma_start3A_1020, %dma_start3A_1021] : memref<80x64xf32, #tpu.memory_space<vmem>> -> memref<80x64xf32, #tpu.memory_space<vmem>>
      %dma_start3A_1023 = arith.constant 0 : i32
      %dma_start3A_1024 = tpu.memref_slice %arg5[%add3A_1019, %dma_start3A_1023] : memref<125x80xi32, #tpu.memory_space<vmem>> -> memref<1x80xi32, #tpu.memory_space<vmem>>
      %dma_start3A_1025 = tpu.memref_squeeze %dma_start3A_1024 : memref<1x80xi32, #tpu.memory_space<vmem>> -> memref<80xi32, #tpu.memory_space<vmem>>
      %dma_start3A_1026 = arith.constant 0 : i32
      %dma_start3A_1027 = arith.constant 0 : i32
      %dma_start3A_1028 = tpu.memref_slice %arg2[%dma_start3A_1026, %dma_start3A_1027] : memref<10000x64xf32, #tpu.memory_space<hbm>> -> memref<10000x64xf32, #tpu.memory_space<hbm>>
      tpu.enqueue_indirect_dma source(%dma_start3A_1028 : memref<10000x64xf32, #tpu.memory_space<hbm>>) target(%dma_start3A_1022 : memref<80x64xf32, #tpu.memory_space<vmem>>) offsets(%dma_start3A_1025 : memref<80xi32, #tpu.memory_space<vmem>>) semaphore(%arg24 : memref<!tpu.dma_semaphore, #tpu.memory_space<semaphore_mem>>)
    }
    %scan3A_191 = arith.constant 14 : i32
    %dma_wait3A_192 = arith.constant 116 : i32
    %dma_wait3A_193 = arith.constant 0 : i32
    %dma_wait3A_194 = arith.constant 0 : i32
    %dma_wait3A_195 = tpu.memref_slice %arg11[%dma_wait3A_193, %dma_wait3A_194] : memref<80x64xf32, #tpu.memory_space<vmem>> -> memref<80x64xf32, #tpu.memory_space<vmem>>
    %dma_wait3A_196 = arith.constant 0 : i32
    %dma_wait3A_197 = tpu.memref_slice %arg5[%dma_wait3A_192, %dma_wait3A_196] : memref<125x80xi32, #tpu.memory_space<vmem>> -> memref<1x80xi32, #tpu.memory_space<vmem>>
    %dma_wait3A_198 = tpu.memref_squeeze %dma_wait3A_197 : memref<1x80xi32, #tpu.memory_space<vmem>> -> memref<80xi32, #tpu.memory_space<vmem>>
    %dma_wait3A_199 = arith.constant 0 : i32
    %dma_wait3A_200 = arith.constant 0 : i32
    %dma_wait3A_201 = tpu.memref_slice %arg2[%dma_wait3A_199, %dma_wait3A_200] : memref<10000x64xf32, #tpu.memory_space<hbm>> -> memref<10000x64xf32, #tpu.memory_space<hbm>>
    tpu.wait_indirect_dma semaphore(%arg21 : memref<!tpu.dma_semaphore, #tpu.memory_space<semaphore_mem>>) src(%dma_wait3A_201 : memref<10000x64xf32, #tpu.memory_space<hbm>>) dst(%dma_wait3A_195 : memref<80x64xf32, #tpu.memory_space<vmem>>)
    %dma_start3A_202 = arith.constant 116 : i32
    %dma_start3A_203 = arith.constant 0 : i32
    %dma_start3A_204 = arith.constant 0 : i32
    %dma_start3A_205 = tpu.memref_slice %arg11[%dma_start3A_203, %dma_start3A_204] : memref<80x64xf32, #tpu.memory_space<vmem>> -> memref<80x64xf32, #tpu.memory_space<vmem>>
    %dma_start3A_206 = arith.constant 0 : i32
    %dma_start3A_207 = tpu.memref_slice %arg6[%dma_start3A_202, %dma_start3A_206] : memref<125x80xi32, #tpu.memory_space<vmem>> -> memref<1x80xi32, #tpu.memory_space<vmem>>
    %dma_start3A_208 = tpu.memref_squeeze %dma_start3A_207 : memref<1x80xi32, #tpu.memory_space<vmem>> -> memref<80xi32, #tpu.memory_space<vmem>>
    %dma_start3A_209 = arith.constant 0 : i32
    %dma_start3A_210 = arith.constant 0 : i32
    %dma_start3A_211 = tpu.memref_slice %arg16[%dma_start3A_209, %dma_start3A_210] : memref<10000x64xf32, #tpu.memory_space<vmem_shared>> -> memref<10000x64xf32, #tpu.memory_space<vmem_shared>>
    tpu.enqueue_indirect_dma source(%dma_start3A_205 : memref<80x64xf32, #tpu.memory_space<vmem>>) target(%dma_start3A_211 : memref<10000x64xf32, #tpu.memory_space<vmem_shared>>) offsets(%dma_start3A_208 : memref<80xi32, #tpu.memory_space<vmem>>) semaphore(%arg29 : memref<!tpu.dma_semaphore, #tpu.memory_space<semaphore_mem>>) {add = true}
    %dma_wait3A_212 = arith.constant 112 : i32
    %dma_wait3A_213 = arith.constant 0 : i32
    %dma_wait3A_214 = arith.constant 0 : i32
    %dma_wait3A_215 = tpu.memref_slice %arg7[%dma_wait3A_213, %dma_wait3A_214] : memref<80x64xf32, #tpu.memory_space<vmem>> -> memref<80x64xf32, #tpu.memory_space<vmem>>
    %dma_wait3A_216 = arith.constant 0 : i32
    %dma_wait3A_217 = tpu.memref_slice %arg6[%dma_wait3A_212, %dma_wait3A_216] : memref<125x80xi32, #tpu.memory_space<vmem>> -> memref<1x80xi32, #tpu.memory_space<vmem>>
    %dma_wait3A_218 = tpu.memref_squeeze %dma_wait3A_217 : memref<1x80xi32, #tpu.memory_space<vmem>> -> memref<80xi32, #tpu.memory_space<vmem>>
    %dma_wait3A_219 = arith.constant 0 : i32
    %dma_wait3A_220 = arith.constant 0 : i32
    %dma_wait3A_221 = tpu.memref_slice %arg16[%dma_wait3A_219, %dma_wait3A_220] : memref<10000x64xf32, #tpu.memory_space<vmem_shared>> -> memref<10000x64xf32, #tpu.memory_space<vmem_shared>>
    tpu.wait_indirect_dma semaphore(%arg25 : memref<!tpu.dma_semaphore, #tpu.memory_space<semaphore_mem>>) src(%dma_wait3A_215 : memref<80x64xf32, #tpu.memory_space<vmem>>) dst(%dma_wait3A_221 : memref<10000x64xf32, #tpu.memory_space<vmem_shared>>)
    %dma_start3A_222 = arith.constant 120 : i32
    %dma_start3A_223 = arith.constant 0 : i32
    %dma_start3A_224 = arith.constant 0 : i32
    %dma_start3A_225 = tpu.memref_slice %arg7[%dma_start3A_223, %dma_start3A_224] : memref<80x64xf32, #tpu.memory_space<vmem>> -> memref<80x64xf32, #tpu.memory_space<vmem>>
    %dma_start3A_226 = arith.constant 0 : i32
    %dma_start3A_227 = tpu.memref_slice %arg5[%dma_start3A_222, %dma_start3A_226] : memref<125x80xi32, #tpu.memory_space<vmem>> -> memref<1x80xi32, #tpu.memory_space<vmem>>
    %dma_start3A_228 = tpu.memref_squeeze %dma_start3A_227 : memref<1x80xi32, #tpu.memory_space<vmem>> -> memref<80xi32, #tpu.memory_space<vmem>>
    %dma_start3A_229 = arith.constant 0 : i32
    %dma_start3A_230 = arith.constant 0 : i32
    %dma_start3A_231 = tpu.memref_slice %arg2[%dma_start3A_229, %dma_start3A_230] : memref<10000x64xf32, #tpu.memory_space<hbm>> -> memref<10000x64xf32, #tpu.memory_space<hbm>>
    tpu.enqueue_indirect_dma source(%dma_start3A_231 : memref<10000x64xf32, #tpu.memory_space<hbm>>) target(%dma_start3A_225 : memref<80x64xf32, #tpu.memory_space<vmem>>) offsets(%dma_start3A_228 : memref<80xi32, #tpu.memory_space<vmem>>) semaphore(%arg17 : memref<!tpu.dma_semaphore, #tpu.memory_space<semaphore_mem>>)
    %dma_wait3A_232 = arith.constant 117 : i32
    %dma_wait3A_233 = arith.constant 0 : i32
    %dma_wait3A_234 = arith.constant 0 : i32
    %dma_wait3A_235 = tpu.memref_slice %arg12[%dma_wait3A_233, %dma_wait3A_234] : memref<80x64xf32, #tpu.memory_space<vmem>> -> memref<80x64xf32, #tpu.memory_space<vmem>>
    %dma_wait3A_236 = arith.constant 0 : i32
    %dma_wait3A_237 = tpu.memref_slice %arg5[%dma_wait3A_232, %dma_wait3A_236] : memref<125x80xi32, #tpu.memory_space<vmem>> -> memref<1x80xi32, #tpu.memory_space<vmem>>
    %dma_wait3A_238 = tpu.memref_squeeze %dma_wait3A_237 : memref<1x80xi32, #tpu.memory_space<vmem>> -> memref<80xi32, #tpu.memory_space<vmem>>
    %dma_wait3A_239 = arith.constant 0 : i32
    %dma_wait3A_240 = arith.constant 0 : i32
    %dma_wait3A_241 = tpu.memref_slice %arg2[%dma_wait3A_239, %dma_wait3A_240] : memref<10000x64xf32, #tpu.memory_space<hbm>> -> memref<10000x64xf32, #tpu.memory_space<hbm>>
    tpu.wait_indirect_dma semaphore(%arg22 : memref<!tpu.dma_semaphore, #tpu.memory_space<semaphore_mem>>) src(%dma_wait3A_241 : memref<10000x64xf32, #tpu.memory_space<hbm>>) dst(%dma_wait3A_235 : memref<80x64xf32, #tpu.memory_space<vmem>>)
    %dma_start3A_242 = arith.constant 117 : i32
    %dma_start3A_243 = arith.constant 0 : i32
    %dma_start3A_244 = arith.constant 0 : i32
    %dma_start3A_245 = tpu.memref_slice %arg12[%dma_start3A_243, %dma_start3A_244] : memref<80x64xf32, #tpu.memory_space<vmem>> -> memref<80x64xf32, #tpu.memory_space<vmem>>
    %dma_start3A_246 = arith.constant 0 : i32
    %dma_start3A_247 = tpu.memref_slice %arg6[%dma_start3A_242, %dma_start3A_246] : memref<125x80xi32, #tpu.memory_space<vmem>> -> memref<1x80xi32, #tpu.memory_space<vmem>>
    %dma_start3A_248 = tpu.memref_squeeze %dma_start3A_247 : memref<1x80xi32, #tpu.memory_space<vmem>> -> memref<80xi32, #tpu.memory_space<vmem>>
    %dma_start3A_249 = arith.constant 0 : i32
    %dma_start3A_250 = arith.constant 0 : i32
    %dma_start3A_251 = tpu.memref_slice %arg16[%dma_start3A_249, %dma_start3A_250] : memref<10000x64xf32, #tpu.memory_space<vmem_shared>> -> memref<10000x64xf32, #tpu.memory_space<vmem_shared>>
    tpu.enqueue_indirect_dma source(%dma_start3A_245 : memref<80x64xf32, #tpu.memory_space<vmem>>) target(%dma_start3A_251 : memref<10000x64xf32, #tpu.memory_space<vmem_shared>>) offsets(%dma_start3A_248 : memref<80xi32, #tpu.memory_space<vmem>>) semaphore(%arg30 : memref<!tpu.dma_semaphore, #tpu.memory_space<semaphore_mem>>) {add = true}
    %dma_wait3A_252 = arith.constant 113 : i32
    %dma_wait3A_253 = arith.constant 0 : i32
    %dma_wait3A_254 = arith.constant 0 : i32
    %dma_wait3A_255 = tpu.memref_slice %arg8[%dma_wait3A_253, %dma_wait3A_254] : memref<80x64xf32, #tpu.memory_space<vmem>> -> memref<80x64xf32, #tpu.memory_space<vmem>>
    %dma_wait3A_256 = arith.constant 0 : i32
    %dma_wait3A_257 = tpu.memref_slice %arg6[%dma_wait3A_252, %dma_wait3A_256] : memref<125x80xi32, #tpu.memory_space<vmem>> -> memref<1x80xi32, #tpu.memory_space<vmem>>
    %dma_wait3A_258 = tpu.memref_squeeze %dma_wait3A_257 : memref<1x80xi32, #tpu.memory_space<vmem>> -> memref<80xi32, #tpu.memory_space<vmem>>
    %dma_wait3A_259 = arith.constant 0 : i32
    %dma_wait3A_260 = arith.constant 0 : i32
    %dma_wait3A_261 = tpu.memref_slice %arg16[%dma_wait3A_259, %dma_wait3A_260] : memref<10000x64xf32, #tpu.memory_space<vmem_shared>> -> memref<10000x64xf32, #tpu.memory_space<vmem_shared>>
    tpu.wait_indirect_dma semaphore(%arg26 : memref<!tpu.dma_semaphore, #tpu.memory_space<semaphore_mem>>) src(%dma_wait3A_255 : memref<80x64xf32, #tpu.memory_space<vmem>>) dst(%dma_wait3A_261 : memref<10000x64xf32, #tpu.memory_space<vmem_shared>>)
    %dma_start3A_262 = arith.constant 121 : i32
    %dma_start3A_263 = arith.constant 0 : i32
    %dma_start3A_264 = arith.constant 0 : i32
    %dma_start3A_265 = tpu.memref_slice %arg8[%dma_start3A_263, %dma_start3A_264] : memref<80x64xf32, #tpu.memory_space<vmem>> -> memref<80x64xf32, #tpu.memory_space<vmem>>
    %dma_start3A_266 = arith.constant 0 : i32
    %dma_start3A_267 = tpu.memref_slice %arg5[%dma_start3A_262, %dma_start3A_266] : memref<125x80xi32, #tpu.memory_space<vmem>> -> memref<1x80xi32, #tpu.memory_space<vmem>>
    %dma_start3A_268 = tpu.memref_squeeze %dma_start3A_267 : memref<1x80xi32, #tpu.memory_space<vmem>> -> memref<80xi32, #tpu.memory_space<vmem>>
    %dma_start3A_269 = arith.constant 0 : i32
    %dma_start3A_270 = arith.constant 0 : i32
    %dma_start3A_271 = tpu.memref_slice %arg2[%dma_start3A_269, %dma_start3A_270] : memref<10000x64xf32, #tpu.memory_space<hbm>> -> memref<10000x64xf32, #tpu.memory_space<hbm>>
    tpu.enqueue_indirect_dma source(%dma_start3A_271 : memref<10000x64xf32, #tpu.memory_space<hbm>>) target(%dma_start3A_265 : memref<80x64xf32, #tpu.memory_space<vmem>>) offsets(%dma_start3A_268 : memref<80xi32, #tpu.memory_space<vmem>>) semaphore(%arg18 : memref<!tpu.dma_semaphore, #tpu.memory_space<semaphore_mem>>)
    %dma_wait3A_272 = arith.constant 118 : i32
    %dma_wait3A_273 = arith.constant 0 : i32
    %dma_wait3A_274 = arith.constant 0 : i32
    %dma_wait3A_275 = tpu.memref_slice %arg13[%dma_wait3A_273, %dma_wait3A_274] : memref<80x64xf32, #tpu.memory_space<vmem>> -> memref<80x64xf32, #tpu.memory_space<vmem>>
    %dma_wait3A_276 = arith.constant 0 : i32
    %dma_wait3A_277 = tpu.memref_slice %arg5[%dma_wait3A_272, %dma_wait3A_276] : memref<125x80xi32, #tpu.memory_space<vmem>> -> memref<1x80xi32, #tpu.memory_space<vmem>>
    %dma_wait3A_278 = tpu.memref_squeeze %dma_wait3A_277 : memref<1x80xi32, #tpu.memory_space<vmem>> -> memref<80xi32, #tpu.memory_space<vmem>>
    %dma_wait3A_279 = arith.constant 0 : i32
    %dma_wait3A_280 = arith.constant 0 : i32
    %dma_wait3A_281 = tpu.memref_slice %arg2[%dma_wait3A_279, %dma_wait3A_280] : memref<10000x64xf32, #tpu.memory_space<hbm>> -> memref<10000x64xf32, #tpu.memory_space<hbm>>
    tpu.wait_indirect_dma semaphore(%arg23 : memref<!tpu.dma_semaphore, #tpu.memory_space<semaphore_mem>>) src(%dma_wait3A_281 : memref<10000x64xf32, #tpu.memory_space<hbm>>) dst(%dma_wait3A_275 : memref<80x64xf32, #tpu.memory_space<vmem>>)
    %dma_start3A_282 = arith.constant 118 : i32
    %dma_start3A_283 = arith.constant 0 : i32
    %dma_start3A_284 = arith.constant 0 : i32
    %dma_start3A_285 = tpu.memref_slice %arg13[%dma_start3A_283, %dma_start3A_284] : memref<80x64xf32, #tpu.memory_space<vmem>> -> memref<80x64xf32, #tpu.memory_space<vmem>>
    %dma_start3A_286 = arith.constant 0 : i32
    %dma_start3A_287 = tpu.memref_slice %arg6[%dma_start3A_282, %dma_start3A_286] : memref<125x80xi32, #tpu.memory_space<vmem>> -> memref<1x80xi32, #tpu.memory_space<vmem>>
    %dma_start3A_288 = tpu.memref_squeeze %dma_start3A_287 : memref<1x80xi32, #tpu.memory_space<vmem>> -> memref<80xi32, #tpu.memory_space<vmem>>
    %dma_start3A_289 = arith.constant 0 : i32
    %dma_start3A_290 = arith.constant 0 : i32
    %dma_start3A_291 = tpu.memref_slice %arg16[%dma_start3A_289, %dma_start3A_290] : memref<10000x64xf32, #tpu.memory_space<vmem_shared>> -> memref<10000x64xf32, #tpu.memory_space<vmem_shared>>
    tpu.enqueue_indirect_dma source(%dma_start3A_285 : memref<80x64xf32, #tpu.memory_space<vmem>>) target(%dma_start3A_291 : memref<10000x64xf32, #tpu.memory_space<vmem_shared>>) offsets(%dma_start3A_288 : memref<80xi32, #tpu.memory_space<vmem>>) semaphore(%arg31 : memref<!tpu.dma_semaphore, #tpu.memory_space<semaphore_mem>>) {add = true}
    %dma_wait3A_292 = arith.constant 114 : i32
    %dma_wait3A_293 = arith.constant 0 : i32
    %dma_wait3A_294 = arith.constant 0 : i32
    %dma_wait3A_295 = tpu.memref_slice %arg9[%dma_wait3A_293, %dma_wait3A_294] : memref<80x64xf32, #tpu.memory_space<vmem>> -> memref<80x64xf32, #tpu.memory_space<vmem>>
    %dma_wait3A_296 = arith.constant 0 : i32
    %dma_wait3A_297 = tpu.memref_slice %arg6[%dma_wait3A_292, %dma_wait3A_296] : memref<125x80xi32, #tpu.memory_space<vmem>> -> memref<1x80xi32, #tpu.memory_space<vmem>>
    %dma_wait3A_298 = tpu.memref_squeeze %dma_wait3A_297 : memref<1x80xi32, #tpu.memory_space<vmem>> -> memref<80xi32, #tpu.memory_space<vmem>>
    %dma_wait3A_299 = arith.constant 0 : i32
    %dma_wait3A_300 = arith.constant 0 : i32
    %dma_wait3A_301 = tpu.memref_slice %arg16[%dma_wait3A_299, %dma_wait3A_300] : memref<10000x64xf32, #tpu.memory_space<vmem_shared>> -> memref<10000x64xf32, #tpu.memory_space<vmem_shared>>
    tpu.wait_indirect_dma semaphore(%arg27 : memref<!tpu.dma_semaphore, #tpu.memory_space<semaphore_mem>>) src(%dma_wait3A_295 : memref<80x64xf32, #tpu.memory_space<vmem>>) dst(%dma_wait3A_301 : memref<10000x64xf32, #tpu.memory_space<vmem_shared>>)
    %dma_start3A_302 = arith.constant 122 : i32
    %dma_start3A_303 = arith.constant 0 : i32
    %dma_start3A_304 = arith.constant 0 : i32
    %dma_start3A_305 = tpu.memref_slice %arg9[%dma_start3A_303, %dma_start3A_304] : memref<80x64xf32, #tpu.memory_space<vmem>> -> memref<80x64xf32, #tpu.memory_space<vmem>>
    %dma_start3A_306 = arith.constant 0 : i32
    %dma_start3A_307 = tpu.memref_slice %arg5[%dma_start3A_302, %dma_start3A_306] : memref<125x80xi32, #tpu.memory_space<vmem>> -> memref<1x80xi32, #tpu.memory_space<vmem>>
    %dma_start3A_308 = tpu.memref_squeeze %dma_start3A_307 : memref<1x80xi32, #tpu.memory_space<vmem>> -> memref<80xi32, #tpu.memory_space<vmem>>
    %dma_start3A_309 = arith.constant 0 : i32
    %dma_start3A_310 = arith.constant 0 : i32
    %dma_start3A_311 = tpu.memref_slice %arg2[%dma_start3A_309, %dma_start3A_310] : memref<10000x64xf32, #tpu.memory_space<hbm>> -> memref<10000x64xf32, #tpu.memory_space<hbm>>
    tpu.enqueue_indirect_dma source(%dma_start3A_311 : memref<10000x64xf32, #tpu.memory_space<hbm>>) target(%dma_start3A_305 : memref<80x64xf32, #tpu.memory_space<vmem>>) offsets(%dma_start3A_308 : memref<80xi32, #tpu.memory_space<vmem>>) semaphore(%arg19 : memref<!tpu.dma_semaphore, #tpu.memory_space<semaphore_mem>>)
    %dma_wait3A_312 = arith.constant 119 : i32
    %dma_wait3A_313 = arith.constant 0 : i32
    %dma_wait3A_314 = arith.constant 0 : i32
    %dma_wait3A_315 = tpu.memref_slice %arg14[%dma_wait3A_313, %dma_wait3A_314] : memref<80x64xf32, #tpu.memory_space<vmem>> -> memref<80x64xf32, #tpu.memory_space<vmem>>
    %dma_wait3A_316 = arith.constant 0 : i32
    %dma_wait3A_317 = tpu.memref_slice %arg5[%dma_wait3A_312, %dma_wait3A_316] : memref<125x80xi32, #tpu.memory_space<vmem>> -> memref<1x80xi32, #tpu.memory_space<vmem>>
    %dma_wait3A_318 = tpu.memref_squeeze %dma_wait3A_317 : memref<1x80xi32, #tpu.memory_space<vmem>> -> memref<80xi32, #tpu.memory_space<vmem>>
    %dma_wait3A_319 = arith.constant 0 : i32
    %dma_wait3A_320 = arith.constant 0 : i32
    %dma_wait3A_321 = tpu.memref_slice %arg2[%dma_wait3A_319, %dma_wait3A_320] : memref<10000x64xf32, #tpu.memory_space<hbm>> -> memref<10000x64xf32, #tpu.memory_space<hbm>>
    tpu.wait_indirect_dma semaphore(%arg24 : memref<!tpu.dma_semaphore, #tpu.memory_space<semaphore_mem>>) src(%dma_wait3A_321 : memref<10000x64xf32, #tpu.memory_space<hbm>>) dst(%dma_wait3A_315 : memref<80x64xf32, #tpu.memory_space<vmem>>)
    %dma_start3A_322 = arith.constant 119 : i32
    %dma_start3A_323 = arith.constant 0 : i32
    %dma_start3A_324 = arith.constant 0 : i32
    %dma_start3A_325 = tpu.memref_slice %arg14[%dma_start3A_323, %dma_start3A_324] : memref<80x64xf32, #tpu.memory_space<vmem>> -> memref<80x64xf32, #tpu.memory_space<vmem>>
    %dma_start3A_326 = arith.constant 0 : i32
    %dma_start3A_327 = tpu.memref_slice %arg6[%dma_start3A_322, %dma_start3A_326] : memref<125x80xi32, #tpu.memory_space<vmem>> -> memref<1x80xi32, #tpu.memory_space<vmem>>
    %dma_start3A_328 = tpu.memref_squeeze %dma_start3A_327 : memref<1x80xi32, #tpu.memory_space<vmem>> -> memref<80xi32, #tpu.memory_space<vmem>>
    %dma_start3A_329 = arith.constant 0 : i32
    %dma_start3A_330 = arith.constant 0 : i32
    %dma_start3A_331 = tpu.memref_slice %arg16[%dma_start3A_329, %dma_start3A_330] : memref<10000x64xf32, #tpu.memory_space<vmem_shared>> -> memref<10000x64xf32, #tpu.memory_space<vmem_shared>>
    tpu.enqueue_indirect_dma source(%dma_start3A_325 : memref<80x64xf32, #tpu.memory_space<vmem>>) target(%dma_start3A_331 : memref<10000x64xf32, #tpu.memory_space<vmem_shared>>) offsets(%dma_start3A_328 : memref<80xi32, #tpu.memory_space<vmem>>) semaphore(%arg32 : memref<!tpu.dma_semaphore, #tpu.memory_space<semaphore_mem>>) {add = true}
    %dma_wait3A_332 = arith.constant 115 : i32
    %dma_wait3A_333 = arith.constant 0 : i32
    %dma_wait3A_334 = arith.constant 0 : i32
    %dma_wait3A_335 = tpu.memref_slice %arg10[%dma_wait3A_333, %dma_wait3A_334] : memref<80x64xf32, #tpu.memory_space<vmem>> -> memref<80x64xf32, #tpu.memory_space<vmem>>
    %dma_wait3A_336 = arith.constant 0 : i32
    %dma_wait3A_337 = tpu.memref_slice %arg6[%dma_wait3A_332, %dma_wait3A_336] : memref<125x80xi32, #tpu.memory_space<vmem>> -> memref<1x80xi32, #tpu.memory_space<vmem>>
    %dma_wait3A_338 = tpu.memref_squeeze %dma_wait3A_337 : memref<1x80xi32, #tpu.memory_space<vmem>> -> memref<80xi32, #tpu.memory_space<vmem>>
    %dma_wait3A_339 = arith.constant 0 : i32
    %dma_wait3A_340 = arith.constant 0 : i32
    %dma_wait3A_341 = tpu.memref_slice %arg16[%dma_wait3A_339, %dma_wait3A_340] : memref<10000x64xf32, #tpu.memory_space<vmem_shared>> -> memref<10000x64xf32, #tpu.memory_space<vmem_shared>>
    tpu.wait_indirect_dma semaphore(%arg28 : memref<!tpu.dma_semaphore, #tpu.memory_space<semaphore_mem>>) src(%dma_wait3A_335 : memref<80x64xf32, #tpu.memory_space<vmem>>) dst(%dma_wait3A_341 : memref<10000x64xf32, #tpu.memory_space<vmem_shared>>)
    %dma_start3A_342 = arith.constant 123 : i32
    %dma_start3A_343 = arith.constant 0 : i32
    %dma_start3A_344 = arith.constant 0 : i32
    %dma_start3A_345 = tpu.memref_slice %arg10[%dma_start3A_343, %dma_start3A_344] : memref<80x64xf32, #tpu.memory_space<vmem>> -> memref<80x64xf32, #tpu.memory_space<vmem>>
    %dma_start3A_346 = arith.constant 0 : i32
    %dma_start3A_347 = tpu.memref_slice %arg5[%dma_start3A_342, %dma_start3A_346] : memref<125x80xi32, #tpu.memory_space<vmem>> -> memref<1x80xi32, #tpu.memory_space<vmem>>
    %dma_start3A_348 = tpu.memref_squeeze %dma_start3A_347 : memref<1x80xi32, #tpu.memory_space<vmem>> -> memref<80xi32, #tpu.memory_space<vmem>>
    %dma_start3A_349 = arith.constant 0 : i32
    %dma_start3A_350 = arith.constant 0 : i32
    %dma_start3A_351 = tpu.memref_slice %arg2[%dma_start3A_349, %dma_start3A_350] : memref<10000x64xf32, #tpu.memory_space<hbm>> -> memref<10000x64xf32, #tpu.memory_space<hbm>>
    tpu.enqueue_indirect_dma source(%dma_start3A_351 : memref<10000x64xf32, #tpu.memory_space<hbm>>) target(%dma_start3A_345 : memref<80x64xf32, #tpu.memory_space<vmem>>) offsets(%dma_start3A_348 : memref<80xi32, #tpu.memory_space<vmem>>) semaphore(%arg20 : memref<!tpu.dma_semaphore, #tpu.memory_space<semaphore_mem>>)
    %dma_wait3A_352 = arith.constant 120 : i32
    %dma_wait3A_353 = arith.constant 0 : i32
    %dma_wait3A_354 = arith.constant 0 : i32
    %dma_wait3A_355 = tpu.memref_slice %arg7[%dma_wait3A_353, %dma_wait3A_354] : memref<80x64xf32, #tpu.memory_space<vmem>> -> memref<80x64xf32, #tpu.memory_space<vmem>>
    %dma_wait3A_356 = arith.constant 0 : i32
    %dma_wait3A_357 = tpu.memref_slice %arg5[%dma_wait3A_352, %dma_wait3A_356] : memref<125x80xi32, #tpu.memory_space<vmem>> -> memref<1x80xi32, #tpu.memory_space<vmem>>
    %dma_wait3A_358 = tpu.memref_squeeze %dma_wait3A_357 : memref<1x80xi32, #tpu.memory_space<vmem>> -> memref<80xi32, #tpu.memory_space<vmem>>
    %dma_wait3A_359 = arith.constant 0 : i32
    %dma_wait3A_360 = arith.constant 0 : i32
    %dma_wait3A_361 = tpu.memref_slice %arg2[%dma_wait3A_359, %dma_wait3A_360] : memref<10000x64xf32, #tpu.memory_space<hbm>> -> memref<10000x64xf32, #tpu.memory_space<hbm>>
    tpu.wait_indirect_dma semaphore(%arg17 : memref<!tpu.dma_semaphore, #tpu.memory_space<semaphore_mem>>) src(%dma_wait3A_361 : memref<10000x64xf32, #tpu.memory_space<hbm>>) dst(%dma_wait3A_355 : memref<80x64xf32, #tpu.memory_space<vmem>>)
    %dma_start3A_362 = arith.constant 120 : i32
    %dma_start3A_363 = arith.constant 0 : i32
    %dma_start3A_364 = arith.constant 0 : i32
    %dma_start3A_365 = tpu.memref_slice %arg7[%dma_start3A_363, %dma_start3A_364] : memref<80x64xf32, #tpu.memory_space<vmem>> -> memref<80x64xf32, #tpu.memory_space<vmem>>
    %dma_start3A_366 = arith.constant 0 : i32
    %dma_start3A_367 = tpu.memref_slice %arg6[%dma_start3A_362, %dma_start3A_366] : memref<125x80xi32, #tpu.memory_space<vmem>> -> memref<1x80xi32, #tpu.memory_space<vmem>>
    %dma_start3A_368 = tpu.memref_squeeze %dma_start3A_367 : memref<1x80xi32, #tpu.memory_space<vmem>> -> memref<80xi32, #tpu.memory_space<vmem>>
    %dma_start3A_369 = arith.constant 0 : i32
    %dma_start3A_370 = arith.constant 0 : i32
    %dma_start3A_371 = tpu.memref_slice %arg16[%dma_start3A_369, %dma_start3A_370] : memref<10000x64xf32, #tpu.memory_space<vmem_shared>> -> memref<10000x64xf32, #tpu.memory_space<vmem_shared>>
    tpu.enqueue_indirect_dma source(%dma_start3A_365 : memref<80x64xf32, #tpu.memory_space<vmem>>) target(%dma_start3A_371 : memref<10000x64xf32, #tpu.memory_space<vmem_shared>>) offsets(%dma_start3A_368 : memref<80xi32, #tpu.memory_space<vmem>>) semaphore(%arg25 : memref<!tpu.dma_semaphore, #tpu.memory_space<semaphore_mem>>) {add = true}
    %dma_wait3A_372 = arith.constant 116 : i32
    %dma_wait3A_373 = arith.constant 0 : i32
    %dma_wait3A_374 = arith.constant 0 : i32
    %dma_wait3A_375 = tpu.memref_slice %arg11[%dma_wait3A_373, %dma_wait3A_374] : memref<80x64xf32, #tpu.memory_space<vmem>> -> memref<80x64xf32, #tpu.memory_space<vmem>>
    %dma_wait3A_376 = arith.constant 0 : i32
    %dma_wait3A_377 = tpu.memref_slice %arg6[%dma_wait3A_372, %dma_wait3A_376] : memref<125x80xi32, #tpu.memory_space<vmem>> -> memref<1x80xi32, #tpu.memory_space<vmem>>
    %dma_wait3A_378 = tpu.memref_squeeze %dma_wait3A_377 : memref<1x80xi32, #tpu.memory_space<vmem>> -> memref<80xi32, #tpu.memory_space<vmem>>
    %dma_wait3A_379 = arith.constant 0 : i32
    %dma_wait3A_380 = arith.constant 0 : i32
    %dma_wait3A_381 = tpu.memref_slice %arg16[%dma_wait3A_379, %dma_wait3A_380] : memref<10000x64xf32, #tpu.memory_space<vmem_shared>> -> memref<10000x64xf32, #tpu.memory_space<vmem_shared>>
    tpu.wait_indirect_dma semaphore(%arg29 : memref<!tpu.dma_semaphore, #tpu.memory_space<semaphore_mem>>) src(%dma_wait3A_375 : memref<80x64xf32, #tpu.memory_space<vmem>>) dst(%dma_wait3A_381 : memref<10000x64xf32, #tpu.memory_space<vmem_shared>>)
    %dma_start3A_382 = arith.constant 124 : i32
    %dma_start3A_383 = arith.constant 0 : i32
    %dma_start3A_384 = arith.constant 0 : i32
    %dma_start3A_385 = tpu.memref_slice %arg11[%dma_start3A_383, %dma_start3A_384] : memref<80x64xf32, #tpu.memory_space<vmem>> -> memref<80x64xf32, #tpu.memory_space<vmem>>
    %dma_start3A_386 = arith.constant 0 : i32
    %dma_start3A_387 = tpu.memref_slice %arg5[%dma_start3A_382, %dma_start3A_386] : memref<125x80xi32, #tpu.memory_space<vmem>> -> memref<1x80xi32, #tpu.memory_space<vmem>>
    %dma_start3A_388 = tpu.memref_squeeze %dma_start3A_387 : memref<1x80xi32, #tpu.memory_space<vmem>> -> memref<80xi32, #tpu.memory_space<vmem>>
    %dma_start3A_389 = arith.constant 0 : i32
    %dma_start3A_390 = arith.constant 0 : i32
    %dma_start3A_391 = tpu.memref_slice %arg2[%dma_start3A_389, %dma_start3A_390] : memref<10000x64xf32, #tpu.memory_space<hbm>> -> memref<10000x64xf32, #tpu.memory_space<hbm>>
    tpu.enqueue_indirect_dma source(%dma_start3A_391 : memref<10000x64xf32, #tpu.memory_space<hbm>>) target(%dma_start3A_385 : memref<80x64xf32, #tpu.memory_space<vmem>>) offsets(%dma_start3A_388 : memref<80xi32, #tpu.memory_space<vmem>>) semaphore(%arg21 : memref<!tpu.dma_semaphore, #tpu.memory_space<semaphore_mem>>)
    %dma_wait3A_392 = arith.constant 121 : i32
    %dma_wait3A_393 = arith.constant 0 : i32
    %dma_wait3A_394 = arith.constant 0 : i32
    %dma_wait3A_395 = tpu.memref_slice %arg8[%dma_wait3A_393, %dma_wait3A_394] : memref<80x64xf32, #tpu.memory_space<vmem>> -> memref<80x64xf32, #tpu.memory_space<vmem>>
    %dma_wait3A_396 = arith.constant 0 : i32
    %dma_wait3A_397 = tpu.memref_slice %arg5[%dma_wait3A_392, %dma_wait3A_396] : memref<125x80xi32, #tpu.memory_space<vmem>> -> memref<1x80xi32, #tpu.memory_space<vmem>>
    %dma_wait3A_398 = tpu.memref_squeeze %dma_wait3A_397 : memref<1x80xi32, #tpu.memory_space<vmem>> -> memref<80xi32, #tpu.memory_space<vmem>>
    %dma_wait3A_399 = arith.constant 0 : i32
    %dma_wait3A_400 = arith.constant 0 : i32
    %dma_wait3A_401 = tpu.memref_slice %arg2[%dma_wait3A_399, %dma_wait3A_400] : memref<10000x64xf32, #tpu.memory_space<hbm>> -> memref<10000x64xf32, #tpu.memory_space<hbm>>
    tpu.wait_indirect_dma semaphore(%arg18 : memref<!tpu.dma_semaphore, #tpu.memory_space<semaphore_mem>>) src(%dma_wait3A_401 : memref<10000x64xf32, #tpu.memory_space<hbm>>) dst(%dma_wait3A_395 : memref<80x64xf32, #tpu.memory_space<vmem>>)
    %dma_start3A_402 = arith.constant 121 : i32
    %dma_start3A_403 = arith.constant 0 : i32
    %dma_start3A_404 = arith.constant 0 : i32
    %dma_start3A_405 = tpu.memref_slice %arg8[%dma_start3A_403, %dma_start3A_404] : memref<80x64xf32, #tpu.memory_space<vmem>> -> memref<80x64xf32, #tpu.memory_space<vmem>>
    %dma_start3A_406 = arith.constant 0 : i32
    %dma_start3A_407 = tpu.memref_slice %arg6[%dma_start3A_402, %dma_start3A_406] : memref<125x80xi32, #tpu.memory_space<vmem>> -> memref<1x80xi32, #tpu.memory_space<vmem>>
    %dma_start3A_408 = tpu.memref_squeeze %dma_start3A_407 : memref<1x80xi32, #tpu.memory_space<vmem>> -> memref<80xi32, #tpu.memory_space<vmem>>
    %dma_start3A_409 = arith.constant 0 : i32
    %dma_start3A_410 = arith.constant 0 : i32
    %dma_start3A_411 = tpu.memref_slice %arg16[%dma_start3A_409, %dma_start3A_410] : memref<10000x64xf32, #tpu.memory_space<vmem_shared>> -> memref<10000x64xf32, #tpu.memory_space<vmem_shared>>
    tpu.enqueue_indirect_dma source(%dma_start3A_405 : memref<80x64xf32, #tpu.memory_space<vmem>>) target(%dma_start3A_411 : memref<10000x64xf32, #tpu.memory_space<vmem_shared>>) offsets(%dma_start3A_408 : memref<80xi32, #tpu.memory_space<vmem>>) semaphore(%arg26 : memref<!tpu.dma_semaphore, #tpu.memory_space<semaphore_mem>>) {add = true}
    %dma_wait3A_412 = arith.constant 122 : i32
    %dma_wait3A_413 = arith.constant 0 : i32
    %dma_wait3A_414 = arith.constant 0 : i32
    %dma_wait3A_415 = tpu.memref_slice %arg9[%dma_wait3A_413, %dma_wait3A_414] : memref<80x64xf32, #tpu.memory_space<vmem>> -> memref<80x64xf32, #tpu.memory_space<vmem>>
    %dma_wait3A_416 = arith.constant 0 : i32
    %dma_wait3A_417 = tpu.memref_slice %arg5[%dma_wait3A_412, %dma_wait3A_416] : memref<125x80xi32, #tpu.memory_space<vmem>> -> memref<1x80xi32, #tpu.memory_space<vmem>>
    %dma_wait3A_418 = tpu.memref_squeeze %dma_wait3A_417 : memref<1x80xi32, #tpu.memory_space<vmem>> -> memref<80xi32, #tpu.memory_space<vmem>>
    %dma_wait3A_419 = arith.constant 0 : i32
    %dma_wait3A_420 = arith.constant 0 : i32
    %dma_wait3A_421 = tpu.memref_slice %arg2[%dma_wait3A_419, %dma_wait3A_420] : memref<10000x64xf32, #tpu.memory_space<hbm>> -> memref<10000x64xf32, #tpu.memory_space<hbm>>
    tpu.wait_indirect_dma semaphore(%arg19 : memref<!tpu.dma_semaphore, #tpu.memory_space<semaphore_mem>>) src(%dma_wait3A_421 : memref<10000x64xf32, #tpu.memory_space<hbm>>) dst(%dma_wait3A_415 : memref<80x64xf32, #tpu.memory_space<vmem>>)
    %dma_start3A_422 = arith.constant 122 : i32
    %dma_start3A_423 = arith.constant 0 : i32
    %dma_start3A_424 = arith.constant 0 : i32
    %dma_start3A_425 = tpu.memref_slice %arg9[%dma_start3A_423, %dma_start3A_424] : memref<80x64xf32, #tpu.memory_space<vmem>> -> memref<80x64xf32, #tpu.memory_space<vmem>>
    %dma_start3A_426 = arith.constant 0 : i32
    %dma_start3A_427 = tpu.memref_slice %arg6[%dma_start3A_422, %dma_start3A_426] : memref<125x80xi32, #tpu.memory_space<vmem>> -> memref<1x80xi32, #tpu.memory_space<vmem>>
    %dma_start3A_428 = tpu.memref_squeeze %dma_start3A_427 : memref<1x80xi32, #tpu.memory_space<vmem>> -> memref<80xi32, #tpu.memory_space<vmem>>
    %dma_start3A_429 = arith.constant 0 : i32
    %dma_start3A_430 = arith.constant 0 : i32
    %dma_start3A_431 = tpu.memref_slice %arg16[%dma_start3A_429, %dma_start3A_430] : memref<10000x64xf32, #tpu.memory_space<vmem_shared>> -> memref<10000x64xf32, #tpu.memory_space<vmem_shared>>
    tpu.enqueue_indirect_dma source(%dma_start3A_425 : memref<80x64xf32, #tpu.memory_space<vmem>>) target(%dma_start3A_431 : memref<10000x64xf32, #tpu.memory_space<vmem_shared>>) offsets(%dma_start3A_428 : memref<80xi32, #tpu.memory_space<vmem>>) semaphore(%arg27 : memref<!tpu.dma_semaphore, #tpu.memory_space<semaphore_mem>>) {add = true}
    %dma_wait3A_432 = arith.constant 123 : i32
    %dma_wait3A_433 = arith.constant 0 : i32
    %dma_wait3A_434 = arith.constant 0 : i32
    %dma_wait3A_435 = tpu.memref_slice %arg10[%dma_wait3A_433, %dma_wait3A_434] : memref<80x64xf32, #tpu.memory_space<vmem>> -> memref<80x64xf32, #tpu.memory_space<vmem>>
    %dma_wait3A_436 = arith.constant 0 : i32
    %dma_wait3A_437 = tpu.memref_slice %arg5[%dma_wait3A_432, %dma_wait3A_436] : memref<125x80xi32, #tpu.memory_space<vmem>> -> memref<1x80xi32, #tpu.memory_space<vmem>>
    %dma_wait3A_438 = tpu.memref_squeeze %dma_wait3A_437 : memref<1x80xi32, #tpu.memory_space<vmem>> -> memref<80xi32, #tpu.memory_space<vmem>>
    %dma_wait3A_439 = arith.constant 0 : i32
    %dma_wait3A_440 = arith.constant 0 : i32
    %dma_wait3A_441 = tpu.memref_slice %arg2[%dma_wait3A_439, %dma_wait3A_440] : memref<10000x64xf32, #tpu.memory_space<hbm>> -> memref<10000x64xf32, #tpu.memory_space<hbm>>
    tpu.wait_indirect_dma semaphore(%arg20 : memref<!tpu.dma_semaphore, #tpu.memory_space<semaphore_mem>>) src(%dma_wait3A_441 : memref<10000x64xf32, #tpu.memory_space<hbm>>) dst(%dma_wait3A_435 : memref<80x64xf32, #tpu.memory_space<vmem>>)
    %dma_start3A_442 = arith.constant 123 : i32
    %dma_start3A_443 = arith.constant 0 : i32
    %dma_start3A_444 = arith.constant 0 : i32
    %dma_start3A_445 = tpu.memref_slice %arg10[%dma_start3A_443, %dma_start3A_444] : memref<80x64xf32, #tpu.memory_space<vmem>> -> memref<80x64xf32, #tpu.memory_space<vmem>>
    %dma_start3A_446 = arith.constant 0 : i32
    %dma_start3A_447 = tpu.memref_slice %arg6[%dma_start3A_442, %dma_start3A_446] : memref<125x80xi32, #tpu.memory_space<vmem>> -> memref<1x80xi32, #tpu.memory_space<vmem>>
    %dma_start3A_448 = tpu.memref_squeeze %dma_start3A_447 : memref<1x80xi32, #tpu.memory_space<vmem>> -> memref<80xi32, #tpu.memory_space<vmem>>
    %dma_start3A_449 = arith.constant 0 : i32
    %dma_start3A_450 = arith.constant 0 : i32
    %dma_start3A_451 = tpu.memref_slice %arg16[%dma_start3A_449, %dma_start3A_450] : memref<10000x64xf32, #tpu.memory_space<vmem_shared>> -> memref<10000x64xf32, #tpu.memory_space<vmem_shared>>
    tpu.enqueue_indirect_dma source(%dma_start3A_445 : memref<80x64xf32, #tpu.memory_space<vmem>>) target(%dma_start3A_451 : memref<10000x64xf32, #tpu.memory_space<vmem_shared>>) offsets(%dma_start3A_448 : memref<80xi32, #tpu.memory_space<vmem>>) semaphore(%arg28 : memref<!tpu.dma_semaphore, #tpu.memory_space<semaphore_mem>>) {add = true}
    %dma_wait3A_452 = arith.constant 124 : i32
    %dma_wait3A_453 = arith.constant 0 : i32
    %dma_wait3A_454 = arith.constant 0 : i32
    %dma_wait3A_455 = tpu.memref_slice %arg11[%dma_wait3A_453, %dma_wait3A_454] : memref<80x64xf32, #tpu.memory_space<vmem>> -> memref<80x64xf32, #tpu.memory_space<vmem>>
    %dma_wait3A_456 = arith.constant 0 : i32
    %dma_wait3A_457 = tpu.memref_slice %arg5[%dma_wait3A_452, %dma_wait3A_456] : memref<125x80xi32, #tpu.memory_space<vmem>> -> memref<1x80xi32, #tpu.memory_space<vmem>>
    %dma_wait3A_458 = tpu.memref_squeeze %dma_wait3A_457 : memref<1x80xi32, #tpu.memory_space<vmem>> -> memref<80xi32, #tpu.memory_space<vmem>>
    %dma_wait3A_459 = arith.constant 0 : i32
    %dma_wait3A_460 = arith.constant 0 : i32
    %dma_wait3A_461 = tpu.memref_slice %arg2[%dma_wait3A_459, %dma_wait3A_460] : memref<10000x64xf32, #tpu.memory_space<hbm>> -> memref<10000x64xf32, #tpu.memory_space<hbm>>
    tpu.wait_indirect_dma semaphore(%arg21 : memref<!tpu.dma_semaphore, #tpu.memory_space<semaphore_mem>>) src(%dma_wait3A_461 : memref<10000x64xf32, #tpu.memory_space<hbm>>) dst(%dma_wait3A_455 : memref<80x64xf32, #tpu.memory_space<vmem>>)
    %dma_start3A_462 = arith.constant 124 : i32
    %dma_start3A_463 = arith.constant 0 : i32
    %dma_start3A_464 = arith.constant 0 : i32
    %dma_start3A_465 = tpu.memref_slice %arg11[%dma_start3A_463, %dma_start3A_464] : memref<80x64xf32, #tpu.memory_space<vmem>> -> memref<80x64xf32, #tpu.memory_space<vmem>>
    %dma_start3A_466 = arith.constant 0 : i32
    %dma_start3A_467 = tpu.memref_slice %arg6[%dma_start3A_462, %dma_start3A_466] : memref<125x80xi32, #tpu.memory_space<vmem>> -> memref<1x80xi32, #tpu.memory_space<vmem>>
    %dma_start3A_468 = tpu.memref_squeeze %dma_start3A_467 : memref<1x80xi32, #tpu.memory_space<vmem>> -> memref<80xi32, #tpu.memory_space<vmem>>
    %dma_start3A_469 = arith.constant 0 : i32
    %dma_start3A_470 = arith.constant 0 : i32
    %dma_start3A_471 = tpu.memref_slice %arg16[%dma_start3A_469, %dma_start3A_470] : memref<10000x64xf32, #tpu.memory_space<vmem_shared>> -> memref<10000x64xf32, #tpu.memory_space<vmem_shared>>
    tpu.enqueue_indirect_dma source(%dma_start3A_465 : memref<80x64xf32, #tpu.memory_space<vmem>>) target(%dma_start3A_471 : memref<10000x64xf32, #tpu.memory_space<vmem_shared>>) offsets(%dma_start3A_468 : memref<80xi32, #tpu.memory_space<vmem>>) semaphore(%arg29 : memref<!tpu.dma_semaphore, #tpu.memory_space<semaphore_mem>>) {add = true}
    %dma_wait3A_472 = arith.constant 117 : i32
    %dma_wait3A_473 = arith.constant 0 : i32
    %dma_wait3A_474 = arith.constant 0 : i32
    %dma_wait3A_475 = tpu.memref_slice %arg12[%dma_wait3A_473, %dma_wait3A_474] : memref<80x64xf32, #tpu.memory_space<vmem>> -> memref<80x64xf32, #tpu.memory_space<vmem>>
    %dma_wait3A_476 = arith.constant 0 : i32
    %dma_wait3A_477 = tpu.memref_slice %arg6[%dma_wait3A_472, %dma_wait3A_476] : memref<125x80xi32, #tpu.memory_space<vmem>> -> memref<1x80xi32, #tpu.memory_space<vmem>>
    %dma_wait3A_478 = tpu.memref_squeeze %dma_wait3A_477 : memref<1x80xi32, #tpu.memory_space<vmem>> -> memref<80xi32, #tpu.memory_space<vmem>>
    %dma_wait3A_479 = arith.constant 0 : i32
    %dma_wait3A_480 = arith.constant 0 : i32
    %dma_wait3A_481 = tpu.memref_slice %arg16[%dma_wait3A_479, %dma_wait3A_480] : memref<10000x64xf32, #tpu.memory_space<vmem_shared>> -> memref<10000x64xf32, #tpu.memory_space<vmem_shared>>
    tpu.wait_indirect_dma semaphore(%arg30 : memref<!tpu.dma_semaphore, #tpu.memory_space<semaphore_mem>>) src(%dma_wait3A_475 : memref<80x64xf32, #tpu.memory_space<vmem>>) dst(%dma_wait3A_481 : memref<10000x64xf32, #tpu.memory_space<vmem_shared>>)
    %dma_wait3A_482 = arith.constant 118 : i32
    %dma_wait3A_483 = arith.constant 0 : i32
    %dma_wait3A_484 = arith.constant 0 : i32
    %dma_wait3A_485 = tpu.memref_slice %arg13[%dma_wait3A_483, %dma_wait3A_484] : memref<80x64xf32, #tpu.memory_space<vmem>> -> memref<80x64xf32, #tpu.memory_space<vmem>>
    %dma_wait3A_486 = arith.constant 0 : i32
    %dma_wait3A_487 = tpu.memref_slice %arg6[%dma_wait3A_482, %dma_wait3A_486] : memref<125x80xi32, #tpu.memory_space<vmem>> -> memref<1x80xi32, #tpu.memory_space<vmem>>
    %dma_wait3A_488 = tpu.memref_squeeze %dma_wait3A_487 : memref<1x80xi32, #tpu.memory_space<vmem>> -> memref<80xi32, #tpu.memory_space<vmem>>
    %dma_wait3A_489 = arith.constant 0 : i32
    %dma_wait3A_490 = arith.constant 0 : i32
    %dma_wait3A_491 = tpu.memref_slice %arg16[%dma_wait3A_489, %dma_wait3A_490] : memref<10000x64xf32, #tpu.memory_space<vmem_shared>> -> memref<10000x64xf32, #tpu.memory_space<vmem_shared>>
    tpu.wait_indirect_dma semaphore(%arg31 : memref<!tpu.dma_semaphore, #tpu.memory_space<semaphore_mem>>) src(%dma_wait3A_485 : memref<80x64xf32, #tpu.memory_space<vmem>>) dst(%dma_wait3A_491 : memref<10000x64xf32, #tpu.memory_space<vmem_shared>>)
    %dma_wait3A_492 = arith.constant 119 : i32
    %dma_wait3A_493 = arith.constant 0 : i32
    %dma_wait3A_494 = arith.constant 0 : i32
    %dma_wait3A_495 = tpu.memref_slice %arg14[%dma_wait3A_493, %dma_wait3A_494] : memref<80x64xf32, #tpu.memory_space<vmem>> -> memref<80x64xf32, #tpu.memory_space<vmem>>
    %dma_wait3A_496 = arith.constant 0 : i32
    %dma_wait3A_497 = tpu.memref_slice %arg6[%dma_wait3A_492, %dma_wait3A_496] : memref<125x80xi32, #tpu.memory_space<vmem>> -> memref<1x80xi32, #tpu.memory_space<vmem>>
    %dma_wait3A_498 = tpu.memref_squeeze %dma_wait3A_497 : memref<1x80xi32, #tpu.memory_space<vmem>> -> memref<80xi32, #tpu.memory_space<vmem>>
    %dma_wait3A_499 = arith.constant 0 : i32
    %dma_wait3A_500 = arith.constant 0 : i32
    %dma_wait3A_501 = tpu.memref_slice %arg16[%dma_wait3A_499, %dma_wait3A_500] : memref<10000x64xf32, #tpu.memory_space<vmem_shared>> -> memref<10000x64xf32, #tpu.memory_space<vmem_shared>>
    tpu.wait_indirect_dma semaphore(%arg32 : memref<!tpu.dma_semaphore, #tpu.memory_space<semaphore_mem>>) src(%dma_wait3A_495 : memref<80x64xf32, #tpu.memory_space<vmem>>) dst(%dma_wait3A_501 : memref<10000x64xf32, #tpu.memory_space<vmem_shared>>)
    %dma_wait3A_502 = arith.constant 120 : i32
    %dma_wait3A_503 = arith.constant 0 : i32
    %dma_wait3A_504 = arith.constant 0 : i32
    %dma_wait3A_505 = tpu.memref_slice %arg7[%dma_wait3A_503, %dma_wait3A_504] : memref<80x64xf32, #tpu.memory_space<vmem>> -> memref<80x64xf32, #tpu.memory_space<vmem>>
    %dma_wait3A_506 = arith.constant 0 : i32
    %dma_wait3A_507 = tpu.memref_slice %arg6[%dma_wait3A_502, %dma_wait3A_506] : memref<125x80xi32, #tpu.memory_space<vmem>> -> memref<1x80xi32, #tpu.memory_space<vmem>>
    %dma_wait3A_508 = tpu.memref_squeeze %dma_wait3A_507 : memref<1x80xi32, #tpu.memory_space<vmem>> -> memref<80xi32, #tpu.memory_space<vmem>>
    %dma_wait3A_509 = arith.constant 0 : i32
    %dma_wait3A_510 = arith.constant 0 : i32
    %dma_wait3A_511 = tpu.memref_slice %arg16[%dma_wait3A_509, %dma_wait3A_510] : memref<10000x64xf32, #tpu.memory_space<vmem_shared>> -> memref<10000x64xf32, #tpu.memory_space<vmem_shared>>
    tpu.wait_indirect_dma semaphore(%arg25 : memref<!tpu.dma_semaphore, #tpu.memory_space<semaphore_mem>>) src(%dma_wait3A_505 : memref<80x64xf32, #tpu.memory_space<vmem>>) dst(%dma_wait3A_511 : memref<10000x64xf32, #tpu.memory_space<vmem_shared>>)
    %dma_wait3A_512 = arith.constant 121 : i32
    %dma_wait3A_513 = arith.constant 0 : i32
    %dma_wait3A_514 = arith.constant 0 : i32
    %dma_wait3A_515 = tpu.memref_slice %arg8[%dma_wait3A_513, %dma_wait3A_514] : memref<80x64xf32, #tpu.memory_space<vmem>> -> memref<80x64xf32, #tpu.memory_space<vmem>>
    %dma_wait3A_516 = arith.constant 0 : i32
    %dma_wait3A_517 = tpu.memref_slice %arg6[%dma_wait3A_512, %dma_wait3A_516] : memref<125x80xi32, #tpu.memory_space<vmem>> -> memref<1x80xi32, #tpu.memory_space<vmem>>
    %dma_wait3A_518 = tpu.memref_squeeze %dma_wait3A_517 : memref<1x80xi32, #tpu.memory_space<vmem>> -> memref<80xi32, #tpu.memory_space<vmem>>
    %dma_wait3A_519 = arith.constant 0 : i32
    %dma_wait3A_520 = arith.constant 0 : i32
    %dma_wait3A_521 = tpu.memref_slice %arg16[%dma_wait3A_519, %dma_wait3A_520] : memref<10000x64xf32, #tpu.memory_space<vmem_shared>> -> memref<10000x64xf32, #tpu.memory_space<vmem_shared>>
    tpu.wait_indirect_dma semaphore(%arg26 : memref<!tpu.dma_semaphore, #tpu.memory_space<semaphore_mem>>) src(%dma_wait3A_515 : memref<80x64xf32, #tpu.memory_space<vmem>>) dst(%dma_wait3A_521 : memref<10000x64xf32, #tpu.memory_space<vmem_shared>>)
    %dma_wait3A_522 = arith.constant 122 : i32
    %dma_wait3A_523 = arith.constant 0 : i32
    %dma_wait3A_524 = arith.constant 0 : i32
    %dma_wait3A_525 = tpu.memref_slice %arg9[%dma_wait3A_523, %dma_wait3A_524] : memref<80x64xf32, #tpu.memory_space<vmem>> -> memref<80x64xf32, #tpu.memory_space<vmem>>
    %dma_wait3A_526 = arith.constant 0 : i32
    %dma_wait3A_527 = tpu.memref_slice %arg6[%dma_wait3A_522, %dma_wait3A_526] : memref<125x80xi32, #tpu.memory_space<vmem>> -> memref<1x80xi32, #tpu.memory_space<vmem>>
    %dma_wait3A_528 = tpu.memref_squeeze %dma_wait3A_527 : memref<1x80xi32, #tpu.memory_space<vmem>> -> memref<80xi32, #tpu.memory_space<vmem>>
    %dma_wait3A_529 = arith.constant 0 : i32
    %dma_wait3A_530 = arith.constant 0 : i32
    %dma_wait3A_531 = tpu.memref_slice %arg16[%dma_wait3A_529, %dma_wait3A_530] : memref<10000x64xf32, #tpu.memory_space<vmem_shared>> -> memref<10000x64xf32, #tpu.memory_space<vmem_shared>>
    tpu.wait_indirect_dma semaphore(%arg27 : memref<!tpu.dma_semaphore, #tpu.memory_space<semaphore_mem>>) src(%dma_wait3A_525 : memref<80x64xf32, #tpu.memory_space<vmem>>) dst(%dma_wait3A_531 : memref<10000x64xf32, #tpu.memory_space<vmem_shared>>)
    %dma_wait3A_532 = arith.constant 123 : i32
    %dma_wait3A_533 = arith.constant 0 : i32
    %dma_wait3A_534 = arith.constant 0 : i32
    %dma_wait3A_535 = tpu.memref_slice %arg10[%dma_wait3A_533, %dma_wait3A_534] : memref<80x64xf32, #tpu.memory_space<vmem>> -> memref<80x64xf32, #tpu.memory_space<vmem>>
    %dma_wait3A_536 = arith.constant 0 : i32
    %dma_wait3A_537 = tpu.memref_slice %arg6[%dma_wait3A_532, %dma_wait3A_536] : memref<125x80xi32, #tpu.memory_space<vmem>> -> memref<1x80xi32, #tpu.memory_space<vmem>>
    %dma_wait3A_538 = tpu.memref_squeeze %dma_wait3A_537 : memref<1x80xi32, #tpu.memory_space<vmem>> -> memref<80xi32, #tpu.memory_space<vmem>>
    %dma_wait3A_539 = arith.constant 0 : i32
    %dma_wait3A_540 = arith.constant 0 : i32
    %dma_wait3A_541 = tpu.memref_slice %arg16[%dma_wait3A_539, %dma_wait3A_540] : memref<10000x64xf32, #tpu.memory_space<vmem_shared>> -> memref<10000x64xf32, #tpu.memory_space<vmem_shared>>
    tpu.wait_indirect_dma semaphore(%arg28 : memref<!tpu.dma_semaphore, #tpu.memory_space<semaphore_mem>>) src(%dma_wait3A_535 : memref<80x64xf32, #tpu.memory_space<vmem>>) dst(%dma_wait3A_541 : memref<10000x64xf32, #tpu.memory_space<vmem_shared>>)
    %dma_wait3A_542 = arith.constant 124 : i32
    %dma_wait3A_543 = arith.constant 0 : i32
    %dma_wait3A_544 = arith.constant 0 : i32
    %dma_wait3A_545 = tpu.memref_slice %arg11[%dma_wait3A_543, %dma_wait3A_544] : memref<80x64xf32, #tpu.memory_space<vmem>> -> memref<80x64xf32, #tpu.memory_space<vmem>>
    %dma_wait3A_546 = arith.constant 0 : i32
    %dma_wait3A_547 = tpu.memref_slice %arg6[%dma_wait3A_542, %dma_wait3A_546] : memref<125x80xi32, #tpu.memory_space<vmem>> -> memref<1x80xi32, #tpu.memory_space<vmem>>
    %dma_wait3A_548 = tpu.memref_squeeze %dma_wait3A_547 : memref<1x80xi32, #tpu.memory_space<vmem>> -> memref<80xi32, #tpu.memory_space<vmem>>
    %dma_wait3A_549 = arith.constant 0 : i32
    %dma_wait3A_550 = arith.constant 0 : i32
    %dma_wait3A_551 = tpu.memref_slice %arg16[%dma_wait3A_549, %dma_wait3A_550] : memref<10000x64xf32, #tpu.memory_space<vmem_shared>> -> memref<10000x64xf32, #tpu.memory_space<vmem_shared>>
    tpu.wait_indirect_dma semaphore(%arg29 : memref<!tpu.dma_semaphore, #tpu.memory_space<semaphore_mem>>) src(%dma_wait3A_545 : memref<80x64xf32, #tpu.memory_space<vmem>>) dst(%dma_wait3A_551 : memref<10000x64xf32, #tpu.memory_space<vmem_shared>>)
    %barrier3A_552 = arith.constant 0 : index
    tpu.barrier barrier_id(%barrier3A_552)
    %mul3A_553 = arith.constant 625 : i32
    %mul3A_554 = arith.muli %arg1, %mul3A_553 : i32
    %mul3A_555 = arith.constant 625 : i32
    %mul3A_556 = arith.muli %arg1, %mul3A_555 : i32
    "tpu.region"() ({
      %run_scoped3A_557 = tpu.sem_alloc : memref<!tpu.dma_semaphore, #tpu.memory_space<semaphore_mem>>
      %dma_start3A_558 = arith.constant 0 : i32
      %dma_start3A_559 = tpu.memref_slice %arg4[%arg0, %mul3A_556, %dma_start3A_558] : memref<2x10000x64xf32, #tpu.memory_space<hbm>> -> memref<1x625x64xf32, #tpu.memory_space<hbm>>
      %dma_start3A_560 = tpu.memref_squeeze %dma_start3A_559 : memref<1x625x64xf32, #tpu.memory_space<hbm>> -> memref<625x64xf32, #tpu.memory_space<hbm>>
      %dma_start3A_561 = arith.constant 0 : i32
      %dma_start3A_562 = tpu.memref_slice %arg16[%mul3A_554, %dma_start3A_561] : memref<10000x64xf32, #tpu.memory_space<vmem_shared>> -> memref<625x64xf32, #tpu.memory_space<vmem_shared>>
      tpu.enqueue_dma source(%dma_start3A_562 : memref<625x64xf32, #tpu.memory_space<vmem_shared>>) target(%dma_start3A_560 : memref<625x64xf32, #tpu.memory_space<hbm>>) target_semaphore(%run_scoped3A_557 : memref<!tpu.dma_semaphore, #tpu.memory_space<semaphore_mem>>)
      %dma_wait3A_563 = arith.constant 0 : i32
      %dma_wait3A_564 = tpu.memref_slice %arg4[%arg0, %mul3A_556, %dma_wait3A_563] : memref<2x10000x64xf32, #tpu.memory_space<hbm>> -> memref<1x625x64xf32, #tpu.memory_space<hbm>>
      %dma_wait3A_565 = tpu.memref_squeeze %dma_wait3A_564 : memref<1x625x64xf32, #tpu.memory_space<hbm>> -> memref<625x64xf32, #tpu.memory_space<hbm>>
      %dma_wait3A_566 = arith.constant 0 : i32
      %dma_wait3A_567 = tpu.memref_slice %arg16[%mul3A_554, %dma_wait3A_566] : memref<10000x64xf32, #tpu.memory_space<vmem_shared>> -> memref<625x64xf32, #tpu.memory_space<vmem_shared>>
      tpu.wait_dma2 semaphore(%run_scoped3A_557 : memref<!tpu.dma_semaphore, #tpu.memory_space<semaphore_mem>>) src(%dma_wait3A_567 : memref<625x64xf32, #tpu.memory_space<vmem_shared>>) dst(%dma_wait3A_565 : memref<625x64xf32, #tpu.memory_space<hbm>>)
      tpu.yield
    }) : () -> ()
    return
  }
}

module attributes {stable_mosaic.version = 14 : i64} {
  func.func @_tc1_body(%arg0: i32, %arg1: memref<2x2000x1xf32, #tpu.memory_space<vmem>>, %arg2: memref<2000x128xf32, #tpu.memory_space<vmem>>, %arg3: memref<128x128xf32, #tpu.memory_space<vmem>>, %arg4: memref<2x2000x64xf32, #tpu.memory_space<vmem>>, %arg5: memref<2000x1xf32, #tpu.memory_space<vmem>>) attributes {dimension_semantics = [#tpu.dimension_semantics<arbitrary>], iteration_bounds = array<i64: 5>, scalar_prefetch = 0 : i64, scratch_operands = 0 : i64, tpu.core_type = #tpu.core_type<tc>, window_params = [{transform_indices = @transform_0, window_bounds = array<i64: 2, 2000, 1>}, {transform_indices = @transform_1, window_bounds = array<i64: 2000, 128>}, {pipeline_mode = #tpu.pipeline_mode<synchronous>, transform_indices = @transform_2, window_bounds = array<i64: 128, 128>}, {transform_indices = @transform_3, window_bounds = array<i64: 2, 2000, 64>}, {transform_indices = @transform_4, window_bounds = array<i64: 2000, 1>}]} {
    %get3A = arith.constant 0 : index
    %get3A_0 = arith.constant 0 : index
    %get3A_1 = arith.constant 0 : index
    %get3A_2 = vector.load %arg1[%get3A, %get3A_0, %get3A_1] : memref<2x2000x1xf32, #tpu.memory_space<vmem>>, vector<2x2000x1xf32>
    %slice3A = vector.extract_strided_slice %get3A_2 {offsets = [0, 0, 0], sizes = [1, 2000, 1], strides = [1, 1, 1]} : vector<2x2000x1xf32> to vector<1x2000x1xf32>
    %squeeze3A = vector.shape_cast %slice3A : vector<1x2000x1xf32> to vector<2000x1xf32>
    %slice3A_3 = vector.extract_strided_slice %get3A_2 {offsets = [1, 0, 0], sizes = [1, 2000, 1], strides = [1, 1, 1]} : vector<2x2000x1xf32> to vector<1x2000x1xf32>
    %squeeze3A_4 = vector.shape_cast %slice3A_3 : vector<1x2000x1xf32> to vector<2000x1xf32>
    %add3A = arith.addf %squeeze3A, %squeeze3A_4 : vector<2000x1xf32>
    %add3A_5 = arith.constant 1.000000e+00 : f32
    %add3A_6 = vector.broadcast %add3A_5 : f32 to vector<2000x1xf32>
    %add3A_7 = arith.addf %add3A, %add3A_6 : vector<2000x1xf32>
    %rsqrt3A = math.rsqrt %add3A_7 : vector<2000x1xf32>
    %get3A_8 = arith.constant 0 : index
    %get3A_9 = arith.constant 0 : index
    %get3A_10 = vector.load %arg2[%get3A_8, %get3A_9] : memref<2000x128xf32, #tpu.memory_space<vmem>>, vector<2000x128xf32>
    %get3A_11 = arith.constant 0 : index
    %get3A_12 = arith.constant 0 : index
    %get3A_13 = vector.load %arg3[%get3A_11, %get3A_12] : memref<128x128xf32, #tpu.memory_space<vmem>>, vector<128x128xf32>
    %dot_general3A = arith.constant dense<0.000000e+00> : vector<2000x128xf32>
    %dot_general3A_14 = tpu.matmul %get3A_10, %get3A_13, %dot_general3A {dimension_numbers = #tpu.dot_dimension_numbers<[1], [0], [0], [1], [0, 0, 1, 1], [], []>, transpose_lhs_hint = false} : vector<2000x128xf32>, vector<128x128xf32>, vector<2000x128xf32> -> vector<2000x128xf32>
    %mul3A = vector.broadcast %rsqrt3A : vector<2000x1xf32> to vector<2000x128xf32>
    %mul3A_15 = arith.mulf %mul3A, %dot_general3A_14 : vector<2000x128xf32>
    %slice3A_16 = vector.extract_strided_slice %mul3A_15 {offsets = [0, 0], sizes = [2000, 64], strides = [1, 1]} : vector<2000x128xf32> to vector<2000x64xf32>
    %swap3A = arith.constant 0 : index
    %swap3A_17 = arith.constant 0 : index
    %swap3A_18 = arith.constant 0 : index
    %swap3A_19 = vector.load %arg4[%swap3A, %swap3A_17, %swap3A_18] : memref<2x2000x64xf32, #tpu.memory_space<vmem>>, vector<1x2000x64xf32>
    %swap3A_20 = vector.shape_cast %swap3A_19 : vector<1x2000x64xf32> to vector<2000x64xf32>
    %swap3A_21 = vector.shape_cast %slice3A_16 : vector<2000x64xf32> to vector<1x2000x64xf32>
    tpu.vector_store %arg4[%swap3A, %swap3A_17, %swap3A_18], %swap3A_21 {strides = array<i32>} : memref<2x2000x64xf32, #tpu.memory_space<vmem>>, vector<1x2000x64xf32>,
    %slice3A_22 = vector.extract_strided_slice %mul3A_15 {offsets = [0, 64], sizes = [2000, 64], strides = [1, 1]} : vector<2000x128xf32> to vector<2000x64xf32>
    %swap3A_23 = arith.constant 1 : index
    %swap3A_24 = arith.constant 0 : index
    %swap3A_25 = arith.constant 0 : index
    %swap3A_26 = vector.load %arg4[%swap3A_23, %swap3A_24, %swap3A_25] : memref<2x2000x64xf32, #tpu.memory_space<vmem>>, vector<1x2000x64xf32>
    %swap3A_27 = vector.shape_cast %swap3A_26 : vector<1x2000x64xf32> to vector<2000x64xf32>
    %swap3A_28 = vector.shape_cast %slice3A_22 : vector<2000x64xf32> to vector<1x2000x64xf32>
    tpu.vector_store %arg4[%swap3A_23, %swap3A_24, %swap3A_25], %swap3A_28 {strides = array<i32>} : memref<2x2000x64xf32, #tpu.memory_space<vmem>>, vector<1x2000x64xf32>,
    %swap3A_29 = arith.constant 0 : index
    %swap3A_30 = arith.constant 0 : index
    %swap3A_31 = vector.load %arg5[%swap3A_29, %swap3A_30] : memref<2000x1xf32, #tpu.memory_space<vmem>>, vector<2000x1xf32>
    tpu.vector_store %arg5[%swap3A_29, %swap3A_30], %rsqrt3A {strides = array<i32>} : memref<2000x1xf32, #tpu.memory_space<vmem>>, vector<2000x1xf32>,
    return
  }
  func.func @transform_0(%arg0: i32) -> (i32, i32, i32) {
    %c0_i32 = arith.constant 0 : i32
    %c0_i32_0 = arith.constant 0 : i32
    %c0_i32_1 = arith.constant 0 : i32
    return %c0_i32, %arg0, %c0_i32_0 : i32, i32, i32
  }
  func.func @transform_1(%arg0: i32) -> (i32, i32) {
    %c0_i32 = arith.constant 0 : i32
    %c0_i32_0 = arith.constant 0 : i32
    return %arg0, %c0_i32 : i32, i32
  }
  func.func @transform_2(%arg0: i32) -> (i32, i32) {
    %c0_i32 = arith.constant 0 : i32
    %c0_i32_0 = arith.constant 0 : i32
    %c0_i32_1 = arith.constant 0 : i32
    return %c0_i32, %c0_i32_0 : i32, i32
  }
  func.func @transform_3(%arg0: i32) -> (i32, i32, i32) {
    %c0_i32 = arith.constant 0 : i32
    %c0_i32_0 = arith.constant 0 : i32
    %c0_i32_1 = arith.constant 0 : i32
    return %c0_i32, %arg0, %c0_i32_0 : i32, i32, i32
  }
  func.func @transform_4(%arg0: i32) -> (i32, i32) {
    %c0_i32 = arith.constant 0 : i32
    %c0_i32_0 = arith.constant 0 : i32
    return %arg0, %c0_i32 : i32, i32
  }
}

module attributes {stable_mosaic.version = 14 : i64} {
  func.func @_tc2_body(%arg0: i32, %arg1: memref<2x2000x64xf32, #tpu.memory_space<vmem>>, %arg2: memref<2x2000x64xf32, #tpu.memory_space<vmem>>, %arg3: memref<2000x1xf32, #tpu.memory_space<vmem>>, %arg4: memref<1x128xf32, #tpu.memory_space<vmem>>, %arg5: memref<128x64xf32, #tpu.memory_space<vmem>>, %arg6: memref<2000x64xf32, #tpu.memory_space<vmem>>) attributes {dimension_semantics = [#tpu.dimension_semantics<arbitrary>], iteration_bounds = array<i64: 5>, scalar_prefetch = 0 : i64, scratch_operands = 0 : i64, tpu.core_type = #tpu.core_type<tc>, window_params = [{transform_indices = @transform_0, window_bounds = array<i64: 2, 2000, 64>}, {transform_indices = @transform_1, window_bounds = array<i64: 2, 2000, 64>}, {transform_indices = @transform_2, window_bounds = array<i64: 2000, 1>}, {pipeline_mode = #tpu.pipeline_mode<synchronous>, transform_indices = @transform_3, window_bounds = array<i64: 1, 128>}, {pipeline_mode = #tpu.pipeline_mode<synchronous>, transform_indices = @transform_4, window_bounds = array<i64: 128, 64>}, {transform_indices = @transform_5, window_bounds = array<i64: 2000, 64>}]} {
    %get3A = arith.constant 0 : index
    %get3A_0 = arith.constant 0 : index
    %get3A_1 = arith.constant 0 : index
    %get3A_2 = vector.load %arg1[%get3A, %get3A_0, %get3A_1] : memref<2x2000x64xf32, #tpu.memory_space<vmem>>, vector<2x2000x64xf32>
    %get3A_3 = arith.constant 0 : index
    %get3A_4 = arith.constant 0 : index
    %get3A_5 = arith.constant 0 : index
    %get3A_6 = vector.load %arg2[%get3A_3, %get3A_4, %get3A_5] : memref<2x2000x64xf32, #tpu.memory_space<vmem>>, vector<2x2000x64xf32>
    %get3A_7 = arith.constant 0 : index
    %get3A_8 = arith.constant 0 : index
    %get3A_9 = vector.load %arg3[%get3A_7, %get3A_8] : memref<2000x1xf32, #tpu.memory_space<vmem>>, vector<2000x1xf32>
    %get3A_10 = arith.constant 0 : index
    %get3A_11 = arith.constant 0 : index
    %get3A_12 = vector.load %arg4[%get3A_10, %get3A_11] : memref<1x128xf32, #tpu.memory_space<vmem>>, vector<1x128xf32>
    %slice3A = vector.extract_strided_slice %get3A_2 {offsets = [0, 0, 0], sizes = [1, 2000, 64], strides = [1, 1, 1]} : vector<2x2000x64xf32> to vector<1x2000x64xf32>
    %squeeze3A = vector.shape_cast %slice3A : vector<1x2000x64xf32> to vector<2000x64xf32>
    %slice3A_13 = vector.extract_strided_slice %get3A_6 {offsets = [0, 0, 0], sizes = [1, 2000, 64], strides = [1, 1, 1]} : vector<2x2000x64xf32> to vector<1x2000x64xf32>
    %squeeze3A_14 = vector.shape_cast %slice3A_13 : vector<1x2000x64xf32> to vector<2000x64xf32>
    %add3A = arith.addf %squeeze3A, %squeeze3A_14 : vector<2000x64xf32>
    %mul3A = vector.broadcast %get3A_9 : vector<2000x1xf32> to vector<2000x64xf32>
    %mul3A_15 = arith.mulf %mul3A, %add3A : vector<2000x64xf32>
    %slice3A_16 = vector.extract_strided_slice %get3A_12 {offsets = [0, 0], sizes = [1, 64], strides = [1, 1]} : vector<1x128xf32> to vector<1x64xf32>
    %add3A_17 = vector.broadcast %slice3A_16 : vector<1x64xf32> to vector<2000x64xf32>
    %add3A_18 = arith.addf %mul3A_15, %add3A_17 : vector<2000x64xf32>
    %max3A = arith.constant 0.000000e+00 : f32
    %max3A_19 = vector.broadcast %max3A : f32 to vector<2000x64xf32>
    %max3A_20 = arith.maximumf %add3A_18, %max3A_19 : vector<2000x64xf32>
    %slice3A_21 = vector.extract_strided_slice %get3A_2 {offsets = [1, 0, 0], sizes = [1, 2000, 64], strides = [1, 1, 1]} : vector<2x2000x64xf32> to vector<1x2000x64xf32>
    %squeeze3A_22 = vector.shape_cast %slice3A_21 : vector<1x2000x64xf32> to vector<2000x64xf32>
    %slice3A_23 = vector.extract_strided_slice %get3A_6 {offsets = [1, 0, 0], sizes = [1, 2000, 64], strides = [1, 1, 1]} : vector<2x2000x64xf32> to vector<1x2000x64xf32>
    %squeeze3A_24 = vector.shape_cast %slice3A_23 : vector<1x2000x64xf32> to vector<2000x64xf32>
    %add3A_25 = arith.addf %squeeze3A_22, %squeeze3A_24 : vector<2000x64xf32>
    %mul3A_26 = vector.broadcast %get3A_9 : vector<2000x1xf32> to vector<2000x64xf32>
    %mul3A_27 = arith.mulf %mul3A_26, %add3A_25 : vector<2000x64xf32>
    %slice3A_28 = vector.extract_strided_slice %get3A_12 {offsets = [0, 64], sizes = [1, 64], strides = [1, 1]} : vector<1x128xf32> to vector<1x64xf32>
    %add3A_29 = vector.broadcast %slice3A_28 : vector<1x64xf32> to vector<2000x64xf32>
    %add3A_30 = arith.addf %mul3A_27, %add3A_29 : vector<2000x64xf32>
    %max3A_31 = arith.constant 0.000000e+00 : f32
    %max3A_32 = vector.broadcast %max3A_31 : f32 to vector<2000x64xf32>
    %max3A_33 = arith.maximumf %add3A_30, %max3A_32 : vector<2000x64xf32>
    %get3A_34 = arith.constant 0 : index
    %get3A_35 = arith.constant 0 : index
    %get3A_36 = vector.load %arg5[%get3A_34, %get3A_35] : memref<128x64xf32, #tpu.memory_space<vmem>>, vector<128x64xf32>
    %slice3A_37 = vector.extract_strided_slice %get3A_36 {offsets = [0, 0], sizes = [64, 64], strides = [1, 1]} : vector<128x64xf32> to vector<64x64xf32>
    %dot_general3A = arith.constant dense<0.000000e+00> : vector<2000x64xf32>
    %dot_general3A_38 = tpu.matmul %max3A_20, %slice3A_37, %dot_general3A {dimension_numbers = #tpu.dot_dimension_numbers<[1], [0], [0], [1], [0, 0, 1, 1], [], []>, transpose_lhs_hint = false} : vector<2000x64xf32>, vector<64x64xf32>, vector<2000x64xf32> -> vector<2000x64xf32>
    %slice3A_39 = vector.extract_strided_slice %get3A_36 {offsets = [64, 0], sizes = [64, 64], strides = [1, 1]} : vector<128x64xf32> to vector<64x64xf32>
    %dot_general3A_40 = arith.constant dense<0.000000e+00> : vector<2000x64xf32>
    %dot_general3A_41 = tpu.matmul %max3A_33, %slice3A_39, %dot_general3A_40 {dimension_numbers = #tpu.dot_dimension_numbers<[1], [0], [0], [1], [0, 0, 1, 1], [], []>, transpose_lhs_hint = false} : vector<2000x64xf32>, vector<64x64xf32>, vector<2000x64xf32> -> vector<2000x64xf32>
    %add3A_42 = arith.addf %dot_general3A_38, %dot_general3A_41 : vector<2000x64xf32>
    %mul3A_43 = vector.broadcast %get3A_9 : vector<2000x1xf32> to vector<2000x64xf32>
    %mul3A_44 = arith.mulf %mul3A_43, %add3A_42 : vector<2000x64xf32>
    %swap3A = arith.constant 0 : index
    %swap3A_45 = arith.constant 0 : index
    %swap3A_46 = vector.load %arg6[%swap3A, %swap3A_45] : memref<2000x64xf32, #tpu.memory_space<vmem>>, vector<2000x64xf32>
    tpu.vector_store %arg6[%swap3A, %swap3A_45], %mul3A_44 {strides = array<i32>} : memref<2000x64xf32, #tpu.memory_space<vmem>>, vector<2000x64xf32>,
    return
  }
  func.func @transform_0(%arg0: i32) -> (i32, i32, i32) {
    %c0_i32 = arith.constant 0 : i32
    %c0_i32_0 = arith.constant 0 : i32
    %c0_i32_1 = arith.constant 0 : i32
    return %c0_i32, %arg0, %c0_i32_0 : i32, i32, i32
  }
  func.func @transform_1(%arg0: i32) -> (i32, i32, i32) {
    %c0_i32 = arith.constant 0 : i32
    %c0_i32_0 = arith.constant 0 : i32
    %c0_i32_1 = arith.constant 0 : i32
    return %c0_i32, %arg0, %c0_i32_0 : i32, i32, i32
  }
  func.func @transform_2(%arg0: i32) -> (i32, i32) {
    %c0_i32 = arith.constant 0 : i32
    %c0_i32_0 = arith.constant 0 : i32
    return %arg0, %c0_i32 : i32, i32
  }
  func.func @transform_3(%arg0: i32) -> (i32, i32) {
    %c0_i32 = arith.constant 0 : i32
    %c0_i32_0 = arith.constant 0 : i32
    %c0_i32_1 = arith.constant 0 : i32
    return %c0_i32, %c0_i32_0 : i32, i32
  }
  func.func @transform_4(%arg0: i32) -> (i32, i32) {
    %c0_i32 = arith.constant 0 : i32
    %c0_i32_0 = arith.constant 0 : i32
    %c0_i32_1 = arith.constant 0 : i32
    return %c0_i32, %c0_i32_0 : i32, i32
  }
  func.func @transform_5(%arg0: i32) -> (i32, i32) {
    %c0_i32 = arith.constant 0 : i32
    %c0_i32_0 = arith.constant 0 : i32
    return %arg0, %c0_i32 : i32, i32
  }
}

module attributes {stable_mosaic.version = 14 : i64} {
  func.func @_tc3_body(%arg0: i32, %arg1: memref<2x2000x64xf32, #tpu.memory_space<vmem>>, %arg2: memref<2000x64xf32, #tpu.memory_space<vmem>>, %arg3: memref<2000x1xf32, #tpu.memory_space<vmem>>, %arg4: memref<1x64xf32, #tpu.memory_space<vmem>>, %arg5: memref<64x128xf32, #tpu.memory_space<vmem>>, %arg6: memref<1x128xf32, #tpu.memory_space<vmem>>, %arg7: memref<128x64xf32, #tpu.memory_space<vmem>>, %arg8: memref<1x64xf32, #tpu.memory_space<vmem>>, %arg9: memref<64x128xf32, #tpu.memory_space<vmem>>, %arg10: memref<1x128xf32, #tpu.memory_space<vmem>>, %arg11: memref<128x16xf32, #tpu.memory_space<vmem>>, %arg12: memref<1x16xf32, #tpu.memory_space<vmem>>, %arg13: memref<2000x64xf32, #tpu.memory_space<vmem>>, %arg14: memref<2000x16xf32, #tpu.memory_space<vmem>>) attributes {dimension_semantics = [#tpu.dimension_semantics<arbitrary>], iteration_bounds = array<i64: 5>, scalar_prefetch = 0 : i64, scratch_operands = 0 : i64, tpu.core_type = #tpu.core_type<tc>, window_params = [{transform_indices = @transform_0, window_bounds = array<i64: 2, 2000, 64>}, {transform_indices = @transform_1, window_bounds = array<i64: 2000, 64>}, {transform_indices = @transform_2, window_bounds = array<i64: 2000, 1>}, {pipeline_mode = #tpu.pipeline_mode<synchronous>, transform_indices = @transform_3, window_bounds = array<i64: 1, 64>}, {pipeline_mode = #tpu.pipeline_mode<synchronous>, transform_indices = @transform_4, window_bounds = array<i64: 64, 128>}, {pipeline_mode = #tpu.pipeline_mode<synchronous>, transform_indices = @transform_5, window_bounds = array<i64: 1, 128>}, {pipeline_mode = #tpu.pipeline_mode<synchronous>, transform_indices = @transform_6, window_bounds = array<i64: 128, 64>}, {pipeline_mode = #tpu.pipeline_mode<synchronous>, transform_indices = @transform_7, window_bounds = array<i64: 1, 64>}, {pipeline_mode = #tpu.pipeline_mode<synchronous>, transform_indices = @transform_8, window_bounds = array<i64: 64, 128>}, {pipeline_mode = #tpu.pipeline_mode<synchronous>, transform_indices = @transform_9, window_bounds = array<i64: 1, 128>}, {pipeline_mode = #tpu.pipeline_mode<synchronous>, transform_indices = @transform_10, window_bounds = array<i64: 128, 16>}, {pipeline_mode = #tpu.pipeline_mode<synchronous>, transform_indices = @transform_11, window_bounds = array<i64: 1, 16>}, {transform_indices = @transform_12, window_bounds = array<i64: 2000, 64>}, {transform_indices = @transform_13, window_bounds = array<i64: 2000, 16>}]} {
    %get3A = arith.constant 0 : index
    %get3A_0 = arith.constant 0 : index
    %get3A_1 = arith.constant 0 : index
    %get3A_2 = vector.load %arg1[%get3A, %get3A_0, %get3A_1] : memref<2x2000x64xf32, #tpu.memory_space<vmem>>, vector<2x2000x64xf32>
    %get3A_3 = arith.constant 0 : index
    %get3A_4 = arith.constant 0 : index
    %get3A_5 = vector.load %arg3[%get3A_3, %get3A_4] : memref<2000x1xf32, #tpu.memory_space<vmem>>, vector<2000x1xf32>
    %slice3A = vector.extract_strided_slice %get3A_2 {offsets = [0, 0, 0], sizes = [1, 2000, 64], strides = [1, 1, 1]} : vector<2x2000x64xf32> to vector<1x2000x64xf32>
    %squeeze3A = vector.shape_cast %slice3A : vector<1x2000x64xf32> to vector<2000x64xf32>
    %slice3A_6 = vector.extract_strided_slice %get3A_2 {offsets = [1, 0, 0], sizes = [1, 2000, 64], strides = [1, 1, 1]} : vector<2x2000x64xf32> to vector<1x2000x64xf32>
    %squeeze3A_7 = vector.shape_cast %slice3A_6 : vector<1x2000x64xf32> to vector<2000x64xf32>
    %add3A = arith.addf %squeeze3A, %squeeze3A_7 : vector<2000x64xf32>
    %get3A_8 = arith.constant 0 : index
    %get3A_9 = arith.constant 0 : index
    %get3A_10 = vector.load %arg2[%get3A_8, %get3A_9] : memref<2000x64xf32, #tpu.memory_space<vmem>>, vector<2000x64xf32>
    %add3A_11 = arith.addf %add3A, %get3A_10 : vector<2000x64xf32>
    %mul3A = vector.broadcast %get3A_5 : vector<2000x1xf32> to vector<2000x64xf32>
    %mul3A_12 = arith.mulf %mul3A, %add3A_11 : vector<2000x64xf32>
    %get3A_13 = arith.constant 0 : index
    %get3A_14 = arith.constant 0 : index
    %get3A_15 = vector.load %arg4[%get3A_13, %get3A_14] : memref<1x64xf32, #tpu.memory_space<vmem>>, vector<1x64xf32>
    %add3A_16 = vector.broadcast %get3A_15 : vector<1x64xf32> to vector<2000x64xf32>
    %add3A_17 = arith.addf %mul3A_12, %add3A_16 : vector<2000x64xf32>
    %max3A = arith.constant 0.000000e+00 : f32
    %max3A_18 = vector.broadcast %max3A : f32 to vector<2000x64xf32>
    %max3A_19 = arith.maximumf %add3A_17, %max3A_18 : vector<2000x64xf32>
    %get3A_20 = arith.constant 0 : index
    %get3A_21 = arith.constant 0 : index
    %get3A_22 = vector.load %arg5[%get3A_20, %get3A_21] : memref<64x128xf32, #tpu.memory_space<vmem>>, vector<64x128xf32>
    %dot_general3A = arith.constant dense<0.000000e+00> : vector<2000x128xf32>
    %dot_general3A_23 = tpu.matmul %max3A_19, %get3A_22, %dot_general3A {dimension_numbers = #tpu.dot_dimension_numbers<[1], [0], [0], [1], [0, 0, 1, 1], [], []>, transpose_lhs_hint = false} : vector<2000x64xf32>, vector<64x128xf32>, vector<2000x128xf32> -> vector<2000x128xf32>
    %get3A_24 = arith.constant 0 : index
    %get3A_25 = arith.constant 0 : index
    %get3A_26 = vector.load %arg6[%get3A_24, %get3A_25] : memref<1x128xf32, #tpu.memory_space<vmem>>, vector<1x128xf32>
    %add3A_27 = vector.broadcast %get3A_26 : vector<1x128xf32> to vector<2000x128xf32>
    %add3A_28 = arith.addf %dot_general3A_23, %add3A_27 : vector<2000x128xf32>
    %max3A_29 = arith.constant 0.000000e+00 : f32
    %max3A_30 = vector.broadcast %max3A_29 : f32 to vector<2000x128xf32>
    %max3A_31 = arith.maximumf %add3A_28, %max3A_30 : vector<2000x128xf32>
    %get3A_32 = arith.constant 0 : index
    %get3A_33 = arith.constant 0 : index
    %get3A_34 = vector.load %arg7[%get3A_32, %get3A_33] : memref<128x64xf32, #tpu.memory_space<vmem>>, vector<128x64xf32>
    %dot_general3A_35 = arith.constant dense<0.000000e+00> : vector<2000x64xf32>
    %dot_general3A_36 = tpu.matmul %max3A_31, %get3A_34, %dot_general3A_35 {dimension_numbers = #tpu.dot_dimension_numbers<[1], [0], [0], [1], [0, 0, 1, 1], [], []>, transpose_lhs_hint = false} : vector<2000x128xf32>, vector<128x64xf32>, vector<2000x64xf32> -> vector<2000x64xf32>
    %get3A_37 = arith.constant 0 : index
    %get3A_38 = arith.constant 0 : index
    %get3A_39 = vector.load %arg8[%get3A_37, %get3A_38] : memref<1x64xf32, #tpu.memory_space<vmem>>, vector<1x64xf32>
    %add3A_40 = vector.broadcast %get3A_39 : vector<1x64xf32> to vector<2000x64xf32>
    %add3A_41 = arith.addf %dot_general3A_36, %add3A_40 : vector<2000x64xf32>
    %mul3A_42 = arith.mulf %add3A_41, %add3A_41 : vector<2000x64xf32>
    %reduce_sum3A = arith.constant dense<0.000000e+00> : vector<2000xf32>
    %reduce_sum3A_43 = vector.multi_reduction <add>, %mul3A_42, %reduce_sum3A [1] : vector<2000x64xf32> to vector<2000xf32>
    %broadcast_in_dim3A = vector.shape_cast %reduce_sum3A_43 : vector<2000xf32> to vector<2000x1xf32>
    %sqrt3A = math.sqrt %broadcast_in_dim3A : vector<2000x1xf32>
    %max3A_44 = arith.constant 9.99999996E-13 : f32
    %max3A_45 = vector.broadcast %max3A_44 : f32 to vector<2000x1xf32>
    %max3A_46 = arith.maximumf %sqrt3A, %max3A_45 : vector<2000x1xf32>
    %div3A = vector.broadcast %max3A_46 : vector<2000x1xf32> to vector<2000x64xf32>
    %div3A_47 = arith.divf %add3A_41, %div3A : vector<2000x64xf32>
    %swap3A = arith.constant 0 : index
    %swap3A_48 = arith.constant 0 : index
    %swap3A_49 = vector.load %arg13[%swap3A, %swap3A_48] : memref<2000x64xf32, #tpu.memory_space<vmem>>, vector<2000x64xf32>
    tpu.vector_store %arg13[%swap3A, %swap3A_48], %div3A_47 {strides = array<i32>} : memref<2000x64xf32, #tpu.memory_space<vmem>>, vector<2000x64xf32>,
    %get3A_50 = arith.constant 0 : index
    %get3A_51 = arith.constant 0 : index
    %get3A_52 = vector.load %arg9[%get3A_50, %get3A_51] : memref<64x128xf32, #tpu.memory_space<vmem>>, vector<64x128xf32>
    %dot_general3A_53 = arith.constant dense<0.000000e+00> : vector<2000x128xf32>
    %dot_general3A_54 = tpu.matmul %max3A_19, %get3A_52, %dot_general3A_53 {dimension_numbers = #tpu.dot_dimension_numbers<[1], [0], [0], [1], [0, 0, 1, 1], [], []>, transpose_lhs_hint = false} : vector<2000x64xf32>, vector<64x128xf32>, vector<2000x128xf32> -> vector<2000x128xf32>
    %get3A_55 = arith.constant 0 : index
    %get3A_56 = arith.constant 0 : index
    %get3A_57 = vector.load %arg10[%get3A_55, %get3A_56] : memref<1x128xf32, #tpu.memory_space<vmem>>, vector<1x128xf32>
    %add3A_58 = vector.broadcast %get3A_57 : vector<1x128xf32> to vector<2000x128xf32>
    %add3A_59 = arith.addf %dot_general3A_54, %add3A_58 : vector<2000x128xf32>
    %max3A_60 = arith.constant 0.000000e+00 : f32
    %max3A_61 = vector.broadcast %max3A_60 : f32 to vector<2000x128xf32>
    %max3A_62 = arith.maximumf %add3A_59, %max3A_61 : vector<2000x128xf32>
    %get3A_63 = arith.constant 0 : index
    %get3A_64 = arith.constant 0 : index
    %get3A_65 = vector.load %arg11[%get3A_63, %get3A_64] : memref<128x16xf32, #tpu.memory_space<vmem>>, vector<128x16xf32>
    %dot_general3A_66 = arith.constant dense<0.000000e+00> : vector<2000x16xf32>
    %dot_general3A_67 = tpu.matmul %max3A_62, %get3A_65, %dot_general3A_66 {dimension_numbers = #tpu.dot_dimension_numbers<[1], [0], [0], [1], [0, 0, 1, 1], [], []>, transpose_lhs_hint = false} : vector<2000x128xf32>, vector<128x16xf32>, vector<2000x16xf32> -> vector<2000x16xf32>
    %get3A_68 = arith.constant 0 : index
    %get3A_69 = arith.constant 0 : index
    %get3A_70 = vector.load %arg12[%get3A_68, %get3A_69] : memref<1x16xf32, #tpu.memory_space<vmem>>, vector<1x16xf32>
    %add3A_71 = vector.broadcast %get3A_70 : vector<1x16xf32> to vector<2000x16xf32>
    %add3A_72 = arith.addf %dot_general3A_67, %add3A_71 : vector<2000x16xf32>
    %reduce_max3A = arith.constant dense<0xFF800000> : vector<2000xf32>
    %reduce_max3A_73 = vector.multi_reduction <maximumf>, %add3A_72, %reduce_max3A [1] : vector<2000x16xf32> to vector<2000xf32>
    %broadcast_in_dim3A_74 = vector.shape_cast %reduce_max3A_73 : vector<2000xf32> to vector<2000x1xf32>
    %sub3A = vector.broadcast %broadcast_in_dim3A_74 : vector<2000x1xf32> to vector<2000x16xf32>
    %sub3A_75 = arith.subf %add3A_72, %sub3A : vector<2000x16xf32>
    %exp3A = math.exp %sub3A_75 : vector<2000x16xf32>
    %reduce_sum3A_76 = arith.constant dense<0.000000e+00> : vector<2000xf32>
    %reduce_sum3A_77 = vector.multi_reduction <add>, %exp3A, %reduce_sum3A_76 [1] : vector<2000x16xf32> to vector<2000xf32>
    %broadcast_in_dim3A_78 = vector.shape_cast %reduce_sum3A_77 : vector<2000xf32> to vector<2000x1xf32>
    %div3A_79 = vector.broadcast %broadcast_in_dim3A_78 : vector<2000x1xf32> to vector<2000x16xf32>
    %div3A_80 = arith.divf %exp3A, %div3A_79 : vector<2000x16xf32>
    %swap3A_81 = arith.constant 0 : index
    %swap3A_82 = arith.constant 0 : index
    %swap3A_83 = vector.load %arg14[%swap3A_81, %swap3A_82] : memref<2000x16xf32, #tpu.memory_space<vmem>>, vector<2000x16xf32>
    tpu.vector_store %arg14[%swap3A_81, %swap3A_82], %div3A_80 {strides = array<i32>} : memref<2000x16xf32, #tpu.memory_space<vmem>>, vector<2000x16xf32>,
    return
  }
  func.func @transform_0(%arg0: i32) -> (i32, i32, i32) {
    %c0_i32 = arith.constant 0 : i32
    %c0_i32_0 = arith.constant 0 : i32
    %c0_i32_1 = arith.constant 0 : i32
    return %c0_i32, %arg0, %c0_i32_0 : i32, i32, i32
  }
  func.func @transform_1(%arg0: i32) -> (i32, i32) {
    %c0_i32 = arith.constant 0 : i32
    %c0_i32_0 = arith.constant 0 : i32
    return %arg0, %c0_i32 : i32, i32
  }
  func.func @transform_2(%arg0: i32) -> (i32, i32) {
    %c0_i32 = arith.constant 0 : i32
    %c0_i32_0 = arith.constant 0 : i32
    return %arg0, %c0_i32 : i32, i32
  }
  func.func @transform_3(%arg0: i32) -> (i32, i32) {
    %c0_i32 = arith.constant 0 : i32
    %c0_i32_0 = arith.constant 0 : i32
    %c0_i32_1 = arith.constant 0 : i32
    return %c0_i32, %c0_i32_0 : i32, i32
  }
  func.func @transform_4(%arg0: i32) -> (i32, i32) {
    %c0_i32 = arith.constant 0 : i32
    %c0_i32_0 = arith.constant 0 : i32
    %c0_i32_1 = arith.constant 0 : i32
    return %c0_i32, %c0_i32_0 : i32, i32
  }
  func.func @transform_5(%arg0: i32) -> (i32, i32) {
    %c0_i32 = arith.constant 0 : i32
    %c0_i32_0 = arith.constant 0 : i32
    %c0_i32_1 = arith.constant 0 : i32
    return %c0_i32, %c0_i32_0 : i32, i32
  }
  func.func @transform_6(%arg0: i32) -> (i32, i32) {
    %c0_i32 = arith.constant 0 : i32
    %c0_i32_0 = arith.constant 0 : i32
    %c0_i32_1 = arith.constant 0 : i32
    return %c0_i32, %c0_i32_0 : i32, i32
  }
  func.func @transform_7(%arg0: i32) -> (i32, i32) {
    %c0_i32 = arith.constant 0 : i32
    %c0_i32_0 = arith.constant 0 : i32
    %c0_i32_1 = arith.constant 0 : i32
    return %c0_i32, %c0_i32_0 : i32, i32
  }
  func.func @transform_8(%arg0: i32) -> (i32, i32) {
    %c0_i32 = arith.constant 0 : i32
    %c0_i32_0 = arith.constant 0 : i32
    %c0_i32_1 = arith.constant 0 : i32
    return %c0_i32, %c0_i32_0 : i32, i32
  }
  func.func @transform_9(%arg0: i32) -> (i32, i32) {
    %c0_i32 = arith.constant 0 : i32
    %c0_i32_0 = arith.constant 0 : i32
    %c0_i32_1 = arith.constant 0 : i32
    return %c0_i32, %c0_i32_0 : i32, i32
  }
  func.func @transform_10(%arg0: i32) -> (i32, i32) {
    %c0_i32 = arith.constant 0 : i32
    %c0_i32_0 = arith.constant 0 : i32
    %c0_i32_1 = arith.constant 0 : i32
    return %c0_i32, %c0_i32_0 : i32, i32
  }
  func.func @transform_11(%arg0: i32) -> (i32, i32) {
    %c0_i32 = arith.constant 0 : i32
    %c0_i32_0 = arith.constant 0 : i32
    %c0_i32_1 = arith.constant 0 : i32
    return %c0_i32, %c0_i32_0 : i32, i32
  }
  func.func @transform_12(%arg0: i32) -> (i32, i32) {
    %c0_i32 = arith.constant 0 : i32
    %c0_i32_0 = arith.constant 0 : i32
    return %arg0, %c0_i32 : i32, i32
  }
  func.func @transform_13(%arg0: i32) -> (i32, i32) {
    %c0_i32 = arith.constant 0 : i32
    %c0_i32_0 = arith.constant 0 : i32
    return %arg0, %c0_i32 : i32, i32
  }
}

</mosaic_0001>

<sc_bundles>
// kernel: kernel.11.cloned.1.call-start
scs
__scs_entry_jumppad:
0x0: {  	(pc) =	sbr.rel $0x88, $3  }
0x1: {  	(tag) =	ssettag $0x0;
	lr =	simm.s32 $0x1  }
0x2: {  	[smem:$0x3F93] =	sst lr;
	_ =	strace $0xD0000000  }
0x3: {  	_ = 	snop  }
0x4: {  	_ = 	snop  }
0x5: {  	_ = 	snop  }
0x6: {  	_ = 	snop  }
0x7: {  	_ = 	snop  }
__scs_overlays_trampoline_lowered:
0x8: {  	[smem:$0x3FA2] =	sst s0  }
0x9: {  	[smem:$0x3FA3] =	sst s1  }
0xa: {  	[smem:$0x3FA4] =	sst s2  }
0xb: {  	[smem:$0x3FA5] =	sst s3  }
0xc: {  	[smem:$0x3FA6] =	sst s4  }
0xd: {  	[smem:$0x3FA7] =	sst s5  }
0xe: {  	[smem:$0x3FA8] =	sst s6  }
0xf: {  	[smem:$0x3FA9] =	sst s7  }
0x10: {  	[smem:$0x3FAA] =	sst s8  }
0x11: {  	[smem:$0x3FAB] =	sst s9;
	s0 =	simm.s32 @!p0 $0x0  }
0x12: {  	s1 =	sld [smem:$0x3F91];
	s0 =	simm.s32 @p0 $0x1  }
0x13: {  	[smem:$0x3FAC] =	sst s0;
	s0 =	simm.s32 @!p1 $0x0  }
0x14: {  	s2 =	sld [smem:$0x3F90];
	s0 =	simm.s32 @p1 $0x1  }
0x15: {  	[smem:$0x3FAD] =	sst s0;
	s0 =	simm.s32 @!p2 $0x0  }
0x16: {  	s3 =	sld [smem:$0x3FDB];
	s0 =	simm.s32 @p2 $0x1  }
0x17: {  	s4 =	simm.s32 $0x1BF5;
	[smem:$0x3FAF] =	sst s0  }
0x18: {  	s0 =	sld [smem:$0x3F92];
	_ =	swait.ge [sflag:s4], $0x0  }
0x19: {  	s7 =	sld [smem:$0x3F93]  }
0x1a: {  	s8 =	sadd.s32 $0xFFFFE003, lr  }
0x1b: {  	s9 =	sadd.s32 $0xFFFFFEF7, lr;
	s5 =	simm.s32 $0xFFFFFFFF;
	p2 =	slt.u32 s8, $0xFFFFF086  }
0x1c: {  	p1 =	slt.u32 s9, $0xF7A;
	s5 =	simm.s32 @!p2 $0x0  }
0x1d: {  	s5 =	simm.s32 @p1 $0x1;
	p0 =	seq.s32 s7, s2  }
0x1e: {  	s7 =	smul.u32 @!p0 $0xF7A, s2;
	p2 =	seq.s32 @!p0 s5, $0x0  }
0x1f: {  	s9 =	smul.u32 $0xF7A, s1;
	s8 =	simm.s32 @!p0 $0x1BF5;
	p2 =	por !p2, p0  }
0x20: {  	[sflag:s8] =	ssyncset.s32 @!p0 $0xFFFFF086;
	s6 =	sadd.s32 @!p0 s3, s7;
	s7 =	simm.s32 @!p0 $0x108  }
0x21: {  	s3 =	sadd.s32 s3, s9;
	s6 =	sadd.s32 @!p0 $0x88, s6;
	s7 =	simm.s32 @p2 $0x1082  }
0x22: {  	[simem:s7], [sflag:s8] =	dma.local @!p0 [hbm:s6], $0xF7A  }
0x23: {  	s9 =	sor.u32 $0xD0000000, s2;
	s6 =	simm.s32 $0x108;
	_ =	swait.ge @!p0 [sflag:s8], $0x0  }
0x24: {  	s3 =	sadd.s32 $0x88, s3;
	s6 =	simm.s32 @!p1 $0x1082;
	[sflag:s4] =	ssyncset.s32 $0xFFFFF086  }
0x25: {  	[simem:s6], [sflag:s4] =	dma.local [hbm:s3], $0xF7A  }
0x26: {  	[smem:$0x3F93] =	sst s1;
	(tag) =	ssettag s2;
	_ =	strace s9  }
0x27: {  	s1 =	sld [smem:$0x3FA3]  }
0x28: {  	s2 =	sld [smem:$0x3FA4]  }
0x29: {  	s4 =	sld [smem:$0x3FA6]  }
0x2a: {  	p0 =	seq.s32 s5, $0x0;
	s5 =	sld [smem:$0x3FA7]  }
0x2b: {  	s6 =	sld [smem:$0x3FA8]  }
0x2c: {  	s7 =	sld [smem:$0x3FA9]  }
0x2d: {  	s3 =	simm.s32 $0x108;
	s8 =	sld [smem:$0x3FAA]  }
0x2e: {  	s3 =	simm.s32 @!p0 $0x1082;
	s9 =	sld [smem:$0x3FAB]  }
0x2f: {  	lr =	sadd.s32 s0, s3;
	s0 =	sld [smem:$0x3FA2]  }
0x30: {  	s3 =	sld [smem:$0x3FA5]  }
0x31: {  	[smem:$0x3FAE] =	sst s10  }
0x32: {  	s10 =	sld [smem:$0x3FAC];
	_ =	sdelay $0x3  }
0x33: {  	p0 =	seq.s32 s10, $0x1;
	s10 =	sld [smem:$0x3FAE];
	_ =	sdelay $0x3  }
0x34: {  	[smem:$0x3FAE] =	sst s10  }
0x35: {  	s10 =	sld [smem:$0x3FAD];
	_ =	sdelay $0x3  }
0x36: {  	p1 =	seq.s32 s10, $0x1;
	s10 =	sld [smem:$0x3FAE];
	_ =	sdelay $0x3  }
0x37: {  	[smem:$0x3FAE] =	sst s10  }
0x38: {  	s10 =	sld [smem:$0x3FAF]  }
0x39: {  	_ = 	snop;
	(pc) =	sbr.ind lr, $3  }
0x3a: {  	_ = 	snop  }
0x3b: {  	_ = 	snop  }
0x3c: {  	p2 =	seq.s32 s10, $0x1;
	s10 =	sld [smem:$0x3FAE]  }
0x3d: {  	_ =	shalt  }
0x3e: {  	_ =	shalt  }
0x3f: {  	_ =	shalt  }
0x40: {  	_ =	shalt  }
0x41: {  	_ =	shalt  }
0x42: {  	_ =	shalt  }
0x43: {  	_ =	shalt  }
0x44: {  	_ =	shalt  }
0x45: {  	_ =	shalt  }
0x46: {  	_ =	shalt  }
0x47: {  	_ =	shalt  }
0x48: {  	_ =	shalt  }
0x49: {  	_ =	shalt  }
0x4a: {  	_ =	shalt  }
0x4b: {  	_ =	shalt  }
0x4c: {  	_ =	shalt  }
0x4d: {  	_ =	shalt  }
0x4e: {  	_ =	shalt  }
0x4f: {  	_ =	shalt  }
0x50: {  	_ =	shalt  }
0x51: {  	_ =	shalt  }
0x52: {  	_ =	shalt  }
0x53: {  	_ =	shalt  }
0x54: {  	_ =	shalt  }
0x55: {  	_ =	shalt  }
0x56: {  	_ =	shalt  }
0x57: {  	_ =	shalt  }
0x58: {  	_ =	shalt  }
0x59: {  	_ =	shalt  }
0x5a: {  	_ =	shalt  }
0x5b: {  	_ =	shalt  }
0x5c: {  	_ =	shalt  }
0x5d: {  	_ =	shalt  }
0x5e: {  	_ =	shalt  }
0x5f: {  	_ =	shalt  }
0x60: {  	_ =	shalt  }
0x61: {  	_ =	shalt  }
0x62: {  	_ =	shalt  }
0x63: {  	_ =	shalt  }
0x64: {  	_ =	shalt  }
0x65: {  	_ =	shalt  }
0x66: {  	_ =	shalt  }
0x67: {  	_ =	shalt  }
0x68: {  	_ =	shalt  }
0x69: {  	_ =	shalt  }
0x6a: {  	_ =	shalt  }
0x6b: {  	_ =	shalt  }
0x6c: {  	_ =	shalt  }
0x6d: {  	_ =	shalt  }
0x6e: {  	_ =	shalt  }
0x6f: {  	_ =	shalt  }
0x70: {  	_ =	shalt  }
0x71: {  	_ =	shalt  }
0x72: {  	_ =	shalt  }
0x73: {  	_ =	shalt  }
0x74: {  	_ =	shalt  }
0x75: {  	_ =	shalt  }
0x76: {  	_ =	shalt  }
0x77: {  	_ =	shalt  }
0x78: {  	_ =	shalt  }
0x79: {  	_ =	shalt  }
0x7a: {  	_ =	shalt  }
0x7b: {  	_ =	shalt  }
0x7c: {  	_ =	shalt  }
0x7d: {  	_ =	shalt  }
0x7e: {  	_ =	shalt  }
0x7f: {  	_ =	shalt  }
0x80: {  	_ =	shalt  }
0x81: {  	_ =	shalt  }
0x82: {  	_ =	shalt  }
0x83: {  	_ =	shalt  }
0x84: {  	_ =	shalt  }
0x85: {  	_ =	shalt  }
0x86: {  	_ =	shalt  }
0x87: {  	_ =	shalt  }
.Lfunc_end0:
.L_simem_size_0:
called_computation.1_lowered:
.L_overlay_start_0:
0x88: {  	s2 =	sld [smem:$0x3FD9]  }
0x89: {  	s3 =	sld [smem:$0x3FFE];
	_ =	sdelay $0x1  }
0x8a: {  	s1 =	srdreg.scid  }
0x8b: {  	s0 =	sand.u32 $0x1, s1  }
0x8c: {  	s14 =	sshll.u32 s0, $0xA;
	s2 =	sadd.s32 s3, s2  }
0x8d: {  	s2 =	sadd.s32 s2, s14  }
0x8e: {  	[smem:$0x3FBA] =	sst s2  }
0x8f: {  	_ = 	snop  }
0x90: {  	s2 =	sld [smem:$0x3FD0];
	_ =	sdelay $0x2  }
0x91: {  	s15 =	simm.s32 $0xA;
	s4 =	simm.s32 $0x10  }
0x92: {  	[smem:s4], [sflag:s15] =	dma.local [hbm:s2], $0x1  }
0x93: {  	_ =	swait.eq [sflag:s15], $0x1  }
0x94: {  	[sflag:s15] =	ssyncset.done $0x0  }
0x95: {  	[sflag:s15] =	ssyncadd.s32 $0xFFFFFFFF  }
0x96: {  	s16 =	sld [smem:$0x10];
	(tm) =	ssettm $0x1  }
0x97: {  	s17 =	sld [smem:$0x3FFB];
	_ =	sdelay $0x3  }
0x98: {  	_ =	strace s17  }
0x99: {  	s3 =	sld [smem:$0x3FFC];
	_ =	sdelay $0x3  }
0x9a: {  	_ =	strace s3  }
0x9b: {  	s3 =	sld [smem:$0x3FFD];
	_ =	sdelay $0x3  }
0x9c: {  	_ =	strace s3  }
0x9d: {  	_ =	strace $0x8FFFFFFF  }
0x9e: {  	s18 =	sld [smem:$0x3FDB];
	_ =	sdelay $0x1  }
0x9f: {  	s19 =	simm.s32 $_scs_section_size  }
0xa0: {  	s5 =	simm.s32 $_size__tile_overlayer_lowered;
	s6 =	simm.s32 $_tile_overlayer_lowered  }
0xa1: {  	s22 =	simm.s32 $0x1BFF;
	s21 =	sshll.u32 s6, $0x1;
	s3 =	sadd.s32 s19, s18  }
0xa2: {  	s7 =	simm.s32 $0x0;
	s20 =	sshll.u32 s5, $0x1;
	s5 =	sadd.s32 s21, s3  }
0xa3: {  	[timem:s7], [sflag:s22] =	dma.local [hbm:s5], s20  }
0xa4: {  	_ =	swait.ge [sflag:s22], s20  }
0xa5: {  	s4 =	ssub.s32 $0x0, s20;
	[sflag:s22] =	ssyncset.done $0x0  }
0xa6: {  	[sflag:s22] =	ssyncadd.s32 s4;
	_ =	sdelay $0x1  }
0xa7: {  	s23 =	simm.s32 $0x1B8B  }
0xa8: {  	_ =	swait.ge [sflag:s23], $0x1  }
0xa9: {  	[sflag:s23] =	ssyncset.done $0x0  }
0xaa: {  	s25 =	simm.s32 $0x1B8E;
	s24 =	sld [smem:$0x3FFE];
	[sflag:s23] =	ssyncadd.s32 $0xFFFFFFFF  }
0xab: {  	s26 =	simm.s32 $execute0_lowered;
	[smem:$0x3FD2] =	sst s25  }
0xac: {  	s5 =	sshll.u32 s26, $0x1;
	_ =	strace $0x80000049;
	[dreg:$0x1] =	wrdreg $0xFFFFFFFF  }
0xad: {  	s28 =	simm.s32 $_size_execute0_lowered;
	s3 =	sadd.s32 s3, s5;
	[dreg:$0x0] =	wrdreg $0x0  }
0xae: {  	s5 =	sshll.u32 s28, $0x1;
	[dreg:$0x2] =	wrdreg s3  }
0xaf: {  	[dreg:$0x3] =	wrdreg s5  }
0xb0: {  	[dreg:$0x4] =	wrdreg $0xC0  }
0xb1: {  	_ =	task [dreg:s7], $0x5FFFF  }
0xb2: {  	[dreg:$0x1] =	wrdreg $0xFFFFFFFF  }
0xb3: {  	[dreg:$0x0] =	wrdreg $0x60  }
0xb4: {  	[dreg:$0x2] =	wrdreg s24  }
0xb5: {  	[dreg:$0x3] =	wrdreg s16  }
0xb6: {  	[dreg:$0x4] =	wrdreg $0x15B800  }
0xb7: {  	[dreg:$0x5] =	wrdreg $0x9  }
0xb8: {  	_ =	task.clear_ibuf [dreg:s7], $0x6FFFF;
	_ =	strace $0x90000049  }
0xb9: {  	s29 =	simm.s32 $0x9;
	_ =	strace $0x8000004B  }
0xba: {  	_ =	swait.ge [sflag:s29], $0x1  }
0xbb: {  	[sflag:s29] =	ssyncadd.s32 $0xFFFFFFFF  }
0xbc: {  	_ =	strace $0x9000004B  }
0xbd: {  	_ =	sfence  }
0xbe: {  	s30 =	sld [smem:$0x0];
	_ =	sdelay $0x2  }
0xbf: {  	s31 =	sshll.u32 s1, $0xD;
	s1 =	sshrl.u32 s1, $0x2  }
0xc0: {  	s3 =	sand.u32 $0x4000, s31;
	s1 =	sadd.s32 s1, s30  }
0xc1: {  	s0 =	sor.u32 s3, s0;
	s1 =	sshll.u32 s1, $0x11  }
0xc2: {  	s0 =	sor.u32 s1, s0  }
0xc3: {  	s0 =	sadd.s32 $0x8F2B, s0  }
0xc4: {  	[sflag:s0] =	ssyncadd.remote.s32 $0x1  }
0xc5: {  	_ =	sfence.sel $0xFFFF  }
0xc6: {  	[dreg:$0x0] =	wrdreg $0xFFFFFFFF;
	(pc) =	sbr.abs _section_cstart, $3  }
0xc7: {  	[dreg:$0x1] =	wrdreg $0xFFFFFFFF  }
0xc8: {  	_ =	task.clear_ibuf [dreg:s7], $0x2FFFF;
	_ =	strace $0x9FFFFFFF  }
0xc9: {  	(tm) =	ssettm $0x7FFFFFFF  }
tec
execute0_lowered:
.L_overlay_start_1:
0x0: {  	(tag) =	ssettag $0x1  }
0x1: {  	s0 =	rddreg [dreg:$0x0]  }
0x2: {  	s2 =	rddreg [dreg:$0x1]  }
0x3: {  	s1 =	rddreg [dreg:$0x2];
	s3 =	srdreg.scid  }
0x4: {  	s5 =	simm.s32 $0x0;
	s8 =	stileid.u32;
	s14 =	simm.s32 $0x11  }
0x5: {  	s17 =	simm.s32 $0x50;
	s28 =	simm.s32 $0x2;
	s31 =	simm.s32 $0x10040  }
0x6: {  	s29 =	simm.s32 $0x4;
	s30 =	simm.s32 $0x9;
	s15 =	simm.s32 $0xC  }
0x7: {  	s9 =	simm.s32 $0xD;
	s10 =	simm.s32 $0xE;
	s18 =	smul.u32 $0x9C40, s8  }
0x8: {  	s12 =	simm.s32 $0xF;
	s13 =	simm.s32 $0x10;
	s7 =	smul.u32 $0x4E20, s8  }
0x9: {  	s3 =	sand.u32 $0x1, s3;
	[smem:$0x7FF] =	sst s5;
	s8 =	smul.u32 $0x27100, s8  }
0xa: {  	s5 =	simm.s32 $0x7;
	s4 =	smul.u32 $0x9C400, s3;
	s3 =	ssub.s32 $0x2, s3  }
0xb: {  	_ =	strace $0x8000004A;
	s19 =	sshrl.u32 s7, $0x3;
	s20 =	sshrl.u32 s3, $0x1  }
0xc: {  	s21 =	sshrl.u32 s8, $0x2;
	s22 =	sadd.s32 s18, s1;
	s7 =	simm.s32 $0xB  }
0xd: {  	s8 =	simm.s32 $0x8;
	s6 =	sshrl.u32 s4, $0x3;
	s4 =	sadd.s32 s18, s4  }
0xe: {  	s3 =	ssub.s32 s3, s20;
	[dreg:$0x6] =	wrdreg s22;
	s18 =	simm.s32 $0x9C40  }
0xf: {  	s22 =	simm.s32 $0x12840;
	s20 =	simm.s32 $0x6;
	s6 =	sadd.s32 s6, s0  }
0x10: {  	s4 =	sshrl.u32 s4, $0x3;
	s26 =	smax.u32 s3, $0x1;
	s3 =	simm.s32 $0xA  }
0x11: {  	s0 =	sadd.s32 s4, s0;
	s4 =	sadd.s32 s2, s19;
	[dreg:$0xc] =	wrdreg s26  }
0x12: {  	s2 =	sadd.s32 s21, s1;
	[dreg:$0x4] =	wrdreg s4;
	s4 =	sadd.s32 $0x9C40, s4  }
0x13: {  	s11 =	sadd.s32 $0x51400, s6;
	s23 =	sadd.s32 $0x1F40, s2;
	[dreg:$0x5] =	wrdreg s4  }
0x14: {  	s19 =	simm.s32 $0xB040;
	s24 =	sadd.s32 $0x3E80, s2;
	[dreg:$0x7] =	wrdreg s23  }
0x15: {  	s21 =	simm.s32 $0xC440;
	s25 =	sadd.s32 $0x5DC0, s2;
	[dreg:$0x8] =	wrdreg s24  }
0x16: {  	s26 =	simm.s32 $0xEC40;
	s2 =	sadd.s32 $0x7D00, s2;
	[dreg:$0x9] =	wrdreg s25  }
0x17: {  	s6 =	simm.s32 $0x0;
	s0 =	sadd.s32 $0x78600, s0;
	[dreg:$0xa] =	wrdreg s2  }
0x18: {  	[dreg:$0xb] =	wrdreg s0;
	s23 =	simm.s32 $0xD840;
	s24 =	simm.s32 $0x1  }
0x19: {  	v0 =	vimm.f32 $0.0e+00;
	s0 =	simm.s32 $0x3;
	s25 =	simm.s32 $0x11440;
	s2 =	simm.s32 $0x5  }
.LBB2_1:
0x1a: {  	[dreg:$0xd] =	wrdreg s6  }
0x1b: {  	s4 =	simm.s32 $0x0;
	s16 =	rddreg [dreg:$0x4]  }
0x1c: {  	[tilespmem:s4], [sflag:$0x11] =	stream.linear.gather [hbm4b:s16+s4], $0x4E20, $0x38;
	[tilespmem:$0x1F7C0] =	vst v63  }
0x1d: {  	_ =	swait.ge [sflag:s14], $0x4E20  }
0x1e: {  	[sflag:s14] =	ssyncset.done $0x0  }
0x1f: {  	s16 =	simm.s32 $0x4E20;
	s6 =	rddreg [dreg:$0x5];
	[sflag:s14] =	ssyncadd.s32 $0xFFFFB1E0  }
0x20: {  	[tilespmem:s16], [sflag:$0x11] =	stream.linear.gather [hbm4b:s6+s4], $0x4E20, $0x38;
	[tilespmem:$0x1F7C0] =	vst v63  }
0x21: {  	_ =	swait.ge [sflag:s14], $0x4E20  }
0x22: {  	[sflag:s14] =	ssyncset.done $0x0  }
0x23: {  	s16 =	simm.s32 $0x100;
	s6 =	simm.s32 $0x0;
	[sflag:s14] =	ssyncadd.s32 $0xFFFFB1E0  }
.LBB2_2:
0x24: {  	p0 =	sne.s32 s16, $0x7C00;
	[tilespmem:s6+$0x13C70] =	vst v0;
	s4 =	smov.u32 s16;
	s16 =	sadd.s32 $0x100, s16  }
.Ltmp0:
0x25: {  	[tilespmem:s6+$0x13C60] =	vst v0;
	(pc) =	sbr.rel @p0 .LBB2_2-.Ltmp0, $3  }
0x26: {  	[tilespmem:s6+$0x13C40] =	vst v0  }
0x27: {  	[tilespmem:s6+$0x13C50] =	vst v0;
	_ =	sdelay $0x1  }
0x28: {  	s6 =	sshra.s32 s4, $0x2  }
0x29: {  	[tilespmem:s6+$0x13C70] =	vst v0  }
0x2a: {  	[tilespmem:s6+$0x13C60] =	vst v0  }
0x2b: {  	[tilespmem:s6+$0x13C40] =	vst v0  }
0x2c: {  	[tilespmem:s6+$0x13C50] =	vst v0;
	s4 =	rddreg [dreg:$0x6];
	s6 =	simm.s32 $0x13C40  }
0x2d: {  	[spmem:s4] =	stream.linear.scatter [tilespmem:s6], [sflag:$0x11], $0x1F40, $0x38;
	[tilespmem:$0x1F7C0] =	vst v63  }
0x2e: {  	_ =	swait.ge [sflag:s14], $0x1F40  }
0x2f: {  	[sflag:s14] =	ssyncset.done $0x0  }
0x30: {  	s16 =	rddreg [dreg:$0x7];
	[sflag:s14] =	ssyncadd.s32 $0xFFFFE0C0  }
0x31: {  	[spmem:s16] =	stream.linear.scatter [tilespmem:s6], [sflag:$0x11], $0x1F40, $0x38;
	[tilespmem:$0x1F7C0] =	vst v63  }
0x32: {  	_ =	swait.ge [sflag:s14], $0x1F40  }
0x33: {  	[sflag:s14] =	ssyncset.done $0x0  }
0x34: {  	s16 =	rddreg [dreg:$0x8];
	[sflag:s14] =	ssyncadd.s32 $0xFFFFE0C0  }
0x35: {  	[spmem:s16] =	stream.linear.scatter [tilespmem:s6], [sflag:$0x11], $0x1F40, $0x38;
	[tilespmem:$0x1F7C0] =	vst v63  }
0x36: {  	_ =	swait.ge [sflag:s14], $0x1F40  }
0x37: {  	[sflag:s14] =	ssyncset.done $0x0  }
0x38: {  	s16 =	rddreg [dreg:$0x9];
	[sflag:s14] =	ssyncadd.s32 $0xFFFFE0C0  }
0x39: {  	[spmem:s16] =	stream.linear.scatter [tilespmem:s6], [sflag:$0x11], $0x1F40, $0x38;
	[tilespmem:$0x1F7C0] =	vst v63  }
0x3a: {  	_ =	swait.ge [sflag:s14], $0x1F40  }
0x3b: {  	[sflag:s14] =	ssyncset.done $0x0  }
0x3c: {  	s16 =	rddreg [dreg:$0xa];
	[sflag:s14] =	ssyncadd.s32 $0xFFFFE0C0  }
0x3d: {  	[spmem:s16] =	stream.linear.scatter [tilespmem:s6], [sflag:$0x11], $0x1F40, $0x38;
	[tilespmem:$0x1F7C0] =	vst v63  }
0x3e: {  	_ =	swait.ge [sflag:s14], $0x1F40  }
0x3f: {  	[sflag:s14] =	ssyncset.done $0x0  }
0x40: {  	[sflag:s14] =	ssyncadd.s32 $0xFFFFE0C0  }
0x41: {  	s6 =	simm.s32 $0x0;
	[bflag:$0x0] =	sbarrier.arrive $0xFFFF  }
0x42: {  	[tilespmem:s18], [sflag:$0x1] =	stream.indirect.gather [hbm4b:s11+s17], $0x40, s6, s17, $0xb8;
	[tilespmem:$0x1F7C0] =	vst v63  }
0x43: {  	_ = 	snop  }
0x44: {  	[tilespmem:s19], [sflag:$0x2] =	stream.indirect.gather [hbm4b:s11+s17], $0x40, s17, s17, $0xb8;
	[tilespmem:$0x1F7C0] =	vst v63  }
0x45: {  	s16 =	simm.s32 $0xA0  }
0x46: {  	[tilespmem:s21], [sflag:$0x3] =	stream.indirect.gather [hbm4b:s11+s17], $0x40, s16, s17, $0xb8;
	[tilespmem:$0x1F7C0] =	vst v63  }
0x47: {  	s6 =	simm.s32 $0xF0  }
0x48: {  	[tilespmem:s23], [sflag:$0x4] =	stream.indirect.gather [hbm4b:s11+s17], $0x40, s6, s17, $0xb8;
	[tilespmem:$0x1F7C0] =	vst v63  }
0x49: {  	_ =	swait.ge [sflag:s24], $0x1400  }
0x4a: {  	[sflag:s24] =	ssyncset.done $0x0  }
0x4b: {  	s16 =	simm.s32 $0x4E20;
	[sflag:s24] =	ssyncadd.s32 $0xFFFFEC00  }
0x4c: {  	[spmem:s1] =	stream.indirect.scatter.add.f32 [tilespmem:s18], [sflag:$0x9], $0x40, s16, s17, $0xb8;
	[tilespmem:$0x1F7C0] =	vst v63  }
0x4d: {  	s6 =	simm.s32 $0x140  }
0x4e: {  	[tilespmem:s26], [sflag:$0x5] =	stream.indirect.gather [hbm4b:s11+s17], $0x40, s6, s17, $0xb8;
	[tilespmem:$0x1F7C0] =	vst v63  }
0x4f: {  	_ =	swait.ge [sflag:s28], $0x1400  }
0x50: {  	[sflag:s28] =	ssyncset.done $0x0  }
0x51: {  	s16 =	simm.s32 $0x4E70;
	[sflag:s28] =	ssyncadd.s32 $0xFFFFEC00  }
0x52: {  	[spmem:s1] =	stream.indirect.scatter.add.f32 [tilespmem:s19], [sflag:$0xA], $0x40, s16, s17, $0xb8;
	[tilespmem:$0x1F7C0] =	vst v63  }
0x53: {  	s6 =	simm.s32 $0x190  }
0x54: {  	[tilespmem:s31], [sflag:$0x6] =	stream.indirect.gather [hbm4b:s11+s17], $0x40, s6, s17, $0xb8;
	[tilespmem:$0x1F7C0] =	vst v63  }
0x55: {  	_ =	swait.ge [sflag:s0], $0x1400  }
0x56: {  	[sflag:s0] =	ssyncset.done $0x0  }
0x57: {  	s16 =	simm.s32 $0x4EC0;
	[sflag:s0] =	ssyncadd.s32 $0xFFFFEC00  }
0x58: {  	[spmem:s1] =	stream.indirect.scatter.add.f32 [tilespmem:s21], [sflag:$0xB], $0x40, s16, s17, $0xb8;
	[tilespmem:$0x1F7C0] =	vst v63  }
0x59: {  	s6 =	simm.s32 $0x1E0  }
0x5a: {  	[tilespmem:s25], [sflag:$0x7] =	stream.indirect.gather [hbm4b:s11+s17], $0x40, s6, s17, $0xb8;
	[tilespmem:$0x1F7C0] =	vst v63  }
0x5b: {  	_ =	swait.ge [sflag:s29], $0x1400  }
0x5c: {  	[sflag:s29] =	ssyncset.done $0x0  }
0x5d: {  	s16 =	simm.s32 $0x4F10;
	[sflag:s29] =	ssyncadd.s32 $0xFFFFEC00  }
0x5e: {  	[spmem:s1] =	stream.indirect.scatter.add.f32 [tilespmem:s23], [sflag:$0xC], $0x40, s16, s17, $0xb8;
	[tilespmem:$0x1F7C0] =	vst v63  }
0x5f: {  	s6 =	simm.s32 $0x230  }
0x60: {  	[tilespmem:s22], [sflag:$0x8] =	stream.indirect.gather [hbm4b:s11+s17], $0x40, s6, s17, $0xb8;
	[tilespmem:$0x1F7C0] =	vst v63  }
0x61: {  	_ =	swait.ge [sflag:s2], $0x1400  }
0x62: {  	[sflag:s2] =	ssyncset.done $0x0  }
0x63: {  	s16 =	simm.s32 $0x4F60;
	[sflag:s2] =	ssyncadd.s32 $0xFFFFEC00  }
0x64: {  	[spmem:s1] =	stream.indirect.scatter.add.f32 [tilespmem:s26], [sflag:$0xD], $0x40, s16, s17, $0xb8;
	[tilespmem:$0x1F7C0] =	vst v63  }
0x65: {  	_ =	swait.ge [sflag:s30], $0x1400  }
0x66: {  	[sflag:s30] =	ssyncset.done $0x0  }
0x67: {  	s6 =	simm.s32 $0x280;
	[sflag:s30] =	ssyncadd.s32 $0xFFFFEC00  }
0x68: {  	[tilespmem:s18], [sflag:$0x1] =	stream.indirect.gather [hbm4b:s11+s17], $0x40, s6, s17, $0xb8;
	[tilespmem:$0x1F7C0] =	vst v63  }
0x69: {  	_ =	swait.ge [sflag:s20], $0x1400  }
0x6a: {  	[sflag:s20] =	ssyncset.done $0x0  }
0x6b: {  	s16 =	simm.s32 $0x4FB0;
	[sflag:s20] =	ssyncadd.s32 $0xFFFFEC00  }
0x6c: {  	[spmem:s1] =	stream.indirect.scatter.add.f32 [tilespmem:s31], [sflag:$0xE], $0x40, s16, s17, $0xb8;
	[tilespmem:$0x1F7C0] =	vst v63  }
0x6d: {  	_ =	swait.ge [sflag:s3], $0x1400  }
0x6e: {  	[sflag:s3] =	ssyncset.done $0x0  }
0x6f: {  	s6 =	simm.s32 $0x2D0;
	[sflag:s3] =	ssyncadd.s32 $0xFFFFEC00  }
0x70: {  	[tilespmem:s19], [sflag:$0x2] =	stream.indirect.gather [hbm4b:s11+s17], $0x40, s6, s17, $0xb8;
	[tilespmem:$0x1F7C0] =	vst v63  }
0x71: {  	_ =	swait.ge [sflag:s5], $0x1400  }
0x72: {  	[sflag:s5] =	ssyncset.done $0x0  }
0x73: {  	s16 =	simm.s32 $0x5000;
	[sflag:s5] =	ssyncadd.s32 $0xFFFFEC00  }
0x74: {  	[spmem:s1] =	stream.indirect.scatter.add.f32 [tilespmem:s25], [sflag:$0xF], $0x40, s16, s17, $0xb8;
	[tilespmem:$0x1F7C0] =	vst v63  }
0x75: {  	_ =	swait.ge [sflag:s7], $0x1400  }
0x76: {  	[sflag:s7] =	ssyncset.done $0x0  }
0x77: {  	s6 =	simm.s32 $0x320;
	[sflag:s7] =	ssyncadd.s32 $0xFFFFEC00  }
0x78: {  	[tilespmem:s21], [sflag:$0x3] =	stream.indirect.gather [hbm4b:s11+s17], $0x40, s6, s17, $0xb8;
	[tilespmem:$0x1F7C0] =	vst v63  }
0x79: {  	_ =	swait.ge [sflag:s8], $0x1400  }
0x7a: {  	[sflag:s8] =	ssyncset.done $0x0  }
0x7b: {  	s16 =	simm.s32 $0x5050;
	[sflag:s8] =	ssyncadd.s32 $0xFFFFEC00  }
0x7c: {  	[spmem:s1] =	stream.indirect.scatter.add.f32 [tilespmem:s22], [sflag:$0x10], $0x40, s16, s17, $0xb8;
	[tilespmem:$0x1F7C0] =	vst v63  }
0x7d: {  	_ =	swait.ge [sflag:s15], $0x1400  }
0x7e: {  	[sflag:s15] =	ssyncset.done $0x0  }
0x7f: {  	s6 =	simm.s32 $0x370;
	[sflag:s15] =	ssyncadd.s32 $0xFFFFEC00  }
0x80: {  	[tilespmem:s23], [sflag:$0x4] =	stream.indirect.gather [hbm4b:s11+s17], $0x40, s6, s17, $0xb8;
	[tilespmem:$0x1F7C0] =	vst v63  }
0x81: {  	_ =	swait.ge [sflag:s24], $0x1400  }
0x82: {  	[sflag:s24] =	ssyncset.done $0x0  }
0x83: {  	s16 =	simm.s32 $0x50A0;
	[sflag:s24] =	ssyncadd.s32 $0xFFFFEC00  }
0x84: {  	[spmem:s1] =	stream.indirect.scatter.add.f32 [tilespmem:s18], [sflag:$0x9], $0x40, s16, s17, $0xb8;
	[tilespmem:$0x1F7C0] =	vst v63  }
0x85: {  	_ =	swait.ge [sflag:s9], $0x1400  }
0x86: {  	[sflag:s9] =	ssyncset.done $0x0  }
0x87: {  	s6 =	simm.s32 $0x3C0;
	[sflag:s9] =	ssyncadd.s32 $0xFFFFEC00  }
0x88: {  	[tilespmem:s26], [sflag:$0x5] =	stream.indirect.gather [hbm4b:s11+s17], $0x40, s6, s17, $0xb8;
	[tilespmem:$0x1F7C0] =	vst v63  }
0x89: {  	_ =	swait.ge [sflag:s28], $0x1400  }
0x8a: {  	[sflag:s28] =	ssyncset.done $0x0  }
0x8b: {  	s16 =	simm.s32 $0x50F0;
	[sflag:s28] =	ssyncadd.s32 $0xFFFFEC00  }
0x8c: {  	[spmem:s1] =	stream.indirect.scatter.add.f32 [tilespmem:s19], [sflag:$0xA], $0x40, s16, s17, $0xb8;
	[tilespmem:$0x1F7C0] =	vst v63  }
0x8d: {  	_ =	swait.ge [sflag:s10], $0x1400  }
0x8e: {  	[sflag:s10] =	ssyncset.done $0x0  }
0x8f: {  	s6 =	simm.s32 $0x410;
	[sflag:s10] =	ssyncadd.s32 $0xFFFFEC00  }
0x90: {  	[tilespmem:s31], [sflag:$0x6] =	stream.indirect.gather [hbm4b:s11+s17], $0x40, s6, s17, $0xb8;
	[tilespmem:$0x1F7C0] =	vst v63  }
0x91: {  	_ =	swait.ge [sflag:s0], $0x1400  }
0x92: {  	[sflag:s0] =	ssyncset.done $0x0  }
0x93: {  	s16 =	simm.s32 $0x5140;
	[sflag:s0] =	ssyncadd.s32 $0xFFFFEC00  }
0x94: {  	[spmem:s1] =	stream.indirect.scatter.add.f32 [tilespmem:s21], [sflag:$0xB], $0x40, s16, s17, $0xb8;
	[tilespmem:$0x1F7C0] =	vst v63  }
0x95: {  	_ =	swait.ge [sflag:s12], $0x1400  }
0x96: {  	[sflag:s12] =	ssyncset.done $0x0  }
0x97: {  	s6 =	simm.s32 $0x460;
	[sflag:s12] =	ssyncadd.s32 $0xFFFFEC00  }
0x98: {  	[tilespmem:s25], [sflag:$0x7] =	stream.indirect.gather [hbm4b:s11+s17], $0x40, s6, s17, $0xb8;
	[tilespmem:$0x1F7C0] =	vst v63  }
0x99: {  	_ =	swait.ge [sflag:s29], $0x1400  }
0x9a: {  	[sflag:s29] =	ssyncset.done $0x0  }
0x9b: {  	s16 =	simm.s32 $0x5190;
	[sflag:s29] =	ssyncadd.s32 $0xFFFFEC00  }
0x9c: {  	[spmem:s1] =	stream.indirect.scatter.add.f32 [tilespmem:s23], [sflag:$0xC], $0x40, s16, s17, $0xb8;
	[tilespmem:$0x1F7C0] =	vst v63  }
0x9d: {  	_ =	swait.ge [sflag:s13], $0x1400  }
0x9e: {  	[sflag:s13] =	ssyncset.done $0x0  }
0x9f: {  	s6 =	simm.s32 $0xA00;
	s16 =	simm.s32 $0x4B0;
	[sflag:s13] =	ssyncadd.s32 $0xFFFFEC00  }
.LBB2_4:
0xa0: {  	[tilespmem:s22], [sflag:$0x8] =	stream.indirect.gather [hbm4b:s11+s17], $0x40, s16, s17, $0xb8;
	[tilespmem:$0x1F7C0] =	vst v63  }
0xa1: {  	s4 =	smov.u32 s6  }
0xa2: {  	p0 =	sne.s32 s6, $0x12200;
	s6 =	sadd.s32 $0xA00, s6;
	_ =	swait.ge [sflag:s2], $0x1400  }
0xa3: {  	s16 =	sshra.s32 s4, $0x2;
	[sflag:s2] =	ssyncset.done $0x0  }
0xa4: {  	s4 =	sadd.s32 $0x4F60, s16;
	[sflag:s2] =	ssyncadd.s32 $0xFFFFEC00  }
0xa5: {  	[spmem:s1] =	stream.indirect.scatter.add.f32 [tilespmem:s26], [sflag:$0xD], $0x40, s4, s17, $0xb8;
	[tilespmem:$0x1F7C0] =	vst v63  }
0xa6: {  	_ =	swait.ge [sflag:s30], $0x1400  }
0xa7: {  	[sflag:s30] =	ssyncset.done $0x0  }
0xa8: {  	s4 =	sadd.s32 $0x280, s16;
	[sflag:s30] =	ssyncadd.s32 $0xFFFFEC00  }
0xa9: {  	[tilespmem:s18], [sflag:$0x1] =	stream.indirect.gather [hbm4b:s11+s17], $0x40, s4, s17, $0xb8;
	[tilespmem:$0x1F7C0] =	vst v63  }
0xaa: {  	_ =	swait.ge [sflag:s20], $0x1400  }
0xab: {  	[sflag:s20] =	ssyncset.done $0x0  }
0xac: {  	s4 =	sadd.s32 $0x4FB0, s16;
	[sflag:s20] =	ssyncadd.s32 $0xFFFFEC00  }
0xad: {  	[spmem:s1] =	stream.indirect.scatter.add.f32 [tilespmem:s31], [sflag:$0xE], $0x40, s4, s17, $0xb8;
	[tilespmem:$0x1F7C0] =	vst v63  }
0xae: {  	_ =	swait.ge [sflag:s3], $0x1400  }
0xaf: {  	[sflag:s3] =	ssyncset.done $0x0  }
0xb0: {  	s4 =	sadd.s32 $0x2D0, s16;
	[sflag:s3] =	ssyncadd.s32 $0xFFFFEC00  }
0xb1: {  	[tilespmem:s19], [sflag:$0x2] =	stream.indirect.gather [hbm4b:s11+s17], $0x40, s4, s17, $0xb8;
	[tilespmem:$0x1F7C0] =	vst v63  }
0xb2: {  	_ =	swait.ge [sflag:s5], $0x1400  }
0xb3: {  	[sflag:s5] =	ssyncset.done $0x0  }
0xb4: {  	s4 =	sadd.s32 $0x5000, s16;
	[sflag:s5] =	ssyncadd.s32 $0xFFFFEC00  }
0xb5: {  	[spmem:s1] =	stream.indirect.scatter.add.f32 [tilespmem:s25], [sflag:$0xF], $0x40, s4, s17, $0xb8;
	[tilespmem:$0x1F7C0] =	vst v63  }
0xb6: {  	_ =	swait.ge [sflag:s7], $0x1400  }
0xb7: {  	[sflag:s7] =	ssyncset.done $0x0  }
0xb8: {  	s4 =	sadd.s32 $0x320, s16;
	[sflag:s7] =	ssyncadd.s32 $0xFFFFEC00  }
0xb9: {  	[tilespmem:s21], [sflag:$0x3] =	stream.indirect.gather [hbm4b:s11+s17], $0x40, s4, s17, $0xb8;
	[tilespmem:$0x1F7C0] =	vst v63  }
0xba: {  	_ =	swait.ge [sflag:s8], $0x1400  }
0xbb: {  	[sflag:s8] =	ssyncset.done $0x0  }
0xbc: {  	s4 =	sadd.s32 $0x5050, s16;
	[sflag:s8] =	ssyncadd.s32 $0xFFFFEC00  }
0xbd: {  	[spmem:s1] =	stream.indirect.scatter.add.f32 [tilespmem:s22], [sflag:$0x10], $0x40, s4, s17, $0xb8;
	[tilespmem:$0x1F7C0] =	vst v63  }
0xbe: {  	_ =	swait.ge [sflag:s15], $0x1400  }
0xbf: {  	[sflag:s15] =	ssyncset.done $0x0  }
0xc0: {  	s4 =	sadd.s32 $0x370, s16;
	[sflag:s15] =	ssyncadd.s32 $0xFFFFEC00  }
0xc1: {  	[tilespmem:s23], [sflag:$0x4] =	stream.indirect.gather [hbm4b:s11+s17], $0x40, s4, s17, $0xb8;
	[tilespmem:$0x1F7C0] =	vst v63  }
0xc2: {  	_ =	swait.ge [sflag:s24], $0x1400  }
0xc3: {  	[sflag:s24] =	ssyncset.done $0x0  }
0xc4: {  	s4 =	sadd.s32 $0x50A0, s16;
	[sflag:s24] =	ssyncadd.s32 $0xFFFFEC00  }
0xc5: {  	[spmem:s1] =	stream.indirect.scatter.add.f32 [tilespmem:s18], [sflag:$0x9], $0x40, s4, s17, $0xb8;
	[tilespmem:$0x1F7C0] =	vst v63  }
0xc6: {  	_ =	swait.ge [sflag:s9], $0x1400  }
0xc7: {  	[sflag:s9] =	ssyncset.done $0x0  }
0xc8: {  	s4 =	sadd.s32 $0x3C0, s16;
	[sflag:s9] =	ssyncadd.s32 $0xFFFFEC00  }
0xc9: {  	[tilespmem:s26], [sflag:$0x5] =	stream.indirect.gather [hbm4b:s11+s17], $0x40, s4, s17, $0xb8;
	[tilespmem:$0x1F7C0] =	vst v63  }
0xca: {  	_ =	swait.ge [sflag:s28], $0x1400  }
0xcb: {  	[sflag:s28] =	ssyncset.done $0x0  }
0xcc: {  	s4 =	sadd.s32 $0x50F0, s16;
	[sflag:s28] =	ssyncadd.s32 $0xFFFFEC00  }
0xcd: {  	[spmem:s1] =	stream.indirect.scatter.add.f32 [tilespmem:s19], [sflag:$0xA], $0x40, s4, s17, $0xb8;
	[tilespmem:$0x1F7C0] =	vst v63  }
0xce: {  	_ =	swait.ge [sflag:s10], $0x1400  }
0xcf: {  	[sflag:s10] =	ssyncset.done $0x0  }
0xd0: {  	s4 =	sadd.s32 $0x410, s16;
	[sflag:s10] =	ssyncadd.s32 $0xFFFFEC00  }
0xd1: {  	[tilespmem:s31], [sflag:$0x6] =	stream.indirect.gather [hbm4b:s11+s17], $0x40, s4, s17, $0xb8;
	[tilespmem:$0x1F7C0] =	vst v63  }
0xd2: {  	_ =	swait.ge [sflag:s0], $0x1400  }
0xd3: {  	[sflag:s0] =	ssyncset.done $0x0  }
0xd4: {  	s4 =	sadd.s32 $0x5140, s16;
	[sflag:s0] =	ssyncadd.s32 $0xFFFFEC00  }
0xd5: {  	[spmem:s1] =	stream.indirect.scatter.add.f32 [tilespmem:s21], [sflag:$0xB], $0x40, s4, s17, $0xb8;
	[tilespmem:$0x1F7C0] =	vst v63  }
0xd6: {  	_ =	swait.ge [sflag:s12], $0x1400  }
0xd7: {  	[sflag:s12] =	ssyncset.done $0x0  }
0xd8: {  	s4 =	sadd.s32 $0x460, s16;
	[sflag:s12] =	ssyncadd.s32 $0xFFFFEC00  }
0xd9: {  	[tilespmem:s25], [sflag:$0x7] =	stream.indirect.gather [hbm4b:s11+s17], $0x40, s4, s17, $0xb8;
	[tilespmem:$0x1F7C0] =	vst v63  }
0xda: {  	_ =	swait.ge [sflag:s29], $0x1400  }
0xdb: {  	[sflag:s29] =	ssyncset.done $0x0  }
.Ltmp1:
0xdc: {  	s4 =	sadd.s32 $0x5190, s16;
	[sflag:s29] =	ssyncadd.s32 $0xFFFFEC00;
	(pc) =	sbr.rel @p0 .LBB2_4-.Ltmp1, $4  }
0xdd: {  	[spmem:s1] =	stream.indirect.scatter.add.f32 [tilespmem:s23], [sflag:$0xC], $0x40, s4, s17, $0xb8;
	[tilespmem:$0x1F7C0] =	vst v63  }
0xde: {  	_ =	swait.ge [sflag:s13], $0x1400  }
0xdf: {  	[sflag:s13] =	ssyncset.done $0x0  }
0xe0: {  	s16 =	sadd.s32 $0x4B0, s16;
	[sflag:s13] =	ssyncadd.s32 $0xFFFFEC00  }
0xe1: {  	[tilespmem:s22], [sflag:$0x8] =	stream.indirect.gather [hbm4b:s11+s17], $0x40, s16, s17, $0xb8;
	[tilespmem:$0x1F7C0] =	vst v63  }
0xe2: {  	_ =	swait.ge [sflag:s2], $0x1400  }
0xe3: {  	[sflag:s2] =	ssyncset.done $0x0  }
0xe4: {  	s4 =	simm.s32 $0x9A60;
	[sflag:s2] =	ssyncadd.s32 $0xFFFFEC00  }
0xe5: {  	[spmem:s1] =	stream.indirect.scatter.add.f32 [tilespmem:s26], [sflag:$0xD], $0x40, s4, s17, $0xb8;
	[tilespmem:$0x1F7C0] =	vst v63  }
0xe6: {  	_ =	swait.ge [sflag:s30], $0x1400  }
0xe7: {  	[sflag:s30] =	ssyncset.done $0x0  }
0xe8: {  	s6 =	simm.s32 $0x4D80;
	[sflag:s30] =	ssyncadd.s32 $0xFFFFEC00  }
0xe9: {  	[tilespmem:s18], [sflag:$0x1] =	stream.indirect.gather [hbm4b:s11+s17], $0x40, s6, s17, $0xb8;
	[tilespmem:$0x1F7C0] =	vst v63  }
0xea: {  	_ =	swait.ge [sflag:s20], $0x1400  }
0xeb: {  	[sflag:s20] =	ssyncset.done $0x0  }
0xec: {  	s16 =	simm.s32 $0x9AB0;
	[sflag:s20] =	ssyncadd.s32 $0xFFFFEC00  }
0xed: {  	[spmem:s1] =	stream.indirect.scatter.add.f32 [tilespmem:s31], [sflag:$0xE], $0x40, s16, s17, $0xb8;
	[tilespmem:$0x1F7C0] =	vst v63  }
0xee: {  	_ =	swait.ge [sflag:s3], $0x1400  }
0xef: {  	[sflag:s3] =	ssyncset.done $0x0  }
0xf0: {  	s6 =	simm.s32 $0x4DD0;
	[sflag:s3] =	ssyncadd.s32 $0xFFFFEC00  }
0xf1: {  	[tilespmem:s19], [sflag:$0x2] =	stream.indirect.gather [hbm4b:s11+s17], $0x40, s6, s17, $0xb8;
	[tilespmem:$0x1F7C0] =	vst v63  }
0xf2: {  	_ =	swait.ge [sflag:s5], $0x1400  }
0xf3: {  	[sflag:s5] =	ssyncset.done $0x0  }
0xf4: {  	s16 =	simm.s32 $0x9B00;
	[sflag:s5] =	ssyncadd.s32 $0xFFFFEC00  }
0xf5: {  	[spmem:s1] =	stream.indirect.scatter.add.f32 [tilespmem:s25], [sflag:$0xF], $0x40, s16, s17, $0xb8;
	[tilespmem:$0x1F7C0] =	vst v63  }
0xf6: {  	_ =	swait.ge [sflag:s8], $0x1400  }
0xf7: {  	[sflag:s8] =	ssyncset.done $0x0  }
0xf8: {  	s6 =	simm.s32 $0x9B50;
	[sflag:s8] =	ssyncadd.s32 $0xFFFFEC00  }
0xf9: {  	[spmem:s1] =	stream.indirect.scatter.add.f32 [tilespmem:s22], [sflag:$0x10], $0x40, s6, s17, $0xb8;
	[tilespmem:$0x1F7C0] =	vst v63  }
0xfa: {  	_ =	swait.ge [sflag:s24], $0x1400  }
0xfb: {  	[sflag:s24] =	ssyncset.done $0x0  }
0xfc: {  	s16 =	simm.s32 $0x9BA0;
	[sflag:s24] =	ssyncadd.s32 $0xFFFFEC00  }
0xfd: {  	[spmem:s1] =	stream.indirect.scatter.add.f32 [tilespmem:s18], [sflag:$0x9], $0x40, s16, s17, $0xb8;
	[tilespmem:$0x1F7C0] =	vst v63  }
0xfe: {  	_ =	swait.ge [sflag:s28], $0x1400  }
0xff: {  	[sflag:s28] =	ssyncset.done $0x0  }
0x100: {  	s6 =	simm.s32 $0x9BF0;
	[sflag:s28] =	ssyncadd.s32 $0xFFFFEC00  }
0x101: {  	[spmem:s1] =	stream.indirect.scatter.add.f32 [tilespmem:s19], [sflag:$0xA], $0x40, s6, s17, $0xb8;
	[tilespmem:$0x1F7C0] =	vst v63  }
0x102: {  	_ =	swait.ge [sflag:s7], $0x1400  }
0x103: {  	[sflag:s7] =	ssyncset.done $0x0  }
0x104: {  	[sflag:s7] =	ssyncadd.s32 $0xFFFFEC00  }
0x105: {  	_ =	swait.ge [sflag:s15], $0x1400  }
0x106: {  	[sflag:s15] =	ssyncset.done $0x0  }
0x107: {  	[sflag:s15] =	ssyncadd.s32 $0xFFFFEC00  }
0x108: {  	_ =	swait.ge [sflag:s9], $0x1400  }
0x109: {  	[sflag:s9] =	ssyncset.done $0x0  }
0x10a: {  	[sflag:s9] =	ssyncadd.s32 $0xFFFFEC00  }
0x10b: {  	_ =	swait.ge [sflag:s10], $0x1400  }
0x10c: {  	[sflag:s10] =	ssyncset.done $0x0  }
0x10d: {  	[sflag:s10] =	ssyncadd.s32 $0xFFFFEC00  }
0x10e: {  	_ =	swait.ge [sflag:s12], $0x1400  }
0x10f: {  	[sflag:s12] =	ssyncset.done $0x0  }
0x110: {  	[sflag:s12] =	ssyncadd.s32 $0xFFFFEC00  }
0x111: {  	_ =	swait.ge [sflag:s13], $0x1400  }
0x112: {  	[sflag:s13] =	ssyncset.done $0x0  }
0x113: {  	[sflag:s13] =	ssyncadd.s32 $0xFFFFEC00  }
0x114: {  	_ =	swait.ge [sflag:s30], $0x1400  }
0x115: {  	[sflag:s30] =	ssyncset.done $0x0  }
0x116: {  	[sflag:s30] =	ssyncadd.s32 $0xFFFFEC00  }
0x117: {  	_ =	swait.ge [sflag:s3], $0x1400  }
0x118: {  	[sflag:s3] =	ssyncset.done $0x0  }
0x119: {  	[sflag:s3] =	ssyncadd.s32 $0xFFFFEC00  }
0x11a: {  	s16 =	stileid.u32;
	[bflag:$0x0] =	sbarrier.arrive $0xFFFF  }
0x11b: {  	s4 =	sshll.u32 s16, $0x6;
	s6 =	rddreg [dreg:$0x6]  }
0x11c: {  	s4 =	sor.u32 $0x1C11, s4;
	s16 =	rddreg [dreg:$0xb];
	s6 =	sshrl.u32 s6, $0x3  }
0x11d: {  	[hbm:s16], [sflag:s4] =	dma.local [spmem:s6], $0x1388  }
0x11e: {  	_ =	swait.ge [sflag:s14], $0x1388  }
0x11f: {  	s4 =	rddreg [dreg:$0xd]  }
0x120: {  	s16 =	rddreg [dreg:$0xc];
	s6 =	sadd.s32 $0x1, s4  }
0x121: {  	p0 =	sne.s32 s6, s16  }
.Ltmp2:
0x122: {  	_ = 	snop;
	(pc) =	sbr.rel @p0 .LBB2_1-.Ltmp2, $3  }
0x123: {  	_ =	sdelay $0x1  }
0x124: {  	[sflag:s14] =	ssyncset.done $0x0  }
0x125: {  	[sflag:s14] =	ssyncadd.s32 $0xFFFFEC78  }
0x126: {  	_ =	sfence.sel $0x180000  }
0x127: {  	[bflag:$0x0] =	sbarrier.arrive $0xFFFF  }
0x128: {  	_ =	strace $0x9000004A  }
0x129: {  	s0 =	stileid.u32;
	[bflag:$0x2] =	sbarrier.arrive $0xFFFF  }
0x12a: {  	p0 =	sne.s32 s0, $0x0;
	s0 =	rddreg [dreg:$0x3]  }
0x12b: {  	s0 =	sadd.s32 @!p0 $0x100000, s0  }
0x12c: {  	[sflag:s0] =	ssyncadd.tile.s32 @!p0 $0x1;
	_ =	shalt  }
.Lfunc_end2:
_tile_overlayer_lowered:
.L_overlay_start_2:
0x12d: {  	(tag) =	ssettag $0x2  }
0x12e: {  	s0 =	rddreg [dreg:$0x0];
	s2 =	stileid.u32  }
0x12f: {  	s1 =	rddreg [dreg:$0x1];
	p0 =	sne.s32 s2, $0x0  }
0x130: {  	s3 =	rddreg [dreg:$0x2];
	[bflag:$0x3] =	sbarrier.arrive $0xFFFF;
	s2 =	simm.s32 @!p0 $0x1C11  }
0x131: {  	[timem:s3], [sflag:s2] =	dma.local @!p0 [hbm:s0], s1  }
0x132: {  	s0 =	simm.s32 @!p0 $0x11  }
0x133: {  	_ =	swait.ge @!p0 [sflag:s0], s1  }
0x134: {  	s1 =	ssub.s32 @!p0 $0x0, s1;
	[sflag:s0] =	ssyncset.done @!p0 $0x0  }
0x135: {  	[sflag:s0] =	ssyncadd.s32 @!p0 s1  }
0x136: {  	[bflag:$0x3] =	sbarrier.arrive $0xFFFF  }
0x137: {  	_ =	shalt  }

// kernel: kernel.14.cloned.1.call-start
scs
__scs_entry_jumppad:
0x0: {  	(pc) =	sbr.rel $0x88, $3  }
0x1: {  	(tag) =	ssettag $0x0;
	lr =	simm.s32 $0x1  }
0x2: {  	[smem:$0x3F93] =	sst lr;
	_ =	strace $0xD0000000  }
0x3: {  	_ = 	snop  }
0x4: {  	_ = 	snop  }
0x5: {  	_ = 	snop  }
0x6: {  	_ = 	snop  }
0x7: {  	_ = 	snop  }
__scs_overlays_trampoline_lowered:
0x8: {  	[smem:$0x3FA2] =	sst s0  }
0x9: {  	[smem:$0x3FA3] =	sst s1  }
0xa: {  	[smem:$0x3FA4] =	sst s2  }
0xb: {  	[smem:$0x3FA5] =	sst s3  }
0xc: {  	[smem:$0x3FA6] =	sst s4  }
0xd: {  	[smem:$0x3FA7] =	sst s5  }
0xe: {  	[smem:$0x3FA8] =	sst s6  }
0xf: {  	[smem:$0x3FA9] =	sst s7  }
0x10: {  	[smem:$0x3FAA] =	sst s8  }
0x11: {  	[smem:$0x3FAB] =	sst s9;
	s0 =	simm.s32 @!p0 $0x0  }
0x12: {  	s1 =	sld [smem:$0x3F91];
	s0 =	simm.s32 @p0 $0x1  }
0x13: {  	[smem:$0x3FAC] =	sst s0;
	s0 =	simm.s32 @!p1 $0x0  }
0x14: {  	s2 =	sld [smem:$0x3F90];
	s0 =	simm.s32 @p1 $0x1  }
0x15: {  	[smem:$0x3FAD] =	sst s0;
	s0 =	simm.s32 @!p2 $0x0  }
0x16: {  	s3 =	sld [smem:$0x3FDB];
	s0 =	simm.s32 @p2 $0x1  }
0x17: {  	s4 =	simm.s32 $0x1BF5;
	[smem:$0x3FAF] =	sst s0  }
0x18: {  	s0 =	sld [smem:$0x3F92];
	_ =	swait.ge [sflag:s4], $0x0  }
0x19: {  	s7 =	sld [smem:$0x3F93]  }
0x1a: {  	s8 =	sadd.s32 $0xFFFFE003, lr  }
0x1b: {  	s9 =	sadd.s32 $0xFFFFFEF7, lr;
	s5 =	simm.s32 $0xFFFFFFFF;
	p2 =	slt.u32 s8, $0xFFFFF086  }
0x1c: {  	p1 =	slt.u32 s9, $0xF7A;
	s5 =	simm.s32 @!p2 $0x0  }
0x1d: {  	s5 =	simm.s32 @p1 $0x1;
	p0 =	seq.s32 s7, s2  }
0x1e: {  	s7 =	smul.u32 @!p0 $0xF7A, s2;
	p2 =	seq.s32 @!p0 s5, $0x0  }
0x1f: {  	s9 =	smul.u32 $0xF7A, s1;
	s8 =	simm.s32 @!p0 $0x1BF5;
	p2 =	por !p2, p0  }
0x20: {  	[sflag:s8] =	ssyncset.s32 @!p0 $0xFFFFF086;
	s6 =	sadd.s32 @!p0 s3, s7;
	s7 =	simm.s32 @!p0 $0x108  }
0x21: {  	s3 =	sadd.s32 s3, s9;
	s6 =	sadd.s32 @!p0 $0x88, s6;
	s7 =	simm.s32 @p2 $0x1082  }
0x22: {  	[simem:s7], [sflag:s8] =	dma.local @!p0 [hbm:s6], $0xF7A  }
0x23: {  	s9 =	sor.u32 $0xD0000000, s2;
	s6 =	simm.s32 $0x108;
	_ =	swait.ge @!p0 [sflag:s8], $0x0  }
0x24: {  	s3 =	sadd.s32 $0x88, s3;
	s6 =	simm.s32 @!p1 $0x1082;
	[sflag:s4] =	ssyncset.s32 $0xFFFFF086  }
0x25: {  	[simem:s6], [sflag:s4] =	dma.local [hbm:s3], $0xF7A  }
0x26: {  	[smem:$0x3F93] =	sst s1;
	(tag) =	ssettag s2;
	_ =	strace s9  }
0x27: {  	s1 =	sld [smem:$0x3FA3]  }
0x28: {  	s2 =	sld [smem:$0x3FA4]  }
0x29: {  	s4 =	sld [smem:$0x3FA6]  }
0x2a: {  	p0 =	seq.s32 s5, $0x0;
	s5 =	sld [smem:$0x3FA7]  }
0x2b: {  	s6 =	sld [smem:$0x3FA8]  }
0x2c: {  	s7 =	sld [smem:$0x3FA9]  }
0x2d: {  	s3 =	simm.s32 $0x108;
	s8 =	sld [smem:$0x3FAA]  }
0x2e: {  	s3 =	simm.s32 @!p0 $0x1082;
	s9 =	sld [smem:$0x3FAB]  }
0x2f: {  	lr =	sadd.s32 s0, s3;
	s0 =	sld [smem:$0x3FA2]  }
0x30: {  	s3 =	sld [smem:$0x3FA5]  }
0x31: {  	[smem:$0x3FAE] =	sst s10  }
0x32: {  	s10 =	sld [smem:$0x3FAC];
	_ =	sdelay $0x3  }
0x33: {  	p0 =	seq.s32 s10, $0x1;
	s10 =	sld [smem:$0x3FAE];
	_ =	sdelay $0x3  }
0x34: {  	[smem:$0x3FAE] =	sst s10  }
0x35: {  	s10 =	sld [smem:$0x3FAD];
	_ =	sdelay $0x3  }
0x36: {  	p1 =	seq.s32 s10, $0x1;
	s10 =	sld [smem:$0x3FAE];
	_ =	sdelay $0x3  }
0x37: {  	[smem:$0x3FAE] =	sst s10  }
0x38: {  	s10 =	sld [smem:$0x3FAF]  }
0x39: {  	_ = 	snop;
	(pc) =	sbr.ind lr, $3  }
0x3a: {  	_ = 	snop  }
0x3b: {  	_ = 	snop  }
0x3c: {  	p2 =	seq.s32 s10, $0x1;
	s10 =	sld [smem:$0x3FAE]  }
0x3d: {  	_ =	shalt  }
0x3e: {  	_ =	shalt  }
0x3f: {  	_ =	shalt  }
0x40: {  	_ =	shalt  }
0x41: {  	_ =	shalt  }
0x42: {  	_ =	shalt  }
0x43: {  	_ =	shalt  }
0x44: {  	_ =	shalt  }
0x45: {  	_ =	shalt  }
0x46: {  	_ =	shalt  }
0x47: {  	_ =	shalt  }
0x48: {  	_ =	shalt  }
0x49: {  	_ =	shalt  }
0x4a: {  	_ =	shalt  }
0x4b: {  	_ =	shalt  }
0x4c: {  	_ =	shalt  }
0x4d: {  	_ =	shalt  }
0x4e: {  	_ =	shalt  }
0x4f: {  	_ =	shalt  }
0x50: {  	_ =	shalt  }
0x51: {  	_ =	shalt  }
0x52: {  	_ =	shalt  }
0x53: {  	_ =	shalt  }
0x54: {  	_ =	shalt  }
0x55: {  	_ =	shalt  }
0x56: {  	_ =	shalt  }
0x57: {  	_ =	shalt  }
0x58: {  	_ =	shalt  }
0x59: {  	_ =	shalt  }
0x5a: {  	_ =	shalt  }
0x5b: {  	_ =	shalt  }
0x5c: {  	_ =	shalt  }
0x5d: {  	_ =	shalt  }
0x5e: {  	_ =	shalt  }
0x5f: {  	_ =	shalt  }
0x60: {  	_ =	shalt  }
0x61: {  	_ =	shalt  }
0x62: {  	_ =	shalt  }
0x63: {  	_ =	shalt  }
0x64: {  	_ =	shalt  }
0x65: {  	_ =	shalt  }
0x66: {  	_ =	shalt  }
0x67: {  	_ =	shalt  }
0x68: {  	_ =	shalt  }
0x69: {  	_ =	shalt  }
0x6a: {  	_ =	shalt  }
0x6b: {  	_ =	shalt  }
0x6c: {  	_ =	shalt  }
0x6d: {  	_ =	shalt  }
0x6e: {  	_ =	shalt  }
0x6f: {  	_ =	shalt  }
0x70: {  	_ =	shalt  }
0x71: {  	_ =	shalt  }
0x72: {  	_ =	shalt  }
0x73: {  	_ =	shalt  }
0x74: {  	_ =	shalt  }
0x75: {  	_ =	shalt  }
0x76: {  	_ =	shalt  }
0x77: {  	_ =	shalt  }
0x78: {  	_ =	shalt  }
0x79: {  	_ =	shalt  }
0x7a: {  	_ =	shalt  }
0x7b: {  	_ =	shalt  }
0x7c: {  	_ =	shalt  }
0x7d: {  	_ =	shalt  }
0x7e: {  	_ =	shalt  }
0x7f: {  	_ =	shalt  }
0x80: {  	_ =	shalt  }
0x81: {  	_ =	shalt  }
0x82: {  	_ =	shalt  }
0x83: {  	_ =	shalt  }
0x84: {  	_ =	shalt  }
0x85: {  	_ =	shalt  }
0x86: {  	_ =	shalt  }
0x87: {  	_ =	shalt  }
.Lfunc_end0:
.L_simem_size_0:
called_computation.2_lowered:
.L_overlay_start_0:
0x88: {  	s2 =	sld [smem:$0x3FD9]  }
0x89: {  	s3 =	sld [smem:$0x3FFE];
	_ =	sdelay $0x1  }
0x8a: {  	s1 =	srdreg.scid  }
0x8b: {  	s0 =	sand.u32 $0x1, s1  }
0x8c: {  	s14 =	sshll.u32 s0, $0xA;
	s2 =	sadd.s32 s3, s2  }
0x8d: {  	s2 =	sadd.s32 s2, s14  }
0x8e: {  	[smem:$0x3FBA] =	sst s2  }
0x8f: {  	_ = 	snop  }
0x90: {  	s2 =	sld [smem:$0x3FD0];
	_ =	sdelay $0x2  }
0x91: {  	s15 =	simm.s32 $0xA;
	s4 =	simm.s32 $0x10  }
0x92: {  	[smem:s4], [sflag:s15] =	dma.local [hbm:s2], $0x1  }
0x93: {  	_ =	swait.eq [sflag:s15], $0x1  }
0x94: {  	[sflag:s15] =	ssyncset.done $0x0  }
0x95: {  	[sflag:s15] =	ssyncadd.s32 $0xFFFFFFFF  }
0x96: {  	s16 =	sld [smem:$0x10];
	(tm) =	ssettm $0x1  }
0x97: {  	s17 =	sld [smem:$0x3FFB];
	_ =	sdelay $0x3  }
0x98: {  	_ =	strace s17  }
0x99: {  	s3 =	sld [smem:$0x3FFC];
	_ =	sdelay $0x3  }
0x9a: {  	_ =	strace s3  }
0x9b: {  	s3 =	sld [smem:$0x3FFD];
	_ =	sdelay $0x3  }
0x9c: {  	_ =	strace s3  }
0x9d: {  	_ =	strace $0x8FFFFFFF  }
0x9e: {  	s18 =	sld [smem:$0x3FDB];
	_ =	sdelay $0x1  }
0x9f: {  	s19 =	simm.s32 $_scs_section_size  }
0xa0: {  	s5 =	simm.s32 $_size__tile_overlayer_lowered;
	s6 =	simm.s32 $_tile_overlayer_lowered  }
0xa1: {  	s22 =	simm.s32 $0x1BFF;
	s21 =	sshll.u32 s6, $0x1;
	s3 =	sadd.s32 s19, s18  }
0xa2: {  	s7 =	simm.s32 $0x0;
	s20 =	sshll.u32 s5, $0x1;
	s5 =	sadd.s32 s21, s3  }
0xa3: {  	[timem:s7], [sflag:s22] =	dma.local [hbm:s5], s20  }
0xa4: {  	_ =	swait.ge [sflag:s22], s20  }
0xa5: {  	s4 =	ssub.s32 $0x0, s20;
	[sflag:s22] =	ssyncset.done $0x0  }
0xa6: {  	[sflag:s22] =	ssyncadd.s32 s4;
	_ =	sdelay $0x1  }
0xa7: {  	s23 =	simm.s32 $0x1B8B  }
0xa8: {  	_ =	swait.ge [sflag:s23], $0x1  }
0xa9: {  	[sflag:s23] =	ssyncset.done $0x0  }
0xaa: {  	s25 =	simm.s32 $0x1B8E;
	s24 =	sld [smem:$0x3FFE];
	[sflag:s23] =	ssyncadd.s32 $0xFFFFFFFF  }
0xab: {  	s26 =	simm.s32 $execute0_lowered;
	[smem:$0x3FD2] =	sst s25  }
0xac: {  	s5 =	sshll.u32 s26, $0x1;
	_ =	strace $0x8000004C;
	[dreg:$0x1] =	wrdreg $0xFFFFFFFF  }
0xad: {  	s28 =	simm.s32 $_size_execute0_lowered;
	s3 =	sadd.s32 s3, s5;
	[dreg:$0x0] =	wrdreg $0x0  }
0xae: {  	s5 =	sshll.u32 s28, $0x1;
	[dreg:$0x2] =	wrdreg s3  }
0xaf: {  	[dreg:$0x3] =	wrdreg s5  }
0xb0: {  	[dreg:$0x4] =	wrdreg $0xC0  }
0xb1: {  	_ =	task [dreg:s7], $0x5FFFF  }
0xb2: {  	[dreg:$0x1] =	wrdreg $0xFFFFFFFF  }
0xb3: {  	[dreg:$0x0] =	wrdreg $0x60  }
0xb4: {  	[dreg:$0x2] =	wrdreg s24  }
0xb5: {  	[dreg:$0x3] =	wrdreg s16  }
0xb6: {  	[dreg:$0x4] =	wrdreg $0x10D600  }
0xb7: {  	[dreg:$0x5] =	wrdreg $0x9  }
0xb8: {  	_ =	task.clear_ibuf [dreg:s7], $0x6FFFF;
	_ =	strace $0x9000004C  }
0xb9: {  	s29 =	simm.s32 $0x9;
	_ =	strace $0x8000004E  }
0xba: {  	_ =	swait.ge [sflag:s29], $0x1  }
0xbb: {  	[sflag:s29] =	ssyncadd.s32 $0xFFFFFFFF  }
0xbc: {  	_ =	strace $0x9000004E  }
0xbd: {  	_ =	sfence  }
0xbe: {  	s30 =	sld [smem:$0x0];
	_ =	sdelay $0x2  }
0xbf: {  	s31 =	sshll.u32 s1, $0xD;
	s1 =	sshrl.u32 s1, $0x2  }
0xc0: {  	s3 =	sand.u32 $0x4000, s31;
	s1 =	sadd.s32 s1, s30  }
0xc1: {  	s0 =	sor.u32 s3, s0;
	s1 =	sshll.u32 s1, $0x11  }
0xc2: {  	s0 =	sor.u32 s1, s0  }
0xc3: {  	s0 =	sadd.s32 $0x8F2B, s0  }
0xc4: {  	[sflag:s0] =	ssyncadd.remote.s32 $0x1  }
0xc5: {  	_ =	sfence.sel $0xFFFF  }
0xc6: {  	[dreg:$0x0] =	wrdreg $0xFFFFFFFF;
	(pc) =	sbr.abs _section_cstart, $3  }
0xc7: {  	[dreg:$0x1] =	wrdreg $0xFFFFFFFF  }
0xc8: {  	_ =	task.clear_ibuf [dreg:s7], $0x2FFFF;
	_ =	strace $0x9FFFFFFF  }
0xc9: {  	(tm) =	ssettm $0x7FFFFFFF  }
tec
execute0_lowered:
.L_overlay_start_1:
0x0: {  	(tag) =	ssettag $0x1  }
0x1: {  	s0 =	rddreg [dreg:$0x0];
	s1 =	srdreg.scid  }
0x2: {  	s8 =	stileid.u32;
	s3 =	rddreg [dreg:$0x1]  }
0x3: {  	s2 =	rddreg [dreg:$0x2];
	s7 =	simm.s32 $0x0;
	s14 =	simm.s32 $0x11  }
0x4: {  	s17 =	simm.s32 $0x50;
	s18 =	simm.s32 $0x4E20;
	s19 =	simm.s32 $0x6220  }
0x5: {  	s28 =	simm.s32 $0x2;
	s31 =	simm.s32 $0xB220;
	s29 =	simm.s32 $0x4  }
0x6: {  	s30 =	simm.s32 $0x9;
	s15 =	simm.s32 $0xB;
	s9 =	simm.s32 $0xC  }
0x7: {  	s10 =	simm.s32 $0xD;
	s11 =	simm.s32 $0xE;
	s12 =	simm.s32 $0xF  }
0x8: {  	s13 =	simm.s32 $0x10;
	s1 =	sand.u32 $0x1, s1;
	s5 =	smul.u32 $0x9C40, s8  }
0x9: {  	[smem:$0x7FF] =	sst s7;
	s7 =	simm.s32 $0x0;
	s4 =	smul.u32 $0x9C400, s1  }
0xa: {  	s6 =	sshll.u32 s1, $0x4;
	_ =	strace $0x8000004D;
	s1 =	ssub.s32 $0x2, s1  }
0xb: {  	s6 =	sor.u32 s8, s6;
	s8 =	smul.u32 $0x27100, s8;
	s21 =	sshrl.u32 s1, $0x1  }
0xc: {  	s4 =	sadd.s32 s5, s4;
	s6 =	smul.u32 $0x2710, s6;
	s1 =	ssub.s32 s1, s21  }
0xd: {  	s5 =	sadd.s32 s5, s2;
	s21 =	simm.s32 $0x7620;
	s20 =	sshrl.u32 s4, $0x3  }
0xe: {  	s4 =	sadd.s32 $0x3200, s0;
	s8 =	sshrl.u32 s8, $0x2;
	[dreg:$0x6] =	wrdreg s5  }
0xf: {  	s26 =	smax.u32 s1, $0x1;
	s1 =	simm.s32 $0x3;
	s6 =	sshrl.u32 s6, $0x3  }
0x10: {  	s22 =	sadd.s32 s8, s2;
	[dreg:$0xc] =	wrdreg s26;
	s6 =	sadd.s32 s3, s6  }
0x11: {  	s0 =	sadd.s32 s20, s0;
	s23 =	sadd.s32 $0x1F40, s22;
	[dreg:$0x4] =	wrdreg s6  }
0x12: {  	s26 =	simm.s32 $0x9E20;
	s24 =	sadd.s32 $0x3E80, s22;
	[dreg:$0x7] =	wrdreg s23  }
0x13: {  	s20 =	simm.s32 $0x6;
	s25 =	sadd.s32 $0x5DC0, s22;
	[dreg:$0x8] =	wrdreg s24  }
0x14: {  	s8 =	simm.s32 $0x8;
	s3 =	sadd.s32 $0x7D00, s22;
	[dreg:$0x9] =	wrdreg s25  }
0x15: {  	s0 =	sadd.s32 $0x16C00, s0;
	s22 =	simm.s32 $0x5;
	[dreg:$0xa] =	wrdreg s3  }
0x16: {  	s6 =	sadd.s32 $0x9C40, s6;
	[dreg:$0xb] =	wrdreg s0;
	s23 =	simm.s32 $0x8A20  }
0x17: {  	s24 =	simm.s32 $0x1;
	s25 =	simm.s32 $0xC620;
	s0 =	simm.s32 $0xDA20  }
0x18: {  	v0 =	vimm.f32 $0.0e+00;
	s3 =	simm.s32 $0xA;
	[dreg:$0x5] =	wrdreg s6;
	s6 =	simm.s32 $0x7  }
.LBB2_1:
0x19: {  	[dreg:$0xd] =	wrdreg s7  }
0x1a: {  	s5 =	simm.s32 $0x0;
	s16 =	rddreg [dreg:$0x4]  }
0x1b: {  	[tilespmem:s5], [sflag:$0x11] =	stream.linear.gather [hbm4b:s16+s5], $0x2710, $0x38;
	[tilespmem:$0x1A9A0] =	vst v63  }
0x1c: {  	_ =	swait.ge [sflag:s14], $0x2710  }
0x1d: {  	[sflag:s14] =	ssyncset.done $0x0  }
0x1e: {  	s16 =	simm.s32 $0x2710;
	s7 =	rddreg [dreg:$0x5];
	[sflag:s14] =	ssyncadd.s32 $0xFFFFD8F0  }
0x1f: {  	[tilespmem:s16], [sflag:$0x11] =	stream.linear.gather [hbm4b:s7+s5], $0x2710, $0x38;
	[tilespmem:$0x1A9A0] =	vst v63  }
0x20: {  	_ =	swait.ge [sflag:s14], $0x2710  }
0x21: {  	[sflag:s14] =	ssyncset.done $0x0  }
0x22: {  	s16 =	simm.s32 $0x100;
	s7 =	simm.s32 $0x0;
	[sflag:s14] =	ssyncadd.s32 $0xFFFFD8F0  }
.LBB2_2:
0x23: {  	p0 =	sne.s32 s16, $0x7C00;
	[tilespmem:s7+$0xEE50] =	vst v0;
	s5 =	smov.u32 s16;
	s16 =	sadd.s32 $0x100, s16  }
.Ltmp0:
0x24: {  	[tilespmem:s7+$0xEE40] =	vst v0;
	(pc) =	sbr.rel @p0 .LBB2_2-.Ltmp0, $3  }
0x25: {  	[tilespmem:s7+$0xEE20] =	vst v0  }
0x26: {  	[tilespmem:s7+$0xEE30] =	vst v0;
	_ =	sdelay $0x1  }
0x27: {  	s7 =	sshra.s32 s5, $0x2  }
0x28: {  	[tilespmem:s7+$0xEE50] =	vst v0  }
0x29: {  	[tilespmem:s7+$0xEE40] =	vst v0  }
0x2a: {  	[tilespmem:s7+$0xEE20] =	vst v0  }
0x2b: {  	[tilespmem:s7+$0xEE30] =	vst v0;
	s5 =	rddreg [dreg:$0x6];
	s7 =	simm.s32 $0xEE20  }
0x2c: {  	[spmem:s5] =	stream.linear.scatter [tilespmem:s7], [sflag:$0x11], $0x1F40, $0x38;
	[tilespmem:$0x1A9A0] =	vst v63  }
0x2d: {  	_ =	swait.ge [sflag:s14], $0x1F40  }
0x2e: {  	[sflag:s14] =	ssyncset.done $0x0  }
0x2f: {  	s16 =	rddreg [dreg:$0x7];
	[sflag:s14] =	ssyncadd.s32 $0xFFFFE0C0  }
0x30: {  	[spmem:s16] =	stream.linear.scatter [tilespmem:s7], [sflag:$0x11], $0x1F40, $0x38;
	[tilespmem:$0x1A9A0] =	vst v63  }
0x31: {  	_ =	swait.ge [sflag:s14], $0x1F40  }
0x32: {  	[sflag:s14] =	ssyncset.done $0x0  }
0x33: {  	s16 =	rddreg [dreg:$0x8];
	[sflag:s14] =	ssyncadd.s32 $0xFFFFE0C0  }
0x34: {  	[spmem:s16] =	stream.linear.scatter [tilespmem:s7], [sflag:$0x11], $0x1F40, $0x38;
	[tilespmem:$0x1A9A0] =	vst v63  }
0x35: {  	_ =	swait.ge [sflag:s14], $0x1F40  }
0x36: {  	[sflag:s14] =	ssyncset.done $0x0  }
0x37: {  	s16 =	rddreg [dreg:$0x9];
	[sflag:s14] =	ssyncadd.s32 $0xFFFFE0C0  }
0x38: {  	[spmem:s16] =	stream.linear.scatter [tilespmem:s7], [sflag:$0x11], $0x1F40, $0x38;
	[tilespmem:$0x1A9A0] =	vst v63  }
0x39: {  	_ =	swait.ge [sflag:s14], $0x1F40  }
0x3a: {  	[sflag:s14] =	ssyncset.done $0x0  }
0x3b: {  	s16 =	rddreg [dreg:$0xa];
	[sflag:s14] =	ssyncadd.s32 $0xFFFFE0C0  }
0x3c: {  	[spmem:s16] =	stream.linear.scatter [tilespmem:s7], [sflag:$0x11], $0x1F40, $0x38;
	[tilespmem:$0x1A9A0] =	vst v63  }
0x3d: {  	_ =	swait.ge [sflag:s14], $0x1F40  }
0x3e: {  	[sflag:s14] =	ssyncset.done $0x0  }
0x3f: {  	[sflag:s14] =	ssyncadd.s32 $0xFFFFE0C0  }
0x40: {  	s7 =	simm.s32 $0x0;
	[bflag:$0x0] =	sbarrier.arrive $0xFFFF  }
0x41: {  	[tilespmem:s18], [sflag:$0x1] =	stream.indirect.gather [hbm4b:s4+s17], $0x40, s7, s17, $0xb8;
	[tilespmem:$0x1A9A0] =	vst v63  }
0x42: {  	_ = 	snop  }
0x43: {  	[tilespmem:s19], [sflag:$0x2] =	stream.indirect.gather [hbm4b:s4+s17], $0x40, s17, s17, $0xb8;
	[tilespmem:$0x1A9A0] =	vst v63  }
0x44: {  	s16 =	simm.s32 $0xA0  }
0x45: {  	[tilespmem:s21], [sflag:$0x3] =	stream.indirect.gather [hbm4b:s4+s17], $0x40, s16, s17, $0xb8;
	[tilespmem:$0x1A9A0] =	vst v63  }
0x46: {  	s7 =	simm.s32 $0xF0  }
0x47: {  	[tilespmem:s23], [sflag:$0x4] =	stream.indirect.gather [hbm4b:s4+s17], $0x40, s7, s17, $0xb8;
	[tilespmem:$0x1A9A0] =	vst v63  }
0x48: {  	_ =	swait.ge [sflag:s24], $0x1400  }
0x49: {  	[sflag:s24] =	ssyncset.done $0x0  }
0x4a: {  	s16 =	simm.s32 $0x2710;
	[sflag:s24] =	ssyncadd.s32 $0xFFFFEC00  }
0x4b: {  	[spmem:s2] =	stream.indirect.scatter.add.f32 [tilespmem:s18], [sflag:$0x9], $0x40, s16, s17, $0xb8;
	[tilespmem:$0x1A9A0] =	vst v63  }
0x4c: {  	s7 =	simm.s32 $0x140  }
0x4d: {  	[tilespmem:s26], [sflag:$0x5] =	stream.indirect.gather [hbm4b:s4+s17], $0x40, s7, s17, $0xb8;
	[tilespmem:$0x1A9A0] =	vst v63  }
0x4e: {  	_ =	swait.ge [sflag:s28], $0x1400  }
0x4f: {  	[sflag:s28] =	ssyncset.done $0x0  }
0x50: {  	s16 =	simm.s32 $0x2760;
	[sflag:s28] =	ssyncadd.s32 $0xFFFFEC00  }
0x51: {  	[spmem:s2] =	stream.indirect.scatter.add.f32 [tilespmem:s19], [sflag:$0xA], $0x40, s16, s17, $0xb8;
	[tilespmem:$0x1A9A0] =	vst v63  }
0x52: {  	s7 =	simm.s32 $0x190  }
0x53: {  	[tilespmem:s31], [sflag:$0x6] =	stream.indirect.gather [hbm4b:s4+s17], $0x40, s7, s17, $0xb8;
	[tilespmem:$0x1A9A0] =	vst v63  }
0x54: {  	_ =	swait.ge [sflag:s1], $0x1400  }
0x55: {  	[sflag:s1] =	ssyncset.done $0x0  }
0x56: {  	s16 =	simm.s32 $0x27B0;
	[sflag:s1] =	ssyncadd.s32 $0xFFFFEC00  }
0x57: {  	[spmem:s2] =	stream.indirect.scatter.add.f32 [tilespmem:s21], [sflag:$0xB], $0x40, s16, s17, $0xb8;
	[tilespmem:$0x1A9A0] =	vst v63  }
0x58: {  	s7 =	simm.s32 $0x1E0  }
0x59: {  	[tilespmem:s25], [sflag:$0x7] =	stream.indirect.gather [hbm4b:s4+s17], $0x40, s7, s17, $0xb8;
	[tilespmem:$0x1A9A0] =	vst v63  }
0x5a: {  	_ =	swait.ge [sflag:s29], $0x1400  }
0x5b: {  	[sflag:s29] =	ssyncset.done $0x0  }
0x5c: {  	s16 =	simm.s32 $0x2800;
	[sflag:s29] =	ssyncadd.s32 $0xFFFFEC00  }
0x5d: {  	[spmem:s2] =	stream.indirect.scatter.add.f32 [tilespmem:s23], [sflag:$0xC], $0x40, s16, s17, $0xb8;
	[tilespmem:$0x1A9A0] =	vst v63  }
0x5e: {  	s7 =	simm.s32 $0x230  }
0x5f: {  	[tilespmem:s0], [sflag:$0x8] =	stream.indirect.gather [hbm4b:s4+s17], $0x40, s7, s17, $0xb8;
	[tilespmem:$0x1A9A0] =	vst v63  }
0x60: {  	_ =	swait.ge [sflag:s22], $0x1400  }
0x61: {  	[sflag:s22] =	ssyncset.done $0x0  }
0x62: {  	s16 =	simm.s32 $0x2850;
	[sflag:s22] =	ssyncadd.s32 $0xFFFFEC00  }
0x63: {  	[spmem:s2] =	stream.indirect.scatter.add.f32 [tilespmem:s26], [sflag:$0xD], $0x40, s16, s17, $0xb8;
	[tilespmem:$0x1A9A0] =	vst v63  }
0x64: {  	_ =	swait.ge [sflag:s30], $0x1400  }
0x65: {  	[sflag:s30] =	ssyncset.done $0x0  }
0x66: {  	s7 =	simm.s32 $0x280;
	[sflag:s30] =	ssyncadd.s32 $0xFFFFEC00  }
0x67: {  	[tilespmem:s18], [sflag:$0x1] =	stream.indirect.gather [hbm4b:s4+s17], $0x40, s7, s17, $0xb8;
	[tilespmem:$0x1A9A0] =	vst v63  }
0x68: {  	_ =	swait.ge [sflag:s20], $0x1400  }
0x69: {  	[sflag:s20] =	ssyncset.done $0x0  }
0x6a: {  	s16 =	simm.s32 $0x28A0;
	[sflag:s20] =	ssyncadd.s32 $0xFFFFEC00  }
0x6b: {  	[spmem:s2] =	stream.indirect.scatter.add.f32 [tilespmem:s31], [sflag:$0xE], $0x40, s16, s17, $0xb8;
	[tilespmem:$0x1A9A0] =	vst v63  }
0x6c: {  	_ =	swait.ge [sflag:s3], $0x1400  }
0x6d: {  	[sflag:s3] =	ssyncset.done $0x0  }
0x6e: {  	s7 =	simm.s32 $0x2D0;
	[sflag:s3] =	ssyncadd.s32 $0xFFFFEC00  }
0x6f: {  	[tilespmem:s19], [sflag:$0x2] =	stream.indirect.gather [hbm4b:s4+s17], $0x40, s7, s17, $0xb8;
	[tilespmem:$0x1A9A0] =	vst v63  }
0x70: {  	_ =	swait.ge [sflag:s6], $0x1400  }
0x71: {  	[sflag:s6] =	ssyncset.done $0x0  }
0x72: {  	s16 =	simm.s32 $0x28F0;
	[sflag:s6] =	ssyncadd.s32 $0xFFFFEC00  }
0x73: {  	[spmem:s2] =	stream.indirect.scatter.add.f32 [tilespmem:s25], [sflag:$0xF], $0x40, s16, s17, $0xb8;
	[tilespmem:$0x1A9A0] =	vst v63  }
0x74: {  	_ =	swait.ge [sflag:s15], $0x1400  }
0x75: {  	[sflag:s15] =	ssyncset.done $0x0  }
0x76: {  	s7 =	simm.s32 $0x320;
	[sflag:s15] =	ssyncadd.s32 $0xFFFFEC00  }
0x77: {  	[tilespmem:s21], [sflag:$0x3] =	stream.indirect.gather [hbm4b:s4+s17], $0x40, s7, s17, $0xb8;
	[tilespmem:$0x1A9A0] =	vst v63  }
0x78: {  	_ =	swait.ge [sflag:s8], $0x1400  }
0x79: {  	[sflag:s8] =	ssyncset.done $0x0  }
0x7a: {  	s16 =	simm.s32 $0x2940;
	[sflag:s8] =	ssyncadd.s32 $0xFFFFEC00  }
0x7b: {  	[spmem:s2] =	stream.indirect.scatter.add.f32 [tilespmem:s0], [sflag:$0x10], $0x40, s16, s17, $0xb8;
	[tilespmem:$0x1A9A0] =	vst v63  }
0x7c: {  	_ =	swait.ge [sflag:s9], $0x1400  }
0x7d: {  	[sflag:s9] =	ssyncset.done $0x0  }
0x7e: {  	s7 =	simm.s32 $0x370;
	[sflag:s9] =	ssyncadd.s32 $0xFFFFEC00  }
0x7f: {  	[tilespmem:s23], [sflag:$0x4] =	stream.indirect.gather [hbm4b:s4+s17], $0x40, s7, s17, $0xb8;
	[tilespmem:$0x1A9A0] =	vst v63  }
0x80: {  	_ =	swait.ge [sflag:s24], $0x1400  }
0x81: {  	[sflag:s24] =	ssyncset.done $0x0  }
0x82: {  	s16 =	simm.s32 $0x2990;
	[sflag:s24] =	ssyncadd.s32 $0xFFFFEC00  }
0x83: {  	[spmem:s2] =	stream.indirect.scatter.add.f32 [tilespmem:s18], [sflag:$0x9], $0x40, s16, s17, $0xb8;
	[tilespmem:$0x1A9A0] =	vst v63  }
0x84: {  	_ =	swait.ge [sflag:s10], $0x1400  }
0x85: {  	[sflag:s10] =	ssyncset.done $0x0  }
0x86: {  	s7 =	simm.s32 $0x3C0;
	[sflag:s10] =	ssyncadd.s32 $0xFFFFEC00  }
0x87: {  	[tilespmem:s26], [sflag:$0x5] =	stream.indirect.gather [hbm4b:s4+s17], $0x40, s7, s17, $0xb8;
	[tilespmem:$0x1A9A0] =	vst v63  }
0x88: {  	_ =	swait.ge [sflag:s28], $0x1400  }
0x89: {  	[sflag:s28] =	ssyncset.done $0x0  }
0x8a: {  	s16 =	simm.s32 $0x29E0;
	[sflag:s28] =	ssyncadd.s32 $0xFFFFEC00  }
0x8b: {  	[spmem:s2] =	stream.indirect.scatter.add.f32 [tilespmem:s19], [sflag:$0xA], $0x40, s16, s17, $0xb8;
	[tilespmem:$0x1A9A0] =	vst v63  }
0x8c: {  	_ =	swait.ge [sflag:s11], $0x1400  }
0x8d: {  	[sflag:s11] =	ssyncset.done $0x0  }
0x8e: {  	s7 =	simm.s32 $0x410;
	[sflag:s11] =	ssyncadd.s32 $0xFFFFEC00  }
0x8f: {  	[tilespmem:s31], [sflag:$0x6] =	stream.indirect.gather [hbm4b:s4+s17], $0x40, s7, s17, $0xb8;
	[tilespmem:$0x1A9A0] =	vst v63  }
0x90: {  	_ =	swait.ge [sflag:s1], $0x1400  }
0x91: {  	[sflag:s1] =	ssyncset.done $0x0  }
0x92: {  	s16 =	simm.s32 $0x2A30;
	[sflag:s1] =	ssyncadd.s32 $0xFFFFEC00  }
0x93: {  	[spmem:s2] =	stream.indirect.scatter.add.f32 [tilespmem:s21], [sflag:$0xB], $0x40, s16, s17, $0xb8;
	[tilespmem:$0x1A9A0] =	vst v63  }
0x94: {  	_ =	swait.ge [sflag:s12], $0x1400  }
0x95: {  	[sflag:s12] =	ssyncset.done $0x0  }
0x96: {  	s7 =	simm.s32 $0x460;
	[sflag:s12] =	ssyncadd.s32 $0xFFFFEC00  }
0x97: {  	[tilespmem:s25], [sflag:$0x7] =	stream.indirect.gather [hbm4b:s4+s17], $0x40, s7, s17, $0xb8;
	[tilespmem:$0x1A9A0] =	vst v63  }
0x98: {  	_ =	swait.ge [sflag:s29], $0x1400  }
0x99: {  	[sflag:s29] =	ssyncset.done $0x0  }
0x9a: {  	s16 =	simm.s32 $0x2A80;
	[sflag:s29] =	ssyncadd.s32 $0xFFFFEC00  }
0x9b: {  	[spmem:s2] =	stream.indirect.scatter.add.f32 [tilespmem:s23], [sflag:$0xC], $0x40, s16, s17, $0xb8;
	[tilespmem:$0x1A9A0] =	vst v63  }
0x9c: {  	_ =	swait.ge [sflag:s13], $0x1400  }
0x9d: {  	[sflag:s13] =	ssyncset.done $0x0  }
0x9e: {  	s7 =	simm.s32 $0xA00;
	s16 =	simm.s32 $0x4B0;
	[sflag:s13] =	ssyncadd.s32 $0xFFFFEC00  }
.LBB2_4:
0x9f: {  	[tilespmem:s0], [sflag:$0x8] =	stream.indirect.gather [hbm4b:s4+s17], $0x40, s16, s17, $0xb8;
	[tilespmem:$0x1A9A0] =	vst v63  }
0xa0: {  	s5 =	smov.u32 s7  }
0xa1: {  	p0 =	sne.s32 s7, $0x8200;
	s7 =	sadd.s32 $0xA00, s7;
	_ =	swait.ge [sflag:s22], $0x1400  }
0xa2: {  	s16 =	sshra.s32 s5, $0x2;
	[sflag:s22] =	ssyncset.done $0x0  }
0xa3: {  	s5 =	sadd.s32 $0x2850, s16;
	[sflag:s22] =	ssyncadd.s32 $0xFFFFEC00  }
0xa4: {  	[spmem:s2] =	stream.indirect.scatter.add.f32 [tilespmem:s26], [sflag:$0xD], $0x40, s5, s17, $0xb8;
	[tilespmem:$0x1A9A0] =	vst v63  }
0xa5: {  	_ =	swait.ge [sflag:s30], $0x1400  }
0xa6: {  	[sflag:s30] =	ssyncset.done $0x0  }
0xa7: {  	s5 =	sadd.s32 $0x280, s16;
	[sflag:s30] =	ssyncadd.s32 $0xFFFFEC00  }
0xa8: {  	[tilespmem:s18], [sflag:$0x1] =	stream.indirect.gather [hbm4b:s4+s17], $0x40, s5, s17, $0xb8;
	[tilespmem:$0x1A9A0] =	vst v63  }
0xa9: {  	_ =	swait.ge [sflag:s20], $0x1400  }
0xaa: {  	[sflag:s20] =	ssyncset.done $0x0  }
0xab: {  	s5 =	sadd.s32 $0x28A0, s16;
	[sflag:s20] =	ssyncadd.s32 $0xFFFFEC00  }
0xac: {  	[spmem:s2] =	stream.indirect.scatter.add.f32 [tilespmem:s31], [sflag:$0xE], $0x40, s5, s17, $0xb8;
	[tilespmem:$0x1A9A0] =	vst v63  }
0xad: {  	_ =	swait.ge [sflag:s3], $0x1400  }
0xae: {  	[sflag:s3] =	ssyncset.done $0x0  }
0xaf: {  	s5 =	sadd.s32 $0x2D0, s16;
	[sflag:s3] =	ssyncadd.s32 $0xFFFFEC00  }
0xb0: {  	[tilespmem:s19], [sflag:$0x2] =	stream.indirect.gather [hbm4b:s4+s17], $0x40, s5, s17, $0xb8;
	[tilespmem:$0x1A9A0] =	vst v63  }
0xb1: {  	_ =	swait.ge [sflag:s6], $0x1400  }
0xb2: {  	[sflag:s6] =	ssyncset.done $0x0  }
0xb3: {  	s5 =	sadd.s32 $0x28F0, s16;
	[sflag:s6] =	ssyncadd.s32 $0xFFFFEC00  }
0xb4: {  	[spmem:s2] =	stream.indirect.scatter.add.f32 [tilespmem:s25], [sflag:$0xF], $0x40, s5, s17, $0xb8;
	[tilespmem:$0x1A9A0] =	vst v63  }
0xb5: {  	_ =	swait.ge [sflag:s15], $0x1400  }
0xb6: {  	[sflag:s15] =	ssyncset.done $0x0  }
0xb7: {  	s5 =	sadd.s32 $0x320, s16;
	[sflag:s15] =	ssyncadd.s32 $0xFFFFEC00  }
0xb8: {  	[tilespmem:s21], [sflag:$0x3] =	stream.indirect.gather [hbm4b:s4+s17], $0x40, s5, s17, $0xb8;
	[tilespmem:$0x1A9A0] =	vst v63  }
0xb9: {  	_ =	swait.ge [sflag:s8], $0x1400  }
0xba: {  	[sflag:s8] =	ssyncset.done $0x0  }
0xbb: {  	s5 =	sadd.s32 $0x2940, s16;
	[sflag:s8] =	ssyncadd.s32 $0xFFFFEC00  }
0xbc: {  	[spmem:s2] =	stream.indirect.scatter.add.f32 [tilespmem:s0], [sflag:$0x10], $0x40, s5, s17, $0xb8;
	[tilespmem:$0x1A9A0] =	vst v63  }
0xbd: {  	_ =	swait.ge [sflag:s9], $0x1400  }
0xbe: {  	[sflag:s9] =	ssyncset.done $0x0  }
0xbf: {  	s5 =	sadd.s32 $0x370, s16;
	[sflag:s9] =	ssyncadd.s32 $0xFFFFEC00  }
0xc0: {  	[tilespmem:s23], [sflag:$0x4] =	stream.indirect.gather [hbm4b:s4+s17], $0x40, s5, s17, $0xb8;
	[tilespmem:$0x1A9A0] =	vst v63  }
0xc1: {  	_ =	swait.ge [sflag:s24], $0x1400  }
0xc2: {  	[sflag:s24] =	ssyncset.done $0x0  }
0xc3: {  	s5 =	sadd.s32 $0x2990, s16;
	[sflag:s24] =	ssyncadd.s32 $0xFFFFEC00  }
0xc4: {  	[spmem:s2] =	stream.indirect.scatter.add.f32 [tilespmem:s18], [sflag:$0x9], $0x40, s5, s17, $0xb8;
	[tilespmem:$0x1A9A0] =	vst v63  }
0xc5: {  	_ =	swait.ge [sflag:s10], $0x1400  }
0xc6: {  	[sflag:s10] =	ssyncset.done $0x0  }
0xc7: {  	s5 =	sadd.s32 $0x3C0, s16;
	[sflag:s10] =	ssyncadd.s32 $0xFFFFEC00  }
0xc8: {  	[tilespmem:s26], [sflag:$0x5] =	stream.indirect.gather [hbm4b:s4+s17], $0x40, s5, s17, $0xb8;
	[tilespmem:$0x1A9A0] =	vst v63  }
0xc9: {  	_ =	swait.ge [sflag:s28], $0x1400  }
0xca: {  	[sflag:s28] =	ssyncset.done $0x0  }
0xcb: {  	s5 =	sadd.s32 $0x29E0, s16;
	[sflag:s28] =	ssyncadd.s32 $0xFFFFEC00  }
0xcc: {  	[spmem:s2] =	stream.indirect.scatter.add.f32 [tilespmem:s19], [sflag:$0xA], $0x40, s5, s17, $0xb8;
	[tilespmem:$0x1A9A0] =	vst v63  }
0xcd: {  	_ =	swait.ge [sflag:s11], $0x1400  }
0xce: {  	[sflag:s11] =	ssyncset.done $0x0  }
0xcf: {  	s5 =	sadd.s32 $0x410, s16;
	[sflag:s11] =	ssyncadd.s32 $0xFFFFEC00  }
0xd0: {  	[tilespmem:s31], [sflag:$0x6] =	stream.indirect.gather [hbm4b:s4+s17], $0x40, s5, s17, $0xb8;
	[tilespmem:$0x1A9A0] =	vst v63  }
0xd1: {  	_ =	swait.ge [sflag:s1], $0x1400  }
0xd2: {  	[sflag:s1] =	ssyncset.done $0x0  }
0xd3: {  	s5 =	sadd.s32 $0x2A30, s16;
	[sflag:s1] =	ssyncadd.s32 $0xFFFFEC00  }
0xd4: {  	[spmem:s2] =	stream.indirect.scatter.add.f32 [tilespmem:s21], [sflag:$0xB], $0x40, s5, s17, $0xb8;
	[tilespmem:$0x1A9A0] =	vst v63  }
0xd5: {  	_ =	swait.ge [sflag:s12], $0x1400  }
0xd6: {  	[sflag:s12] =	ssyncset.done $0x0  }
0xd7: {  	s5 =	sadd.s32 $0x460, s16;
	[sflag:s12] =	ssyncadd.s32 $0xFFFFEC00  }
0xd8: {  	[tilespmem:s25], [sflag:$0x7] =	stream.indirect.gather [hbm4b:s4+s17], $0x40, s5, s17, $0xb8;
	[tilespmem:$0x1A9A0] =	vst v63  }
0xd9: {  	_ =	swait.ge [sflag:s29], $0x1400  }
0xda: {  	[sflag:s29] =	ssyncset.done $0x0  }
.Ltmp1:
0xdb: {  	s5 =	sadd.s32 $0x2A80, s16;
	[sflag:s29] =	ssyncadd.s32 $0xFFFFEC00;
	(pc) =	sbr.rel @p0 .LBB2_4-.Ltmp1, $4  }
0xdc: {  	[spmem:s2] =	stream.indirect.scatter.add.f32 [tilespmem:s23], [sflag:$0xC], $0x40, s5, s17, $0xb8;
	[tilespmem:$0x1A9A0] =	vst v63  }
0xdd: {  	_ =	swait.ge [sflag:s13], $0x1400  }
0xde: {  	[sflag:s13] =	ssyncset.done $0x0  }
0xdf: {  	s16 =	sadd.s32 $0x4B0, s16;
	[sflag:s13] =	ssyncadd.s32 $0xFFFFEC00  }
0xe0: {  	[tilespmem:s0], [sflag:$0x8] =	stream.indirect.gather [hbm4b:s4+s17], $0x40, s16, s17, $0xb8;
	[tilespmem:$0x1A9A0] =	vst v63  }
0xe1: {  	_ =	swait.ge [sflag:s22], $0x1400  }
0xe2: {  	[sflag:s22] =	ssyncset.done $0x0  }
0xe3: {  	s5 =	simm.s32 $0x4B50;
	[sflag:s22] =	ssyncadd.s32 $0xFFFFEC00  }
0xe4: {  	[spmem:s2] =	stream.indirect.scatter.add.f32 [tilespmem:s26], [sflag:$0xD], $0x40, s5, s17, $0xb8;
	[tilespmem:$0x1A9A0] =	vst v63  }
0xe5: {  	_ =	swait.ge [sflag:s30], $0x1400  }
0xe6: {  	[sflag:s30] =	ssyncset.done $0x0  }
0xe7: {  	s7 =	simm.s32 $0x2580;
	[sflag:s30] =	ssyncadd.s32 $0xFFFFEC00  }
0xe8: {  	[tilespmem:s18], [sflag:$0x1] =	stream.indirect.gather [hbm4b:s4+s17], $0x40, s7, s17, $0xb8;
	[tilespmem:$0x1A9A0] =	vst v63  }
0xe9: {  	_ =	swait.ge [sflag:s20], $0x1400  }
0xea: {  	[sflag:s20] =	ssyncset.done $0x0  }
0xeb: {  	s16 =	simm.s32 $0x4BA0;
	[sflag:s20] =	ssyncadd.s32 $0xFFFFEC00  }
0xec: {  	[spmem:s2] =	stream.indirect.scatter.add.f32 [tilespmem:s31], [sflag:$0xE], $0x40, s16, s17, $0xb8;
	[tilespmem:$0x1A9A0] =	vst v63  }
0xed: {  	_ =	swait.ge [sflag:s3], $0x1400  }
0xee: {  	[sflag:s3] =	ssyncset.done $0x0  }
0xef: {  	s7 =	simm.s32 $0x25D0;
	[sflag:s3] =	ssyncadd.s32 $0xFFFFEC00  }
0xf0: {  	[tilespmem:s19], [sflag:$0x2] =	stream.indirect.gather [hbm4b:s4+s17], $0x40, s7, s17, $0xb8;
	[tilespmem:$0x1A9A0] =	vst v63  }
0xf1: {  	_ =	swait.ge [sflag:s6], $0x1400  }
0xf2: {  	[sflag:s6] =	ssyncset.done $0x0  }
0xf3: {  	s16 =	simm.s32 $0x4BF0;
	[sflag:s6] =	ssyncadd.s32 $0xFFFFEC00  }
0xf4: {  	[spmem:s2] =	stream.indirect.scatter.add.f32 [tilespmem:s25], [sflag:$0xF], $0x40, s16, s17, $0xb8;
	[tilespmem:$0x1A9A0] =	vst v63  }
0xf5: {  	_ =	swait.ge [sflag:s15], $0x1400  }
0xf6: {  	[sflag:s15] =	ssyncset.done $0x0  }
0xf7: {  	s7 =	simm.s32 $0x2620;
	[sflag:s15] =	ssyncadd.s32 $0xFFFFEC00  }
0xf8: {  	[tilespmem:s21], [sflag:$0x3] =	stream.indirect.gather [hbm4b:s4+s17], $0x40, s7, s17, $0xb8;
	[tilespmem:$0x1A9A0] =	vst v63  }
0xf9: {  	_ =	swait.ge [sflag:s8], $0x1400  }
0xfa: {  	[sflag:s8] =	ssyncset.done $0x0  }
0xfb: {  	s16 =	simm.s32 $0x4C40;
	[sflag:s8] =	ssyncadd.s32 $0xFFFFEC00  }
0xfc: {  	[spmem:s2] =	stream.indirect.scatter.add.f32 [tilespmem:s0], [sflag:$0x10], $0x40, s16, s17, $0xb8;
	[tilespmem:$0x1A9A0] =	vst v63  }
0xfd: {  	_ =	swait.ge [sflag:s9], $0x1400  }
0xfe: {  	[sflag:s9] =	ssyncset.done $0x0  }
0xff: {  	s7 =	simm.s32 $0x2670;
	[sflag:s9] =	ssyncadd.s32 $0xFFFFEC00  }
0x100: {  	[tilespmem:s23], [sflag:$0x4] =	stream.indirect.gather [hbm4b:s4+s17], $0x40, s7, s17, $0xb8;
	[tilespmem:$0x1A9A0] =	vst v63  }
0x101: {  	_ =	swait.ge [sflag:s24], $0x1400  }
0x102: {  	[sflag:s24] =	ssyncset.done $0x0  }
0x103: {  	s16 =	simm.s32 $0x4C90;
	[sflag:s24] =	ssyncadd.s32 $0xFFFFEC00  }
0x104: {  	[spmem:s2] =	stream.indirect.scatter.add.f32 [tilespmem:s18], [sflag:$0x9], $0x40, s16, s17, $0xb8;
	[tilespmem:$0x1A9A0] =	vst v63  }
0x105: {  	_ =	swait.ge [sflag:s10], $0x1400  }
0x106: {  	[sflag:s10] =	ssyncset.done $0x0  }
0x107: {  	s7 =	simm.s32 $0x26C0;
	[sflag:s10] =	ssyncadd.s32 $0xFFFFEC00  }
0x108: {  	[tilespmem:s26], [sflag:$0x5] =	stream.indirect.gather [hbm4b:s4+s17], $0x40, s7, s17, $0xb8;
	[tilespmem:$0x1A9A0] =	vst v63  }
0x109: {  	_ =	swait.ge [sflag:s28], $0x1400  }
0x10a: {  	[sflag:s28] =	ssyncset.done $0x0  }
0x10b: {  	s16 =	simm.s32 $0x4CE0;
	[sflag:s28] =	ssyncadd.s32 $0xFFFFEC00  }
0x10c: {  	[spmem:s2] =	stream.indirect.scatter.add.f32 [tilespmem:s19], [sflag:$0xA], $0x40, s16, s17, $0xb8;
	[tilespmem:$0x1A9A0] =	vst v63  }
0x10d: {  	_ =	swait.ge [sflag:s1], $0x1400  }
0x10e: {  	[sflag:s1] =	ssyncset.done $0x0  }
0x10f: {  	s7 =	simm.s32 $0x4D30;
	[sflag:s1] =	ssyncadd.s32 $0xFFFFEC00  }
0x110: {  	[spmem:s2] =	stream.indirect.scatter.add.f32 [tilespmem:s21], [sflag:$0xB], $0x40, s7, s17, $0xb8;
	[tilespmem:$0x1A9A0] =	vst v63  }
0x111: {  	_ =	swait.ge [sflag:s29], $0x1400  }
0x112: {  	[sflag:s29] =	ssyncset.done $0x0  }
0x113: {  	s16 =	simm.s32 $0x4D80;
	[sflag:s29] =	ssyncadd.s32 $0xFFFFEC00  }
0x114: {  	[spmem:s2] =	stream.indirect.scatter.add.f32 [tilespmem:s23], [sflag:$0xC], $0x40, s16, s17, $0xb8;
	[tilespmem:$0x1A9A0] =	vst v63  }
0x115: {  	_ =	swait.ge [sflag:s22], $0x1400  }
0x116: {  	[sflag:s22] =	ssyncset.done $0x0  }
0x117: {  	s7 =	simm.s32 $0x4DD0;
	[sflag:s22] =	ssyncadd.s32 $0xFFFFEC00  }
0x118: {  	[spmem:s2] =	stream.indirect.scatter.add.f32 [tilespmem:s26], [sflag:$0xD], $0x40, s7, s17, $0xb8;
	[tilespmem:$0x1A9A0] =	vst v63  }
0x119: {  	_ =	swait.ge [sflag:s11], $0x1400  }
0x11a: {  	[sflag:s11] =	ssyncset.done $0x0  }
0x11b: {  	[sflag:s11] =	ssyncadd.s32 $0xFFFFEC00  }
0x11c: {  	_ =	swait.ge [sflag:s12], $0x1400  }
0x11d: {  	[sflag:s12] =	ssyncset.done $0x0  }
0x11e: {  	[sflag:s12] =	ssyncadd.s32 $0xFFFFEC00  }
0x11f: {  	_ =	swait.ge [sflag:s13], $0x1400  }
0x120: {  	[sflag:s13] =	ssyncset.done $0x0  }
0x121: {  	[sflag:s13] =	ssyncadd.s32 $0xFFFFEC00  }
0x122: {  	_ =	swait.ge [sflag:s30], $0x1400  }
0x123: {  	[sflag:s30] =	ssyncset.done $0x0  }
0x124: {  	[sflag:s30] =	ssyncadd.s32 $0xFFFFEC00  }
0x125: {  	_ =	swait.ge [sflag:s3], $0x1400  }
0x126: {  	[sflag:s3] =	ssyncset.done $0x0  }
0x127: {  	[sflag:s3] =	ssyncadd.s32 $0xFFFFEC00  }
0x128: {  	_ =	swait.ge [sflag:s15], $0x1400  }
0x129: {  	[sflag:s15] =	ssyncset.done $0x0  }
0x12a: {  	[sflag:s15] =	ssyncadd.s32 $0xFFFFEC00  }
0x12b: {  	_ =	swait.ge [sflag:s9], $0x1400  }
0x12c: {  	[sflag:s9] =	ssyncset.done $0x0  }
0x12d: {  	[sflag:s9] =	ssyncadd.s32 $0xFFFFEC00  }
0x12e: {  	_ =	swait.ge [sflag:s10], $0x1400  }
0x12f: {  	[sflag:s10] =	ssyncset.done $0x0  }
0x130: {  	[sflag:s10] =	ssyncadd.s32 $0xFFFFEC00  }
0x131: {  	s16 =	stileid.u32;
	[bflag:$0x0] =	sbarrier.arrive $0xFFFF  }
0x132: {  	s5 =	sshll.u32 s16, $0x6;
	s7 =	rddreg [dreg:$0x6]  }
0x133: {  	s5 =	sor.u32 $0x1C11, s5;
	s16 =	rddreg [dreg:$0xb];
	s7 =	sshrl.u32 s7, $0x3  }
0x134: {  	[hbm:s16], [sflag:s5] =	dma.local [spmem:s7], $0x1388  }
0x135: {  	_ =	swait.ge [sflag:s14], $0x1388  }
0x136: {  	s5 =	rddreg [dreg:$0xd]  }
0x137: {  	s16 =	rddreg [dreg:$0xc];
	s7 =	sadd.s32 $0x1, s5  }
0x138: {  	p0 =	sne.s32 s7, s16  }
.Ltmp2:
0x139: {  	_ = 	snop;
	(pc) =	sbr.rel @p0 .LBB2_1-.Ltmp2, $3  }
0x13a: {  	_ =	sdelay $0x1  }
0x13b: {  	[sflag:s14] =	ssyncset.done $0x0  }
0x13c: {  	[sflag:s14] =	ssyncadd.s32 $0xFFFFEC78  }
0x13d: {  	_ =	sfence.sel $0x180000  }
0x13e: {  	[bflag:$0x0] =	sbarrier.arrive $0xFFFF  }
0x13f: {  	_ =	strace $0x9000004D  }
0x140: {  	s0 =	stileid.u32;
	[bflag:$0x2] =	sbarrier.arrive $0xFFFF  }
0x141: {  	p0 =	sne.s32 s0, $0x0;
	s0 =	rddreg [dreg:$0x3]  }
0x142: {  	s0 =	sadd.s32 @!p0 $0x100000, s0  }
0x143: {  	[sflag:s0] =	ssyncadd.tile.s32 @!p0 $0x1;
	_ =	shalt  }
.Lfunc_end2:
_tile_overlayer_lowered:
.L_overlay_start_2:
0x144: {  	(tag) =	ssettag $0x2  }
0x145: {  	s0 =	rddreg [dreg:$0x0];
	s2 =	stileid.u32  }
0x146: {  	s1 =	rddreg [dreg:$0x1];
	p0 =	sne.s32 s2, $0x0  }
0x147: {  	s3 =	rddreg [dreg:$0x2];
	[bflag:$0x3] =	sbarrier.arrive $0xFFFF;
	s2 =	simm.s32 @!p0 $0x1C11  }
0x148: {  	[timem:s3], [sflag:s2] =	dma.local @!p0 [hbm:s0], s1  }
0x149: {  	s0 =	simm.s32 @!p0 $0x11  }
0x14a: {  	_ =	swait.ge @!p0 [sflag:s0], s1  }
0x14b: {  	s1 =	ssub.s32 @!p0 $0x0, s1;
	[sflag:s0] =	ssyncset.done @!p0 $0x0  }
0x14c: {  	[sflag:s0] =	ssyncadd.s32 @!p0 s1  }
0x14d: {  	[bflag:$0x3] =	sbarrier.arrive $0xFFFF  }
0x14e: {  	_ =	shalt  }

// kernel: kernel.8.cloned.1.call-start
scs
__scs_entry_jumppad:
0x0: {  	(pc) =	sbr.rel $0x88, $3  }
0x1: {  	(tag) =	ssettag $0x0;
	lr =	simm.s32 $0x1  }
0x2: {  	[smem:$0x3F93] =	sst lr;
	_ =	strace $0xD0000000  }
0x3: {  	_ = 	snop  }
0x4: {  	_ = 	snop  }
0x5: {  	_ = 	snop  }
0x6: {  	_ = 	snop  }
0x7: {  	_ = 	snop  }
__scs_overlays_trampoline_lowered:
0x8: {  	[smem:$0x3FA2] =	sst s0  }
0x9: {  	[smem:$0x3FA3] =	sst s1  }
0xa: {  	[smem:$0x3FA4] =	sst s2  }
0xb: {  	[smem:$0x3FA5] =	sst s3  }
0xc: {  	[smem:$0x3FA6] =	sst s4  }
0xd: {  	[smem:$0x3FA7] =	sst s5  }
0xe: {  	[smem:$0x3FA8] =	sst s6  }
0xf: {  	[smem:$0x3FA9] =	sst s7  }
0x10: {  	[smem:$0x3FAA] =	sst s8  }
0x11: {  	[smem:$0x3FAB] =	sst s9;
	s0 =	simm.s32 @!p0 $0x0  }
0x12: {  	s1 =	sld [smem:$0x3F91];
	s0 =	simm.s32 @p0 $0x1  }
0x13: {  	[smem:$0x3FAC] =	sst s0;
	s0 =	simm.s32 @!p1 $0x0  }
0x14: {  	s2 =	sld [smem:$0x3F90];
	s0 =	simm.s32 @p1 $0x1  }
0x15: {  	[smem:$0x3FAD] =	sst s0;
	s0 =	simm.s32 @!p2 $0x0  }
0x16: {  	s3 =	sld [smem:$0x3FDB];
	s0 =	simm.s32 @p2 $0x1  }
0x17: {  	s4 =	simm.s32 $0x1BF5;
	[smem:$0x3FAF] =	sst s0  }
0x18: {  	s0 =	sld [smem:$0x3F92];
	_ =	swait.ge [sflag:s4], $0x0  }
0x19: {  	s7 =	sld [smem:$0x3F93]  }
0x1a: {  	s8 =	sadd.s32 $0xFFFFE003, lr  }
0x1b: {  	s9 =	sadd.s32 $0xFFFFFEF7, lr;
	s5 =	simm.s32 $0xFFFFFFFF;
	p2 =	slt.u32 s8, $0xFFFFF086  }
0x1c: {  	p1 =	slt.u32 s9, $0xF7A;
	s5 =	simm.s32 @!p2 $0x0  }
0x1d: {  	s5 =	simm.s32 @p1 $0x1;
	p0 =	seq.s32 s7, s2  }
0x1e: {  	s7 =	smul.u32 @!p0 $0xF7A, s2;
	p2 =	seq.s32 @!p0 s5, $0x0  }
0x1f: {  	s9 =	smul.u32 $0xF7A, s1;
	s8 =	simm.s32 @!p0 $0x1BF5;
	p2 =	por !p2, p0  }
0x20: {  	[sflag:s8] =	ssyncset.s32 @!p0 $0xFFFFF086;
	s6 =	sadd.s32 @!p0 s3, s7;
	s7 =	simm.s32 @!p0 $0x108  }
0x21: {  	s3 =	sadd.s32 s3, s9;
	s6 =	sadd.s32 @!p0 $0x88, s6;
	s7 =	simm.s32 @p2 $0x1082  }
0x22: {  	[simem:s7], [sflag:s8] =	dma.local @!p0 [hbm:s6], $0xF7A  }
0x23: {  	s9 =	sor.u32 $0xD0000000, s2;
	s6 =	simm.s32 $0x108;
	_ =	swait.ge @!p0 [sflag:s8], $0x0  }
0x24: {  	s3 =	sadd.s32 $0x88, s3;
	s6 =	simm.s32 @!p1 $0x1082;
	[sflag:s4] =	ssyncset.s32 $0xFFFFF086  }
0x25: {  	[simem:s6], [sflag:s4] =	dma.local [hbm:s3], $0xF7A  }
0x26: {  	[smem:$0x3F93] =	sst s1;
	(tag) =	ssettag s2;
	_ =	strace s9  }
0x27: {  	s1 =	sld [smem:$0x3FA3]  }
0x28: {  	s2 =	sld [smem:$0x3FA4]  }
0x29: {  	s4 =	sld [smem:$0x3FA6]  }
0x2a: {  	p0 =	seq.s32 s5, $0x0;
	s5 =	sld [smem:$0x3FA7]  }
0x2b: {  	s6 =	sld [smem:$0x3FA8]  }
0x2c: {  	s7 =	sld [smem:$0x3FA9]  }
0x2d: {  	s3 =	simm.s32 $0x108;
	s8 =	sld [smem:$0x3FAA]  }
0x2e: {  	s3 =	simm.s32 @!p0 $0x1082;
	s9 =	sld [smem:$0x3FAB]  }
0x2f: {  	lr =	sadd.s32 s0, s3;
	s0 =	sld [smem:$0x3FA2]  }
0x30: {  	s3 =	sld [smem:$0x3FA5]  }
0x31: {  	[smem:$0x3FAE] =	sst s10  }
0x32: {  	s10 =	sld [smem:$0x3FAC];
	_ =	sdelay $0x3  }
0x33: {  	p0 =	seq.s32 s10, $0x1;
	s10 =	sld [smem:$0x3FAE];
	_ =	sdelay $0x3  }
0x34: {  	[smem:$0x3FAE] =	sst s10  }
0x35: {  	s10 =	sld [smem:$0x3FAD];
	_ =	sdelay $0x3  }
0x36: {  	p1 =	seq.s32 s10, $0x1;
	s10 =	sld [smem:$0x3FAE];
	_ =	sdelay $0x3  }
0x37: {  	[smem:$0x3FAE] =	sst s10  }
0x38: {  	s10 =	sld [smem:$0x3FAF]  }
0x39: {  	_ = 	snop;
	(pc) =	sbr.ind lr, $3  }
0x3a: {  	_ = 	snop  }
0x3b: {  	_ = 	snop  }
0x3c: {  	p2 =	seq.s32 s10, $0x1;
	s10 =	sld [smem:$0x3FAE]  }
0x3d: {  	_ =	shalt  }
0x3e: {  	_ =	shalt  }
0x3f: {  	_ =	shalt  }
0x40: {  	_ =	shalt  }
0x41: {  	_ =	shalt  }
0x42: {  	_ =	shalt  }
0x43: {  	_ =	shalt  }
0x44: {  	_ =	shalt  }
0x45: {  	_ =	shalt  }
0x46: {  	_ =	shalt  }
0x47: {  	_ =	shalt  }
0x48: {  	_ =	shalt  }
0x49: {  	_ =	shalt  }
0x4a: {  	_ =	shalt  }
0x4b: {  	_ =	shalt  }
0x4c: {  	_ =	shalt  }
0x4d: {  	_ =	shalt  }
0x4e: {  	_ =	shalt  }
0x4f: {  	_ =	shalt  }
0x50: {  	_ =	shalt  }
0x51: {  	_ =	shalt  }
0x52: {  	_ =	shalt  }
0x53: {  	_ =	shalt  }
0x54: {  	_ =	shalt  }
0x55: {  	_ =	shalt  }
0x56: {  	_ =	shalt  }
0x57: {  	_ =	shalt  }
0x58: {  	_ =	shalt  }
0x59: {  	_ =	shalt  }
0x5a: {  	_ =	shalt  }
0x5b: {  	_ =	shalt  }
0x5c: {  	_ =	shalt  }
0x5d: {  	_ =	shalt  }
0x5e: {  	_ =	shalt  }
0x5f: {  	_ =	shalt  }
0x60: {  	_ =	shalt  }
0x61: {  	_ =	shalt  }
0x62: {  	_ =	shalt  }
0x63: {  	_ =	shalt  }
0x64: {  	_ =	shalt  }
0x65: {  	_ =	shalt  }
0x66: {  	_ =	shalt  }
0x67: {  	_ =	shalt  }
0x68: {  	_ =	shalt  }
0x69: {  	_ =	shalt  }
0x6a: {  	_ =	shalt  }
0x6b: {  	_ =	shalt  }
0x6c: {  	_ =	shalt  }
0x6d: {  	_ =	shalt  }
0x6e: {  	_ =	shalt  }
0x6f: {  	_ =	shalt  }
0x70: {  	_ =	shalt  }
0x71: {  	_ =	shalt  }
0x72: {  	_ =	shalt  }
0x73: {  	_ =	shalt  }
0x74: {  	_ =	shalt  }
0x75: {  	_ =	shalt  }
0x76: {  	_ =	shalt  }
0x77: {  	_ =	shalt  }
0x78: {  	_ =	shalt  }
0x79: {  	_ =	shalt  }
0x7a: {  	_ =	shalt  }
0x7b: {  	_ =	shalt  }
0x7c: {  	_ =	shalt  }
0x7d: {  	_ =	shalt  }
0x7e: {  	_ =	shalt  }
0x7f: {  	_ =	shalt  }
0x80: {  	_ =	shalt  }
0x81: {  	_ =	shalt  }
0x82: {  	_ =	shalt  }
0x83: {  	_ =	shalt  }
0x84: {  	_ =	shalt  }
0x85: {  	_ =	shalt  }
0x86: {  	_ =	shalt  }
0x87: {  	_ =	shalt  }
.Lfunc_end0:
.L_simem_size_0:
called_computation_lowered:
.L_overlay_start_0:
0x88: {  	s2 =	sld [smem:$0x3FD9]  }
0x89: {  	s3 =	sld [smem:$0x3FFE];
	_ =	sdelay $0x1  }
0x8a: {  	s1 =	srdreg.scid  }
0x8b: {  	s0 =	sand.u32 $0x1, s1  }
0x8c: {  	s15 =	sshll.u32 s0, $0xA;
	s2 =	sadd.s32 s3, s2  }
0x8d: {  	s2 =	sadd.s32 s2, s15  }
0x8e: {  	[smem:$0x3FBA] =	sst s2  }
0x8f: {  	_ = 	snop  }
0x90: {  	s2 =	sld [smem:$0x3FD0];
	_ =	sdelay $0x2  }
0x91: {  	s16 =	simm.s32 $0xA;
	s4 =	simm.s32 $0x10  }
0x92: {  	[smem:s4], [sflag:s16] =	dma.local [hbm:s2], $0x1  }
0x93: {  	_ =	swait.eq [sflag:s16], $0x1  }
0x94: {  	[sflag:s16] =	ssyncset.done $0x0  }
0x95: {  	s17 =	sld [smem:$0x10];
	[sflag:s16] =	ssyncadd.s32 $0xFFFFFFFF  }
0x96: {  	s18 =	sld [smem:$0x11];
	(tm) =	ssettm $0x1  }
0x97: {  	s19 =	sld [smem:$0x3FFB];
	_ =	sdelay $0x3  }
0x98: {  	_ =	strace s19  }
0x99: {  	s4 =	sld [smem:$0x3FFC];
	_ =	sdelay $0x3  }
0x9a: {  	_ =	strace s4  }
0x9b: {  	s4 =	sld [smem:$0x3FFD];
	_ =	sdelay $0x3  }
0x9c: {  	_ =	strace s4  }
0x9d: {  	_ =	strace $0x8FFFFFFF  }
0x9e: {  	s20 =	sld [smem:$0x3FDB];
	_ =	sdelay $0x1  }
0x9f: {  	s5 =	simm.s32 $_scs_section_size  }
0xa0: {  	s6 =	simm.s32 $_size__tile_overlayer_lowered;
	s7 =	simm.s32 $_tile_overlayer_lowered  }
0xa1: {  	s23 =	simm.s32 $0x1BFF;
	s22 =	sshll.u32 s7, $0x1;
	s4 =	sadd.s32 s5, s20  }
0xa2: {  	s8 =	simm.s32 $0x0;
	s21 =	sshll.u32 s6, $0x1;
	s6 =	sadd.s32 s22, s4  }
0xa3: {  	[timem:s8], [sflag:s23] =	dma.local [hbm:s6], s21  }
0xa4: {  	_ =	swait.ge [sflag:s23], s21  }
0xa5: {  	s5 =	ssub.s32 $0x0, s21;
	[sflag:s23] =	ssyncset.done $0x0  }
0xa6: {  	[sflag:s23] =	ssyncadd.s32 s5;
	_ =	sdelay $0x1  }
0xa7: {  	s24 =	simm.s32 $0x1B8B  }
0xa8: {  	_ =	swait.ge [sflag:s24], $0x1  }
0xa9: {  	[sflag:s24] =	ssyncset.done $0x0  }
0xaa: {  	s25 =	simm.s32 $0x1B8E;
	[sflag:s24] =	ssyncadd.s32 $0xFFFFFFFF  }
0xab: {  	s26 =	simm.s32 $execute0_lowered;
	[smem:$0x3FD2] =	sst s25  }
0xac: {  	s5 =	sshll.u32 s26, $0x1;
	_ =	strace $0x80000046;
	[dreg:$0x1] =	wrdreg $0xFFFFFFFF  }
0xad: {  	s28 =	simm.s32 $_size_execute0_lowered;
	s4 =	sadd.s32 s4, s5;
	[dreg:$0x0] =	wrdreg $0x0  }
0xae: {  	s5 =	sshll.u32 s28, $0x1;
	[dreg:$0x2] =	wrdreg s4  }
0xaf: {  	[dreg:$0x3] =	wrdreg s5  }
0xb0: {  	[dreg:$0x4] =	wrdreg $0xC0  }
0xb1: {  	_ =	task [dreg:s8], $0x5FFFF  }
0xb2: {  	[dreg:$0x1] =	wrdreg $0xFFFFFFFF  }
0xb3: {  	[dreg:$0x0] =	wrdreg $0x60  }
0xb4: {  	[dreg:$0x2] =	wrdreg s17  }
0xb5: {  	[dreg:$0x3] =	wrdreg s18  }
0xb6: {  	[dreg:$0x4] =	wrdreg $0x51E00  }
0xb7: {  	[dreg:$0x5] =	wrdreg $0x9  }
0xb8: {  	_ =	task.clear_ibuf [dreg:s8], $0x6FFFF;
	_ =	strace $0x90000046  }
0xb9: {  	s29 =	simm.s32 $0x9;
	_ =	strace $0x80000048  }
0xba: {  	_ =	swait.ge [sflag:s29], $0x1  }
0xbb: {  	[sflag:s29] =	ssyncadd.s32 $0xFFFFFFFF  }
0xbc: {  	_ =	strace $0x90000048  }
0xbd: {  	_ =	sfence  }
0xbe: {  	s30 =	sld [smem:$0x0];
	_ =	sdelay $0x2  }
0xbf: {  	s31 =	sshll.u32 s1, $0xD;
	s1 =	sshrl.u32 s1, $0x2  }
0xc0: {  	s3 =	sand.u32 $0x4000, s31;
	s1 =	sadd.s32 s1, s30  }
0xc1: {  	s0 =	sor.u32 s3, s0;
	s1 =	sshll.u32 s1, $0x11  }
0xc2: {  	s0 =	sor.u32 s1, s0  }
0xc3: {  	s0 =	sadd.s32 $0x8F2B, s0  }
0xc4: {  	[sflag:s0] =	ssyncadd.remote.s32 $0x1  }
0xc5: {  	_ =	sfence.sel $0xFFFF  }
0xc6: {  	[dreg:$0x0] =	wrdreg $0xFFFFFFFF;
	(pc) =	sbr.abs _section_cstart, $3  }
0xc7: {  	[dreg:$0x1] =	wrdreg $0xFFFFFFFF  }
0xc8: {  	_ =	task.clear_ibuf [dreg:s8], $0x2FFFF;
	_ =	strace $0x9FFFFFFF  }
0xc9: {  	(tm) =	ssettm $0x7FFFFFFF  }
tec
execute0_lowered:
.L_overlay_start_1:
0x0: {  	(tag) =	ssettag $0x1  }
0x1: {  	s4 =	rddreg [dreg:$0x0]  }
0x2: {  	s0 =	srdreg.scid;
	s6 =	rddreg [dreg:$0x1]  }
0x3: {  	s2 =	rddreg [dreg:$0x2];
	s3 =	simm.s32 $0x0;
	s11 =	simm.s32 $0x50  }
0x4: {  	s12 =	simm.s32 $0x4F10;
	s13 =	simm.s32 $0x1;
	s16 =	simm.s32 $0x0  }
0x5: {  	s5 =	sand.u32 $0x1, s0;
	s0 =	stileid.u32;
	[smem:$0x7FF] =	sst s3  }
0x6: {  	s1 =	sshll.u32 s5, $0x4;
	s8 =	smul.u32 $0x280, s0;
	s9 =	ssub.s32 $0x2, s5  }
0x7: {  	s5 =	smul.u32 $0x2800, s5;
	s14 =	sshll.u32 s0, $0x6;
	s7 =	sor.u32 s0, s1  }
0x8: {  	s1 =	rddreg [dreg:$0x3];
	_ =	strace $0x80000047;
	s7 =	smul.u32 $0x2710, s7  }
0x9: {  	s10 =	sshrl.u32 s9, $0x1;
	s14 =	sor.u32 $0x1C02, s14;
	s30 =	sadd.s32 s8, s5  }
0xa: {  	s9 =	ssub.s32 s9, s10;
	s31 =	sshrl.u32 s30, $0x3;
	s7 =	sshrl.u32 s7, $0x3  }
0xb: {  	v0 =	vlaneseq.u32;
	s10 =	simm.s32 $0x2800;
	s6 =	sadd.s32 s6, s31;
	s7 =	sadd.s32 s4, s7  }
0xc: {  	v1 =	vimm.f32 $0.0e+00;
	v6 =	vimm.f32 $1.000000000e+00;
	v2 =	vor.u32 $0x10, v0;
	s4 =	sadd.s32 s8, s2;
	s8 =	simm.s32 $0x4F60;
	s5 =	sadd.s32 $0x9C40, s7  }
0xd: {  	v3 =	vor.u32 $0x20, v0;
	v4 =	vor.u32 $0x30, v0;
	v5 =	vor.u32 $0x40, v0;
	s7 =	smax.u32 s9, $0x1;
	s9 =	simm.s32 $0x2;
	s15 =	sshrl.u32 s4, $0x3  }
.LBB2_1:
0xe: {  	s17 =	simm.s32 $0x0;
	s18 =	simm.s32 $0x200  }
.LBB2_2:
0xf: {  	p0 =	sne.s32 s18, $0x9E00;
	[tilespmem:s17+$0x70] =	vst v1  }
0x10: {  	[tilespmem:s17+$0x0] =	vst v1  }
0x11: {  	[tilespmem:s17+$0x10] =	vst v1  }
.Ltmp0:
0x12: {  	[tilespmem:s17+$0x20] =	vst v1;
	(pc) =	sbr.rel @p0 .LBB2_2-.Ltmp0, $4  }
0x13: {  	[tilespmem:s17+$0x30] =	vst v1  }
0x14: {  	[tilespmem:s17+$0x40] =	vst v1  }
0x15: {  	[tilespmem:s17+$0x50] =	vst v1  }
0x16: {  	[tilespmem:s17+$0x60] =	vst v1;
	s17 =	sshra.s32 s18, $0x2;
	s18 =	sadd.s32 $0x200, s18  }
0x17: {  	[tilespmem:s17+$0x70] =	vst v1  }
0x18: {  	[tilespmem:s17+$0x0] =	vst v1  }
0x19: {  	[tilespmem:s17+$0x10] =	vst v1  }
0x1a: {  	[tilespmem:s17+$0x20] =	vst v1  }
0x1b: {  	[tilespmem:s17+$0x30] =	vst v1  }
0x1c: {  	[tilespmem:s17+$0x40] =	vst v1  }
0x1d: {  	[tilespmem:s17+$0x50] =	vst v1  }
0x1e: {  	[tilespmem:s17+$0x60] =	vst v1  }
0x1f: {  	[tilespmem:$0x4F10] =	vst v0  }
0x20: {  	[tilespmem:$0x4F20] =	vst v2  }
0x21: {  	[tilespmem:$0x4F30] =	vst v3  }
0x22: {  	[tilespmem:$0x4F40] =	vst v4  }
0x23: {  	[tilespmem:$0x4F50] =	vst v5  }
0x24: {  	[tilespmem:$0x5160] =	vst v1  }
0x25: {  	[tilespmem:$0x5170] =	vst v1  }
0x26: {  	[tilespmem:$0x5180] =	vst v1  }
0x27: {  	[tilespmem:$0x5190] =	vst v1  }
0x28: {  	[tilespmem:$0x51A0] =	vst v1  }
0x29: {  	[tilespmem:$0x51B0] =	vst v1  }
0x2a: {  	[tilespmem:$0x51C0] =	vst v1  }
0x2b: {  	[tilespmem:$0x51D0] =	vst v1  }
0x2c: {  	[tilespmem:$0x4F60] =	vst v1  }
0x2d: {  	[tilespmem:$0x4F70] =	vst v1  }
0x2e: {  	[tilespmem:$0x4F80] =	vst v1  }
0x2f: {  	[tilespmem:$0x4F90] =	vst v1  }
0x30: {  	[tilespmem:$0x4FA0] =	vst v1  }
0x31: {  	[tilespmem:$0x4FB0] =	vst v1  }
0x32: {  	[tilespmem:$0x4FC0] =	vst v1  }
0x33: {  	[tilespmem:$0x4FD0] =	vst v1  }
0x34: {  	[tilespmem:$0x4FE0] =	vst v1  }
0x35: {  	[tilespmem:$0x4FF0] =	vst v1  }
0x36: {  	[tilespmem:$0x5000] =	vst v1  }
0x37: {  	[tilespmem:$0x5010] =	vst v1  }
0x38: {  	[tilespmem:$0x5020] =	vst v1  }
0x39: {  	[tilespmem:$0x5030] =	vst v1  }
0x3a: {  	[tilespmem:$0x5040] =	vst v1  }
0x3b: {  	[tilespmem:$0x5050] =	vst v1  }
0x3c: {  	[tilespmem:$0x5060] =	vst v1  }
0x3d: {  	[tilespmem:$0x5070] =	vst v1  }
0x3e: {  	[tilespmem:$0x5080] =	vst v1  }
0x3f: {  	[tilespmem:$0x5090] =	vst v1  }
0x40: {  	[tilespmem:$0x50A0] =	vst v1  }
0x41: {  	[tilespmem:$0x50B0] =	vst v1  }
0x42: {  	[tilespmem:$0x50C0] =	vst v1  }
0x43: {  	[tilespmem:$0x50D0] =	vst v1  }
0x44: {  	[tilespmem:$0x50E0] =	vst v1  }
0x45: {  	[tilespmem:$0x50F0] =	vst v1  }
0x46: {  	[tilespmem:$0x5100] =	vst v1  }
0x47: {  	[tilespmem:$0x5110] =	vst v1  }
0x48: {  	[tilespmem:$0x5120] =	vst v1  }
0x49: {  	[tilespmem:$0x5130] =	vst v1  }
0x4a: {  	[tilespmem:$0x5140] =	vst v1  }
0x4b: {  	[tilespmem:$0x5150] =	vst v1  }
0x4c: {  	[spmem:s4] =	stream.linear.scatter [tilespmem:s8], [sflag:$0x2], $0x280, $0x38;
	[tilespmem:$0x5460] =	vst v63  }
0x4d: {  	_ =	swait.ge [sflag:s9], $0x280  }
0x4e: {  	[sflag:s9] =	ssyncset.done $0x0  }
0x4f: {  	s17 =	simm.s32 $0x0;
	[sflag:s9] =	ssyncadd.s32 $0xFFFFFD80  }
0x50: {  	[tilespmem:s10], [sflag:$0x2] =	stream.linear.gather [hbm4b:s5+s17], $0x2710, $0x38;
	[tilespmem:$0x5460] =	vst v63  }
0x51: {  	_ =	swait.ge [sflag:s9], $0x2710  }
0x52: {  	[sflag:s9] =	ssyncset.done $0x0  }
0x53: {  	[sflag:s9] =	ssyncadd.s32 $0xFFFFD8F0  }
.LBB2_4:
0x54: {  	s18 =	sshra.s32 s17, $0x2  }
0x55: {  	v7 =	vld [tilespmem:s18+$0x2800];
	_ =	sdelay $0x7  }
0x56: {  	[tilespmem:v7+s3+$0x0] =	vst.idx.add.f32.msk $0xffff, v6  }
0x57: {  	v7 =	vld [tilespmem:s18+$0x2810];
	_ =	sdelay $0x7  }
0x58: {  	[tilespmem:v7+s3+$0x0] =	vst.idx.add.f32.msk $0xffff, v6  }
0x59: {  	v7 =	vld [tilespmem:s18+$0x2820];
	_ =	sdelay $0x7  }
0x5a: {  	[tilespmem:v7+s3+$0x0] =	vst.idx.add.f32.msk $0xffff, v6  }
0x5b: {  	v7 =	vld [tilespmem:s18+$0x2830];
	_ =	sdelay $0x7  }
0x5c: {  	[tilespmem:v7+s3+$0x0] =	vst.idx.add.f32.msk $0xffff, v6  }
0x5d: {  	v7 =	vld [tilespmem:s18+$0x2840];
	_ =	sdelay $0x2  }
0x5e: {  	p0 =	sne.s32 s17, $0x9B00  }
.Ltmp1:
0x5f: {  	_ = 	snop;
	(pc) =	sbr.rel @p0 .LBB2_4-.Ltmp1, $2  }
0x60: {  	_ =	sdelay $0x2  }
0x61: {  	s17 =	sadd.s32 $0x140, s17;
	[tilespmem:v7+s3+$0x0] =	vst.idx.add.f32.msk $0xffff, v6  }
0x62: {  	[bflag:$0x0] =	sbarrier.arrive $0xFFFF  }
0x63: {  	[spmem:s2] =	stream.indirect.scatter.add.f32 [tilespmem:s3], [sflag:$0x1], $0x80, s12, s11, $0xb8;
	[tilespmem:$0x5460] =	vst v63  }
0x64: {  	_ =	swait.ge [sflag:s13], $0x2800  }
0x65: {  	s16 =	sadd.s32 $0x1, s16;
	[sflag:s13] =	ssyncset.done $0x0  }
0x66: {  	p0 =	sne.s32 s16, s7;
	[sflag:s13] =	ssyncadd.s32 $0xFFFFD800  }
.Ltmp2:
0x67: {  	[bflag:$0x0] =	sbarrier.arrive $0xFFFF;
	(pc) =	sbr.rel @p0 .LBB2_1-.Ltmp2, $4  }
0x68: {  	[hbm:s6], [sflag:s14] =	dma.local [spmem:s15], $0x50  }
0x69: {  	_ =	swait.ge [sflag:s9], $0x50  }
0x6a: {  	[sflag:s9] =	ssyncset.done $0x0  }
0x6b: {  	[sflag:s9] =	ssyncadd.s32 $0xFFFFFFB0  }
0x6c: {  	_ =	sfence.sel $0x180000  }
0x6d: {  	[bflag:$0x0] =	sbarrier.arrive $0xFFFF  }
0x6e: {  	p0 =	sne.s32 s0, $0x0;
	_ =	strace $0x90000047  }
0x6f: {  	s0 =	sadd.s32 @!p0 $0x100000, s1;
	[bflag:$0x2] =	sbarrier.arrive $0xFFFF  }
0x70: {  	[sflag:s0] =	ssyncadd.tile.s32 @!p0 $0x1;
	_ =	shalt  }
.Lfunc_end2:
_tile_overlayer_lowered:
.L_overlay_start_2:
0x71: {  	(tag) =	ssettag $0x2  }
0x72: {  	s0 =	rddreg [dreg:$0x0];
	s2 =	stileid.u32  }
0x73: {  	s1 =	rddreg [dreg:$0x1];
	p0 =	sne.s32 s2, $0x0  }
0x74: {  	s3 =	rddreg [dreg:$0x2];
	[bflag:$0x3] =	sbarrier.arrive $0xFFFF;
	s2 =	simm.s32 @!p0 $0x1C02  }
0x75: {  	[timem:s3], [sflag:s2] =	dma.local @!p0 [hbm:s0], s1  }
0x76: {  	s0 =	simm.s32 @!p0 $0x2  }
0x77: {  	_ =	swait.ge @!p0 [sflag:s0], s1  }
0x78: {  	s1 =	ssub.s32 @!p0 $0x0, s1;
	[sflag:s0] =	ssyncset.done @!p0 $0x0  }
0x79: {  	[sflag:s0] =	ssyncadd.s32 @!p0 s1  }
0x7a: {  	[bflag:$0x3] =	sbarrier.arrive $0xFFFF  }
0x7b: {  	_ =	shalt  }

</sc_bundles>
